<compile_context>
chip_gen: v7x
topology: tpu7x:2x2x1
jax: 0.10.2.dev20260603
libtpu: 0.0.44.dev20260713+nightly
codegen_flags: <defaults>
</compile_context>

<pallas_src>
import functools

import jax
import jax.numpy as jnp
from jax import lax
from jax.experimental import pallas as pl
from jax.experimental.pallas import tpu as pltpu
from jax.experimental.pallas import tpu_sc as plsc

OUT_D = 128
N = 4096
B = 128

NW = 32
RPW = N // NW
NCOLV = OUT_D // 16


def _tc_body(roi_ref, out_ref):
    r2 = jax.lax.broadcasted_iota(jnp.uint32, (OUT_D, OUT_D), 0)
    c2 = jax.lax.broadcasted_iota(jnp.uint32, (OUT_D, OUT_D), 1)
    for b in range(B):
        x = roi_ref[b, 0].astype(jnp.uint32)
        y = roi_ref[b, 1].astype(jnp.uint32)
        w = roi_ref[b, 2].astype(jnp.uint32)
        h = roi_ref[b, 3].astype(jnp.uint32)
        inside = ((r2 - y) <= h) & ((c2 - x) <= w)
        out_ref[b] = jnp.where(inside, 1.0, 0.0).astype(jnp.float32)


def _tc_kernel(bbox):
    return pl.pallas_call(
        _tc_body,
        grid=(N // B,),
        in_specs=[
            pl.BlockSpec((B, 4), lambda i: (i, 0), memory_space=pltpu.SMEM)
        ],
        out_specs=pl.BlockSpec((B, OUT_D, OUT_D), lambda i: (i, 0, 0)),
        out_shape=jax.ShapeDtypeStruct((N, OUT_D, OUT_D), jnp.float32),
    )(bbox)


NBUF = 4
CH = N // B


def _tcm_body(roi_ref, out_hbm, *rest):
    bufs = rest[:NBUF]
    sems = rest[NBUF:]
    r2 = jax.lax.broadcasted_iota(jnp.uint32, (OUT_D, OUT_D), 0)
    c2 = jax.lax.broadcasted_iota(jnp.uint32, (OUT_D, OUT_D), 1)

    def fill(chunk, buf):
        def body(b, _):
            base = (chunk * B + b) * 4
            x = roi_ref[base].astype(jnp.uint32)
            y = roi_ref[base + 1].astype(jnp.uint32)
            w = roi_ref[base + 2].astype(jnp.uint32)
            h = roi_ref[base + 3].astype(jnp.uint32)
            inside = ((r2 - y) <= h) & ((c2 - x) <= w)
            buf[b] = jnp.where(inside, 1.0, 0.0).astype(jnp.float32)
            return 0

        lax.fori_loop(0, B, body, 0)

    def start(chunk, buf, sem):
        pltpu.make_async_copy(
            buf, out_hbm.at[pl.ds(chunk * B, B)], sem
        ).start()

    def wait(buf, sem):
        pltpu.make_async_copy(buf, out_hbm.at[pl.ds(0, B)], sem).wait()

    for p in range(NBUF):
        fill(p, bufs[p])
        start(p, bufs[p], sems[p])

    def outer(co, _):
        for p in range(NBUF):
            chunk = co * NBUF + p
            wait(bufs[p], sems[p])
            fill(chunk, bufs[p])
            start(chunk, bufs[p], sems[p])
        return 0

    lax.fori_loop(1, CH // NBUF, outer, 0)
    for p in range(NBUF):
        wait(bufs[p], sems[p])


def _tcm_kernel(bbox):
    return pl.pallas_call(
        _tcm_body,
        in_specs=[pl.BlockSpec(memory_space=pltpu.SMEM)],
        out_specs=pl.BlockSpec(memory_space=pl.ANY),
        out_shape=jax.ShapeDtypeStruct((N, OUT_D, OUT_D), jnp.float32),
        scratch_shapes=(
            [pltpu.VMEM((B, OUT_D, OUT_D), jnp.float32)] * NBUF
            + [pltpu.SemaphoreType.DMA] * NBUF
        ),
    )(bbox)


def _sc_mask_kernel(bbox, nroi=N):
    mesh = plsc.VectorSubcoreMesh(core_axis_name="c", subcore_axis_name="s")
    rpw = nroi // NW

    @functools.partial(
        pl.kernel,
        mesh=mesh,
        out_type=jax.ShapeDtypeStruct((N, OUT_D, OUT_D), jnp.float32),
        scratch_types=[
            pltpu.VMEM((RPW * 4 + 16,), jnp.int32),
            pltpu.VMEM((OUT_D, OUT_D), jnp.float32),
            pltpu.VMEM((OUT_D, OUT_D), jnp.float32),
            pltpu.SemaphoreType.DMA,
            pltpu.SemaphoreType.DMA,
        ],
    )
    def sc_kernel(roi_hbm, out_hbm, roi_v, mask_a, mask_b, sem_a, sem_b):
        cid = lax.axis_index("c")
        sid = lax.axis_index("s")
        wid = sid * 2 + cid
        base = wid * rpw

        pltpu.sync_copy(roi_hbm.at[pl.ds(base * 4, rpw * 4)], roi_v.at[pl.ds(0, rpw * 4)])

        zero16 = jnp.zeros((16,), jnp.float32)

        def zero_row(r, _):
            for j in range(NCOLV):
                mask_a[r, pl.ds(16 * j, 16)] = zero16
                mask_b[r, pl.ds(16 * j, 16)] = zero16
            return 0

        lax.fori_loop(0, OUT_D, zero_row, 0)

        lane16 = lax.broadcasted_iota(jnp.int32, (16,), 0)

        def write_roi(i, buf):
            chunk = roi_v[pl.ds(4 * i, 16)]
            x_s = chunk[0]
            y_s = chunk[1]
            xw_s = x_s + chunk[2]
            h_s = chunk[3]
            cind = []
            for j in range(NCOLV):
                cj = lane16 + (16 * j)
                cind.append(
                    jnp.where((cj >= x_s) & (cj <= xw_s), 1.0, 0.0).astype(
                        jnp.float32
                    )
                )

            def row(r, _):
                for j in range(NCOLV):
                    buf[r, pl.ds(16 * j, 16)] = cind[j]
                return 0

            lax.fori_loop(y_s, y_s + h_s + 1, row, 0)
            return y_s, h_s

        def clear_rows(buf, y_s, h_s):
            def row(r, _):
                for j in range(NCOLV):
                    buf[r, pl.ds(16 * j, 16)] = zero16
                return 0

            lax.fori_loop(y_s, y_s + h_s + 1, row, 0)

        ya, ha = write_roi(0, mask_a)
        pltpu.async_copy(mask_a, out_hbm.at[base], sem_a)
        yb, hb = write_roi(1, mask_b)
        pltpu.async_copy(mask_b, out_hbm.at[base + 1], sem_b)

        def step(k, carry):
            ya, ha, yb, hb = carry
            i0 = 2 * k
            i1 = 2 * k + 1
            pltpu.make_async_copy(mask_a, out_hbm.at[base], sem_a).wait()
            clear_rows(mask_a, ya, ha)
            ya, ha = write_roi(i0, mask_a)
            pltpu.async_copy(mask_a, out_hbm.at[base + i0], sem_a)
            pltpu.make_async_copy(mask_b, out_hbm.at[base], sem_b).wait()
            clear_rows(mask_b, yb, hb)
            yb, hb = write_roi(i1, mask_b)
            pltpu.async_copy(mask_b, out_hbm.at[base + i1], sem_b)
            return ya, ha, yb, hb

        lax.fori_loop(1, rpw // 2, step, (ya, ha, yb, hb))

        pltpu.make_async_copy(mask_a, out_hbm.at[base], sem_a).wait()
        pltpu.make_async_copy(mask_b, out_hbm.at[base], sem_b).wait()

    return sc_kernel(bbox)


K_SC = 1024


def _tc_tail_body(roi_ref, alias_ref, out_ref):
    del alias_ref
    _tc_body(roi_ref, out_ref)


def _hybrid_kernel(bbox2d, bbox_flat):
    sc_out = _sc_mask_kernel(bbox_flat, K_SC)
    kb = K_SC // B
    return pl.pallas_call(
        _tc_tail_body,
        grid=((N - K_SC) // B,),
        in_specs=[
            pl.BlockSpec(
                (B, 4), lambda i, kb=kb: (i + kb, 0), memory_space=pltpu.SMEM
            ),
            pl.BlockSpec(memory_space=pl.ANY),
        ],
        out_specs=pl.BlockSpec(
            (B, OUT_D, OUT_D), lambda i, kb=kb: (i + kb, 0, 0)
        ),
        out_shape=jax.ShapeDtypeStruct((N, OUT_D, OUT_D), jnp.float32),
        input_output_aliases={1: 0},
    )(bbox2d, sc_out)


def kernel(output_roi):
    bbox = output_roi[:, 1:5].astype(jnp.int32)
    return _hybrid_kernel(bbox, bbox.reshape(-1))

# --- scband reference (transcript-rebuilt; emitter-appended) ---
"""Pipeline reference for scband-mask-model-21311627723392 (READ-ONLY COPY).

The authoritative reference and input builder live on the scoring server;
editing this copy changes nothing except your own understanding.
"""

import jax, jax.numpy as jnp
import numpy as np

OUTPUT_DIM = 128
N_ROI = 4096


def setup_inputs(seed: int = 0) -> dict:
    key = jax.random.key(seed)
    output_roi = jax.random.randint(key, (N_ROI, 6), 0, 63).astype(jnp.float32)
    return {"output_roi": output_roi}


def reference(output_roi):
    # torch: mask = zeros(N, D, D); bbox = output_roi[:, 1:5].int()
    # for i: mask[i, y:y+h+1, x:x+w+1] = 1
    # Vectorized scatter-overwrite expressed as a rectangular region mask per row.
    bbox = output_roi[:, 1:5].astype(jnp.int32)  # (x, y, w, h), trunc-toward-zero like torch .int()
    x = bbox[:, 0][:, None, None]
    y = bbox[:, 1][:, None, None]
    w = bbox[:, 2][:, None, None]
    h = bbox[:, 3][:, None, None]
    rows = jnp.arange(OUTPUT_DIM, dtype=jnp.int32)[None, :, None]
    cols = jnp.arange(OUTPUT_DIM, dtype=jnp.int32)[None, None, :]
    inside = (rows >= y) & (rows <= y + h) & (cols >= x) & (cols <= x + w)
    mask = inside.astype(jnp.float32)
    return mask

if __name__ == "__main__":
    import jax
    _d = setup_inputs()
    print(jax.jit(kernel)(*tuple(_d.values())))

</pallas_src>

<mosaic_0001>
#map = affine_map<(d0, d1) -> (0)>
#map1 = affine_map<(d0, d1) -> (0, 0, 0)>
module attributes {stable_mosaic.version = 14 : i64} {
  func.func @sc_kernel(%arg0: i32, %arg1: i32, %arg2: memref<16384xi32, #tpu.memory_space<hbm>>, %arg3: memref<4096x128x128xf32, #tpu.memory_space<hbm>>, %arg4: memref<528xi32, #tpu.memory_space<vmem>>, %arg5: memref<128x128xf32, #tpu.memory_space<vmem>>, %arg6: memref<128x128xf32, #tpu.memory_space<vmem>>, %arg7: memref<!tpu.dma_semaphore, #tpu.memory_space<semaphore_mem>>, %arg8: memref<!tpu.dma_semaphore, #tpu.memory_space<semaphore_mem>>) attributes {dimension_semantics = [#tpu.dimension_semantics<core_parallel>, #tpu.dimension_semantics<subcore_parallel>], iteration_bounds = array<i64: 2, 16>, scalar_prefetch = 0 : i64, scratch_operands = 5 : i64, tpu.core_type = #tpu.core_type<sc_vector_subcore>, window_params = [{transform_indices = #map}, {transform_indices = #map1}]} {
    %mul3A = arith.constant 2 : i32
    %mul3A_0 = arith.muli %arg1, %mul3A : i32
    %add3A = arith.addi %mul3A_0, %arg0 : i32
    %mul3A_1 = arith.constant 32 : i32
    %mul3A_2 = arith.muli %add3A, %mul3A_1 : i32
    %mul3A_3 = arith.constant 4 : i32
    %mul3A_4 = arith.muli %mul3A_2, %mul3A_3 : i32
    "tpu.region"() ({
      %run_scoped3A = tpu.sem_alloc : memref<!tpu.dma_semaphore, #tpu.memory_space<semaphore_mem>>
      %dma_start3A_301 = arith.constant 0 : i32
      %dma_start3A_302 = tpu.memref_slice %arg4[%dma_start3A_301] : memref<528xi32, #tpu.memory_space<vmem>> -> memref<128xi32, #tpu.memory_space<vmem>>
      %dma_start3A_303 = tpu.memref_slice %arg2[%mul3A_4] : memref<16384xi32, #tpu.memory_space<hbm>> -> memref<128xi32, #tpu.memory_space<hbm>>
      %dma_start3A_304 = arith.constant 0 : i32
      %dma_start3A_305 = tpu.memref_slice %arg4[%dma_start3A_304] : memref<528xi32, #tpu.memory_space<vmem>> -> memref<128xi32, #tpu.memory_space<vmem>>
      %dma_start3A_306 = tpu.memref_slice %arg2[%mul3A_4] : memref<16384xi32, #tpu.memory_space<hbm>> -> memref<128xi32, #tpu.memory_space<hbm>>
      tpu.enqueue_dma source(%dma_start3A_306 : memref<128xi32, #tpu.memory_space<hbm>>) target(%dma_start3A_305 : memref<128xi32, #tpu.memory_space<vmem>>) target_semaphore(%run_scoped3A : memref<!tpu.dma_semaphore, #tpu.memory_space<semaphore_mem>>)
      %dma_wait3A_307 = arith.constant 0 : i32
      %dma_wait3A_308 = tpu.memref_slice %arg4[%dma_wait3A_307] : memref<528xi32, #tpu.memory_space<vmem>> -> memref<128xi32, #tpu.memory_space<vmem>>
      %dma_wait3A_309 = tpu.memref_slice %arg2[%mul3A_4] : memref<16384xi32, #tpu.memory_space<hbm>> -> memref<128xi32, #tpu.memory_space<hbm>>
      %dma_wait3A_310 = arith.constant 0 : i32
      %dma_wait3A_311 = tpu.memref_slice %arg4[%dma_wait3A_310] : memref<528xi32, #tpu.memory_space<vmem>> -> memref<128xi32, #tpu.memory_space<vmem>>
      %dma_wait3A_312 = tpu.memref_slice %arg2[%mul3A_4] : memref<16384xi32, #tpu.memory_space<hbm>> -> memref<128xi32, #tpu.memory_space<hbm>>
      tpu.wait_dma2 semaphore(%run_scoped3A : memref<!tpu.dma_semaphore, #tpu.memory_space<semaphore_mem>>) src(%dma_wait3A_312 : memref<128xi32, #tpu.memory_space<hbm>>) dst(%dma_wait3A_311 : memref<128xi32, #tpu.memory_space<vmem>>)
      tpu.yield
    }) : () -> ()
    %broadcast_in_dim3A = arith.constant 0.000000e+00 : f32
    %broadcast_in_dim3A_5 = vector.broadcast %broadcast_in_dim3A : f32 to vector<16xf32>
    %scan3A = arith.constant 0 : i32
    %scan3A_6 = arith.constant 0 : i32
    %scan3A_7 = arith.constant 128 : i32
    %scan3A_8 = arith.addi %scan3A_6, %scan3A_7 : i32
    %scan3A_9 = arith.constant 1 : i32
    %scan3A_10 = scf.for %scan3A_301 = %scan3A_6 to %scan3A_8 step %scan3A_9 iter_args(%scan3A_302 = %scan3A) -> (i32)  : i32 {
      %swap3A = arith.index_cast %scan3A_301 : i32 to index
      %swap3A_303 = arith.constant 0 : index
      %swap3A_304 = tpu.vector_load %arg5[%swap3A, %swap3A_303] {strides = array<i32>} : memref<128x128xf32, #tpu.memory_space<vmem>>, vector<1x16xf32>,
      %swap3A_305 = vector.shape_cast %swap3A_304 : vector<1x16xf32> to vector<16xf32>
      %swap3A_306 = vector.shape_cast %broadcast_in_dim3A_5 : vector<16xf32> to vector<1x16xf32>
      tpu.vector_store %arg5[%swap3A, %swap3A_303], %swap3A_306 {strides = array<i32>} : memref<128x128xf32, #tpu.memory_space<vmem>>, vector<1x16xf32>,
      %swap3A_307 = arith.index_cast %scan3A_301 : i32 to index
      %swap3A_308 = arith.constant 0 : index
      %swap3A_309 = tpu.vector_load %arg6[%swap3A_307, %swap3A_308] {strides = array<i32>} : memref<128x128xf32, #tpu.memory_space<vmem>>, vector<1x16xf32>,
      %swap3A_310 = vector.shape_cast %swap3A_309 : vector<1x16xf32> to vector<16xf32>
      %swap3A_311 = vector.shape_cast %broadcast_in_dim3A_5 : vector<16xf32> to vector<1x16xf32>
      tpu.vector_store %arg6[%swap3A_307, %swap3A_308], %swap3A_311 {strides = array<i32>} : memref<128x128xf32, #tpu.memory_space<vmem>>, vector<1x16xf32>,
      %swap3A_312 = arith.index_cast %scan3A_301 : i32 to index
      %swap3A_313 = arith.constant 16 : index
      %swap3A_314 = tpu.vector_load %arg5[%swap3A_312, %swap3A_313] {strides = array<i32>} : memref<128x128xf32, #tpu.memory_space<vmem>>, vector<1x16xf32>,
      %swap3A_315 = vector.shape_cast %swap3A_314 : vector<1x16xf32> to vector<16xf32>
      %swap3A_316 = vector.shape_cast %broadcast_in_dim3A_5 : vector<16xf32> to vector<1x16xf32>
      tpu.vector_store %arg5[%swap3A_312, %swap3A_313], %swap3A_316 {strides = array<i32>} : memref<128x128xf32, #tpu.memory_space<vmem>>, vector<1x16xf32>,
      %swap3A_317 = arith.index_cast %scan3A_301 : i32 to index
      %swap3A_318 = arith.constant 16 : index
      %swap3A_319 = tpu.vector_load %arg6[%swap3A_317, %swap3A_318] {strides = array<i32>} : memref<128x128xf32, #tpu.memory_space<vmem>>, vector<1x16xf32>,
      %swap3A_320 = vector.shape_cast %swap3A_319 : vector<1x16xf32> to vector<16xf32>
      %swap3A_321 = vector.shape_cast %broadcast_in_dim3A_5 : vector<16xf32> to vector<1x16xf32>
      tpu.vector_store %arg6[%swap3A_317, %swap3A_318], %swap3A_321 {strides = array<i32>} : memref<128x128xf32, #tpu.memory_space<vmem>>, vector<1x16xf32>,
      %swap3A_322 = arith.index_cast %scan3A_301 : i32 to index
      %swap3A_323 = arith.constant 32 : index
      %swap3A_324 = tpu.vector_load %arg5[%swap3A_322, %swap3A_323] {strides = array<i32>} : memref<128x128xf32, #tpu.memory_space<vmem>>, vector<1x16xf32>,
      %swap3A_325 = vector.shape_cast %swap3A_324 : vector<1x16xf32> to vector<16xf32>
      %swap3A_326 = vector.shape_cast %broadcast_in_dim3A_5 : vector<16xf32> to vector<1x16xf32>
      tpu.vector_store %arg5[%swap3A_322, %swap3A_323], %swap3A_326 {strides = array<i32>} : memref<128x128xf32, #tpu.memory_space<vmem>>, vector<1x16xf32>,
      %swap3A_327 = arith.index_cast %scan3A_301 : i32 to index
      %swap3A_328 = arith.constant 32 : index
      %swap3A_329 = tpu.vector_load %arg6[%swap3A_327, %swap3A_328] {strides = array<i32>} : memref<128x128xf32, #tpu.memory_space<vmem>>, vector<1x16xf32>,
      %swap3A_330 = vector.shape_cast %swap3A_329 : vector<1x16xf32> to vector<16xf32>
      %swap3A_331 = vector.shape_cast %broadcast_in_dim3A_5 : vector<16xf32> to vector<1x16xf32>
      tpu.vector_store %arg6[%swap3A_327, %swap3A_328], %swap3A_331 {strides = array<i32>} : memref<128x128xf32, #tpu.memory_space<vmem>>, vector<1x16xf32>,
      %swap3A_332 = arith.index_cast %scan3A_301 : i32 to index
      %swap3A_333 = arith.constant 48 : index
      %swap3A_334 = tpu.vector_load %arg5[%swap3A_332, %swap3A_333] {strides = array<i32>} : memref<128x128xf32, #tpu.memory_space<vmem>>, vector<1x16xf32>,
      %swap3A_335 = vector.shape_cast %swap3A_334 : vector<1x16xf32> to vector<16xf32>
      %swap3A_336 = vector.shape_cast %broadcast_in_dim3A_5 : vector<16xf32> to vector<1x16xf32>
      tpu.vector_store %arg5[%swap3A_332, %swap3A_333], %swap3A_336 {strides = array<i32>} : memref<128x128xf32, #tpu.memory_space<vmem>>, vector<1x16xf32>,
      %swap3A_337 = arith.index_cast %scan3A_301 : i32 to index
      %swap3A_338 = arith.constant 48 : index
      %swap3A_339 = tpu.vector_load %arg6[%swap3A_337, %swap3A_338] {strides = array<i32>} : memref<128x128xf32, #tpu.memory_space<vmem>>, vector<1x16xf32>,
      %swap3A_340 = vector.shape_cast %swap3A_339 : vector<1x16xf32> to vector<16xf32>
      %swap3A_341 = vector.shape_cast %broadcast_in_dim3A_5 : vector<16xf32> to vector<1x16xf32>
      tpu.vector_store %arg6[%swap3A_337, %swap3A_338], %swap3A_341 {strides = array<i32>} : memref<128x128xf32, #tpu.memory_space<vmem>>, vector<1x16xf32>,
      %swap3A_342 = arith.index_cast %scan3A_301 : i32 to index
      %swap3A_343 = arith.constant 64 : index
      %swap3A_344 = tpu.vector_load %arg5[%swap3A_342, %swap3A_343] {strides = array<i32>} : memref<128x128xf32, #tpu.memory_space<vmem>>, vector<1x16xf32>,
      %swap3A_345 = vector.shape_cast %swap3A_344 : vector<1x16xf32> to vector<16xf32>
      %swap3A_346 = vector.shape_cast %broadcast_in_dim3A_5 : vector<16xf32> to vector<1x16xf32>
      tpu.vector_store %arg5[%swap3A_342, %swap3A_343], %swap3A_346 {strides = array<i32>} : memref<128x128xf32, #tpu.memory_space<vmem>>, vector<1x16xf32>,
      %swap3A_347 = arith.index_cast %scan3A_301 : i32 to index
      %swap3A_348 = arith.constant 64 : index
      %swap3A_349 = tpu.vector_load %arg6[%swap3A_347, %swap3A_348] {strides = array<i32>} : memref<128x128xf32, #tpu.memory_space<vmem>>, vector<1x16xf32>,
      %swap3A_350 = vector.shape_cast %swap3A_349 : vector<1x16xf32> to vector<16xf32>
      %swap3A_351 = vector.shape_cast %broadcast_in_dim3A_5 : vector<16xf32> to vector<1x16xf32>
      tpu.vector_store %arg6[%swap3A_347, %swap3A_348], %swap3A_351 {strides = array<i32>} : memref<128x128xf32, #tpu.memory_space<vmem>>, vector<1x16xf32>,
      %swap3A_352 = arith.index_cast %scan3A_301 : i32 to index
      %swap3A_353 = arith.constant 80 : index
      %swap3A_354 = tpu.vector_load %arg5[%swap3A_352, %swap3A_353] {strides = array<i32>} : memref<128x128xf32, #tpu.memory_space<vmem>>, vector<1x16xf32>,
      %swap3A_355 = vector.shape_cast %swap3A_354 : vector<1x16xf32> to vector<16xf32>
      %swap3A_356 = vector.shape_cast %broadcast_in_dim3A_5 : vector<16xf32> to vector<1x16xf32>
      tpu.vector_store %arg5[%swap3A_352, %swap3A_353], %swap3A_356 {strides = array<i32>} : memref<128x128xf32, #tpu.memory_space<vmem>>, vector<1x16xf32>,
      %swap3A_357 = arith.index_cast %scan3A_301 : i32 to index
      %swap3A_358 = arith.constant 80 : index
      %swap3A_359 = tpu.vector_load %arg6[%swap3A_357, %swap3A_358] {strides = array<i32>} : memref<128x128xf32, #tpu.memory_space<vmem>>, vector<1x16xf32>,
      %swap3A_360 = vector.shape_cast %swap3A_359 : vector<1x16xf32> to vector<16xf32>
      %swap3A_361 = vector.shape_cast %broadcast_in_dim3A_5 : vector<16xf32> to vector<1x16xf32>
      tpu.vector_store %arg6[%swap3A_357, %swap3A_358], %swap3A_361 {strides = array<i32>} : memref<128x128xf32, #tpu.memory_space<vmem>>, vector<1x16xf32>,
      %swap3A_362 = arith.index_cast %scan3A_301 : i32 to index
      %swap3A_363 = arith.constant 96 : index
      %swap3A_364 = tpu.vector_load %arg5[%swap3A_362, %swap3A_363] {strides = array<i32>} : memref<128x128xf32, #tpu.memory_space<vmem>>, vector<1x16xf32>,
      %swap3A_365 = vector.shape_cast %swap3A_364 : vector<1x16xf32> to vector<16xf32>
      %swap3A_366 = vector.shape_cast %broadcast_in_dim3A_5 : vector<16xf32> to vector<1x16xf32>
      tpu.vector_store %arg5[%swap3A_362, %swap3A_363], %swap3A_366 {strides = array<i32>} : memref<128x128xf32, #tpu.memory_space<vmem>>, vector<1x16xf32>,
      %swap3A_367 = arith.index_cast %scan3A_301 : i32 to index
      %swap3A_368 = arith.constant 96 : index
      %swap3A_369 = tpu.vector_load %arg6[%swap3A_367, %swap3A_368] {strides = array<i32>} : memref<128x128xf32, #tpu.memory_space<vmem>>, vector<1x16xf32>,
      %swap3A_370 = vector.shape_cast %swap3A_369 : vector<1x16xf32> to vector<16xf32>
      %swap3A_371 = vector.shape_cast %broadcast_in_dim3A_5 : vector<16xf32> to vector<1x16xf32>
      tpu.vector_store %arg6[%swap3A_367, %swap3A_368], %swap3A_371 {strides = array<i32>} : memref<128x128xf32, #tpu.memory_space<vmem>>, vector<1x16xf32>,
      %swap3A_372 = arith.index_cast %scan3A_301 : i32 to index
      %swap3A_373 = arith.constant 112 : index
      %swap3A_374 = tpu.vector_load %arg5[%swap3A_372, %swap3A_373] {strides = array<i32>} : memref<128x128xf32, #tpu.memory_space<vmem>>, vector<1x16xf32>,
      %swap3A_375 = vector.shape_cast %swap3A_374 : vector<1x16xf32> to vector<16xf32>
      %swap3A_376 = vector.shape_cast %broadcast_in_dim3A_5 : vector<16xf32> to vector<1x16xf32>
      tpu.vector_store %arg5[%swap3A_372, %swap3A_373], %swap3A_376 {strides = array<i32>} : memref<128x128xf32, #tpu.memory_space<vmem>>, vector<1x16xf32>,
      %swap3A_377 = arith.index_cast %scan3A_301 : i32 to index
      %swap3A_378 = arith.constant 112 : index
      %swap3A_379 = tpu.vector_load %arg6[%swap3A_377, %swap3A_378] {strides = array<i32>} : memref<128x128xf32, #tpu.memory_space<vmem>>, vector<1x16xf32>,
      %swap3A_380 = vector.shape_cast %swap3A_379 : vector<1x16xf32> to vector<16xf32>
      %swap3A_381 = vector.shape_cast %broadcast_in_dim3A_5 : vector<16xf32> to vector<1x16xf32>
      tpu.vector_store %arg6[%swap3A_377, %swap3A_378], %swap3A_381 {strides = array<i32>} : memref<128x128xf32, #tpu.memory_space<vmem>>, vector<1x16xf32>,
      %scan3A_382 = arith.constant 0 : i32
      scf.yield %scan3A_382 : i32
    }
    %scan3A_11 = arith.constant 128 : i32
    %iota3A = tpu.iota {dimensions = array<i32: 0>} : vector<16xi32>
    %get3A = arith.constant 0 : index
    %get3A_12 = tpu.vector_load %arg4[%get3A] {strides = array<i32>} : memref<528xi32, #tpu.memory_space<vmem>>, vector<16xi32>,
    %get3A_13 = vector.shape_cast %get3A_12 : vector<16xi32> to vector<16xi32>
    %slice3A = vector.extract_strided_slice %get3A_13 {offsets = [0], sizes = [1], strides = [1]} : vector<16xi32> to vector<1xi32>
    %squeeze3A = vector.extract %slice3A[0] : i32 from vector<1xi32>
    %slice3A_14 = vector.extract_strided_slice %get3A_13 {offsets = [1], sizes = [1], strides = [1]} : vector<16xi32> to vector<1xi32>
    %squeeze3A_15 = vector.extract %slice3A_14[0] : i32 from vector<1xi32>
    %slice3A_16 = vector.extract_strided_slice %get3A_13 {offsets = [2], sizes = [1], strides = [1]} : vector<16xi32> to vector<1xi32>
    %squeeze3A_17 = vector.extract %slice3A_16[0] : i32 from vector<1xi32>
    %add3A_18 = arith.addi %squeeze3A, %squeeze3A_17 : i32
    %slice3A_19 = vector.extract_strided_slice %get3A_13 {offsets = [3], sizes = [1], strides = [1]} : vector<16xi32> to vector<1xi32>
    %squeeze3A_20 = vector.extract %slice3A_19[0] : i32 from vector<1xi32>
    %add3A_21 = arith.constant 0 : i32
    %add3A_22 = vector.broadcast %add3A_21 : i32 to vector<16xi32>
    %add3A_23 = arith.addi %iota3A, %add3A_22 : vector<16xi32>
    %ge3A = vector.broadcast %squeeze3A : i32 to vector<16xi32>
    %ge3A_24 = arith.cmpi sge, %add3A_23, %ge3A : vector<16xi32>
    %le3A = vector.broadcast %add3A_18 : i32 to vector<16xi32>
    %le3A_25 = arith.cmpi sle, %add3A_23, %le3A : vector<16xi32>
    %and3A = arith.andi %ge3A_24, %le3A_25 : vector<16xi1>
    %jit3A = arith.constant 1.000000e+00 : f32
    %jit3A_26 = arith.constant 0.000000e+00 : f32
    %broadcast_in_dim3A_27 = vector.broadcast %jit3A : f32 to vector<16xf32>
    %broadcast_in_dim3A_28 = vector.broadcast %jit3A_26 : f32 to vector<16xf32>
    %select_n3A = arith.select %and3A, %broadcast_in_dim3A_27, %broadcast_in_dim3A_28 : vector<16xi1>, vector<16xf32>
    %add3A_29 = arith.constant 16 : i32
    %add3A_30 = vector.broadcast %add3A_29 : i32 to vector<16xi32>
    %add3A_31 = arith.addi %iota3A, %add3A_30 : vector<16xi32>
    %ge3A_32 = vector.broadcast %squeeze3A : i32 to vector<16xi32>
    %ge3A_33 = arith.cmpi sge, %add3A_31, %ge3A_32 : vector<16xi32>
    %le3A_34 = vector.broadcast %add3A_18 : i32 to vector<16xi32>
    %le3A_35 = arith.cmpi sle, %add3A_31, %le3A_34 : vector<16xi32>
    %and3A_36 = arith.andi %ge3A_33, %le3A_35 : vector<16xi1>
    %jit3A_37 = arith.constant 1.000000e+00 : f32
    %jit3A_38 = arith.constant 0.000000e+00 : f32
    %broadcast_in_dim3A_39 = vector.broadcast %jit3A_37 : f32 to vector<16xf32>
    %broadcast_in_dim3A_40 = vector.broadcast %jit3A_38 : f32 to vector<16xf32>
    %select_n3A_41 = arith.select %and3A_36, %broadcast_in_dim3A_39, %broadcast_in_dim3A_40 : vector<16xi1>, vector<16xf32>
    %add3A_42 = arith.constant 32 : i32
    %add3A_43 = vector.broadcast %add3A_42 : i32 to vector<16xi32>
    %add3A_44 = arith.addi %iota3A, %add3A_43 : vector<16xi32>
    %ge3A_45 = vector.broadcast %squeeze3A : i32 to vector<16xi32>
    %ge3A_46 = arith.cmpi sge, %add3A_44, %ge3A_45 : vector<16xi32>
    %le3A_47 = vector.broadcast %add3A_18 : i32 to vector<16xi32>
    %le3A_48 = arith.cmpi sle, %add3A_44, %le3A_47 : vector<16xi32>
    %and3A_49 = arith.andi %ge3A_46, %le3A_48 : vector<16xi1>
    %jit3A_50 = arith.constant 1.000000e+00 : f32
    %jit3A_51 = arith.constant 0.000000e+00 : f32
    %broadcast_in_dim3A_52 = vector.broadcast %jit3A_50 : f32 to vector<16xf32>
    %broadcast_in_dim3A_53 = vector.broadcast %jit3A_51 : f32 to vector<16xf32>
    %select_n3A_54 = arith.select %and3A_49, %broadcast_in_dim3A_52, %broadcast_in_dim3A_53 : vector<16xi1>, vector<16xf32>
    %add3A_55 = arith.constant 48 : i32
    %add3A_56 = vector.broadcast %add3A_55 : i32 to vector<16xi32>
    %add3A_57 = arith.addi %iota3A, %add3A_56 : vector<16xi32>
    %ge3A_58 = vector.broadcast %squeeze3A : i32 to vector<16xi32>
    %ge3A_59 = arith.cmpi sge, %add3A_57, %ge3A_58 : vector<16xi32>
    %le3A_60 = vector.broadcast %add3A_18 : i32 to vector<16xi32>
    %le3A_61 = arith.cmpi sle, %add3A_57, %le3A_60 : vector<16xi32>
    %and3A_62 = arith.andi %ge3A_59, %le3A_61 : vector<16xi1>
    %jit3A_63 = arith.constant 1.000000e+00 : f32
    %jit3A_64 = arith.constant 0.000000e+00 : f32
    %broadcast_in_dim3A_65 = vector.broadcast %jit3A_63 : f32 to vector<16xf32>
    %broadcast_in_dim3A_66 = vector.broadcast %jit3A_64 : f32 to vector<16xf32>
    %select_n3A_67 = arith.select %and3A_62, %broadcast_in_dim3A_65, %broadcast_in_dim3A_66 : vector<16xi1>, vector<16xf32>
    %add3A_68 = arith.constant 64 : i32
    %add3A_69 = vector.broadcast %add3A_68 : i32 to vector<16xi32>
    %add3A_70 = arith.addi %iota3A, %add3A_69 : vector<16xi32>
    %ge3A_71 = vector.broadcast %squeeze3A : i32 to vector<16xi32>
    %ge3A_72 = arith.cmpi sge, %add3A_70, %ge3A_71 : vector<16xi32>
    %le3A_73 = vector.broadcast %add3A_18 : i32 to vector<16xi32>
    %le3A_74 = arith.cmpi sle, %add3A_70, %le3A_73 : vector<16xi32>
    %and3A_75 = arith.andi %ge3A_72, %le3A_74 : vector<16xi1>
    %jit3A_76 = arith.constant 1.000000e+00 : f32
    %jit3A_77 = arith.constant 0.000000e+00 : f32
    %broadcast_in_dim3A_78 = vector.broadcast %jit3A_76 : f32 to vector<16xf32>
    %broadcast_in_dim3A_79 = vector.broadcast %jit3A_77 : f32 to vector<16xf32>
    %select_n3A_80 = arith.select %and3A_75, %broadcast_in_dim3A_78, %broadcast_in_dim3A_79 : vector<16xi1>, vector<16xf32>
    %add3A_81 = arith.constant 80 : i32
    %add3A_82 = vector.broadcast %add3A_81 : i32 to vector<16xi32>
    %add3A_83 = arith.addi %iota3A, %add3A_82 : vector<16xi32>
    %ge3A_84 = vector.broadcast %squeeze3A : i32 to vector<16xi32>
    %ge3A_85 = arith.cmpi sge, %add3A_83, %ge3A_84 : vector<16xi32>
    %le3A_86 = vector.broadcast %add3A_18 : i32 to vector<16xi32>
    %le3A_87 = arith.cmpi sle, %add3A_83, %le3A_86 : vector<16xi32>
    %and3A_88 = arith.andi %ge3A_85, %le3A_87 : vector<16xi1>
    %jit3A_89 = arith.constant 1.000000e+00 : f32
    %jit3A_90 = arith.constant 0.000000e+00 : f32
    %broadcast_in_dim3A_91 = vector.broadcast %jit3A_89 : f32 to vector<16xf32>
    %broadcast_in_dim3A_92 = vector.broadcast %jit3A_90 : f32 to vector<16xf32>
    %select_n3A_93 = arith.select %and3A_88, %broadcast_in_dim3A_91, %broadcast_in_dim3A_92 : vector<16xi1>, vector<16xf32>
    %add3A_94 = arith.constant 96 : i32
    %add3A_95 = vector.broadcast %add3A_94 : i32 to vector<16xi32>
    %add3A_96 = arith.addi %iota3A, %add3A_95 : vector<16xi32>
    %ge3A_97 = vector.broadcast %squeeze3A : i32 to vector<16xi32>
    %ge3A_98 = arith.cmpi sge, %add3A_96, %ge3A_97 : vector<16xi32>
    %le3A_99 = vector.broadcast %add3A_18 : i32 to vector<16xi32>
    %le3A_100 = arith.cmpi sle, %add3A_96, %le3A_99 : vector<16xi32>
    %and3A_101 = arith.andi %ge3A_98, %le3A_100 : vector<16xi1>
    %jit3A_102 = arith.constant 1.000000e+00 : f32
    %jit3A_103 = arith.constant 0.000000e+00 : f32
    %broadcast_in_dim3A_104 = vector.broadcast %jit3A_102 : f32 to vector<16xf32>
    %broadcast_in_dim3A_105 = vector.broadcast %jit3A_103 : f32 to vector<16xf32>
    %select_n3A_106 = arith.select %and3A_101, %broadcast_in_dim3A_104, %broadcast_in_dim3A_105 : vector<16xi1>, vector<16xf32>
    %add3A_107 = arith.constant 112 : i32
    %add3A_108 = vector.broadcast %add3A_107 : i32 to vector<16xi32>
    %add3A_109 = arith.addi %iota3A, %add3A_108 : vector<16xi32>
    %ge3A_110 = vector.broadcast %squeeze3A : i32 to vector<16xi32>
    %ge3A_111 = arith.cmpi sge, %add3A_109, %ge3A_110 : vector<16xi32>
    %le3A_112 = vector.broadcast %add3A_18 : i32 to vector<16xi32>
    %le3A_113 = arith.cmpi sle, %add3A_109, %le3A_112 : vector<16xi32>
    %and3A_114 = arith.andi %ge3A_111, %le3A_113 : vector<16xi1>
    %jit3A_115 = arith.constant 1.000000e+00 : f32
    %jit3A_116 = arith.constant 0.000000e+00 : f32
    %broadcast_in_dim3A_117 = vector.broadcast %jit3A_115 : f32 to vector<16xf32>
    %broadcast_in_dim3A_118 = vector.broadcast %jit3A_116 : f32 to vector<16xf32>
    %select_n3A_119 = arith.select %and3A_114, %broadcast_in_dim3A_117, %broadcast_in_dim3A_118 : vector<16xi1>, vector<16xf32>
    %add3A_120 = arith.addi %squeeze3A_15, %squeeze3A_20 : i32
    %add3A_121 = arith.constant 1 : i32
    %add3A_122 = arith.addi %add3A_120, %add3A_121 : i32
    %while3A = arith.constant 0 : i32
    %while3A_123 = arith.subi %add3A_122, %squeeze3A_15 : i32
    %while3A_124 = arith.addi %squeeze3A_15, %while3A_123 : i32
    %while3A_125 = arith.constant 1 : i32
    %while3A_126 = arith.divsi %while3A_123, %while3A_125 : i32
    %while3A_127 = arith.muli %while3A_126, %while3A_125 : i32
    %while3A_128 = arith.addi %squeeze3A_15, %while3A_127 : i32
    %while3A_129 = arith.constant 1 : i32
    %while3A_130 = scf.for %while3A_301 = %squeeze3A_15 to %while3A_128 step %while3A_129 iter_args(%while3A_302 = %while3A) -> (i32)  : i32 {
      %swap3A = arith.index_cast %while3A_301 : i32 to index
      %swap3A_303 = arith.constant 0 : index
      %swap3A_304 = tpu.vector_load %arg5[%swap3A, %swap3A_303] {strides = array<i32>} : memref<128x128xf32, #tpu.memory_space<vmem>>, vector<1x16xf32>,
      %swap3A_305 = vector.shape_cast %swap3A_304 : vector<1x16xf32> to vector<16xf32>
      %swap3A_306 = vector.shape_cast %select_n3A : vector<16xf32> to vector<1x16xf32>
      tpu.vector_store %arg5[%swap3A, %swap3A_303], %swap3A_306 {strides = array<i32>} : memref<128x128xf32, #tpu.memory_space<vmem>>, vector<1x16xf32>,
      %swap3A_307 = arith.index_cast %while3A_301 : i32 to index
      %swap3A_308 = arith.constant 16 : index
      %swap3A_309 = tpu.vector_load %arg5[%swap3A_307, %swap3A_308] {strides = array<i32>} : memref<128x128xf32, #tpu.memory_space<vmem>>, vector<1x16xf32>,
      %swap3A_310 = vector.shape_cast %swap3A_309 : vector<1x16xf32> to vector<16xf32>
      %swap3A_311 = vector.shape_cast %select_n3A_41 : vector<16xf32> to vector<1x16xf32>
      tpu.vector_store %arg5[%swap3A_307, %swap3A_308], %swap3A_311 {strides = array<i32>} : memref<128x128xf32, #tpu.memory_space<vmem>>, vector<1x16xf32>,
      %swap3A_312 = arith.index_cast %while3A_301 : i32 to index
      %swap3A_313 = arith.constant 32 : index
      %swap3A_314 = tpu.vector_load %arg5[%swap3A_312, %swap3A_313] {strides = array<i32>} : memref<128x128xf32, #tpu.memory_space<vmem>>, vector<1x16xf32>,
      %swap3A_315 = vector.shape_cast %swap3A_314 : vector<1x16xf32> to vector<16xf32>
      %swap3A_316 = vector.shape_cast %select_n3A_54 : vector<16xf32> to vector<1x16xf32>
      tpu.vector_store %arg5[%swap3A_312, %swap3A_313], %swap3A_316 {strides = array<i32>} : memref<128x128xf32, #tpu.memory_space<vmem>>, vector<1x16xf32>,
      %swap3A_317 = arith.index_cast %while3A_301 : i32 to index
      %swap3A_318 = arith.constant 48 : index
      %swap3A_319 = tpu.vector_load %arg5[%swap3A_317, %swap3A_318] {strides = array<i32>} : memref<128x128xf32, #tpu.memory_space<vmem>>, vector<1x16xf32>,
      %swap3A_320 = vector.shape_cast %swap3A_319 : vector<1x16xf32> to vector<16xf32>
      %swap3A_321 = vector.shape_cast %select_n3A_67 : vector<16xf32> to vector<1x16xf32>
      tpu.vector_store %arg5[%swap3A_317, %swap3A_318], %swap3A_321 {strides = array<i32>} : memref<128x128xf32, #tpu.memory_space<vmem>>, vector<1x16xf32>,
      %swap3A_322 = arith.index_cast %while3A_301 : i32 to index
      %swap3A_323 = arith.constant 64 : index
      %swap3A_324 = tpu.vector_load %arg5[%swap3A_322, %swap3A_323] {strides = array<i32>} : memref<128x128xf32, #tpu.memory_space<vmem>>, vector<1x16xf32>,
      %swap3A_325 = vector.shape_cast %swap3A_324 : vector<1x16xf32> to vector<16xf32>
      %swap3A_326 = vector.shape_cast %select_n3A_80 : vector<16xf32> to vector<1x16xf32>
      tpu.vector_store %arg5[%swap3A_322, %swap3A_323], %swap3A_326 {strides = array<i32>} : memref<128x128xf32, #tpu.memory_space<vmem>>, vector<1x16xf32>,
      %swap3A_327 = arith.index_cast %while3A_301 : i32 to index
      %swap3A_328 = arith.constant 80 : index
      %swap3A_329 = tpu.vector_load %arg5[%swap3A_327, %swap3A_328] {strides = array<i32>} : memref<128x128xf32, #tpu.memory_space<vmem>>, vector<1x16xf32>,
      %swap3A_330 = vector.shape_cast %swap3A_329 : vector<1x16xf32> to vector<16xf32>
      %swap3A_331 = vector.shape_cast %select_n3A_93 : vector<16xf32> to vector<1x16xf32>
      tpu.vector_store %arg5[%swap3A_327, %swap3A_328], %swap3A_331 {strides = array<i32>} : memref<128x128xf32, #tpu.memory_space<vmem>>, vector<1x16xf32>,
      %swap3A_332 = arith.index_cast %while3A_301 : i32 to index
      %swap3A_333 = arith.constant 96 : index
      %swap3A_334 = tpu.vector_load %arg5[%swap3A_332, %swap3A_333] {strides = array<i32>} : memref<128x128xf32, #tpu.memory_space<vmem>>, vector<1x16xf32>,
      %swap3A_335 = vector.shape_cast %swap3A_334 : vector<1x16xf32> to vector<16xf32>
      %swap3A_336 = vector.shape_cast %select_n3A_106 : vector<16xf32> to vector<1x16xf32>
      tpu.vector_store %arg5[%swap3A_332, %swap3A_333], %swap3A_336 {strides = array<i32>} : memref<128x128xf32, #tpu.memory_space<vmem>>, vector<1x16xf32>,
      %swap3A_337 = arith.index_cast %while3A_301 : i32 to index
      %swap3A_338 = arith.constant 112 : index
      %swap3A_339 = tpu.vector_load %arg5[%swap3A_337, %swap3A_338] {strides = array<i32>} : memref<128x128xf32, #tpu.memory_space<vmem>>, vector<1x16xf32>,
      %swap3A_340 = vector.shape_cast %swap3A_339 : vector<1x16xf32> to vector<16xf32>
      %swap3A_341 = vector.shape_cast %select_n3A_119 : vector<16xf32> to vector<1x16xf32>
      tpu.vector_store %arg5[%swap3A_337, %swap3A_338], %swap3A_341 {strides = array<i32>} : memref<128x128xf32, #tpu.memory_space<vmem>>, vector<1x16xf32>,
      %while3A_342 = arith.constant 0 : i32
      scf.yield %while3A_342 : i32
    }
    %while3A_131 = arith.constant 1 : i32
    %while3A_132 = scf.for %while3A_301 = %while3A_128 to %while3A_124 step %while3A_131 iter_args(%while3A_302 = %while3A_130) -> (i32)  : i32 {
      %swap3A = arith.index_cast %while3A_301 : i32 to index
      %swap3A_303 = arith.constant 0 : index
      %swap3A_304 = tpu.vector_load %arg5[%swap3A, %swap3A_303] {strides = array<i32>} : memref<128x128xf32, #tpu.memory_space<vmem>>, vector<1x16xf32>,
      %swap3A_305 = vector.shape_cast %swap3A_304 : vector<1x16xf32> to vector<16xf32>
      %swap3A_306 = vector.shape_cast %select_n3A : vector<16xf32> to vector<1x16xf32>
      tpu.vector_store %arg5[%swap3A, %swap3A_303], %swap3A_306 {strides = array<i32>} : memref<128x128xf32, #tpu.memory_space<vmem>>, vector<1x16xf32>,
      %swap3A_307 = arith.index_cast %while3A_301 : i32 to index
      %swap3A_308 = arith.constant 16 : index
      %swap3A_309 = tpu.vector_load %arg5[%swap3A_307, %swap3A_308] {strides = array<i32>} : memref<128x128xf32, #tpu.memory_space<vmem>>, vector<1x16xf32>,
      %swap3A_310 = vector.shape_cast %swap3A_309 : vector<1x16xf32> to vector<16xf32>
      %swap3A_311 = vector.shape_cast %select_n3A_41 : vector<16xf32> to vector<1x16xf32>
      tpu.vector_store %arg5[%swap3A_307, %swap3A_308], %swap3A_311 {strides = array<i32>} : memref<128x128xf32, #tpu.memory_space<vmem>>, vector<1x16xf32>,
      %swap3A_312 = arith.index_cast %while3A_301 : i32 to index
      %swap3A_313 = arith.constant 32 : index
      %swap3A_314 = tpu.vector_load %arg5[%swap3A_312, %swap3A_313] {strides = array<i32>} : memref<128x128xf32, #tpu.memory_space<vmem>>, vector<1x16xf32>,
      %swap3A_315 = vector.shape_cast %swap3A_314 : vector<1x16xf32> to vector<16xf32>
      %swap3A_316 = vector.shape_cast %select_n3A_54 : vector<16xf32> to vector<1x16xf32>
      tpu.vector_store %arg5[%swap3A_312, %swap3A_313], %swap3A_316 {strides = array<i32>} : memref<128x128xf32, #tpu.memory_space<vmem>>, vector<1x16xf32>,
      %swap3A_317 = arith.index_cast %while3A_301 : i32 to index
      %swap3A_318 = arith.constant 48 : index
      %swap3A_319 = tpu.vector_load %arg5[%swap3A_317, %swap3A_318] {strides = array<i32>} : memref<128x128xf32, #tpu.memory_space<vmem>>, vector<1x16xf32>,
      %swap3A_320 = vector.shape_cast %swap3A_319 : vector<1x16xf32> to vector<16xf32>
      %swap3A_321 = vector.shape_cast %select_n3A_67 : vector<16xf32> to vector<1x16xf32>
      tpu.vector_store %arg5[%swap3A_317, %swap3A_318], %swap3A_321 {strides = array<i32>} : memref<128x128xf32, #tpu.memory_space<vmem>>, vector<1x16xf32>,
      %swap3A_322 = arith.index_cast %while3A_301 : i32 to index
      %swap3A_323 = arith.constant 64 : index
      %swap3A_324 = tpu.vector_load %arg5[%swap3A_322, %swap3A_323] {strides = array<i32>} : memref<128x128xf32, #tpu.memory_space<vmem>>, vector<1x16xf32>,
      %swap3A_325 = vector.shape_cast %swap3A_324 : vector<1x16xf32> to vector<16xf32>
      %swap3A_326 = vector.shape_cast %select_n3A_80 : vector<16xf32> to vector<1x16xf32>
      tpu.vector_store %arg5[%swap3A_322, %swap3A_323], %swap3A_326 {strides = array<i32>} : memref<128x128xf32, #tpu.memory_space<vmem>>, vector<1x16xf32>,
      %swap3A_327 = arith.index_cast %while3A_301 : i32 to index
      %swap3A_328 = arith.constant 80 : index
      %swap3A_329 = tpu.vector_load %arg5[%swap3A_327, %swap3A_328] {strides = array<i32>} : memref<128x128xf32, #tpu.memory_space<vmem>>, vector<1x16xf32>,
      %swap3A_330 = vector.shape_cast %swap3A_329 : vector<1x16xf32> to vector<16xf32>
      %swap3A_331 = vector.shape_cast %select_n3A_93 : vector<16xf32> to vector<1x16xf32>
      tpu.vector_store %arg5[%swap3A_327, %swap3A_328], %swap3A_331 {strides = array<i32>} : memref<128x128xf32, #tpu.memory_space<vmem>>, vector<1x16xf32>,
      %swap3A_332 = arith.index_cast %while3A_301 : i32 to index
      %swap3A_333 = arith.constant 96 : index
      %swap3A_334 = tpu.vector_load %arg5[%swap3A_332, %swap3A_333] {strides = array<i32>} : memref<128x128xf32, #tpu.memory_space<vmem>>, vector<1x16xf32>,
      %swap3A_335 = vector.shape_cast %swap3A_334 : vector<1x16xf32> to vector<16xf32>
      %swap3A_336 = vector.shape_cast %select_n3A_106 : vector<16xf32> to vector<1x16xf32>
      tpu.vector_store %arg5[%swap3A_332, %swap3A_333], %swap3A_336 {strides = array<i32>} : memref<128x128xf32, #tpu.memory_space<vmem>>, vector<1x16xf32>,
      %swap3A_337 = arith.index_cast %while3A_301 : i32 to index
      %swap3A_338 = arith.constant 112 : index
      %swap3A_339 = tpu.vector_load %arg5[%swap3A_337, %swap3A_338] {strides = array<i32>} : memref<128x128xf32, #tpu.memory_space<vmem>>, vector<1x16xf32>,
      %swap3A_340 = vector.shape_cast %swap3A_339 : vector<1x16xf32> to vector<16xf32>
      %swap3A_341 = vector.shape_cast %select_n3A_119 : vector<16xf32> to vector<1x16xf32>
      tpu.vector_store %arg5[%swap3A_337, %swap3A_338], %swap3A_341 {strides = array<i32>} : memref<128x128xf32, #tpu.memory_space<vmem>>, vector<1x16xf32>,
      %while3A_342 = arith.constant 0 : i32
      scf.yield %while3A_342 : i32
    }
    %dma_start3A = arith.constant 0 : i32
    %dma_start3A_133 = arith.constant 0 : i32
    %dma_start3A_134 = tpu.memref_slice %arg3[%mul3A_2, %dma_start3A, %dma_start3A_133] : memref<4096x128x128xf32, #tpu.memory_space<hbm>> -> memref<1x128x128xf32, #tpu.memory_space<hbm>>
    %dma_start3A_135 = tpu.memref_squeeze %dma_start3A_134 : memref<1x128x128xf32, #tpu.memory_space<hbm>> -> memref<128x128xf32, #tpu.memory_space<hbm>>
    %dma_start3A_136 = arith.constant 0 : i32
    %dma_start3A_137 = arith.constant 0 : i32
    %dma_start3A_138 = tpu.memref_slice %arg3[%mul3A_2, %dma_start3A_136, %dma_start3A_137] : memref<4096x128x128xf32, #tpu.memory_space<hbm>> -> memref<1x128x128xf32, #tpu.memory_space<hbm>>
    %dma_start3A_139 = tpu.memref_squeeze %dma_start3A_138 : memref<1x128x128xf32, #tpu.memory_space<hbm>> -> memref<128x128xf32, #tpu.memory_space<hbm>>
    tpu.enqueue_dma source(%arg5 : memref<128x128xf32, #tpu.memory_space<vmem>>) target(%dma_start3A_139 : memref<128x128xf32, #tpu.memory_space<hbm>>) target_semaphore(%arg7 : memref<!tpu.dma_semaphore, #tpu.memory_space<semaphore_mem>>)
    %get3A_140 = arith.constant 4 : index
    %get3A_141 = tpu.vector_load %arg4[%get3A_140] {strides = array<i32>} : memref<528xi32, #tpu.memory_space<vmem>>, vector<16xi32>,
    %get3A_142 = vector.shape_cast %get3A_141 : vector<16xi32> to vector<16xi32>
    %slice3A_143 = vector.extract_strided_slice %get3A_142 {offsets = [0], sizes = [1], strides = [1]} : vector<16xi32> to vector<1xi32>
    %squeeze3A_144 = vector.extract %slice3A_143[0] : i32 from vector<1xi32>
    %slice3A_145 = vector.extract_strided_slice %get3A_142 {offsets = [1], sizes = [1], strides = [1]} : vector<16xi32> to vector<1xi32>
    %squeeze3A_146 = vector.extract %slice3A_145[0] : i32 from vector<1xi32>
    %slice3A_147 = vector.extract_strided_slice %get3A_142 {offsets = [2], sizes = [1], strides = [1]} : vector<16xi32> to vector<1xi32>
    %squeeze3A_148 = vector.extract %slice3A_147[0] : i32 from vector<1xi32>
    %add3A_149 = arith.addi %squeeze3A_144, %squeeze3A_148 : i32
    %slice3A_150 = vector.extract_strided_slice %get3A_142 {offsets = [3], sizes = [1], strides = [1]} : vector<16xi32> to vector<1xi32>
    %squeeze3A_151 = vector.extract %slice3A_150[0] : i32 from vector<1xi32>
    %add3A_152 = arith.constant 0 : i32
    %add3A_153 = vector.broadcast %add3A_152 : i32 to vector<16xi32>
    %add3A_154 = arith.addi %iota3A, %add3A_153 : vector<16xi32>
    %ge3A_155 = vector.broadcast %squeeze3A_144 : i32 to vector<16xi32>
    %ge3A_156 = arith.cmpi sge, %add3A_154, %ge3A_155 : vector<16xi32>
    %le3A_157 = vector.broadcast %add3A_149 : i32 to vector<16xi32>
    %le3A_158 = arith.cmpi sle, %add3A_154, %le3A_157 : vector<16xi32>
    %and3A_159 = arith.andi %ge3A_156, %le3A_158 : vector<16xi1>
    %jit3A_160 = arith.constant 1.000000e+00 : f32
    %jit3A_161 = arith.constant 0.000000e+00 : f32
    %broadcast_in_dim3A_162 = vector.broadcast %jit3A_160 : f32 to vector<16xf32>
    %broadcast_in_dim3A_163 = vector.broadcast %jit3A_161 : f32 to vector<16xf32>
    %select_n3A_164 = arith.select %and3A_159, %broadcast_in_dim3A_162, %broadcast_in_dim3A_163 : vector<16xi1>, vector<16xf32>
    %add3A_165 = arith.constant 16 : i32
    %add3A_166 = vector.broadcast %add3A_165 : i32 to vector<16xi32>
    %add3A_167 = arith.addi %iota3A, %add3A_166 : vector<16xi32>
    %ge3A_168 = vector.broadcast %squeeze3A_144 : i32 to vector<16xi32>
    %ge3A_169 = arith.cmpi sge, %add3A_167, %ge3A_168 : vector<16xi32>
    %le3A_170 = vector.broadcast %add3A_149 : i32 to vector<16xi32>
    %le3A_171 = arith.cmpi sle, %add3A_167, %le3A_170 : vector<16xi32>
    %and3A_172 = arith.andi %ge3A_169, %le3A_171 : vector<16xi1>
    %jit3A_173 = arith.constant 1.000000e+00 : f32
    %jit3A_174 = arith.constant 0.000000e+00 : f32
    %broadcast_in_dim3A_175 = vector.broadcast %jit3A_173 : f32 to vector<16xf32>
    %broadcast_in_dim3A_176 = vector.broadcast %jit3A_174 : f32 to vector<16xf32>
    %select_n3A_177 = arith.select %and3A_172, %broadcast_in_dim3A_175, %broadcast_in_dim3A_176 : vector<16xi1>, vector<16xf32>
    %add3A_178 = arith.constant 32 : i32
    %add3A_179 = vector.broadcast %add3A_178 : i32 to vector<16xi32>
    %add3A_180 = arith.addi %iota3A, %add3A_179 : vector<16xi32>
    %ge3A_181 = vector.broadcast %squeeze3A_144 : i32 to vector<16xi32>
    %ge3A_182 = arith.cmpi sge, %add3A_180, %ge3A_181 : vector<16xi32>
    %le3A_183 = vector.broadcast %add3A_149 : i32 to vector<16xi32>
    %le3A_184 = arith.cmpi sle, %add3A_180, %le3A_183 : vector<16xi32>
    %and3A_185 = arith.andi %ge3A_182, %le3A_184 : vector<16xi1>
    %jit3A_186 = arith.constant 1.000000e+00 : f32
    %jit3A_187 = arith.constant 0.000000e+00 : f32
    %broadcast_in_dim3A_188 = vector.broadcast %jit3A_186 : f32 to vector<16xf32>
    %broadcast_in_dim3A_189 = vector.broadcast %jit3A_187 : f32 to vector<16xf32>
    %select_n3A_190 = arith.select %and3A_185, %broadcast_in_dim3A_188, %broadcast_in_dim3A_189 : vector<16xi1>, vector<16xf32>
    %add3A_191 = arith.constant 48 : i32
    %add3A_192 = vector.broadcast %add3A_191 : i32 to vector<16xi32>
    %add3A_193 = arith.addi %iota3A, %add3A_192 : vector<16xi32>
    %ge3A_194 = vector.broadcast %squeeze3A_144 : i32 to vector<16xi32>
    %ge3A_195 = arith.cmpi sge, %add3A_193, %ge3A_194 : vector<16xi32>
    %le3A_196 = vector.broadcast %add3A_149 : i32 to vector<16xi32>
    %le3A_197 = arith.cmpi sle, %add3A_193, %le3A_196 : vector<16xi32>
    %and3A_198 = arith.andi %ge3A_195, %le3A_197 : vector<16xi1>
    %jit3A_199 = arith.constant 1.000000e+00 : f32
    %jit3A_200 = arith.constant 0.000000e+00 : f32
    %broadcast_in_dim3A_201 = vector.broadcast %jit3A_199 : f32 to vector<16xf32>
    %broadcast_in_dim3A_202 = vector.broadcast %jit3A_200 : f32 to vector<16xf32>
    %select_n3A_203 = arith.select %and3A_198, %broadcast_in_dim3A_201, %broadcast_in_dim3A_202 : vector<16xi1>, vector<16xf32>
    %add3A_204 = arith.constant 64 : i32
    %add3A_205 = vector.broadcast %add3A_204 : i32 to vector<16xi32>
    %add3A_206 = arith.addi %iota3A, %add3A_205 : vector<16xi32>
    %ge3A_207 = vector.broadcast %squeeze3A_144 : i32 to vector<16xi32>
    %ge3A_208 = arith.cmpi sge, %add3A_206, %ge3A_207 : vector<16xi32>
    %le3A_209 = vector.broadcast %add3A_149 : i32 to vector<16xi32>
    %le3A_210 = arith.cmpi sle, %add3A_206, %le3A_209 : vector<16xi32>
    %and3A_211 = arith.andi %ge3A_208, %le3A_210 : vector<16xi1>
    %jit3A_212 = arith.constant 1.000000e+00 : f32
    %jit3A_213 = arith.constant 0.000000e+00 : f32
    %broadcast_in_dim3A_214 = vector.broadcast %jit3A_212 : f32 to vector<16xf32>
    %broadcast_in_dim3A_215 = vector.broadcast %jit3A_213 : f32 to vector<16xf32>
    %select_n3A_216 = arith.select %and3A_211, %broadcast_in_dim3A_214, %broadcast_in_dim3A_215 : vector<16xi1>, vector<16xf32>
    %add3A_217 = arith.constant 80 : i32
    %add3A_218 = vector.broadcast %add3A_217 : i32 to vector<16xi32>
    %add3A_219 = arith.addi %iota3A, %add3A_218 : vector<16xi32>
    %ge3A_220 = vector.broadcast %squeeze3A_144 : i32 to vector<16xi32>
    %ge3A_221 = arith.cmpi sge, %add3A_219, %ge3A_220 : vector<16xi32>
    %le3A_222 = vector.broadcast %add3A_149 : i32 to vector<16xi32>
    %le3A_223 = arith.cmpi sle, %add3A_219, %le3A_222 : vector<16xi32>
    %and3A_224 = arith.andi %ge3A_221, %le3A_223 : vector<16xi1>
    %jit3A_225 = arith.constant 1.000000e+00 : f32
    %jit3A_226 = arith.constant 0.000000e+00 : f32
    %broadcast_in_dim3A_227 = vector.broadcast %jit3A_225 : f32 to vector<16xf32>
    %broadcast_in_dim3A_228 = vector.broadcast %jit3A_226 : f32 to vector<16xf32>
    %select_n3A_229 = arith.select %and3A_224, %broadcast_in_dim3A_227, %broadcast_in_dim3A_228 : vector<16xi1>, vector<16xf32>
    %add3A_230 = arith.constant 96 : i32
    %add3A_231 = vector.broadcast %add3A_230 : i32 to vector<16xi32>
    %add3A_232 = arith.addi %iota3A, %add3A_231 : vector<16xi32>
    %ge3A_233 = vector.broadcast %squeeze3A_144 : i32 to vector<16xi32>
    %ge3A_234 = arith.cmpi sge, %add3A_232, %ge3A_233 : vector<16xi32>
    %le3A_235 = vector.broadcast %add3A_149 : i32 to vector<16xi32>
    %le3A_236 = arith.cmpi sle, %add3A_232, %le3A_235 : vector<16xi32>
    %and3A_237 = arith.andi %ge3A_234, %le3A_236 : vector<16xi1>
    %jit3A_238 = arith.constant 1.000000e+00 : f32
    %jit3A_239 = arith.constant 0.000000e+00 : f32
    %broadcast_in_dim3A_240 = vector.broadcast %jit3A_238 : f32 to vector<16xf32>
    %broadcast_in_dim3A_241 = vector.broadcast %jit3A_239 : f32 to vector<16xf32>
    %select_n3A_242 = arith.select %and3A_237, %broadcast_in_dim3A_240, %broadcast_in_dim3A_241 : vector<16xi1>, vector<16xf32>
    %add3A_243 = arith.constant 112 : i32
    %add3A_244 = vector.broadcast %add3A_243 : i32 to vector<16xi32>
    %add3A_245 = arith.addi %iota3A, %add3A_244 : vector<16xi32>
    %ge3A_246 = vector.broadcast %squeeze3A_144 : i32 to vector<16xi32>
    %ge3A_247 = arith.cmpi sge, %add3A_245, %ge3A_246 : vector<16xi32>
    %le3A_248 = vector.broadcast %add3A_149 : i32 to vector<16xi32>
    %le3A_249 = arith.cmpi sle, %add3A_245, %le3A_248 : vector<16xi32>
    %and3A_250 = arith.andi %ge3A_247, %le3A_249 : vector<16xi1>
    %jit3A_251 = arith.constant 1.000000e+00 : f32
    %jit3A_252 = arith.constant 0.000000e+00 : f32
    %broadcast_in_dim3A_253 = vector.broadcast %jit3A_251 : f32 to vector<16xf32>
    %broadcast_in_dim3A_254 = vector.broadcast %jit3A_252 : f32 to vector<16xf32>
    %select_n3A_255 = arith.select %and3A_250, %broadcast_in_dim3A_253, %broadcast_in_dim3A_254 : vector<16xi1>, vector<16xf32>
    %add3A_256 = arith.addi %squeeze3A_146, %squeeze3A_151 : i32
    %add3A_257 = arith.constant 1 : i32
    %add3A_258 = arith.addi %add3A_256, %add3A_257 : i32
    %while3A_259 = arith.constant 0 : i32
    %while3A_260 = arith.subi %add3A_258, %squeeze3A_146 : i32
    %while3A_261 = arith.addi %squeeze3A_146, %while3A_260 : i32
    %while3A_262 = arith.constant 1 : i32
    %while3A_263 = arith.divsi %while3A_260, %while3A_262 : i32
    %while3A_264 = arith.muli %while3A_263, %while3A_262 : i32
    %while3A_265 = arith.addi %squeeze3A_146, %while3A_264 : i32
    %while3A_266 = arith.constant 1 : i32
    %while3A_267 = scf.for %while3A_301 = %squeeze3A_146 to %while3A_265 step %while3A_266 iter_args(%while3A_302 = %while3A_259) -> (i32)  : i32 {
      %swap3A = arith.index_cast %while3A_301 : i32 to index
      %swap3A_303 = arith.constant 0 : index
      %swap3A_304 = tpu.vector_load %arg6[%swap3A, %swap3A_303] {strides = array<i32>} : memref<128x128xf32, #tpu.memory_space<vmem>>, vector<1x16xf32>,
      %swap3A_305 = vector.shape_cast %swap3A_304 : vector<1x16xf32> to vector<16xf32>
      %swap3A_306 = vector.shape_cast %select_n3A_164 : vector<16xf32> to vector<1x16xf32>
      tpu.vector_store %arg6[%swap3A, %swap3A_303], %swap3A_306 {strides = array<i32>} : memref<128x128xf32, #tpu.memory_space<vmem>>, vector<1x16xf32>,
      %swap3A_307 = arith.index_cast %while3A_301 : i32 to index
      %swap3A_308 = arith.constant 16 : index
      %swap3A_309 = tpu.vector_load %arg6[%swap3A_307, %swap3A_308] {strides = array<i32>} : memref<128x128xf32, #tpu.memory_space<vmem>>, vector<1x16xf32>,
      %swap3A_310 = vector.shape_cast %swap3A_309 : vector<1x16xf32> to vector<16xf32>
      %swap3A_311 = vector.shape_cast %select_n3A_177 : vector<16xf32> to vector<1x16xf32>
      tpu.vector_store %arg6[%swap3A_307, %swap3A_308], %swap3A_311 {strides = array<i32>} : memref<128x128xf32, #tpu.memory_space<vmem>>, vector<1x16xf32>,
      %swap3A_312 = arith.index_cast %while3A_301 : i32 to index
      %swap3A_313 = arith.constant 32 : index
      %swap3A_314 = tpu.vector_load %arg6[%swap3A_312, %swap3A_313] {strides = array<i32>} : memref<128x128xf32, #tpu.memory_space<vmem>>, vector<1x16xf32>,
      %swap3A_315 = vector.shape_cast %swap3A_314 : vector<1x16xf32> to vector<16xf32>
      %swap3A_316 = vector.shape_cast %select_n3A_190 : vector<16xf32> to vector<1x16xf32>
      tpu.vector_store %arg6[%swap3A_312, %swap3A_313], %swap3A_316 {strides = array<i32>} : memref<128x128xf32, #tpu.memory_space<vmem>>, vector<1x16xf32>,
      %swap3A_317 = arith.index_cast %while3A_301 : i32 to index
      %swap3A_318 = arith.constant 48 : index
      %swap3A_319 = tpu.vector_load %arg6[%swap3A_317, %swap3A_318] {strides = array<i32>} : memref<128x128xf32, #tpu.memory_space<vmem>>, vector<1x16xf32>,
      %swap3A_320 = vector.shape_cast %swap3A_319 : vector<1x16xf32> to vector<16xf32>
      %swap3A_321 = vector.shape_cast %select_n3A_203 : vector<16xf32> to vector<1x16xf32>
      tpu.vector_store %arg6[%swap3A_317, %swap3A_318], %swap3A_321 {strides = array<i32>} : memref<128x128xf32, #tpu.memory_space<vmem>>, vector<1x16xf32>,
      %swap3A_322 = arith.index_cast %while3A_301 : i32 to index
      %swap3A_323 = arith.constant 64 : index
      %swap3A_324 = tpu.vector_load %arg6[%swap3A_322, %swap3A_323] {strides = array<i32>} : memref<128x128xf32, #tpu.memory_space<vmem>>, vector<1x16xf32>,
      %swap3A_325 = vector.shape_cast %swap3A_324 : vector<1x16xf32> to vector<16xf32>
      %swap3A_326 = vector.shape_cast %select_n3A_216 : vector<16xf32> to vector<1x16xf32>
      tpu.vector_store %arg6[%swap3A_322, %swap3A_323], %swap3A_326 {strides = array<i32>} : memref<128x128xf32, #tpu.memory_space<vmem>>, vector<1x16xf32>,
      %swap3A_327 = arith.index_cast %while3A_301 : i32 to index
      %swap3A_328 = arith.constant 80 : index
      %swap3A_329 = tpu.vector_load %arg6[%swap3A_327, %swap3A_328] {strides = array<i32>} : memref<128x128xf32, #tpu.memory_space<vmem>>, vector<1x16xf32>,
      %swap3A_330 = vector.shape_cast %swap3A_329 : vector<1x16xf32> to vector<16xf32>
      %swap3A_331 = vector.shape_cast %select_n3A_229 : vector<16xf32> to vector<1x16xf32>
      tpu.vector_store %arg6[%swap3A_327, %swap3A_328], %swap3A_331 {strides = array<i32>} : memref<128x128xf32, #tpu.memory_space<vmem>>, vector<1x16xf32>,
      %swap3A_332 = arith.index_cast %while3A_301 : i32 to index
      %swap3A_333 = arith.constant 96 : index
      %swap3A_334 = tpu.vector_load %arg6[%swap3A_332, %swap3A_333] {strides = array<i32>} : memref<128x128xf32, #tpu.memory_space<vmem>>, vector<1x16xf32>,
      %swap3A_335 = vector.shape_cast %swap3A_334 : vector<1x16xf32> to vector<16xf32>
      %swap3A_336 = vector.shape_cast %select_n3A_242 : vector<16xf32> to vector<1x16xf32>
      tpu.vector_store %arg6[%swap3A_332, %swap3A_333], %swap3A_336 {strides = array<i32>} : memref<128x128xf32, #tpu.memory_space<vmem>>, vector<1x16xf32>,
      %swap3A_337 = arith.index_cast %while3A_301 : i32 to index
      %swap3A_338 = arith.constant 112 : index
      %swap3A_339 = tpu.vector_load %arg6[%swap3A_337, %swap3A_338] {strides = array<i32>} : memref<128x128xf32, #tpu.memory_space<vmem>>, vector<1x16xf32>,
      %swap3A_340 = vector.shape_cast %swap3A_339 : vector<1x16xf32> to vector<16xf32>
      %swap3A_341 = vector.shape_cast %select_n3A_255 : vector<16xf32> to vector<1x16xf32>
      tpu.vector_store %arg6[%swap3A_337, %swap3A_338], %swap3A_341 {strides = array<i32>} : memref<128x128xf32, #tpu.memory_space<vmem>>, vector<1x16xf32>,
      %while3A_342 = arith.constant 0 : i32
      scf.yield %while3A_342 : i32
    }
    %while3A_268 = arith.constant 1 : i32
    %while3A_269 = scf.for %while3A_301 = %while3A_265 to %while3A_261 step %while3A_268 iter_args(%while3A_302 = %while3A_267) -> (i32)  : i32 {
      %swap3A = arith.index_cast %while3A_301 : i32 to index
      %swap3A_303 = arith.constant 0 : index
      %swap3A_304 = tpu.vector_load %arg6[%swap3A, %swap3A_303] {strides = array<i32>} : memref<128x128xf32, #tpu.memory_space<vmem>>, vector<1x16xf32>,
      %swap3A_305 = vector.shape_cast %swap3A_304 : vector<1x16xf32> to vector<16xf32>
      %swap3A_306 = vector.shape_cast %select_n3A_164 : vector<16xf32> to vector<1x16xf32>
      tpu.vector_store %arg6[%swap3A, %swap3A_303], %swap3A_306 {strides = array<i32>} : memref<128x128xf32, #tpu.memory_space<vmem>>, vector<1x16xf32>,
      %swap3A_307 = arith.index_cast %while3A_301 : i32 to index
      %swap3A_308 = arith.constant 16 : index
      %swap3A_309 = tpu.vector_load %arg6[%swap3A_307, %swap3A_308] {strides = array<i32>} : memref<128x128xf32, #tpu.memory_space<vmem>>, vector<1x16xf32>,
      %swap3A_310 = vector.shape_cast %swap3A_309 : vector<1x16xf32> to vector<16xf32>
      %swap3A_311 = vector.shape_cast %select_n3A_177 : vector<16xf32> to vector<1x16xf32>
      tpu.vector_store %arg6[%swap3A_307, %swap3A_308], %swap3A_311 {strides = array<i32>} : memref<128x128xf32, #tpu.memory_space<vmem>>, vector<1x16xf32>,
      %swap3A_312 = arith.index_cast %while3A_301 : i32 to index
      %swap3A_313 = arith.constant 32 : index
      %swap3A_314 = tpu.vector_load %arg6[%swap3A_312, %swap3A_313] {strides = array<i32>} : memref<128x128xf32, #tpu.memory_space<vmem>>, vector<1x16xf32>,
      %swap3A_315 = vector.shape_cast %swap3A_314 : vector<1x16xf32> to vector<16xf32>
      %swap3A_316 = vector.shape_cast %select_n3A_190 : vector<16xf32> to vector<1x16xf32>
      tpu.vector_store %arg6[%swap3A_312, %swap3A_313], %swap3A_316 {strides = array<i32>} : memref<128x128xf32, #tpu.memory_space<vmem>>, vector<1x16xf32>,
      %swap3A_317 = arith.index_cast %while3A_301 : i32 to index
      %swap3A_318 = arith.constant 48 : index
      %swap3A_319 = tpu.vector_load %arg6[%swap3A_317, %swap3A_318] {strides = array<i32>} : memref<128x128xf32, #tpu.memory_space<vmem>>, vector<1x16xf32>,
      %swap3A_320 = vector.shape_cast %swap3A_319 : vector<1x16xf32> to vector<16xf32>
      %swap3A_321 = vector.shape_cast %select_n3A_203 : vector<16xf32> to vector<1x16xf32>
      tpu.vector_store %arg6[%swap3A_317, %swap3A_318], %swap3A_321 {strides = array<i32>} : memref<128x128xf32, #tpu.memory_space<vmem>>, vector<1x16xf32>,
      %swap3A_322 = arith.index_cast %while3A_301 : i32 to index
      %swap3A_323 = arith.constant 64 : index
      %swap3A_324 = tpu.vector_load %arg6[%swap3A_322, %swap3A_323] {strides = array<i32>} : memref<128x128xf32, #tpu.memory_space<vmem>>, vector<1x16xf32>,
      %swap3A_325 = vector.shape_cast %swap3A_324 : vector<1x16xf32> to vector<16xf32>
      %swap3A_326 = vector.shape_cast %select_n3A_216 : vector<16xf32> to vector<1x16xf32>
      tpu.vector_store %arg6[%swap3A_322, %swap3A_323], %swap3A_326 {strides = array<i32>} : memref<128x128xf32, #tpu.memory_space<vmem>>, vector<1x16xf32>,
      %swap3A_327 = arith.index_cast %while3A_301 : i32 to index
      %swap3A_328 = arith.constant 80 : index
      %swap3A_329 = tpu.vector_load %arg6[%swap3A_327, %swap3A_328] {strides = array<i32>} : memref<128x128xf32, #tpu.memory_space<vmem>>, vector<1x16xf32>,
      %swap3A_330 = vector.shape_cast %swap3A_329 : vector<1x16xf32> to vector<16xf32>
      %swap3A_331 = vector.shape_cast %select_n3A_229 : vector<16xf32> to vector<1x16xf32>
      tpu.vector_store %arg6[%swap3A_327, %swap3A_328], %swap3A_331 {strides = array<i32>} : memref<128x128xf32, #tpu.memory_space<vmem>>, vector<1x16xf32>,
      %swap3A_332 = arith.index_cast %while3A_301 : i32 to index
      %swap3A_333 = arith.constant 96 : index
      %swap3A_334 = tpu.vector_load %arg6[%swap3A_332, %swap3A_333] {strides = array<i32>} : memref<128x128xf32, #tpu.memory_space<vmem>>, vector<1x16xf32>,
      %swap3A_335 = vector.shape_cast %swap3A_334 : vector<1x16xf32> to vector<16xf32>
      %swap3A_336 = vector.shape_cast %select_n3A_242 : vector<16xf32> to vector<1x16xf32>
      tpu.vector_store %arg6[%swap3A_332, %swap3A_333], %swap3A_336 {strides = array<i32>} : memref<128x128xf32, #tpu.memory_space<vmem>>, vector<1x16xf32>,
      %swap3A_337 = arith.index_cast %while3A_301 : i32 to index
      %swap3A_338 = arith.constant 112 : index
      %swap3A_339 = tpu.vector_load %arg6[%swap3A_337, %swap3A_338] {strides = array<i32>} : memref<128x128xf32, #tpu.memory_space<vmem>>, vector<1x16xf32>,
      %swap3A_340 = vector.shape_cast %swap3A_339 : vector<1x16xf32> to vector<16xf32>
      %swap3A_341 = vector.shape_cast %select_n3A_255 : vector<16xf32> to vector<1x16xf32>
      tpu.vector_store %arg6[%swap3A_337, %swap3A_338], %swap3A_341 {strides = array<i32>} : memref<128x128xf32, #tpu.memory_space<vmem>>, vector<1x16xf32>,
      %while3A_342 = arith.constant 0 : i32
      scf.yield %while3A_342 : i32
    }
    %add3A_270 = arith.constant 1 : i32
    %add3A_271 = arith.addi %mul3A_2, %add3A_270 : i32
    %dma_start3A_272 = arith.constant 0 : i32
    %dma_start3A_273 = arith.constant 0 : i32
    %dma_start3A_274 = tpu.memref_slice %arg3[%add3A_271, %dma_start3A_272, %dma_start3A_273] : memref<4096x128x128xf32, #tpu.memory_space<hbm>> -> memref<1x128x128xf32, #tpu.memory_space<hbm>>
    %dma_start3A_275 = tpu.memref_squeeze %dma_start3A_274 : memref<1x128x128xf32, #tpu.memory_space<hbm>> -> memref<128x128xf32, #tpu.memory_space<hbm>>
    %dma_start3A_276 = arith.constant 0 : i32
    %dma_start3A_277 = arith.constant 0 : i32
    %dma_start3A_278 = tpu.memref_slice %arg3[%add3A_271, %dma_start3A_276, %dma_start3A_277] : memref<4096x128x128xf32, #tpu.memory_space<hbm>> -> memref<1x128x128xf32, #tpu.memory_space<hbm>>
    %dma_start3A_279 = tpu.memref_squeeze %dma_start3A_278 : memref<1x128x128xf32, #tpu.memory_space<hbm>> -> memref<128x128xf32, #tpu.memory_space<hbm>>
    tpu.enqueue_dma source(%arg6 : memref<128x128xf32, #tpu.memory_space<vmem>>) target(%dma_start3A_279 : memref<128x128xf32, #tpu.memory_space<hbm>>) target_semaphore(%arg8 : memref<!tpu.dma_semaphore, #tpu.memory_space<semaphore_mem>>)
    %scan3A_280 = arith.constant 1 : i32
    %scan3A_281 = arith.constant 15 : i32
    %scan3A_282 = arith.addi %scan3A_280, %scan3A_281 : i32
    %scan3A_283 = arith.constant 1 : i32
    %scan3A_284:4 = scf.for %scan3A_301 = %scan3A_280 to %scan3A_282 step %scan3A_283 iter_args(%scan3A_302 = %squeeze3A_15, %scan3A_303 = %squeeze3A_20, %scan3A_304 = %squeeze3A_146, %scan3A_305 = %squeeze3A_151) -> (i32, i32, i32, i32)  : i32 {
      %mul3A_306 = arith.constant 2 : i32
      %mul3A_307 = arith.muli %mul3A_306, %scan3A_301 : i32
      %mul3A_308 = arith.constant 2 : i32
      %mul3A_309 = arith.muli %mul3A_308, %scan3A_301 : i32
      %add3A_310 = arith.constant 1 : i32
      %add3A_311 = arith.addi %mul3A_309, %add3A_310 : i32
      %dma_wait3A_312 = arith.constant 0 : i32
      %dma_wait3A_313 = arith.constant 0 : i32
      %dma_wait3A_314 = tpu.memref_slice %arg3[%mul3A_2, %dma_wait3A_312, %dma_wait3A_313] : memref<4096x128x128xf32, #tpu.memory_space<hbm>> -> memref<1x128x128xf32, #tpu.memory_space<hbm>>
      %dma_wait3A_315 = tpu.memref_squeeze %dma_wait3A_314 : memref<1x128x128xf32, #tpu.memory_space<hbm>> -> memref<128x128xf32, #tpu.memory_space<hbm>>
      %dma_wait3A_316 = arith.constant 0 : i32
      %dma_wait3A_317 = arith.constant 0 : i32
      %dma_wait3A_318 = tpu.memref_slice %arg3[%mul3A_2, %dma_wait3A_316, %dma_wait3A_317] : memref<4096x128x128xf32, #tpu.memory_space<hbm>> -> memref<1x128x128xf32, #tpu.memory_space<hbm>>
      %dma_wait3A_319 = tpu.memref_squeeze %dma_wait3A_318 : memref<1x128x128xf32, #tpu.memory_space<hbm>> -> memref<128x128xf32, #tpu.memory_space<hbm>>
      tpu.wait_dma2 semaphore(%arg7 : memref<!tpu.dma_semaphore, #tpu.memory_space<semaphore_mem>>) src(%arg5 : memref<128x128xf32, #tpu.memory_space<vmem>>) dst(%dma_wait3A_319 : memref<128x128xf32, #tpu.memory_space<hbm>>)
      %add3A_320 = arith.addi %scan3A_302, %scan3A_303 : i32
      %add3A_321 = arith.constant 1 : i32
      %add3A_322 = arith.addi %add3A_320, %add3A_321 : i32
      %while3A_323 = arith.constant 0 : i32
      %while3A_324 = arith.subi %add3A_322, %scan3A_302 : i32
      %while3A_325 = arith.addi %scan3A_302, %while3A_324 : i32
      %while3A_326 = arith.constant 1 : i32
      %while3A_327 = arith.divsi %while3A_324, %while3A_326 : i32
      %while3A_328 = arith.muli %while3A_327, %while3A_326 : i32
      %while3A_329 = arith.addi %scan3A_302, %while3A_328 : i32
      %while3A_330 = arith.constant 1 : i32
      %while3A_331 = scf.for %while3A_638 = %scan3A_302 to %while3A_329 step %while3A_330 iter_args(%while3A_639 = %while3A_323) -> (i32)  : i32 {
        %swap3A = arith.index_cast %while3A_638 : i32 to index
        %swap3A_640 = arith.constant 0 : index
        %swap3A_641 = tpu.vector_load %arg5[%swap3A, %swap3A_640] {strides = array<i32>} : memref<128x128xf32, #tpu.memory_space<vmem>>, vector<1x16xf32>,
        %swap3A_642 = vector.shape_cast %swap3A_641 : vector<1x16xf32> to vector<16xf32>
        %swap3A_643 = vector.shape_cast %broadcast_in_dim3A_5 : vector<16xf32> to vector<1x16xf32>
        tpu.vector_store %arg5[%swap3A, %swap3A_640], %swap3A_643 {strides = array<i32>} : memref<128x128xf32, #tpu.memory_space<vmem>>, vector<1x16xf32>,
        %swap3A_644 = arith.index_cast %while3A_638 : i32 to index
        %swap3A_645 = arith.constant 16 : index
        %swap3A_646 = tpu.vector_load %arg5[%swap3A_644, %swap3A_645] {strides = array<i32>} : memref<128x128xf32, #tpu.memory_space<vmem>>, vector<1x16xf32>,
        %swap3A_647 = vector.shape_cast %swap3A_646 : vector<1x16xf32> to vector<16xf32>
        %swap3A_648 = vector.shape_cast %broadcast_in_dim3A_5 : vector<16xf32> to vector<1x16xf32>
        tpu.vector_store %arg5[%swap3A_644, %swap3A_645], %swap3A_648 {strides = array<i32>} : memref<128x128xf32, #tpu.memory_space<vmem>>, vector<1x16xf32>,
        %swap3A_649 = arith.index_cast %while3A_638 : i32 to index
        %swap3A_650 = arith.constant 32 : index
        %swap3A_651 = tpu.vector_load %arg5[%swap3A_649, %swap3A_650] {strides = array<i32>} : memref<128x128xf32, #tpu.memory_space<vmem>>, vector<1x16xf32>,
        %swap3A_652 = vector.shape_cast %swap3A_651 : vector<1x16xf32> to vector<16xf32>
        %swap3A_653 = vector.shape_cast %broadcast_in_dim3A_5 : vector<16xf32> to vector<1x16xf32>
        tpu.vector_store %arg5[%swap3A_649, %swap3A_650], %swap3A_653 {strides = array<i32>} : memref<128x128xf32, #tpu.memory_space<vmem>>, vector<1x16xf32>,
        %swap3A_654 = arith.index_cast %while3A_638 : i32 to index
        %swap3A_655 = arith.constant 48 : index
        %swap3A_656 = tpu.vector_load %arg5[%swap3A_654, %swap3A_655] {strides = array<i32>} : memref<128x128xf32, #tpu.memory_space<vmem>>, vector<1x16xf32>,
        %swap3A_657 = vector.shape_cast %swap3A_656 : vector<1x16xf32> to vector<16xf32>
        %swap3A_658 = vector.shape_cast %broadcast_in_dim3A_5 : vector<16xf32> to vector<1x16xf32>
        tpu.vector_store %arg5[%swap3A_654, %swap3A_655], %swap3A_658 {strides = array<i32>} : memref<128x128xf32, #tpu.memory_space<vmem>>, vector<1x16xf32>,
        %swap3A_659 = arith.index_cast %while3A_638 : i32 to index
        %swap3A_660 = arith.constant 64 : index
        %swap3A_661 = tpu.vector_load %arg5[%swap3A_659, %swap3A_660] {strides = array<i32>} : memref<128x128xf32, #tpu.memory_space<vmem>>, vector<1x16xf32>,
        %swap3A_662 = vector.shape_cast %swap3A_661 : vector<1x16xf32> to vector<16xf32>
        %swap3A_663 = vector.shape_cast %broadcast_in_dim3A_5 : vector<16xf32> to vector<1x16xf32>
        tpu.vector_store %arg5[%swap3A_659, %swap3A_660], %swap3A_663 {strides = array<i32>} : memref<128x128xf32, #tpu.memory_space<vmem>>, vector<1x16xf32>,
        %swap3A_664 = arith.index_cast %while3A_638 : i32 to index
        %swap3A_665 = arith.constant 80 : index
        %swap3A_666 = tpu.vector_load %arg5[%swap3A_664, %swap3A_665] {strides = array<i32>} : memref<128x128xf32, #tpu.memory_space<vmem>>, vector<1x16xf32>,
        %swap3A_667 = vector.shape_cast %swap3A_666 : vector<1x16xf32> to vector<16xf32>
        %swap3A_668 = vector.shape_cast %broadcast_in_dim3A_5 : vector<16xf32> to vector<1x16xf32>
        tpu.vector_store %arg5[%swap3A_664, %swap3A_665], %swap3A_668 {strides = array<i32>} : memref<128x128xf32, #tpu.memory_space<vmem>>, vector<1x16xf32>,
        %swap3A_669 = arith.index_cast %while3A_638 : i32 to index
        %swap3A_670 = arith.constant 96 : index
        %swap3A_671 = tpu.vector_load %arg5[%swap3A_669, %swap3A_670] {strides = array<i32>} : memref<128x128xf32, #tpu.memory_space<vmem>>, vector<1x16xf32>,
        %swap3A_672 = vector.shape_cast %swap3A_671 : vector<1x16xf32> to vector<16xf32>
        %swap3A_673 = vector.shape_cast %broadcast_in_dim3A_5 : vector<16xf32> to vector<1x16xf32>
        tpu.vector_store %arg5[%swap3A_669, %swap3A_670], %swap3A_673 {strides = array<i32>} : memref<128x128xf32, #tpu.memory_space<vmem>>, vector<1x16xf32>,
        %swap3A_674 = arith.index_cast %while3A_638 : i32 to index
        %swap3A_675 = arith.constant 112 : index
        %swap3A_676 = tpu.vector_load %arg5[%swap3A_674, %swap3A_675] {strides = array<i32>} : memref<128x128xf32, #tpu.memory_space<vmem>>, vector<1x16xf32>,
        %swap3A_677 = vector.shape_cast %swap3A_676 : vector<1x16xf32> to vector<16xf32>
        %swap3A_678 = vector.shape_cast %broadcast_in_dim3A_5 : vector<16xf32> to vector<1x16xf32>
        tpu.vector_store %arg5[%swap3A_674, %swap3A_675], %swap3A_678 {strides = array<i32>} : memref<128x128xf32, #tpu.memory_space<vmem>>, vector<1x16xf32>,
        %while3A_679 = arith.constant 0 : i32
        scf.yield %while3A_679 : i32
      }
      %while3A_332 = arith.constant 1 : i32
      %while3A_333 = scf.for %while3A_638 = %while3A_329 to %while3A_325 step %while3A_332 iter_args(%while3A_639 = %while3A_331) -> (i32)  : i32 {
        %swap3A = arith.index_cast %while3A_638 : i32 to index
        %swap3A_640 = arith.constant 0 : index
        %swap3A_641 = tpu.vector_load %arg5[%swap3A, %swap3A_640] {strides = array<i32>} : memref<128x128xf32, #tpu.memory_space<vmem>>, vector<1x16xf32>,
        %swap3A_642 = vector.shape_cast %swap3A_641 : vector<1x16xf32> to vector<16xf32>
        %swap3A_643 = vector.shape_cast %broadcast_in_dim3A_5 : vector<16xf32> to vector<1x16xf32>
        tpu.vector_store %arg5[%swap3A, %swap3A_640], %swap3A_643 {strides = array<i32>} : memref<128x128xf32, #tpu.memory_space<vmem>>, vector<1x16xf32>,
        %swap3A_644 = arith.index_cast %while3A_638 : i32 to index
        %swap3A_645 = arith.constant 16 : index
        %swap3A_646 = tpu.vector_load %arg5[%swap3A_644, %swap3A_645] {strides = array<i32>} : memref<128x128xf32, #tpu.memory_space<vmem>>, vector<1x16xf32>,
        %swap3A_647 = vector.shape_cast %swap3A_646 : vector<1x16xf32> to vector<16xf32>
        %swap3A_648 = vector.shape_cast %broadcast_in_dim3A_5 : vector<16xf32> to vector<1x16xf32>
        tpu.vector_store %arg5[%swap3A_644, %swap3A_645], %swap3A_648 {strides = array<i32>} : memref<128x128xf32, #tpu.memory_space<vmem>>, vector<1x16xf32>,
        %swap3A_649 = arith.index_cast %while3A_638 : i32 to index
        %swap3A_650 = arith.constant 32 : index
        %swap3A_651 = tpu.vector_load %arg5[%swap3A_649, %swap3A_650] {strides = array<i32>} : memref<128x128xf32, #tpu.memory_space<vmem>>, vector<1x16xf32>,
        %swap3A_652 = vector.shape_cast %swap3A_651 : vector<1x16xf32> to vector<16xf32>
        %swap3A_653 = vector.shape_cast %broadcast_in_dim3A_5 : vector<16xf32> to vector<1x16xf32>
        tpu.vector_store %arg5[%swap3A_649, %swap3A_650], %swap3A_653 {strides = array<i32>} : memref<128x128xf32, #tpu.memory_space<vmem>>, vector<1x16xf32>,
        %swap3A_654 = arith.index_cast %while3A_638 : i32 to index
        %swap3A_655 = arith.constant 48 : index
        %swap3A_656 = tpu.vector_load %arg5[%swap3A_654, %swap3A_655] {strides = array<i32>} : memref<128x128xf32, #tpu.memory_space<vmem>>, vector<1x16xf32>,
        %swap3A_657 = vector.shape_cast %swap3A_656 : vector<1x16xf32> to vector<16xf32>
        %swap3A_658 = vector.shape_cast %broadcast_in_dim3A_5 : vector<16xf32> to vector<1x16xf32>
        tpu.vector_store %arg5[%swap3A_654, %swap3A_655], %swap3A_658 {strides = array<i32>} : memref<128x128xf32, #tpu.memory_space<vmem>>, vector<1x16xf32>,
        %swap3A_659 = arith.index_cast %while3A_638 : i32 to index
        %swap3A_660 = arith.constant 64 : index
        %swap3A_661 = tpu.vector_load %arg5[%swap3A_659, %swap3A_660] {strides = array<i32>} : memref<128x128xf32, #tpu.memory_space<vmem>>, vector<1x16xf32>,
        %swap3A_662 = vector.shape_cast %swap3A_661 : vector<1x16xf32> to vector<16xf32>
        %swap3A_663 = vector.shape_cast %broadcast_in_dim3A_5 : vector<16xf32> to vector<1x16xf32>
        tpu.vector_store %arg5[%swap3A_659, %swap3A_660], %swap3A_663 {strides = array<i32>} : memref<128x128xf32, #tpu.memory_space<vmem>>, vector<1x16xf32>,
        %swap3A_664 = arith.index_cast %while3A_638 : i32 to index
        %swap3A_665 = arith.constant 80 : index
        %swap3A_666 = tpu.vector_load %arg5[%swap3A_664, %swap3A_665] {strides = array<i32>} : memref<128x128xf32, #tpu.memory_space<vmem>>, vector<1x16xf32>,
        %swap3A_667 = vector.shape_cast %swap3A_666 : vector<1x16xf32> to vector<16xf32>
        %swap3A_668 = vector.shape_cast %broadcast_in_dim3A_5 : vector<16xf32> to vector<1x16xf32>
        tpu.vector_store %arg5[%swap3A_664, %swap3A_665], %swap3A_668 {strides = array<i32>} : memref<128x128xf32, #tpu.memory_space<vmem>>, vector<1x16xf32>,
        %swap3A_669 = arith.index_cast %while3A_638 : i32 to index
        %swap3A_670 = arith.constant 96 : index
        %swap3A_671 = tpu.vector_load %arg5[%swap3A_669, %swap3A_670] {strides = array<i32>} : memref<128x128xf32, #tpu.memory_space<vmem>>, vector<1x16xf32>,
        %swap3A_672 = vector.shape_cast %swap3A_671 : vector<1x16xf32> to vector<16xf32>
        %swap3A_673 = vector.shape_cast %broadcast_in_dim3A_5 : vector<16xf32> to vector<1x16xf32>
        tpu.vector_store %arg5[%swap3A_669, %swap3A_670], %swap3A_673 {strides = array<i32>} : memref<128x128xf32, #tpu.memory_space<vmem>>, vector<1x16xf32>,
        %swap3A_674 = arith.index_cast %while3A_638 : i32 to index
        %swap3A_675 = arith.constant 112 : index
        %swap3A_676 = tpu.vector_load %arg5[%swap3A_674, %swap3A_675] {strides = array<i32>} : memref<128x128xf32, #tpu.memory_space<vmem>>, vector<1x16xf32>,
        %swap3A_677 = vector.shape_cast %swap3A_676 : vector<1x16xf32> to vector<16xf32>
        %swap3A_678 = vector.shape_cast %broadcast_in_dim3A_5 : vector<16xf32> to vector<1x16xf32>
        tpu.vector_store %arg5[%swap3A_674, %swap3A_675], %swap3A_678 {strides = array<i32>} : memref<128x128xf32, #tpu.memory_space<vmem>>, vector<1x16xf32>,
        %while3A_679 = arith.constant 0 : i32
        scf.yield %while3A_679 : i32
      }
      %mul3A_334 = arith.constant 4 : i32
      %mul3A_335 = arith.muli %mul3A_334, %mul3A_307 : i32
      %get3A_336 = arith.index_cast %mul3A_335 : i32 to index
      %get3A_337 = tpu.vector_load %arg4[%get3A_336] {strides = array<i32>} : memref<528xi32, #tpu.memory_space<vmem>>, vector<16xi32>,
      %get3A_338 = vector.shape_cast %get3A_337 : vector<16xi32> to vector<16xi32>
      %slice3A_339 = vector.extract_strided_slice %get3A_338 {offsets = [0], sizes = [1], strides = [1]} : vector<16xi32> to vector<1xi32>
      %squeeze3A_340 = vector.extract %slice3A_339[0] : i32 from vector<1xi32>
      %slice3A_341 = vector.extract_strided_slice %get3A_338 {offsets = [1], sizes = [1], strides = [1]} : vector<16xi32> to vector<1xi32>
      %squeeze3A_342 = vector.extract %slice3A_341[0] : i32 from vector<1xi32>
      %slice3A_343 = vector.extract_strided_slice %get3A_338 {offsets = [2], sizes = [1], strides = [1]} : vector<16xi32> to vector<1xi32>
      %squeeze3A_344 = vector.extract %slice3A_343[0] : i32 from vector<1xi32>
      %add3A_345 = arith.addi %squeeze3A_340, %squeeze3A_344 : i32
      %slice3A_346 = vector.extract_strided_slice %get3A_338 {offsets = [3], sizes = [1], strides = [1]} : vector<16xi32> to vector<1xi32>
      %squeeze3A_347 = vector.extract %slice3A_346[0] : i32 from vector<1xi32>
      %add3A_348 = arith.constant 0 : i32
      %add3A_349 = vector.broadcast %add3A_348 : i32 to vector<16xi32>
      %add3A_350 = arith.addi %iota3A, %add3A_349 : vector<16xi32>
      %ge3A_351 = vector.broadcast %squeeze3A_340 : i32 to vector<16xi32>
      %ge3A_352 = arith.cmpi sge, %add3A_350, %ge3A_351 : vector<16xi32>
      %le3A_353 = vector.broadcast %add3A_345 : i32 to vector<16xi32>
      %le3A_354 = arith.cmpi sle, %add3A_350, %le3A_353 : vector<16xi32>
      %and3A_355 = arith.andi %ge3A_352, %le3A_354 : vector<16xi1>
      %jit3A_356 = arith.constant 1.000000e+00 : f32
      %jit3A_357 = arith.constant 0.000000e+00 : f32
      %broadcast_in_dim3A_358 = vector.broadcast %jit3A_356 : f32 to vector<16xf32>
      %broadcast_in_dim3A_359 = vector.broadcast %jit3A_357 : f32 to vector<16xf32>
      %select_n3A_360 = arith.select %and3A_355, %broadcast_in_dim3A_358, %broadcast_in_dim3A_359 : vector<16xi1>, vector<16xf32>
      %add3A_361 = arith.constant 16 : i32
      %add3A_362 = vector.broadcast %add3A_361 : i32 to vector<16xi32>
      %add3A_363 = arith.addi %iota3A, %add3A_362 : vector<16xi32>
      %ge3A_364 = vector.broadcast %squeeze3A_340 : i32 to vector<16xi32>
      %ge3A_365 = arith.cmpi sge, %add3A_363, %ge3A_364 : vector<16xi32>
      %le3A_366 = vector.broadcast %add3A_345 : i32 to vector<16xi32>
      %le3A_367 = arith.cmpi sle, %add3A_363, %le3A_366 : vector<16xi32>
      %and3A_368 = arith.andi %ge3A_365, %le3A_367 : vector<16xi1>
      %jit3A_369 = arith.constant 1.000000e+00 : f32
      %jit3A_370 = arith.constant 0.000000e+00 : f32
      %broadcast_in_dim3A_371 = vector.broadcast %jit3A_369 : f32 to vector<16xf32>
      %broadcast_in_dim3A_372 = vector.broadcast %jit3A_370 : f32 to vector<16xf32>
      %select_n3A_373 = arith.select %and3A_368, %broadcast_in_dim3A_371, %broadcast_in_dim3A_372 : vector<16xi1>, vector<16xf32>
      %add3A_374 = arith.constant 32 : i32
      %add3A_375 = vector.broadcast %add3A_374 : i32 to vector<16xi32>
      %add3A_376 = arith.addi %iota3A, %add3A_375 : vector<16xi32>
      %ge3A_377 = vector.broadcast %squeeze3A_340 : i32 to vector<16xi32>
      %ge3A_378 = arith.cmpi sge, %add3A_376, %ge3A_377 : vector<16xi32>
      %le3A_379 = vector.broadcast %add3A_345 : i32 to vector<16xi32>
      %le3A_380 = arith.cmpi sle, %add3A_376, %le3A_379 : vector<16xi32>
      %and3A_381 = arith.andi %ge3A_378, %le3A_380 : vector<16xi1>
      %jit3A_382 = arith.constant 1.000000e+00 : f32
      %jit3A_383 = arith.constant 0.000000e+00 : f32
      %broadcast_in_dim3A_384 = vector.broadcast %jit3A_382 : f32 to vector<16xf32>
      %broadcast_in_dim3A_385 = vector.broadcast %jit3A_383 : f32 to vector<16xf32>
      %select_n3A_386 = arith.select %and3A_381, %broadcast_in_dim3A_384, %broadcast_in_dim3A_385 : vector<16xi1>, vector<16xf32>
      %add3A_387 = arith.constant 48 : i32
      %add3A_388 = vector.broadcast %add3A_387 : i32 to vector<16xi32>
      %add3A_389 = arith.addi %iota3A, %add3A_388 : vector<16xi32>
      %ge3A_390 = vector.broadcast %squeeze3A_340 : i32 to vector<16xi32>
      %ge3A_391 = arith.cmpi sge, %add3A_389, %ge3A_390 : vector<16xi32>
      %le3A_392 = vector.broadcast %add3A_345 : i32 to vector<16xi32>
      %le3A_393 = arith.cmpi sle, %add3A_389, %le3A_392 : vector<16xi32>
      %and3A_394 = arith.andi %ge3A_391, %le3A_393 : vector<16xi1>
      %jit3A_395 = arith.constant 1.000000e+00 : f32
      %jit3A_396 = arith.constant 0.000000e+00 : f32
      %broadcast_in_dim3A_397 = vector.broadcast %jit3A_395 : f32 to vector<16xf32>
      %broadcast_in_dim3A_398 = vector.broadcast %jit3A_396 : f32 to vector<16xf32>
      %select_n3A_399 = arith.select %and3A_394, %broadcast_in_dim3A_397, %broadcast_in_dim3A_398 : vector<16xi1>, vector<16xf32>
      %add3A_400 = arith.constant 64 : i32
      %add3A_401 = vector.broadcast %add3A_400 : i32 to vector<16xi32>
      %add3A_402 = arith.addi %iota3A, %add3A_401 : vector<16xi32>
      %ge3A_403 = vector.broadcast %squeeze3A_340 : i32 to vector<16xi32>
      %ge3A_404 = arith.cmpi sge, %add3A_402, %ge3A_403 : vector<16xi32>
      %le3A_405 = vector.broadcast %add3A_345 : i32 to vector<16xi32>
      %le3A_406 = arith.cmpi sle, %add3A_402, %le3A_405 : vector<16xi32>
      %and3A_407 = arith.andi %ge3A_404, %le3A_406 : vector<16xi1>
      %jit3A_408 = arith.constant 1.000000e+00 : f32
      %jit3A_409 = arith.constant 0.000000e+00 : f32
      %broadcast_in_dim3A_410 = vector.broadcast %jit3A_408 : f32 to vector<16xf32>
      %broadcast_in_dim3A_411 = vector.broadcast %jit3A_409 : f32 to vector<16xf32>
      %select_n3A_412 = arith.select %and3A_407, %broadcast_in_dim3A_410, %broadcast_in_dim3A_411 : vector<16xi1>, vector<16xf32>
      %add3A_413 = arith.constant 80 : i32
      %add3A_414 = vector.broadcast %add3A_413 : i32 to vector<16xi32>
      %add3A_415 = arith.addi %iota3A, %add3A_414 : vector<16xi32>
      %ge3A_416 = vector.broadcast %squeeze3A_340 : i32 to vector<16xi32>
      %ge3A_417 = arith.cmpi sge, %add3A_415, %ge3A_416 : vector<16xi32>
      %le3A_418 = vector.broadcast %add3A_345 : i32 to vector<16xi32>
      %le3A_419 = arith.cmpi sle, %add3A_415, %le3A_418 : vector<16xi32>
      %and3A_420 = arith.andi %ge3A_417, %le3A_419 : vector<16xi1>
      %jit3A_421 = arith.constant 1.000000e+00 : f32
      %jit3A_422 = arith.constant 0.000000e+00 : f32
      %broadcast_in_dim3A_423 = vector.broadcast %jit3A_421 : f32 to vector<16xf32>
      %broadcast_in_dim3A_424 = vector.broadcast %jit3A_422 : f32 to vector<16xf32>
      %select_n3A_425 = arith.select %and3A_420, %broadcast_in_dim3A_423, %broadcast_in_dim3A_424 : vector<16xi1>, vector<16xf32>
      %add3A_426 = arith.constant 96 : i32
      %add3A_427 = vector.broadcast %add3A_426 : i32 to vector<16xi32>
      %add3A_428 = arith.addi %iota3A, %add3A_427 : vector<16xi32>
      %ge3A_429 = vector.broadcast %squeeze3A_340 : i32 to vector<16xi32>
      %ge3A_430 = arith.cmpi sge, %add3A_428, %ge3A_429 : vector<16xi32>
      %le3A_431 = vector.broadcast %add3A_345 : i32 to vector<16xi32>
      %le3A_432 = arith.cmpi sle, %add3A_428, %le3A_431 : vector<16xi32>
      %and3A_433 = arith.andi %ge3A_430, %le3A_432 : vector<16xi1>
      %jit3A_434 = arith.constant 1.000000e+00 : f32
      %jit3A_435 = arith.constant 0.000000e+00 : f32
      %broadcast_in_dim3A_436 = vector.broadcast %jit3A_434 : f32 to vector<16xf32>
      %broadcast_in_dim3A_437 = vector.broadcast %jit3A_435 : f32 to vector<16xf32>
      %select_n3A_438 = arith.select %and3A_433, %broadcast_in_dim3A_436, %broadcast_in_dim3A_437 : vector<16xi1>, vector<16xf32>
      %add3A_439 = arith.constant 112 : i32
      %add3A_440 = vector.broadcast %add3A_439 : i32 to vector<16xi32>
      %add3A_441 = arith.addi %iota3A, %add3A_440 : vector<16xi32>
      %ge3A_442 = vector.broadcast %squeeze3A_340 : i32 to vector<16xi32>
      %ge3A_443 = arith.cmpi sge, %add3A_441, %ge3A_442 : vector<16xi32>
      %le3A_444 = vector.broadcast %add3A_345 : i32 to vector<16xi32>
      %le3A_445 = arith.cmpi sle, %add3A_441, %le3A_444 : vector<16xi32>
      %and3A_446 = arith.andi %ge3A_443, %le3A_445 : vector<16xi1>
      %jit3A_447 = arith.constant 1.000000e+00 : f32
      %jit3A_448 = arith.constant 0.000000e+00 : f32
      %broadcast_in_dim3A_449 = vector.broadcast %jit3A_447 : f32 to vector<16xf32>
      %broadcast_in_dim3A_450 = vector.broadcast %jit3A_448 : f32 to vector<16xf32>
      %select_n3A_451 = arith.select %and3A_446, %broadcast_in_dim3A_449, %broadcast_in_dim3A_450 : vector<16xi1>, vector<16xf32>
      %add3A_452 = arith.addi %squeeze3A_342, %squeeze3A_347 : i32
      %add3A_453 = arith.constant 1 : i32
      %add3A_454 = arith.addi %add3A_452, %add3A_453 : i32
      %while3A_455 = arith.constant 0 : i32
      %while3A_456 = arith.subi %add3A_454, %squeeze3A_342 : i32
      %while3A_457 = arith.addi %squeeze3A_342, %while3A_456 : i32
      %while3A_458 = arith.constant 1 : i32
      %while3A_459 = arith.divsi %while3A_456, %while3A_458 : i32
      %while3A_460 = arith.muli %while3A_459, %while3A_458 : i32
      %while3A_461 = arith.addi %squeeze3A_342, %while3A_460 : i32
      %while3A_462 = arith.constant 1 : i32
      %while3A_463 = scf.for %while3A_638 = %squeeze3A_342 to %while3A_461 step %while3A_462 iter_args(%while3A_639 = %while3A_455) -> (i32)  : i32 {
        %swap3A = arith.index_cast %while3A_638 : i32 to index
        %swap3A_640 = arith.constant 0 : index
        %swap3A_641 = tpu.vector_load %arg5[%swap3A, %swap3A_640] {strides = array<i32>} : memref<128x128xf32, #tpu.memory_space<vmem>>, vector<1x16xf32>,
        %swap3A_642 = vector.shape_cast %swap3A_641 : vector<1x16xf32> to vector<16xf32>
        %swap3A_643 = vector.shape_cast %select_n3A_360 : vector<16xf32> to vector<1x16xf32>
        tpu.vector_store %arg5[%swap3A, %swap3A_640], %swap3A_643 {strides = array<i32>} : memref<128x128xf32, #tpu.memory_space<vmem>>, vector<1x16xf32>,
        %swap3A_644 = arith.index_cast %while3A_638 : i32 to index
        %swap3A_645 = arith.constant 16 : index
        %swap3A_646 = tpu.vector_load %arg5[%swap3A_644, %swap3A_645] {strides = array<i32>} : memref<128x128xf32, #tpu.memory_space<vmem>>, vector<1x16xf32>,
        %swap3A_647 = vector.shape_cast %swap3A_646 : vector<1x16xf32> to vector<16xf32>
        %swap3A_648 = vector.shape_cast %select_n3A_373 : vector<16xf32> to vector<1x16xf32>
        tpu.vector_store %arg5[%swap3A_644, %swap3A_645], %swap3A_648 {strides = array<i32>} : memref<128x128xf32, #tpu.memory_space<vmem>>, vector<1x16xf32>,
        %swap3A_649 = arith.index_cast %while3A_638 : i32 to index
        %swap3A_650 = arith.constant 32 : index
        %swap3A_651 = tpu.vector_load %arg5[%swap3A_649, %swap3A_650] {strides = array<i32>} : memref<128x128xf32, #tpu.memory_space<vmem>>, vector<1x16xf32>,
        %swap3A_652 = vector.shape_cast %swap3A_651 : vector<1x16xf32> to vector<16xf32>
        %swap3A_653 = vector.shape_cast %select_n3A_386 : vector<16xf32> to vector<1x16xf32>
        tpu.vector_store %arg5[%swap3A_649, %swap3A_650], %swap3A_653 {strides = array<i32>} : memref<128x128xf32, #tpu.memory_space<vmem>>, vector<1x16xf32>,
        %swap3A_654 = arith.index_cast %while3A_638 : i32 to index
        %swap3A_655 = arith.constant 48 : index
        %swap3A_656 = tpu.vector_load %arg5[%swap3A_654, %swap3A_655] {strides = array<i32>} : memref<128x128xf32, #tpu.memory_space<vmem>>, vector<1x16xf32>,
        %swap3A_657 = vector.shape_cast %swap3A_656 : vector<1x16xf32> to vector<16xf32>
        %swap3A_658 = vector.shape_cast %select_n3A_399 : vector<16xf32> to vector<1x16xf32>
        tpu.vector_store %arg5[%swap3A_654, %swap3A_655], %swap3A_658 {strides = array<i32>} : memref<128x128xf32, #tpu.memory_space<vmem>>, vector<1x16xf32>,
        %swap3A_659 = arith.index_cast %while3A_638 : i32 to index
        %swap3A_660 = arith.constant 64 : index
        %swap3A_661 = tpu.vector_load %arg5[%swap3A_659, %swap3A_660] {strides = array<i32>} : memref<128x128xf32, #tpu.memory_space<vmem>>, vector<1x16xf32>,
        %swap3A_662 = vector.shape_cast %swap3A_661 : vector<1x16xf32> to vector<16xf32>
        %swap3A_663 = vector.shape_cast %select_n3A_412 : vector<16xf32> to vector<1x16xf32>
        tpu.vector_store %arg5[%swap3A_659, %swap3A_660], %swap3A_663 {strides = array<i32>} : memref<128x128xf32, #tpu.memory_space<vmem>>, vector<1x16xf32>,
        %swap3A_664 = arith.index_cast %while3A_638 : i32 to index
        %swap3A_665 = arith.constant 80 : index
        %swap3A_666 = tpu.vector_load %arg5[%swap3A_664, %swap3A_665] {strides = array<i32>} : memref<128x128xf32, #tpu.memory_space<vmem>>, vector<1x16xf32>,
        %swap3A_667 = vector.shape_cast %swap3A_666 : vector<1x16xf32> to vector<16xf32>
        %swap3A_668 = vector.shape_cast %select_n3A_425 : vector<16xf32> to vector<1x16xf32>
        tpu.vector_store %arg5[%swap3A_664, %swap3A_665], %swap3A_668 {strides = array<i32>} : memref<128x128xf32, #tpu.memory_space<vmem>>, vector<1x16xf32>,
        %swap3A_669 = arith.index_cast %while3A_638 : i32 to index
        %swap3A_670 = arith.constant 96 : index
        %swap3A_671 = tpu.vector_load %arg5[%swap3A_669, %swap3A_670] {strides = array<i32>} : memref<128x128xf32, #tpu.memory_space<vmem>>, vector<1x16xf32>,
        %swap3A_672 = vector.shape_cast %swap3A_671 : vector<1x16xf32> to vector<16xf32>
        %swap3A_673 = vector.shape_cast %select_n3A_438 : vector<16xf32> to vector<1x16xf32>
        tpu.vector_store %arg5[%swap3A_669, %swap3A_670], %swap3A_673 {strides = array<i32>} : memref<128x128xf32, #tpu.memory_space<vmem>>, vector<1x16xf32>,
        %swap3A_674 = arith.index_cast %while3A_638 : i32 to index
        %swap3A_675 = arith.constant 112 : index
        %swap3A_676 = tpu.vector_load %arg5[%swap3A_674, %swap3A_675] {strides = array<i32>} : memref<128x128xf32, #tpu.memory_space<vmem>>, vector<1x16xf32>,
        %swap3A_677 = vector.shape_cast %swap3A_676 : vector<1x16xf32> to vector<16xf32>
        %swap3A_678 = vector.shape_cast %select_n3A_451 : vector<16xf32> to vector<1x16xf32>
        tpu.vector_store %arg5[%swap3A_674, %swap3A_675], %swap3A_678 {strides = array<i32>} : memref<128x128xf32, #tpu.memory_space<vmem>>, vector<1x16xf32>,
        %while3A_679 = arith.constant 0 : i32
        scf.yield %while3A_679 : i32
      }
      %while3A_464 = arith.constant 1 : i32
      %while3A_465 = scf.for %while3A_638 = %while3A_461 to %while3A_457 step %while3A_464 iter_args(%while3A_639 = %while3A_463) -> (i32)  : i32 {
        %swap3A = arith.index_cast %while3A_638 : i32 to index
        %swap3A_640 = arith.constant 0 : index
        %swap3A_641 = tpu.vector_load %arg5[%swap3A, %swap3A_640] {strides = array<i32>} : memref<128x128xf32, #tpu.memory_space<vmem>>, vector<1x16xf32>,
        %swap3A_642 = vector.shape_cast %swap3A_641 : vector<1x16xf32> to vector<16xf32>
        %swap3A_643 = vector.shape_cast %select_n3A_360 : vector<16xf32> to vector<1x16xf32>
        tpu.vector_store %arg5[%swap3A, %swap3A_640], %swap3A_643 {strides = array<i32>} : memref<128x128xf32, #tpu.memory_space<vmem>>, vector<1x16xf32>,
        %swap3A_644 = arith.index_cast %while3A_638 : i32 to index
        %swap3A_645 = arith.constant 16 : index
        %swap3A_646 = tpu.vector_load %arg5[%swap3A_644, %swap3A_645] {strides = array<i32>} : memref<128x128xf32, #tpu.memory_space<vmem>>, vector<1x16xf32>,
        %swap3A_647 = vector.shape_cast %swap3A_646 : vector<1x16xf32> to vector<16xf32>
        %swap3A_648 = vector.shape_cast %select_n3A_373 : vector<16xf32> to vector<1x16xf32>
        tpu.vector_store %arg5[%swap3A_644, %swap3A_645], %swap3A_648 {strides = array<i32>} : memref<128x128xf32, #tpu.memory_space<vmem>>, vector<1x16xf32>,
        %swap3A_649 = arith.index_cast %while3A_638 : i32 to index
        %swap3A_650 = arith.constant 32 : index
        %swap3A_651 = tpu.vector_load %arg5[%swap3A_649, %swap3A_650] {strides = array<i32>} : memref<128x128xf32, #tpu.memory_space<vmem>>, vector<1x16xf32>,
        %swap3A_652 = vector.shape_cast %swap3A_651 : vector<1x16xf32> to vector<16xf32>
        %swap3A_653 = vector.shape_cast %select_n3A_386 : vector<16xf32> to vector<1x16xf32>
        tpu.vector_store %arg5[%swap3A_649, %swap3A_650], %swap3A_653 {strides = array<i32>} : memref<128x128xf32, #tpu.memory_space<vmem>>, vector<1x16xf32>,
        %swap3A_654 = arith.index_cast %while3A_638 : i32 to index
        %swap3A_655 = arith.constant 48 : index
        %swap3A_656 = tpu.vector_load %arg5[%swap3A_654, %swap3A_655] {strides = array<i32>} : memref<128x128xf32, #tpu.memory_space<vmem>>, vector<1x16xf32>,
        %swap3A_657 = vector.shape_cast %swap3A_656 : vector<1x16xf32> to vector<16xf32>
        %swap3A_658 = vector.shape_cast %select_n3A_399 : vector<16xf32> to vector<1x16xf32>
        tpu.vector_store %arg5[%swap3A_654, %swap3A_655], %swap3A_658 {strides = array<i32>} : memref<128x128xf32, #tpu.memory_space<vmem>>, vector<1x16xf32>,
        %swap3A_659 = arith.index_cast %while3A_638 : i32 to index
        %swap3A_660 = arith.constant 64 : index
        %swap3A_661 = tpu.vector_load %arg5[%swap3A_659, %swap3A_660] {strides = array<i32>} : memref<128x128xf32, #tpu.memory_space<vmem>>, vector<1x16xf32>,
        %swap3A_662 = vector.shape_cast %swap3A_661 : vector<1x16xf32> to vector<16xf32>
        %swap3A_663 = vector.shape_cast %select_n3A_412 : vector<16xf32> to vector<1x16xf32>
        tpu.vector_store %arg5[%swap3A_659, %swap3A_660], %swap3A_663 {strides = array<i32>} : memref<128x128xf32, #tpu.memory_space<vmem>>, vector<1x16xf32>,
        %swap3A_664 = arith.index_cast %while3A_638 : i32 to index
        %swap3A_665 = arith.constant 80 : index
        %swap3A_666 = tpu.vector_load %arg5[%swap3A_664, %swap3A_665] {strides = array<i32>} : memref<128x128xf32, #tpu.memory_space<vmem>>, vector<1x16xf32>,
        %swap3A_667 = vector.shape_cast %swap3A_666 : vector<1x16xf32> to vector<16xf32>
        %swap3A_668 = vector.shape_cast %select_n3A_425 : vector<16xf32> to vector<1x16xf32>
        tpu.vector_store %arg5[%swap3A_664, %swap3A_665], %swap3A_668 {strides = array<i32>} : memref<128x128xf32, #tpu.memory_space<vmem>>, vector<1x16xf32>,
        %swap3A_669 = arith.index_cast %while3A_638 : i32 to index
        %swap3A_670 = arith.constant 96 : index
        %swap3A_671 = tpu.vector_load %arg5[%swap3A_669, %swap3A_670] {strides = array<i32>} : memref<128x128xf32, #tpu.memory_space<vmem>>, vector<1x16xf32>,
        %swap3A_672 = vector.shape_cast %swap3A_671 : vector<1x16xf32> to vector<16xf32>
        %swap3A_673 = vector.shape_cast %select_n3A_438 : vector<16xf32> to vector<1x16xf32>
        tpu.vector_store %arg5[%swap3A_669, %swap3A_670], %swap3A_673 {strides = array<i32>} : memref<128x128xf32, #tpu.memory_space<vmem>>, vector<1x16xf32>,
        %swap3A_674 = arith.index_cast %while3A_638 : i32 to index
        %swap3A_675 = arith.constant 112 : index
        %swap3A_676 = tpu.vector_load %arg5[%swap3A_674, %swap3A_675] {strides = array<i32>} : memref<128x128xf32, #tpu.memory_space<vmem>>, vector<1x16xf32>,
        %swap3A_677 = vector.shape_cast %swap3A_676 : vector<1x16xf32> to vector<16xf32>
        %swap3A_678 = vector.shape_cast %select_n3A_451 : vector<16xf32> to vector<1x16xf32>
        tpu.vector_store %arg5[%swap3A_674, %swap3A_675], %swap3A_678 {strides = array<i32>} : memref<128x128xf32, #tpu.memory_space<vmem>>, vector<1x16xf32>,
        %while3A_679 = arith.constant 0 : i32
        scf.yield %while3A_679 : i32
      }
      %add3A_466 = arith.addi %mul3A_2, %mul3A_307 : i32
      %dma_start3A_467 = arith.constant 0 : i32
      %dma_start3A_468 = arith.constant 0 : i32
      %dma_start3A_469 = tpu.memref_slice %arg3[%add3A_466, %dma_start3A_467, %dma_start3A_468] : memref<4096x128x128xf32, #tpu.memory_space<hbm>> -> memref<1x128x128xf32, #tpu.memory_space<hbm>>
      %dma_start3A_470 = tpu.memref_squeeze %dma_start3A_469 : memref<1x128x128xf32, #tpu.memory_space<hbm>> -> memref<128x128xf32, #tpu.memory_space<hbm>>
      %dma_start3A_471 = arith.constant 0 : i32
      %dma_start3A_472 = arith.constant 0 : i32
      %dma_start3A_473 = tpu.memref_slice %arg3[%add3A_466, %dma_start3A_471, %dma_start3A_472] : memref<4096x128x128xf32, #tpu.memory_space<hbm>> -> memref<1x128x128xf32, #tpu.memory_space<hbm>>
      %dma_start3A_474 = tpu.memref_squeeze %dma_start3A_473 : memref<1x128x128xf32, #tpu.memory_space<hbm>> -> memref<128x128xf32, #tpu.memory_space<hbm>>
      tpu.enqueue_dma source(%arg5 : memref<128x128xf32, #tpu.memory_space<vmem>>) target(%dma_start3A_474 : memref<128x128xf32, #tpu.memory_space<hbm>>) target_semaphore(%arg7 : memref<!tpu.dma_semaphore, #tpu.memory_space<semaphore_mem>>)
      %dma_wait3A_475 = arith.constant 0 : i32
      %dma_wait3A_476 = arith.constant 0 : i32
      %dma_wait3A_477 = tpu.memref_slice %arg3[%mul3A_2, %dma_wait3A_475, %dma_wait3A_476] : memref<4096x128x128xf32, #tpu.memory_space<hbm>> -> memref<1x128x128xf32, #tpu.memory_space<hbm>>
      %dma_wait3A_478 = tpu.memref_squeeze %dma_wait3A_477 : memref<1x128x128xf32, #tpu.memory_space<hbm>> -> memref<128x128xf32, #tpu.memory_space<hbm>>
      %dma_wait3A_479 = arith.constant 0 : i32
      %dma_wait3A_480 = arith.constant 0 : i32
      %dma_wait3A_481 = tpu.memref_slice %arg3[%mul3A_2, %dma_wait3A_479, %dma_wait3A_480] : memref<4096x128x128xf32, #tpu.memory_space<hbm>> -> memref<1x128x128xf32, #tpu.memory_space<hbm>>
      %dma_wait3A_482 = tpu.memref_squeeze %dma_wait3A_481 : memref<1x128x128xf32, #tpu.memory_space<hbm>> -> memref<128x128xf32, #tpu.memory_space<hbm>>
      tpu.wait_dma2 semaphore(%arg8 : memref<!tpu.dma_semaphore, #tpu.memory_space<semaphore_mem>>) src(%arg6 : memref<128x128xf32, #tpu.memory_space<vmem>>) dst(%dma_wait3A_482 : memref<128x128xf32, #tpu.memory_space<hbm>>)
      %add3A_483 = arith.addi %scan3A_304, %scan3A_305 : i32
      %add3A_484 = arith.constant 1 : i32
      %add3A_485 = arith.addi %add3A_483, %add3A_484 : i32
      %while3A_486 = arith.constant 0 : i32
      %while3A_487 = arith.subi %add3A_485, %scan3A_304 : i32
      %while3A_488 = arith.addi %scan3A_304, %while3A_487 : i32
      %while3A_489 = arith.constant 1 : i32
      %while3A_490 = arith.divsi %while3A_487, %while3A_489 : i32
      %while3A_491 = arith.muli %while3A_490, %while3A_489 : i32
      %while3A_492 = arith.addi %scan3A_304, %while3A_491 : i32
      %while3A_493 = arith.constant 1 : i32
      %while3A_494 = scf.for %while3A_638 = %scan3A_304 to %while3A_492 step %while3A_493 iter_args(%while3A_639 = %while3A_486) -> (i32)  : i32 {
        %swap3A = arith.index_cast %while3A_638 : i32 to index
        %swap3A_640 = arith.constant 0 : index
        %swap3A_641 = tpu.vector_load %arg6[%swap3A, %swap3A_640] {strides = array<i32>} : memref<128x128xf32, #tpu.memory_space<vmem>>, vector<1x16xf32>,
        %swap3A_642 = vector.shape_cast %swap3A_641 : vector<1x16xf32> to vector<16xf32>
        %swap3A_643 = vector.shape_cast %broadcast_in_dim3A_5 : vector<16xf32> to vector<1x16xf32>
        tpu.vector_store %arg6[%swap3A, %swap3A_640], %swap3A_643 {strides = array<i32>} : memref<128x128xf32, #tpu.memory_space<vmem>>, vector<1x16xf32>,
        %swap3A_644 = arith.index_cast %while3A_638 : i32 to index
        %swap3A_645 = arith.constant 16 : index
        %swap3A_646 = tpu.vector_load %arg6[%swap3A_644, %swap3A_645] {strides = array<i32>} : memref<128x128xf32, #tpu.memory_space<vmem>>, vector<1x16xf32>,
        %swap3A_647 = vector.shape_cast %swap3A_646 : vector<1x16xf32> to vector<16xf32>
        %swap3A_648 = vector.shape_cast %broadcast_in_dim3A_5 : vector<16xf32> to vector<1x16xf32>
        tpu.vector_store %arg6[%swap3A_644, %swap3A_645], %swap3A_648 {strides = array<i32>} : memref<128x128xf32, #tpu.memory_space<vmem>>, vector<1x16xf32>,
        %swap3A_649 = arith.index_cast %while3A_638 : i32 to index
        %swap3A_650 = arith.constant 32 : index
        %swap3A_651 = tpu.vector_load %arg6[%swap3A_649, %swap3A_650] {strides = array<i32>} : memref<128x128xf32, #tpu.memory_space<vmem>>, vector<1x16xf32>,
        %swap3A_652 = vector.shape_cast %swap3A_651 : vector<1x16xf32> to vector<16xf32>
        %swap3A_653 = vector.shape_cast %broadcast_in_dim3A_5 : vector<16xf32> to vector<1x16xf32>
        tpu.vector_store %arg6[%swap3A_649, %swap3A_650], %swap3A_653 {strides = array<i32>} : memref<128x128xf32, #tpu.memory_space<vmem>>, vector<1x16xf32>,
        %swap3A_654 = arith.index_cast %while3A_638 : i32 to index
        %swap3A_655 = arith.constant 48 : index
        %swap3A_656 = tpu.vector_load %arg6[%swap3A_654, %swap3A_655] {strides = array<i32>} : memref<128x128xf32, #tpu.memory_space<vmem>>, vector<1x16xf32>,
        %swap3A_657 = vector.shape_cast %swap3A_656 : vector<1x16xf32> to vector<16xf32>
        %swap3A_658 = vector.shape_cast %broadcast_in_dim3A_5 : vector<16xf32> to vector<1x16xf32>
        tpu.vector_store %arg6[%swap3A_654, %swap3A_655], %swap3A_658 {strides = array<i32>} : memref<128x128xf32, #tpu.memory_space<vmem>>, vector<1x16xf32>,
        %swap3A_659 = arith.index_cast %while3A_638 : i32 to index
        %swap3A_660 = arith.constant 64 : index
        %swap3A_661 = tpu.vector_load %arg6[%swap3A_659, %swap3A_660] {strides = array<i32>} : memref<128x128xf32, #tpu.memory_space<vmem>>, vector<1x16xf32>,
        %swap3A_662 = vector.shape_cast %swap3A_661 : vector<1x16xf32> to vector<16xf32>
        %swap3A_663 = vector.shape_cast %broadcast_in_dim3A_5 : vector<16xf32> to vector<1x16xf32>
        tpu.vector_store %arg6[%swap3A_659, %swap3A_660], %swap3A_663 {strides = array<i32>} : memref<128x128xf32, #tpu.memory_space<vmem>>, vector<1x16xf32>,
        %swap3A_664 = arith.index_cast %while3A_638 : i32 to index
        %swap3A_665 = arith.constant 80 : index
        %swap3A_666 = tpu.vector_load %arg6[%swap3A_664, %swap3A_665] {strides = array<i32>} : memref<128x128xf32, #tpu.memory_space<vmem>>, vector<1x16xf32>,
        %swap3A_667 = vector.shape_cast %swap3A_666 : vector<1x16xf32> to vector<16xf32>
        %swap3A_668 = vector.shape_cast %broadcast_in_dim3A_5 : vector<16xf32> to vector<1x16xf32>
        tpu.vector_store %arg6[%swap3A_664, %swap3A_665], %swap3A_668 {strides = array<i32>} : memref<128x128xf32, #tpu.memory_space<vmem>>, vector<1x16xf32>,
        %swap3A_669 = arith.index_cast %while3A_638 : i32 to index
        %swap3A_670 = arith.constant 96 : index
        %swap3A_671 = tpu.vector_load %arg6[%swap3A_669, %swap3A_670] {strides = array<i32>} : memref<128x128xf32, #tpu.memory_space<vmem>>, vector<1x16xf32>,
        %swap3A_672 = vector.shape_cast %swap3A_671 : vector<1x16xf32> to vector<16xf32>
        %swap3A_673 = vector.shape_cast %broadcast_in_dim3A_5 : vector<16xf32> to vector<1x16xf32>
        tpu.vector_store %arg6[%swap3A_669, %swap3A_670], %swap3A_673 {strides = array<i32>} : memref<128x128xf32, #tpu.memory_space<vmem>>, vector<1x16xf32>,
        %swap3A_674 = arith.index_cast %while3A_638 : i32 to index
        %swap3A_675 = arith.constant 112 : index
        %swap3A_676 = tpu.vector_load %arg6[%swap3A_674, %swap3A_675] {strides = array<i32>} : memref<128x128xf32, #tpu.memory_space<vmem>>, vector<1x16xf32>,
        %swap3A_677 = vector.shape_cast %swap3A_676 : vector<1x16xf32> to vector<16xf32>
        %swap3A_678 = vector.shape_cast %broadcast_in_dim3A_5 : vector<16xf32> to vector<1x16xf32>
        tpu.vector_store %arg6[%swap3A_674, %swap3A_675], %swap3A_678 {strides = array<i32>} : memref<128x128xf32, #tpu.memory_space<vmem>>, vector<1x16xf32>,
        %while3A_679 = arith.constant 0 : i32
        scf.yield %while3A_679 : i32
      }
      %while3A_495 = arith.constant 1 : i32
      %while3A_496 = scf.for %while3A_638 = %while3A_492 to %while3A_488 step %while3A_495 iter_args(%while3A_639 = %while3A_494) -> (i32)  : i32 {
        %swap3A = arith.index_cast %while3A_638 : i32 to index
        %swap3A_640 = arith.constant 0 : index
        %swap3A_641 = tpu.vector_load %arg6[%swap3A, %swap3A_640] {strides = array<i32>} : memref<128x128xf32, #tpu.memory_space<vmem>>, vector<1x16xf32>,
        %swap3A_642 = vector.shape_cast %swap3A_641 : vector<1x16xf32> to vector<16xf32>
        %swap3A_643 = vector.shape_cast %broadcast_in_dim3A_5 : vector<16xf32> to vector<1x16xf32>
        tpu.vector_store %arg6[%swap3A, %swap3A_640], %swap3A_643 {strides = array<i32>} : memref<128x128xf32, #tpu.memory_space<vmem>>, vector<1x16xf32>,
        %swap3A_644 = arith.index_cast %while3A_638 : i32 to index
        %swap3A_645 = arith.constant 16 : index
        %swap3A_646 = tpu.vector_load %arg6[%swap3A_644, %swap3A_645] {strides = array<i32>} : memref<128x128xf32, #tpu.memory_space<vmem>>, vector<1x16xf32>,
        %swap3A_647 = vector.shape_cast %swap3A_646 : vector<1x16xf32> to vector<16xf32>
        %swap3A_648 = vector.shape_cast %broadcast_in_dim3A_5 : vector<16xf32> to vector<1x16xf32>
        tpu.vector_store %arg6[%swap3A_644, %swap3A_645], %swap3A_648 {strides = array<i32>} : memref<128x128xf32, #tpu.memory_space<vmem>>, vector<1x16xf32>,
        %swap3A_649 = arith.index_cast %while3A_638 : i32 to index
        %swap3A_650 = arith.constant 32 : index
        %swap3A_651 = tpu.vector_load %arg6[%swap3A_649, %swap3A_650] {strides = array<i32>} : memref<128x128xf32, #tpu.memory_space<vmem>>, vector<1x16xf32>,
        %swap3A_652 = vector.shape_cast %swap3A_651 : vector<1x16xf32> to vector<16xf32>
        %swap3A_653 = vector.shape_cast %broadcast_in_dim3A_5 : vector<16xf32> to vector<1x16xf32>
        tpu.vector_store %arg6[%swap3A_649, %swap3A_650], %swap3A_653 {strides = array<i32>} : memref<128x128xf32, #tpu.memory_space<vmem>>, vector<1x16xf32>,
        %swap3A_654 = arith.index_cast %while3A_638 : i32 to index
        %swap3A_655 = arith.constant 48 : index
        %swap3A_656 = tpu.vector_load %arg6[%swap3A_654, %swap3A_655] {strides = array<i32>} : memref<128x128xf32, #tpu.memory_space<vmem>>, vector<1x16xf32>,
        %swap3A_657 = vector.shape_cast %swap3A_656 : vector<1x16xf32> to vector<16xf32>
        %swap3A_658 = vector.shape_cast %broadcast_in_dim3A_5 : vector<16xf32> to vector<1x16xf32>
        tpu.vector_store %arg6[%swap3A_654, %swap3A_655], %swap3A_658 {strides = array<i32>} : memref<128x128xf32, #tpu.memory_space<vmem>>, vector<1x16xf32>,
        %swap3A_659 = arith.index_cast %while3A_638 : i32 to index
        %swap3A_660 = arith.constant 64 : index
        %swap3A_661 = tpu.vector_load %arg6[%swap3A_659, %swap3A_660] {strides = array<i32>} : memref<128x128xf32, #tpu.memory_space<vmem>>, vector<1x16xf32>,
        %swap3A_662 = vector.shape_cast %swap3A_661 : vector<1x16xf32> to vector<16xf32>
        %swap3A_663 = vector.shape_cast %broadcast_in_dim3A_5 : vector<16xf32> to vector<1x16xf32>
        tpu.vector_store %arg6[%swap3A_659, %swap3A_660], %swap3A_663 {strides = array<i32>} : memref<128x128xf32, #tpu.memory_space<vmem>>, vector<1x16xf32>,
        %swap3A_664 = arith.index_cast %while3A_638 : i32 to index
        %swap3A_665 = arith.constant 80 : index
        %swap3A_666 = tpu.vector_load %arg6[%swap3A_664, %swap3A_665] {strides = array<i32>} : memref<128x128xf32, #tpu.memory_space<vmem>>, vector<1x16xf32>,
        %swap3A_667 = vector.shape_cast %swap3A_666 : vector<1x16xf32> to vector<16xf32>
        %swap3A_668 = vector.shape_cast %broadcast_in_dim3A_5 : vector<16xf32> to vector<1x16xf32>
        tpu.vector_store %arg6[%swap3A_664, %swap3A_665], %swap3A_668 {strides = array<i32>} : memref<128x128xf32, #tpu.memory_space<vmem>>, vector<1x16xf32>,
        %swap3A_669 = arith.index_cast %while3A_638 : i32 to index
        %swap3A_670 = arith.constant 96 : index
        %swap3A_671 = tpu.vector_load %arg6[%swap3A_669, %swap3A_670] {strides = array<i32>} : memref<128x128xf32, #tpu.memory_space<vmem>>, vector<1x16xf32>,
        %swap3A_672 = vector.shape_cast %swap3A_671 : vector<1x16xf32> to vector<16xf32>
        %swap3A_673 = vector.shape_cast %broadcast_in_dim3A_5 : vector<16xf32> to vector<1x16xf32>
        tpu.vector_store %arg6[%swap3A_669, %swap3A_670], %swap3A_673 {strides = array<i32>} : memref<128x128xf32, #tpu.memory_space<vmem>>, vector<1x16xf32>,
        %swap3A_674 = arith.index_cast %while3A_638 : i32 to index
        %swap3A_675 = arith.constant 112 : index
        %swap3A_676 = tpu.vector_load %arg6[%swap3A_674, %swap3A_675] {strides = array<i32>} : memref<128x128xf32, #tpu.memory_space<vmem>>, vector<1x16xf32>,
        %swap3A_677 = vector.shape_cast %swap3A_676 : vector<1x16xf32> to vector<16xf32>
        %swap3A_678 = vector.shape_cast %broadcast_in_dim3A_5 : vector<16xf32> to vector<1x16xf32>
        tpu.vector_store %arg6[%swap3A_674, %swap3A_675], %swap3A_678 {strides = array<i32>} : memref<128x128xf32, #tpu.memory_space<vmem>>, vector<1x16xf32>,
        %while3A_679 = arith.constant 0 : i32
        scf.yield %while3A_679 : i32
      }
      %mul3A_497 = arith.constant 4 : i32
      %mul3A_498 = arith.muli %mul3A_497, %add3A_311 : i32
      %get3A_499 = arith.index_cast %mul3A_498 : i32 to index
      %get3A_500 = tpu.vector_load %arg4[%get3A_499] {strides = array<i32>} : memref<528xi32, #tpu.memory_space<vmem>>, vector<16xi32>,
      %get3A_501 = vector.shape_cast %get3A_500 : vector<16xi32> to vector<16xi32>
      %slice3A_502 = vector.extract_strided_slice %get3A_501 {offsets = [0], sizes = [1], strides = [1]} : vector<16xi32> to vector<1xi32>
      %squeeze3A_503 = vector.extract %slice3A_502[0] : i32 from vector<1xi32>
      %slice3A_504 = vector.extract_strided_slice %get3A_501 {offsets = [1], sizes = [1], strides = [1]} : vector<16xi32> to vector<1xi32>
      %squeeze3A_505 = vector.extract %slice3A_504[0] : i32 from vector<1xi32>
      %slice3A_506 = vector.extract_strided_slice %get3A_501 {offsets = [2], sizes = [1], strides = [1]} : vector<16xi32> to vector<1xi32>
      %squeeze3A_507 = vector.extract %slice3A_506[0] : i32 from vector<1xi32>
      %add3A_508 = arith.addi %squeeze3A_503, %squeeze3A_507 : i32
      %slice3A_509 = vector.extract_strided_slice %get3A_501 {offsets = [3], sizes = [1], strides = [1]} : vector<16xi32> to vector<1xi32>
      %squeeze3A_510 = vector.extract %slice3A_509[0] : i32 from vector<1xi32>
      %add3A_511 = arith.constant 0 : i32
      %add3A_512 = vector.broadcast %add3A_511 : i32 to vector<16xi32>
      %add3A_513 = arith.addi %iota3A, %add3A_512 : vector<16xi32>
      %ge3A_514 = vector.broadcast %squeeze3A_503 : i32 to vector<16xi32>
      %ge3A_515 = arith.cmpi sge, %add3A_513, %ge3A_514 : vector<16xi32>
      %le3A_516 = vector.broadcast %add3A_508 : i32 to vector<16xi32>
      %le3A_517 = arith.cmpi sle, %add3A_513, %le3A_516 : vector<16xi32>
      %and3A_518 = arith.andi %ge3A_515, %le3A_517 : vector<16xi1>
      %jit3A_519 = arith.constant 1.000000e+00 : f32
      %jit3A_520 = arith.constant 0.000000e+00 : f32
      %broadcast_in_dim3A_521 = vector.broadcast %jit3A_519 : f32 to vector<16xf32>
      %broadcast_in_dim3A_522 = vector.broadcast %jit3A_520 : f32 to vector<16xf32>
      %select_n3A_523 = arith.select %and3A_518, %broadcast_in_dim3A_521, %broadcast_in_dim3A_522 : vector<16xi1>, vector<16xf32>
      %add3A_524 = arith.constant 16 : i32
      %add3A_525 = vector.broadcast %add3A_524 : i32 to vector<16xi32>
      %add3A_526 = arith.addi %iota3A, %add3A_525 : vector<16xi32>
      %ge3A_527 = vector.broadcast %squeeze3A_503 : i32 to vector<16xi32>
      %ge3A_528 = arith.cmpi sge, %add3A_526, %ge3A_527 : vector<16xi32>
      %le3A_529 = vector.broadcast %add3A_508 : i32 to vector<16xi32>
      %le3A_530 = arith.cmpi sle, %add3A_526, %le3A_529 : vector<16xi32>
      %and3A_531 = arith.andi %ge3A_528, %le3A_530 : vector<16xi1>
      %jit3A_532 = arith.constant 1.000000e+00 : f32
      %jit3A_533 = arith.constant 0.000000e+00 : f32
      %broadcast_in_dim3A_534 = vector.broadcast %jit3A_532 : f32 to vector<16xf32>
      %broadcast_in_dim3A_535 = vector.broadcast %jit3A_533 : f32 to vector<16xf32>
      %select_n3A_536 = arith.select %and3A_531, %broadcast_in_dim3A_534, %broadcast_in_dim3A_535 : vector<16xi1>, vector<16xf32>
      %add3A_537 = arith.constant 32 : i32
      %add3A_538 = vector.broadcast %add3A_537 : i32 to vector<16xi32>
      %add3A_539 = arith.addi %iota3A, %add3A_538 : vector<16xi32>
      %ge3A_540 = vector.broadcast %squeeze3A_503 : i32 to vector<16xi32>
      %ge3A_541 = arith.cmpi sge, %add3A_539, %ge3A_540 : vector<16xi32>
      %le3A_542 = vector.broadcast %add3A_508 : i32 to vector<16xi32>
      %le3A_543 = arith.cmpi sle, %add3A_539, %le3A_542 : vector<16xi32>
      %and3A_544 = arith.andi %ge3A_541, %le3A_543 : vector<16xi1>
      %jit3A_545 = arith.constant 1.000000e+00 : f32
      %jit3A_546 = arith.constant 0.000000e+00 : f32
      %broadcast_in_dim3A_547 = vector.broadcast %jit3A_545 : f32 to vector<16xf32>
      %broadcast_in_dim3A_548 = vector.broadcast %jit3A_546 : f32 to vector<16xf32>
      %select_n3A_549 = arith.select %and3A_544, %broadcast_in_dim3A_547, %broadcast_in_dim3A_548 : vector<16xi1>, vector<16xf32>
      %add3A_550 = arith.constant 48 : i32
      %add3A_551 = vector.broadcast %add3A_550 : i32 to vector<16xi32>
      %add3A_552 = arith.addi %iota3A, %add3A_551 : vector<16xi32>
      %ge3A_553 = vector.broadcast %squeeze3A_503 : i32 to vector<16xi32>
      %ge3A_554 = arith.cmpi sge, %add3A_552, %ge3A_553 : vector<16xi32>
      %le3A_555 = vector.broadcast %add3A_508 : i32 to vector<16xi32>
      %le3A_556 = arith.cmpi sle, %add3A_552, %le3A_555 : vector<16xi32>
      %and3A_557 = arith.andi %ge3A_554, %le3A_556 : vector<16xi1>
      %jit3A_558 = arith.constant 1.000000e+00 : f32
      %jit3A_559 = arith.constant 0.000000e+00 : f32
      %broadcast_in_dim3A_560 = vector.broadcast %jit3A_558 : f32 to vector<16xf32>
      %broadcast_in_dim3A_561 = vector.broadcast %jit3A_559 : f32 to vector<16xf32>
      %select_n3A_562 = arith.select %and3A_557, %broadcast_in_dim3A_560, %broadcast_in_dim3A_561 : vector<16xi1>, vector<16xf32>
      %add3A_563 = arith.constant 64 : i32
      %add3A_564 = vector.broadcast %add3A_563 : i32 to vector<16xi32>
      %add3A_565 = arith.addi %iota3A, %add3A_564 : vector<16xi32>
      %ge3A_566 = vector.broadcast %squeeze3A_503 : i32 to vector<16xi32>
      %ge3A_567 = arith.cmpi sge, %add3A_565, %ge3A_566 : vector<16xi32>
      %le3A_568 = vector.broadcast %add3A_508 : i32 to vector<16xi32>
      %le3A_569 = arith.cmpi sle, %add3A_565, %le3A_568 : vector<16xi32>
      %and3A_570 = arith.andi %ge3A_567, %le3A_569 : vector<16xi1>
      %jit3A_571 = arith.constant 1.000000e+00 : f32
      %jit3A_572 = arith.constant 0.000000e+00 : f32
      %broadcast_in_dim3A_573 = vector.broadcast %jit3A_571 : f32 to vector<16xf32>
      %broadcast_in_dim3A_574 = vector.broadcast %jit3A_572 : f32 to vector<16xf32>
      %select_n3A_575 = arith.select %and3A_570, %broadcast_in_dim3A_573, %broadcast_in_dim3A_574 : vector<16xi1>, vector<16xf32>
      %add3A_576 = arith.constant 80 : i32
      %add3A_577 = vector.broadcast %add3A_576 : i32 to vector<16xi32>
      %add3A_578 = arith.addi %iota3A, %add3A_577 : vector<16xi32>
      %ge3A_579 = vector.broadcast %squeeze3A_503 : i32 to vector<16xi32>
      %ge3A_580 = arith.cmpi sge, %add3A_578, %ge3A_579 : vector<16xi32>
      %le3A_581 = vector.broadcast %add3A_508 : i32 to vector<16xi32>
      %le3A_582 = arith.cmpi sle, %add3A_578, %le3A_581 : vector<16xi32>
      %and3A_583 = arith.andi %ge3A_580, %le3A_582 : vector<16xi1>
      %jit3A_584 = arith.constant 1.000000e+00 : f32
      %jit3A_585 = arith.constant 0.000000e+00 : f32
      %broadcast_in_dim3A_586 = vector.broadcast %jit3A_584 : f32 to vector<16xf32>
      %broadcast_in_dim3A_587 = vector.broadcast %jit3A_585 : f32 to vector<16xf32>
      %select_n3A_588 = arith.select %and3A_583, %broadcast_in_dim3A_586, %broadcast_in_dim3A_587 : vector<16xi1>, vector<16xf32>
      %add3A_589 = arith.constant 96 : i32
      %add3A_590 = vector.broadcast %add3A_589 : i32 to vector<16xi32>
      %add3A_591 = arith.addi %iota3A, %add3A_590 : vector<16xi32>
      %ge3A_592 = vector.broadcast %squeeze3A_503 : i32 to vector<16xi32>
      %ge3A_593 = arith.cmpi sge, %add3A_591, %ge3A_592 : vector<16xi32>
      %le3A_594 = vector.broadcast %add3A_508 : i32 to vector<16xi32>
      %le3A_595 = arith.cmpi sle, %add3A_591, %le3A_594 : vector<16xi32>
      %and3A_596 = arith.andi %ge3A_593, %le3A_595 : vector<16xi1>
      %jit3A_597 = arith.constant 1.000000e+00 : f32
      %jit3A_598 = arith.constant 0.000000e+00 : f32
      %broadcast_in_dim3A_599 = vector.broadcast %jit3A_597 : f32 to vector<16xf32>
      %broadcast_in_dim3A_600 = vector.broadcast %jit3A_598 : f32 to vector<16xf32>
      %select_n3A_601 = arith.select %and3A_596, %broadcast_in_dim3A_599, %broadcast_in_dim3A_600 : vector<16xi1>, vector<16xf32>
      %add3A_602 = arith.constant 112 : i32
      %add3A_603 = vector.broadcast %add3A_602 : i32 to vector<16xi32>
      %add3A_604 = arith.addi %iota3A, %add3A_603 : vector<16xi32>
      %ge3A_605 = vector.broadcast %squeeze3A_503 : i32 to vector<16xi32>
      %ge3A_606 = arith.cmpi sge, %add3A_604, %ge3A_605 : vector<16xi32>
      %le3A_607 = vector.broadcast %add3A_508 : i32 to vector<16xi32>
      %le3A_608 = arith.cmpi sle, %add3A_604, %le3A_607 : vector<16xi32>
      %and3A_609 = arith.andi %ge3A_606, %le3A_608 : vector<16xi1>
      %jit3A_610 = arith.constant 1.000000e+00 : f32
      %jit3A_611 = arith.constant 0.000000e+00 : f32
      %broadcast_in_dim3A_612 = vector.broadcast %jit3A_610 : f32 to vector<16xf32>
      %broadcast_in_dim3A_613 = vector.broadcast %jit3A_611 : f32 to vector<16xf32>
      %select_n3A_614 = arith.select %and3A_609, %broadcast_in_dim3A_612, %broadcast_in_dim3A_613 : vector<16xi1>, vector<16xf32>
      %add3A_615 = arith.addi %squeeze3A_505, %squeeze3A_510 : i32
      %add3A_616 = arith.constant 1 : i32
      %add3A_617 = arith.addi %add3A_615, %add3A_616 : i32
      %while3A_618 = arith.constant 0 : i32
      %while3A_619 = arith.subi %add3A_617, %squeeze3A_505 : i32
      %while3A_620 = arith.addi %squeeze3A_505, %while3A_619 : i32
      %while3A_621 = arith.constant 1 : i32
      %while3A_622 = arith.divsi %while3A_619, %while3A_621 : i32
      %while3A_623 = arith.muli %while3A_622, %while3A_621 : i32
      %while3A_624 = arith.addi %squeeze3A_505, %while3A_623 : i32
      %while3A_625 = arith.constant 1 : i32
      %while3A_626 = scf.for %while3A_638 = %squeeze3A_505 to %while3A_624 step %while3A_625 iter_args(%while3A_639 = %while3A_618) -> (i32)  : i32 {
        %swap3A = arith.index_cast %while3A_638 : i32 to index
        %swap3A_640 = arith.constant 0 : index
        %swap3A_641 = tpu.vector_load %arg6[%swap3A, %swap3A_640] {strides = array<i32>} : memref<128x128xf32, #tpu.memory_space<vmem>>, vector<1x16xf32>,
        %swap3A_642 = vector.shape_cast %swap3A_641 : vector<1x16xf32> to vector<16xf32>
        %swap3A_643 = vector.shape_cast %select_n3A_523 : vector<16xf32> to vector<1x16xf32>
        tpu.vector_store %arg6[%swap3A, %swap3A_640], %swap3A_643 {strides = array<i32>} : memref<128x128xf32, #tpu.memory_space<vmem>>, vector<1x16xf32>,
        %swap3A_644 = arith.index_cast %while3A_638 : i32 to index
        %swap3A_645 = arith.constant 16 : index
        %swap3A_646 = tpu.vector_load %arg6[%swap3A_644, %swap3A_645] {strides = array<i32>} : memref<128x128xf32, #tpu.memory_space<vmem>>, vector<1x16xf32>,
        %swap3A_647 = vector.shape_cast %swap3A_646 : vector<1x16xf32> to vector<16xf32>
        %swap3A_648 = vector.shape_cast %select_n3A_536 : vector<16xf32> to vector<1x16xf32>
        tpu.vector_store %arg6[%swap3A_644, %swap3A_645], %swap3A_648 {strides = array<i32>} : memref<128x128xf32, #tpu.memory_space<vmem>>, vector<1x16xf32>,
        %swap3A_649 = arith.index_cast %while3A_638 : i32 to index
        %swap3A_650 = arith.constant 32 : index
        %swap3A_651 = tpu.vector_load %arg6[%swap3A_649, %swap3A_650] {strides = array<i32>} : memref<128x128xf32, #tpu.memory_space<vmem>>, vector<1x16xf32>,
        %swap3A_652 = vector.shape_cast %swap3A_651 : vector<1x16xf32> to vector<16xf32>
        %swap3A_653 = vector.shape_cast %select_n3A_549 : vector<16xf32> to vector<1x16xf32>
        tpu.vector_store %arg6[%swap3A_649, %swap3A_650], %swap3A_653 {strides = array<i32>} : memref<128x128xf32, #tpu.memory_space<vmem>>, vector<1x16xf32>,
        %swap3A_654 = arith.index_cast %while3A_638 : i32 to index
        %swap3A_655 = arith.constant 48 : index
        %swap3A_656 = tpu.vector_load %arg6[%swap3A_654, %swap3A_655] {strides = array<i32>} : memref<128x128xf32, #tpu.memory_space<vmem>>, vector<1x16xf32>,
        %swap3A_657 = vector.shape_cast %swap3A_656 : vector<1x16xf32> to vector<16xf32>
        %swap3A_658 = vector.shape_cast %select_n3A_562 : vector<16xf32> to vector<1x16xf32>
        tpu.vector_store %arg6[%swap3A_654, %swap3A_655], %swap3A_658 {strides = array<i32>} : memref<128x128xf32, #tpu.memory_space<vmem>>, vector<1x16xf32>,
        %swap3A_659 = arith.index_cast %while3A_638 : i32 to index
        %swap3A_660 = arith.constant 64 : index
        %swap3A_661 = tpu.vector_load %arg6[%swap3A_659, %swap3A_660] {strides = array<i32>} : memref<128x128xf32, #tpu.memory_space<vmem>>, vector<1x16xf32>,
        %swap3A_662 = vector.shape_cast %swap3A_661 : vector<1x16xf32> to vector<16xf32>
        %swap3A_663 = vector.shape_cast %select_n3A_575 : vector<16xf32> to vector<1x16xf32>
        tpu.vector_store %arg6[%swap3A_659, %swap3A_660], %swap3A_663 {strides = array<i32>} : memref<128x128xf32, #tpu.memory_space<vmem>>, vector<1x16xf32>,
        %swap3A_664 = arith.index_cast %while3A_638 : i32 to index
        %swap3A_665 = arith.constant 80 : index
        %swap3A_666 = tpu.vector_load %arg6[%swap3A_664, %swap3A_665] {strides = array<i32>} : memref<128x128xf32, #tpu.memory_space<vmem>>, vector<1x16xf32>,
        %swap3A_667 = vector.shape_cast %swap3A_666 : vector<1x16xf32> to vector<16xf32>
        %swap3A_668 = vector.shape_cast %select_n3A_588 : vector<16xf32> to vector<1x16xf32>
        tpu.vector_store %arg6[%swap3A_664, %swap3A_665], %swap3A_668 {strides = array<i32>} : memref<128x128xf32, #tpu.memory_space<vmem>>, vector<1x16xf32>,
        %swap3A_669 = arith.index_cast %while3A_638 : i32 to index
        %swap3A_670 = arith.constant 96 : index
        %swap3A_671 = tpu.vector_load %arg6[%swap3A_669, %swap3A_670] {strides = array<i32>} : memref<128x128xf32, #tpu.memory_space<vmem>>, vector<1x16xf32>,
        %swap3A_672 = vector.shape_cast %swap3A_671 : vector<1x16xf32> to vector<16xf32>
        %swap3A_673 = vector.shape_cast %select_n3A_601 : vector<16xf32> to vector<1x16xf32>
        tpu.vector_store %arg6[%swap3A_669, %swap3A_670], %swap3A_673 {strides = array<i32>} : memref<128x128xf32, #tpu.memory_space<vmem>>, vector<1x16xf32>,
        %swap3A_674 = arith.index_cast %while3A_638 : i32 to index
        %swap3A_675 = arith.constant 112 : index
        %swap3A_676 = tpu.vector_load %arg6[%swap3A_674, %swap3A_675] {strides = array<i32>} : memref<128x128xf32, #tpu.memory_space<vmem>>, vector<1x16xf32>,
        %swap3A_677 = vector.shape_cast %swap3A_676 : vector<1x16xf32> to vector<16xf32>
        %swap3A_678 = vector.shape_cast %select_n3A_614 : vector<16xf32> to vector<1x16xf32>
        tpu.vector_store %arg6[%swap3A_674, %swap3A_675], %swap3A_678 {strides = array<i32>} : memref<128x128xf32, #tpu.memory_space<vmem>>, vector<1x16xf32>,
        %while3A_679 = arith.constant 0 : i32
        scf.yield %while3A_679 : i32
      }
      %while3A_627 = arith.constant 1 : i32
      %while3A_628 = scf.for %while3A_638 = %while3A_624 to %while3A_620 step %while3A_627 iter_args(%while3A_639 = %while3A_626) -> (i32)  : i32 {
        %swap3A = arith.index_cast %while3A_638 : i32 to index
        %swap3A_640 = arith.constant 0 : index
        %swap3A_641 = tpu.vector_load %arg6[%swap3A, %swap3A_640] {strides = array<i32>} : memref<128x128xf32, #tpu.memory_space<vmem>>, vector<1x16xf32>,
        %swap3A_642 = vector.shape_cast %swap3A_641 : vector<1x16xf32> to vector<16xf32>
        %swap3A_643 = vector.shape_cast %select_n3A_523 : vector<16xf32> to vector<1x16xf32>
        tpu.vector_store %arg6[%swap3A, %swap3A_640], %swap3A_643 {strides = array<i32>} : memref<128x128xf32, #tpu.memory_space<vmem>>, vector<1x16xf32>,
        %swap3A_644 = arith.index_cast %while3A_638 : i32 to index
        %swap3A_645 = arith.constant 16 : index
        %swap3A_646 = tpu.vector_load %arg6[%swap3A_644, %swap3A_645] {strides = array<i32>} : memref<128x128xf32, #tpu.memory_space<vmem>>, vector<1x16xf32>,
        %swap3A_647 = vector.shape_cast %swap3A_646 : vector<1x16xf32> to vector<16xf32>
        %swap3A_648 = vector.shape_cast %select_n3A_536 : vector<16xf32> to vector<1x16xf32>
        tpu.vector_store %arg6[%swap3A_644, %swap3A_645], %swap3A_648 {strides = array<i32>} : memref<128x128xf32, #tpu.memory_space<vmem>>, vector<1x16xf32>,
        %swap3A_649 = arith.index_cast %while3A_638 : i32 to index
        %swap3A_650 = arith.constant 32 : index
        %swap3A_651 = tpu.vector_load %arg6[%swap3A_649, %swap3A_650] {strides = array<i32>} : memref<128x128xf32, #tpu.memory_space<vmem>>, vector<1x16xf32>,
        %swap3A_652 = vector.shape_cast %swap3A_651 : vector<1x16xf32> to vector<16xf32>
        %swap3A_653 = vector.shape_cast %select_n3A_549 : vector<16xf32> to vector<1x16xf32>
        tpu.vector_store %arg6[%swap3A_649, %swap3A_650], %swap3A_653 {strides = array<i32>} : memref<128x128xf32, #tpu.memory_space<vmem>>, vector<1x16xf32>,
        %swap3A_654 = arith.index_cast %while3A_638 : i32 to index
        %swap3A_655 = arith.constant 48 : index
        %swap3A_656 = tpu.vector_load %arg6[%swap3A_654, %swap3A_655] {strides = array<i32>} : memref<128x128xf32, #tpu.memory_space<vmem>>, vector<1x16xf32>,
        %swap3A_657 = vector.shape_cast %swap3A_656 : vector<1x16xf32> to vector<16xf32>
        %swap3A_658 = vector.shape_cast %select_n3A_562 : vector<16xf32> to vector<1x16xf32>
        tpu.vector_store %arg6[%swap3A_654, %swap3A_655], %swap3A_658 {strides = array<i32>} : memref<128x128xf32, #tpu.memory_space<vmem>>, vector<1x16xf32>,
        %swap3A_659 = arith.index_cast %while3A_638 : i32 to index
        %swap3A_660 = arith.constant 64 : index
        %swap3A_661 = tpu.vector_load %arg6[%swap3A_659, %swap3A_660] {strides = array<i32>} : memref<128x128xf32, #tpu.memory_space<vmem>>, vector<1x16xf32>,
        %swap3A_662 = vector.shape_cast %swap3A_661 : vector<1x16xf32> to vector<16xf32>
        %swap3A_663 = vector.shape_cast %select_n3A_575 : vector<16xf32> to vector<1x16xf32>
        tpu.vector_store %arg6[%swap3A_659, %swap3A_660], %swap3A_663 {strides = array<i32>} : memref<128x128xf32, #tpu.memory_space<vmem>>, vector<1x16xf32>,
        %swap3A_664 = arith.index_cast %while3A_638 : i32 to index
        %swap3A_665 = arith.constant 80 : index
        %swap3A_666 = tpu.vector_load %arg6[%swap3A_664, %swap3A_665] {strides = array<i32>} : memref<128x128xf32, #tpu.memory_space<vmem>>, vector<1x16xf32>,
        %swap3A_667 = vector.shape_cast %swap3A_666 : vector<1x16xf32> to vector<16xf32>
        %swap3A_668 = vector.shape_cast %select_n3A_588 : vector<16xf32> to vector<1x16xf32>
        tpu.vector_store %arg6[%swap3A_664, %swap3A_665], %swap3A_668 {strides = array<i32>} : memref<128x128xf32, #tpu.memory_space<vmem>>, vector<1x16xf32>,
        %swap3A_669 = arith.index_cast %while3A_638 : i32 to index
        %swap3A_670 = arith.constant 96 : index
        %swap3A_671 = tpu.vector_load %arg6[%swap3A_669, %swap3A_670] {strides = array<i32>} : memref<128x128xf32, #tpu.memory_space<vmem>>, vector<1x16xf32>,
        %swap3A_672 = vector.shape_cast %swap3A_671 : vector<1x16xf32> to vector<16xf32>
        %swap3A_673 = vector.shape_cast %select_n3A_601 : vector<16xf32> to vector<1x16xf32>
        tpu.vector_store %arg6[%swap3A_669, %swap3A_670], %swap3A_673 {strides = array<i32>} : memref<128x128xf32, #tpu.memory_space<vmem>>, vector<1x16xf32>,
        %swap3A_674 = arith.index_cast %while3A_638 : i32 to index
        %swap3A_675 = arith.constant 112 : index
        %swap3A_676 = tpu.vector_load %arg6[%swap3A_674, %swap3A_675] {strides = array<i32>} : memref<128x128xf32, #tpu.memory_space<vmem>>, vector<1x16xf32>,
        %swap3A_677 = vector.shape_cast %swap3A_676 : vector<1x16xf32> to vector<16xf32>
        %swap3A_678 = vector.shape_cast %select_n3A_614 : vector<16xf32> to vector<1x16xf32>
        tpu.vector_store %arg6[%swap3A_674, %swap3A_675], %swap3A_678 {strides = array<i32>} : memref<128x128xf32, #tpu.memory_space<vmem>>, vector<1x16xf32>,
        %while3A_679 = arith.constant 0 : i32
        scf.yield %while3A_679 : i32
      }
      %add3A_629 = arith.addi %mul3A_2, %add3A_311 : i32
      %dma_start3A_630 = arith.constant 0 : i32
      %dma_start3A_631 = arith.constant 0 : i32
      %dma_start3A_632 = tpu.memref_slice %arg3[%add3A_629, %dma_start3A_630, %dma_start3A_631] : memref<4096x128x128xf32, #tpu.memory_space<hbm>> -> memref<1x128x128xf32, #tpu.memory_space<hbm>>
      %dma_start3A_633 = tpu.memref_squeeze %dma_start3A_632 : memref<1x128x128xf32, #tpu.memory_space<hbm>> -> memref<128x128xf32, #tpu.memory_space<hbm>>
      %dma_start3A_634 = arith.constant 0 : i32
      %dma_start3A_635 = arith.constant 0 : i32
      %dma_start3A_636 = tpu.memref_slice %arg3[%add3A_629, %dma_start3A_634, %dma_start3A_635] : memref<4096x128x128xf32, #tpu.memory_space<hbm>> -> memref<1x128x128xf32, #tpu.memory_space<hbm>>
      %dma_start3A_637 = tpu.memref_squeeze %dma_start3A_636 : memref<1x128x128xf32, #tpu.memory_space<hbm>> -> memref<128x128xf32, #tpu.memory_space<hbm>>
      tpu.enqueue_dma source(%arg6 : memref<128x128xf32, #tpu.memory_space<vmem>>) target(%dma_start3A_637 : memref<128x128xf32, #tpu.memory_space<hbm>>) target_semaphore(%arg8 : memref<!tpu.dma_semaphore, #tpu.memory_space<semaphore_mem>>)
      scf.yield %squeeze3A_342, %squeeze3A_347, %squeeze3A_505, %squeeze3A_510 : i32, i32, i32, i32
    }
    %scan3A_285 = arith.constant 15 : i32
    %dma_wait3A = arith.constant 0 : i32
    %dma_wait3A_286 = arith.constant 0 : i32
    %dma_wait3A_287 = tpu.memref_slice %arg3[%mul3A_2, %dma_wait3A, %dma_wait3A_286] : memref<4096x128x128xf32, #tpu.memory_space<hbm>> -> memref<1x128x128xf32, #tpu.memory_space<hbm>>
    %dma_wait3A_288 = tpu.memref_squeeze %dma_wait3A_287 : memref<1x128x128xf32, #tpu.memory_space<hbm>> -> memref<128x128xf32, #tpu.memory_space<hbm>>
    %dma_wait3A_289 = arith.constant 0 : i32
    %dma_wait3A_290 = arith.constant 0 : i32
    %dma_wait3A_291 = tpu.memref_slice %arg3[%mul3A_2, %dma_wait3A_289, %dma_wait3A_290] : memref<4096x128x128xf32, #tpu.memory_space<hbm>> -> memref<1x128x128xf32, #tpu.memory_space<hbm>>
    %dma_wait3A_292 = tpu.memref_squeeze %dma_wait3A_291 : memref<1x128x128xf32, #tpu.memory_space<hbm>> -> memref<128x128xf32, #tpu.memory_space<hbm>>
    tpu.wait_dma2 semaphore(%arg7 : memref<!tpu.dma_semaphore, #tpu.memory_space<semaphore_mem>>) src(%arg5 : memref<128x128xf32, #tpu.memory_space<vmem>>) dst(%dma_wait3A_292 : memref<128x128xf32, #tpu.memory_space<hbm>>)
    %dma_wait3A_293 = arith.constant 0 : i32
    %dma_wait3A_294 = arith.constant 0 : i32
    %dma_wait3A_295 = tpu.memref_slice %arg3[%mul3A_2, %dma_wait3A_293, %dma_wait3A_294] : memref<4096x128x128xf32, #tpu.memory_space<hbm>> -> memref<1x128x128xf32, #tpu.memory_space<hbm>>
    %dma_wait3A_296 = tpu.memref_squeeze %dma_wait3A_295 : memref<1x128x128xf32, #tpu.memory_space<hbm>> -> memref<128x128xf32, #tpu.memory_space<hbm>>
    %dma_wait3A_297 = arith.constant 0 : i32
    %dma_wait3A_298 = arith.constant 0 : i32
    %dma_wait3A_299 = tpu.memref_slice %arg3[%mul3A_2, %dma_wait3A_297, %dma_wait3A_298] : memref<4096x128x128xf32, #tpu.memory_space<hbm>> -> memref<1x128x128xf32, #tpu.memory_space<hbm>>
    %dma_wait3A_300 = tpu.memref_squeeze %dma_wait3A_299 : memref<1x128x128xf32, #tpu.memory_space<hbm>> -> memref<128x128xf32, #tpu.memory_space<hbm>>
    tpu.wait_dma2 semaphore(%arg8 : memref<!tpu.dma_semaphore, #tpu.memory_space<semaphore_mem>>) src(%arg6 : memref<128x128xf32, #tpu.memory_space<vmem>>) dst(%dma_wait3A_300 : memref<128x128xf32, #tpu.memory_space<hbm>>)
    return
  }
}

module attributes {stable_mosaic.version = 14 : i64} {
  func.func @_tc_tail_body(%arg0: i32, %arg1: memref<128x4xi32, #tpu.memory_space<smem>>, %arg2: memref<4096x128x128xf32, #tpu.memory_space<any>>, %arg3: memref<128x128x128xf32, #tpu.memory_space<vmem>>) attributes {dimension_semantics = [#tpu.dimension_semantics<arbitrary>], iteration_bounds = array<i64: 24>, scalar_prefetch = 0 : i64, scratch_operands = 0 : i64, tpu.core_type = #tpu.core_type<tc>, window_params = [{transform_indices = @transform_0, window_bounds = array<i64: 128, 4>}, {}, {transform_indices = @transform_2, window_bounds = array<i64: 128, 128, 128>}]} {
    %iota3A = tpu.iota {dimensions = array<i32: 0>} : vector<128x128xi32>
    %iota3A_0 = tpu.iota {dimensions = array<i32: 1>} : vector<128x128xi32>
    %get3A = arith.constant 0 : index
    %get3A_1 = arith.constant 0 : index
    %get3A_2 = memref.load %arg1[%get3A, %get3A_1] : memref<128x4xi32, #tpu.memory_space<smem>>
    %get3A_3 = arith.constant 0 : index
    %get3A_4 = arith.constant 1 : index
    %get3A_5 = memref.load %arg1[%get3A_3, %get3A_4] : memref<128x4xi32, #tpu.memory_space<smem>>
    %get3A_6 = arith.constant 0 : index
    %get3A_7 = arith.constant 2 : index
    %get3A_8 = memref.load %arg1[%get3A_6, %get3A_7] : memref<128x4xi32, #tpu.memory_space<smem>>
    %get3A_9 = arith.constant 0 : index
    %get3A_10 = arith.constant 3 : index
    %get3A_11 = memref.load %arg1[%get3A_9, %get3A_10] : memref<128x4xi32, #tpu.memory_space<smem>>
    %sub3A = vector.broadcast %get3A_5 : i32 to vector<128x128xi32>
    %sub3A_12 = arith.subi %iota3A, %sub3A : vector<128x128xi32>
    %le3A = vector.broadcast %get3A_11 : i32 to vector<128x128xi32>
    %le3A_13 = arith.cmpi ule, %sub3A_12, %le3A : vector<128x128xi32>
    %sub3A_14 = vector.broadcast %get3A_2 : i32 to vector<128x128xi32>
    %sub3A_15 = arith.subi %iota3A_0, %sub3A_14 : vector<128x128xi32>
    %le3A_16 = vector.broadcast %get3A_8 : i32 to vector<128x128xi32>
    %le3A_17 = arith.cmpi ule, %sub3A_15, %le3A_16 : vector<128x128xi32>
    %and3A = arith.andi %le3A_13, %le3A_17 : vector<128x128xi1>
    %jit3A = arith.constant 1.000000e+00 : f32
    %jit3A_18 = arith.constant 0.000000e+00 : f32
    %broadcast_in_dim3A = vector.broadcast %jit3A : f32 to vector<128x128xf32>
    %broadcast_in_dim3A_19 = vector.broadcast %jit3A_18 : f32 to vector<128x128xf32>
    %select_n3A = arith.select %and3A, %broadcast_in_dim3A, %broadcast_in_dim3A_19 : vector<128x128xi1>, vector<128x128xf32>
    %swap3A = arith.constant 0 : index
    %swap3A_20 = arith.constant 0 : index
    %swap3A_21 = arith.constant 0 : index
    %swap3A_22 = vector.load %arg3[%swap3A, %swap3A_20, %swap3A_21] : memref<128x128x128xf32, #tpu.memory_space<vmem>>, vector<1x128x128xf32>
    %swap3A_23 = vector.shape_cast %swap3A_22 : vector<1x128x128xf32> to vector<128x128xf32>
    %swap3A_24 = vector.shape_cast %select_n3A : vector<128x128xf32> to vector<1x128x128xf32>
    tpu.vector_store %arg3[%swap3A, %swap3A_20, %swap3A_21], %swap3A_24 {strides = array<i32>} : memref<128x128x128xf32, #tpu.memory_space<vmem>>, vector<1x128x128xf32>,
    %get3A_25 = arith.constant 1 : index
    %get3A_26 = arith.constant 0 : index
    %get3A_27 = memref.load %arg1[%get3A_25, %get3A_26] : memref<128x4xi32, #tpu.memory_space<smem>>
    %get3A_28 = arith.constant 1 : index
    %get3A_29 = arith.constant 1 : index
    %get3A_30 = memref.load %arg1[%get3A_28, %get3A_29] : memref<128x4xi32, #tpu.memory_space<smem>>
    %get3A_31 = arith.constant 1 : index
    %get3A_32 = arith.constant 2 : index
    %get3A_33 = memref.load %arg1[%get3A_31, %get3A_32] : memref<128x4xi32, #tpu.memory_space<smem>>
    %get3A_34 = arith.constant 1 : index
    %get3A_35 = arith.constant 3 : index
    %get3A_36 = memref.load %arg1[%get3A_34, %get3A_35] : memref<128x4xi32, #tpu.memory_space<smem>>
    %sub3A_37 = vector.broadcast %get3A_30 : i32 to vector<128x128xi32>
    %sub3A_38 = arith.subi %iota3A, %sub3A_37 : vector<128x128xi32>
    %le3A_39 = vector.broadcast %get3A_36 : i32 to vector<128x128xi32>
    %le3A_40 = arith.cmpi ule, %sub3A_38, %le3A_39 : vector<128x128xi32>
    %sub3A_41 = vector.broadcast %get3A_27 : i32 to vector<128x128xi32>
    %sub3A_42 = arith.subi %iota3A_0, %sub3A_41 : vector<128x128xi32>
    %le3A_43 = vector.broadcast %get3A_33 : i32 to vector<128x128xi32>
    %le3A_44 = arith.cmpi ule, %sub3A_42, %le3A_43 : vector<128x128xi32>
    %and3A_45 = arith.andi %le3A_40, %le3A_44 : vector<128x128xi1>
    %jit3A_46 = arith.constant 1.000000e+00 : f32
    %jit3A_47 = arith.constant 0.000000e+00 : f32
    %broadcast_in_dim3A_48 = vector.broadcast %jit3A_46 : f32 to vector<128x128xf32>
    %broadcast_in_dim3A_49 = vector.broadcast %jit3A_47 : f32 to vector<128x128xf32>
    %select_n3A_50 = arith.select %and3A_45, %broadcast_in_dim3A_48, %broadcast_in_dim3A_49 : vector<128x128xi1>, vector<128x128xf32>
    %swap3A_51 = arith.constant 1 : index
    %swap3A_52 = arith.constant 0 : index
    %swap3A_53 = arith.constant 0 : index
    %swap3A_54 = vector.load %arg3[%swap3A_51, %swap3A_52, %swap3A_53] : memref<128x128x128xf32, #tpu.memory_space<vmem>>, vector<1x128x128xf32>
    %swap3A_55 = vector.shape_cast %swap3A_54 : vector<1x128x128xf32> to vector<128x128xf32>
    %swap3A_56 = vector.shape_cast %select_n3A_50 : vector<128x128xf32> to vector<1x128x128xf32>
    tpu.vector_store %arg3[%swap3A_51, %swap3A_52, %swap3A_53], %swap3A_56 {strides = array<i32>} : memref<128x128x128xf32, #tpu.memory_space<vmem>>, vector<1x128x128xf32>,
    %get3A_57 = arith.constant 2 : index
    %get3A_58 = arith.constant 0 : index
    %get3A_59 = memref.load %arg1[%get3A_57, %get3A_58] : memref<128x4xi32, #tpu.memory_space<smem>>
    %get3A_60 = arith.constant 2 : index
    %get3A_61 = arith.constant 1 : index
    %get3A_62 = memref.load %arg1[%get3A_60, %get3A_61] : memref<128x4xi32, #tpu.memory_space<smem>>
    %get3A_63 = arith.constant 2 : index
    %get3A_64 = arith.constant 2 : index
    %get3A_65 = memref.load %arg1[%get3A_63, %get3A_64] : memref<128x4xi32, #tpu.memory_space<smem>>
    %get3A_66 = arith.constant 2 : index
    %get3A_67 = arith.constant 3 : index
    %get3A_68 = memref.load %arg1[%get3A_66, %get3A_67] : memref<128x4xi32, #tpu.memory_space<smem>>
    %sub3A_69 = vector.broadcast %get3A_62 : i32 to vector<128x128xi32>
    %sub3A_70 = arith.subi %iota3A, %sub3A_69 : vector<128x128xi32>
    %le3A_71 = vector.broadcast %get3A_68 : i32 to vector<128x128xi32>
    %le3A_72 = arith.cmpi ule, %sub3A_70, %le3A_71 : vector<128x128xi32>
    %sub3A_73 = vector.broadcast %get3A_59 : i32 to vector<128x128xi32>
    %sub3A_74 = arith.subi %iota3A_0, %sub3A_73 : vector<128x128xi32>
    %le3A_75 = vector.broadcast %get3A_65 : i32 to vector<128x128xi32>
    %le3A_76 = arith.cmpi ule, %sub3A_74, %le3A_75 : vector<128x128xi32>
    %and3A_77 = arith.andi %le3A_72, %le3A_76 : vector<128x128xi1>
    %jit3A_78 = arith.constant 1.000000e+00 : f32
    %jit3A_79 = arith.constant 0.000000e+00 : f32
    %broadcast_in_dim3A_80 = vector.broadcast %jit3A_78 : f32 to vector<128x128xf32>
    %broadcast_in_dim3A_81 = vector.broadcast %jit3A_79 : f32 to vector<128x128xf32>
    %select_n3A_82 = arith.select %and3A_77, %broadcast_in_dim3A_80, %broadcast_in_dim3A_81 : vector<128x128xi1>, vector<128x128xf32>
    %swap3A_83 = arith.constant 2 : index
    %swap3A_84 = arith.constant 0 : index
    %swap3A_85 = arith.constant 0 : index
    %swap3A_86 = vector.load %arg3[%swap3A_83, %swap3A_84, %swap3A_85] : memref<128x128x128xf32, #tpu.memory_space<vmem>>, vector<1x128x128xf32>
    %swap3A_87 = vector.shape_cast %swap3A_86 : vector<1x128x128xf32> to vector<128x128xf32>
    %swap3A_88 = vector.shape_cast %select_n3A_82 : vector<128x128xf32> to vector<1x128x128xf32>
    tpu.vector_store %arg3[%swap3A_83, %swap3A_84, %swap3A_85], %swap3A_88 {strides = array<i32>} : memref<128x128x128xf32, #tpu.memory_space<vmem>>, vector<1x128x128xf32>,
    %get3A_89 = arith.constant 3 : index
    %get3A_90 = arith.constant 0 : index
    %get3A_91 = memref.load %arg1[%get3A_89, %get3A_90] : memref<128x4xi32, #tpu.memory_space<smem>>
    %get3A_92 = arith.constant 3 : index
    %get3A_93 = arith.constant 1 : index
    %get3A_94 = memref.load %arg1[%get3A_92, %get3A_93] : memref<128x4xi32, #tpu.memory_space<smem>>
    %get3A_95 = arith.constant 3 : index
    %get3A_96 = arith.constant 2 : index
    %get3A_97 = memref.load %arg1[%get3A_95, %get3A_96] : memref<128x4xi32, #tpu.memory_space<smem>>
    %get3A_98 = arith.constant 3 : index
    %get3A_99 = arith.constant 3 : index
    %get3A_100 = memref.load %arg1[%get3A_98, %get3A_99] : memref<128x4xi32, #tpu.memory_space<smem>>
    %sub3A_101 = vector.broadcast %get3A_94 : i32 to vector<128x128xi32>
    %sub3A_102 = arith.subi %iota3A, %sub3A_101 : vector<128x128xi32>
    %le3A_103 = vector.broadcast %get3A_100 : i32 to vector<128x128xi32>
    %le3A_104 = arith.cmpi ule, %sub3A_102, %le3A_103 : vector<128x128xi32>
    %sub3A_105 = vector.broadcast %get3A_91 : i32 to vector<128x128xi32>
    %sub3A_106 = arith.subi %iota3A_0, %sub3A_105 : vector<128x128xi32>
    %le3A_107 = vector.broadcast %get3A_97 : i32 to vector<128x128xi32>
    %le3A_108 = arith.cmpi ule, %sub3A_106, %le3A_107 : vector<128x128xi32>
    %and3A_109 = arith.andi %le3A_104, %le3A_108 : vector<128x128xi1>
    %jit3A_110 = arith.constant 1.000000e+00 : f32
    %jit3A_111 = arith.constant 0.000000e+00 : f32
    %broadcast_in_dim3A_112 = vector.broadcast %jit3A_110 : f32 to vector<128x128xf32>
    %broadcast_in_dim3A_113 = vector.broadcast %jit3A_111 : f32 to vector<128x128xf32>
    %select_n3A_114 = arith.select %and3A_109, %broadcast_in_dim3A_112, %broadcast_in_dim3A_113 : vector<128x128xi1>, vector<128x128xf32>
    %swap3A_115 = arith.constant 3 : index
    %swap3A_116 = arith.constant 0 : index
    %swap3A_117 = arith.constant 0 : index
    %swap3A_118 = vector.load %arg3[%swap3A_115, %swap3A_116, %swap3A_117] : memref<128x128x128xf32, #tpu.memory_space<vmem>>, vector<1x128x128xf32>
    %swap3A_119 = vector.shape_cast %swap3A_118 : vector<1x128x128xf32> to vector<128x128xf32>
    %swap3A_120 = vector.shape_cast %select_n3A_114 : vector<128x128xf32> to vector<1x128x128xf32>
    tpu.vector_store %arg3[%swap3A_115, %swap3A_116, %swap3A_117], %swap3A_120 {strides = array<i32>} : memref<128x128x128xf32, #tpu.memory_space<vmem>>, vector<1x128x128xf32>,
    %get3A_121 = arith.constant 4 : index
    %get3A_122 = arith.constant 0 : index
    %get3A_123 = memref.load %arg1[%get3A_121, %get3A_122] : memref<128x4xi32, #tpu.memory_space<smem>>
    %get3A_124 = arith.constant 4 : index
    %get3A_125 = arith.constant 1 : index
    %get3A_126 = memref.load %arg1[%get3A_124, %get3A_125] : memref<128x4xi32, #tpu.memory_space<smem>>
    %get3A_127 = arith.constant 4 : index
    %get3A_128 = arith.constant 2 : index
    %get3A_129 = memref.load %arg1[%get3A_127, %get3A_128] : memref<128x4xi32, #tpu.memory_space<smem>>
    %get3A_130 = arith.constant 4 : index
    %get3A_131 = arith.constant 3 : index
    %get3A_132 = memref.load %arg1[%get3A_130, %get3A_131] : memref<128x4xi32, #tpu.memory_space<smem>>
    %sub3A_133 = vector.broadcast %get3A_126 : i32 to vector<128x128xi32>
    %sub3A_134 = arith.subi %iota3A, %sub3A_133 : vector<128x128xi32>
    %le3A_135 = vector.broadcast %get3A_132 : i32 to vector<128x128xi32>
    %le3A_136 = arith.cmpi ule, %sub3A_134, %le3A_135 : vector<128x128xi32>
    %sub3A_137 = vector.broadcast %get3A_123 : i32 to vector<128x128xi32>
    %sub3A_138 = arith.subi %iota3A_0, %sub3A_137 : vector<128x128xi32>
    %le3A_139 = vector.broadcast %get3A_129 : i32 to vector<128x128xi32>
    %le3A_140 = arith.cmpi ule, %sub3A_138, %le3A_139 : vector<128x128xi32>
    %and3A_141 = arith.andi %le3A_136, %le3A_140 : vector<128x128xi1>
    %jit3A_142 = arith.constant 1.000000e+00 : f32
    %jit3A_143 = arith.constant 0.000000e+00 : f32
    %broadcast_in_dim3A_144 = vector.broadcast %jit3A_142 : f32 to vector<128x128xf32>
    %broadcast_in_dim3A_145 = vector.broadcast %jit3A_143 : f32 to vector<128x128xf32>
    %select_n3A_146 = arith.select %and3A_141, %broadcast_in_dim3A_144, %broadcast_in_dim3A_145 : vector<128x128xi1>, vector<128x128xf32>
    %swap3A_147 = arith.constant 4 : index
    %swap3A_148 = arith.constant 0 : index
    %swap3A_149 = arith.constant 0 : index
    %swap3A_150 = vector.load %arg3[%swap3A_147, %swap3A_148, %swap3A_149] : memref<128x128x128xf32, #tpu.memory_space<vmem>>, vector<1x128x128xf32>
    %swap3A_151 = vector.shape_cast %swap3A_150 : vector<1x128x128xf32> to vector<128x128xf32>
    %swap3A_152 = vector.shape_cast %select_n3A_146 : vector<128x128xf32> to vector<1x128x128xf32>
    tpu.vector_store %arg3[%swap3A_147, %swap3A_148, %swap3A_149], %swap3A_152 {strides = array<i32>} : memref<128x128x128xf32, #tpu.memory_space<vmem>>, vector<1x128x128xf32>,
    %get3A_153 = arith.constant 5 : index
    %get3A_154 = arith.constant 0 : index
    %get3A_155 = memref.load %arg1[%get3A_153, %get3A_154] : memref<128x4xi32, #tpu.memory_space<smem>>
    %get3A_156 = arith.constant 5 : index
    %get3A_157 = arith.constant 1 : index
    %get3A_158 = memref.load %arg1[%get3A_156, %get3A_157] : memref<128x4xi32, #tpu.memory_space<smem>>
    %get3A_159 = arith.constant 5 : index
    %get3A_160 = arith.constant 2 : index
    %get3A_161 = memref.load %arg1[%get3A_159, %get3A_160] : memref<128x4xi32, #tpu.memory_space<smem>>
    %get3A_162 = arith.constant 5 : index
    %get3A_163 = arith.constant 3 : index
    %get3A_164 = memref.load %arg1[%get3A_162, %get3A_163] : memref<128x4xi32, #tpu.memory_space<smem>>
    %sub3A_165 = vector.broadcast %get3A_158 : i32 to vector<128x128xi32>
    %sub3A_166 = arith.subi %iota3A, %sub3A_165 : vector<128x128xi32>
    %le3A_167 = vector.broadcast %get3A_164 : i32 to vector<128x128xi32>
    %le3A_168 = arith.cmpi ule, %sub3A_166, %le3A_167 : vector<128x128xi32>
    %sub3A_169 = vector.broadcast %get3A_155 : i32 to vector<128x128xi32>
    %sub3A_170 = arith.subi %iota3A_0, %sub3A_169 : vector<128x128xi32>
    %le3A_171 = vector.broadcast %get3A_161 : i32 to vector<128x128xi32>
    %le3A_172 = arith.cmpi ule, %sub3A_170, %le3A_171 : vector<128x128xi32>
    %and3A_173 = arith.andi %le3A_168, %le3A_172 : vector<128x128xi1>
    %jit3A_174 = arith.constant 1.000000e+00 : f32
    %jit3A_175 = arith.constant 0.000000e+00 : f32
    %broadcast_in_dim3A_176 = vector.broadcast %jit3A_174 : f32 to vector<128x128xf32>
    %broadcast_in_dim3A_177 = vector.broadcast %jit3A_175 : f32 to vector<128x128xf32>
    %select_n3A_178 = arith.select %and3A_173, %broadcast_in_dim3A_176, %broadcast_in_dim3A_177 : vector<128x128xi1>, vector<128x128xf32>
    %swap3A_179 = arith.constant 5 : index
    %swap3A_180 = arith.constant 0 : index
    %swap3A_181 = arith.constant 0 : index
    %swap3A_182 = vector.load %arg3[%swap3A_179, %swap3A_180, %swap3A_181] : memref<128x128x128xf32, #tpu.memory_space<vmem>>, vector<1x128x128xf32>
    %swap3A_183 = vector.shape_cast %swap3A_182 : vector<1x128x128xf32> to vector<128x128xf32>
    %swap3A_184 = vector.shape_cast %select_n3A_178 : vector<128x128xf32> to vector<1x128x128xf32>
    tpu.vector_store %arg3[%swap3A_179, %swap3A_180, %swap3A_181], %swap3A_184 {strides = array<i32>} : memref<128x128x128xf32, #tpu.memory_space<vmem>>, vector<1x128x128xf32>,
    %get3A_185 = arith.constant 6 : index
    %get3A_186 = arith.constant 0 : index
    %get3A_187 = memref.load %arg1[%get3A_185, %get3A_186] : memref<128x4xi32, #tpu.memory_space<smem>>
    %get3A_188 = arith.constant 6 : index
    %get3A_189 = arith.constant 1 : index
    %get3A_190 = memref.load %arg1[%get3A_188, %get3A_189] : memref<128x4xi32, #tpu.memory_space<smem>>
    %get3A_191 = arith.constant 6 : index
    %get3A_192 = arith.constant 2 : index
    %get3A_193 = memref.load %arg1[%get3A_191, %get3A_192] : memref<128x4xi32, #tpu.memory_space<smem>>
    %get3A_194 = arith.constant 6 : index
    %get3A_195 = arith.constant 3 : index
    %get3A_196 = memref.load %arg1[%get3A_194, %get3A_195] : memref<128x4xi32, #tpu.memory_space<smem>>
    %sub3A_197 = vector.broadcast %get3A_190 : i32 to vector<128x128xi32>
    %sub3A_198 = arith.subi %iota3A, %sub3A_197 : vector<128x128xi32>
    %le3A_199 = vector.broadcast %get3A_196 : i32 to vector<128x128xi32>
    %le3A_200 = arith.cmpi ule, %sub3A_198, %le3A_199 : vector<128x128xi32>
    %sub3A_201 = vector.broadcast %get3A_187 : i32 to vector<128x128xi32>
    %sub3A_202 = arith.subi %iota3A_0, %sub3A_201 : vector<128x128xi32>
    %le3A_203 = vector.broadcast %get3A_193 : i32 to vector<128x128xi32>
    %le3A_204 = arith.cmpi ule, %sub3A_202, %le3A_203 : vector<128x128xi32>
    %and3A_205 = arith.andi %le3A_200, %le3A_204 : vector<128x128xi1>
    %jit3A_206 = arith.constant 1.000000e+00 : f32
    %jit3A_207 = arith.constant 0.000000e+00 : f32
    %broadcast_in_dim3A_208 = vector.broadcast %jit3A_206 : f32 to vector<128x128xf32>
    %broadcast_in_dim3A_209 = vector.broadcast %jit3A_207 : f32 to vector<128x128xf32>
    %select_n3A_210 = arith.select %and3A_205, %broadcast_in_dim3A_208, %broadcast_in_dim3A_209 : vector<128x128xi1>, vector<128x128xf32>
    %swap3A_211 = arith.constant 6 : index
    %swap3A_212 = arith.constant 0 : index
    %swap3A_213 = arith.constant 0 : index
    %swap3A_214 = vector.load %arg3[%swap3A_211, %swap3A_212, %swap3A_213] : memref<128x128x128xf32, #tpu.memory_space<vmem>>, vector<1x128x128xf32>
    %swap3A_215 = vector.shape_cast %swap3A_214 : vector<1x128x128xf32> to vector<128x128xf32>
    %swap3A_216 = vector.shape_cast %select_n3A_210 : vector<128x128xf32> to vector<1x128x128xf32>
    tpu.vector_store %arg3[%swap3A_211, %swap3A_212, %swap3A_213], %swap3A_216 {strides = array<i32>} : memref<128x128x128xf32, #tpu.memory_space<vmem>>, vector<1x128x128xf32>,
    %get3A_217 = arith.constant 7 : index
    %get3A_218 = arith.constant 0 : index
    %get3A_219 = memref.load %arg1[%get3A_217, %get3A_218] : memref<128x4xi32, #tpu.memory_space<smem>>
    %get3A_220 = arith.constant 7 : index
    %get3A_221 = arith.constant 1 : index
    %get3A_222 = memref.load %arg1[%get3A_220, %get3A_221] : memref<128x4xi32, #tpu.memory_space<smem>>
    %get3A_223 = arith.constant 7 : index
    %get3A_224 = arith.constant 2 : index
    %get3A_225 = memref.load %arg1[%get3A_223, %get3A_224] : memref<128x4xi32, #tpu.memory_space<smem>>
    %get3A_226 = arith.constant 7 : index
    %get3A_227 = arith.constant 3 : index
    %get3A_228 = memref.load %arg1[%get3A_226, %get3A_227] : memref<128x4xi32, #tpu.memory_space<smem>>
    %sub3A_229 = vector.broadcast %get3A_222 : i32 to vector<128x128xi32>
    %sub3A_230 = arith.subi %iota3A, %sub3A_229 : vector<128x128xi32>
    %le3A_231 = vector.broadcast %get3A_228 : i32 to vector<128x128xi32>
    %le3A_232 = arith.cmpi ule, %sub3A_230, %le3A_231 : vector<128x128xi32>
    %sub3A_233 = vector.broadcast %get3A_219 : i32 to vector<128x128xi32>
    %sub3A_234 = arith.subi %iota3A_0, %sub3A_233 : vector<128x128xi32>
    %le3A_235 = vector.broadcast %get3A_225 : i32 to vector<128x128xi32>
    %le3A_236 = arith.cmpi ule, %sub3A_234, %le3A_235 : vector<128x128xi32>
    %and3A_237 = arith.andi %le3A_232, %le3A_236 : vector<128x128xi1>
    %jit3A_238 = arith.constant 1.000000e+00 : f32
    %jit3A_239 = arith.constant 0.000000e+00 : f32
    %broadcast_in_dim3A_240 = vector.broadcast %jit3A_238 : f32 to vector<128x128xf32>
    %broadcast_in_dim3A_241 = vector.broadcast %jit3A_239 : f32 to vector<128x128xf32>
    %select_n3A_242 = arith.select %and3A_237, %broadcast_in_dim3A_240, %broadcast_in_dim3A_241 : vector<128x128xi1>, vector<128x128xf32>
    %swap3A_243 = arith.constant 7 : index
    %swap3A_244 = arith.constant 0 : index
    %swap3A_245 = arith.constant 0 : index
    %swap3A_246 = vector.load %arg3[%swap3A_243, %swap3A_244, %swap3A_245] : memref<128x128x128xf32, #tpu.memory_space<vmem>>, vector<1x128x128xf32>
    %swap3A_247 = vector.shape_cast %swap3A_246 : vector<1x128x128xf32> to vector<128x128xf32>
    %swap3A_248 = vector.shape_cast %select_n3A_242 : vector<128x128xf32> to vector<1x128x128xf32>
    tpu.vector_store %arg3[%swap3A_243, %swap3A_244, %swap3A_245], %swap3A_248 {strides = array<i32>} : memref<128x128x128xf32, #tpu.memory_space<vmem>>, vector<1x128x128xf32>,
    %get3A_249 = arith.constant 8 : index
    %get3A_250 = arith.constant 0 : index
    %get3A_251 = memref.load %arg1[%get3A_249, %get3A_250] : memref<128x4xi32, #tpu.memory_space<smem>>
    %get3A_252 = arith.constant 8 : index
    %get3A_253 = arith.constant 1 : index
    %get3A_254 = memref.load %arg1[%get3A_252, %get3A_253] : memref<128x4xi32, #tpu.memory_space<smem>>
    %get3A_255 = arith.constant 8 : index
    %get3A_256 = arith.constant 2 : index
    %get3A_257 = memref.load %arg1[%get3A_255, %get3A_256] : memref<128x4xi32, #tpu.memory_space<smem>>
    %get3A_258 = arith.constant 8 : index
    %get3A_259 = arith.constant 3 : index
    %get3A_260 = memref.load %arg1[%get3A_258, %get3A_259] : memref<128x4xi32, #tpu.memory_space<smem>>
    %sub3A_261 = vector.broadcast %get3A_254 : i32 to vector<128x128xi32>
    %sub3A_262 = arith.subi %iota3A, %sub3A_261 : vector<128x128xi32>
    %le3A_263 = vector.broadcast %get3A_260 : i32 to vector<128x128xi32>
    %le3A_264 = arith.cmpi ule, %sub3A_262, %le3A_263 : vector<128x128xi32>
    %sub3A_265 = vector.broadcast %get3A_251 : i32 to vector<128x128xi32>
    %sub3A_266 = arith.subi %iota3A_0, %sub3A_265 : vector<128x128xi32>
    %le3A_267 = vector.broadcast %get3A_257 : i32 to vector<128x128xi32>
    %le3A_268 = arith.cmpi ule, %sub3A_266, %le3A_267 : vector<128x128xi32>
    %and3A_269 = arith.andi %le3A_264, %le3A_268 : vector<128x128xi1>
    %jit3A_270 = arith.constant 1.000000e+00 : f32
    %jit3A_271 = arith.constant 0.000000e+00 : f32
    %broadcast_in_dim3A_272 = vector.broadcast %jit3A_270 : f32 to vector<128x128xf32>
    %broadcast_in_dim3A_273 = vector.broadcast %jit3A_271 : f32 to vector<128x128xf32>
    %select_n3A_274 = arith.select %and3A_269, %broadcast_in_dim3A_272, %broadcast_in_dim3A_273 : vector<128x128xi1>, vector<128x128xf32>
    %swap3A_275 = arith.constant 8 : index
    %swap3A_276 = arith.constant 0 : index
    %swap3A_277 = arith.constant 0 : index
    %swap3A_278 = vector.load %arg3[%swap3A_275, %swap3A_276, %swap3A_277] : memref<128x128x128xf32, #tpu.memory_space<vmem>>, vector<1x128x128xf32>
    %swap3A_279 = vector.shape_cast %swap3A_278 : vector<1x128x128xf32> to vector<128x128xf32>
    %swap3A_280 = vector.shape_cast %select_n3A_274 : vector<128x128xf32> to vector<1x128x128xf32>
    tpu.vector_store %arg3[%swap3A_275, %swap3A_276, %swap3A_277], %swap3A_280 {strides = array<i32>} : memref<128x128x128xf32, #tpu.memory_space<vmem>>, vector<1x128x128xf32>,
    %get3A_281 = arith.constant 9 : index
    %get3A_282 = arith.constant 0 : index
    %get3A_283 = memref.load %arg1[%get3A_281, %get3A_282] : memref<128x4xi32, #tpu.memory_space<smem>>
    %get3A_284 = arith.constant 9 : index
    %get3A_285 = arith.constant 1 : index
    %get3A_286 = memref.load %arg1[%get3A_284, %get3A_285] : memref<128x4xi32, #tpu.memory_space<smem>>
    %get3A_287 = arith.constant 9 : index
    %get3A_288 = arith.constant 2 : index
    %get3A_289 = memref.load %arg1[%get3A_287, %get3A_288] : memref<128x4xi32, #tpu.memory_space<smem>>
    %get3A_290 = arith.constant 9 : index
    %get3A_291 = arith.constant 3 : index
    %get3A_292 = memref.load %arg1[%get3A_290, %get3A_291] : memref<128x4xi32, #tpu.memory_space<smem>>
    %sub3A_293 = vector.broadcast %get3A_286 : i32 to vector<128x128xi32>
    %sub3A_294 = arith.subi %iota3A, %sub3A_293 : vector<128x128xi32>
    %le3A_295 = vector.broadcast %get3A_292 : i32 to vector<128x128xi32>
    %le3A_296 = arith.cmpi ule, %sub3A_294, %le3A_295 : vector<128x128xi32>
    %sub3A_297 = vector.broadcast %get3A_283 : i32 to vector<128x128xi32>
    %sub3A_298 = arith.subi %iota3A_0, %sub3A_297 : vector<128x128xi32>
    %le3A_299 = vector.broadcast %get3A_289 : i32 to vector<128x128xi32>
    %le3A_300 = arith.cmpi ule, %sub3A_298, %le3A_299 : vector<128x128xi32>
    %and3A_301 = arith.andi %le3A_296, %le3A_300 : vector<128x128xi1>
    %jit3A_302 = arith.constant 1.000000e+00 : f32
    %jit3A_303 = arith.constant 0.000000e+00 : f32
    %broadcast_in_dim3A_304 = vector.broadcast %jit3A_302 : f32 to vector<128x128xf32>
    %broadcast_in_dim3A_305 = vector.broadcast %jit3A_303 : f32 to vector<128x128xf32>
    %select_n3A_306 = arith.select %and3A_301, %broadcast_in_dim3A_304, %broadcast_in_dim3A_305 : vector<128x128xi1>, vector<128x128xf32>
    %swap3A_307 = arith.constant 9 : index
    %swap3A_308 = arith.constant 0 : index
    %swap3A_309 = arith.constant 0 : index
    %swap3A_310 = vector.load %arg3[%swap3A_307, %swap3A_308, %swap3A_309] : memref<128x128x128xf32, #tpu.memory_space<vmem>>, vector<1x128x128xf32>
    %swap3A_311 = vector.shape_cast %swap3A_310 : vector<1x128x128xf32> to vector<128x128xf32>
    %swap3A_312 = vector.shape_cast %select_n3A_306 : vector<128x128xf32> to vector<1x128x128xf32>
    tpu.vector_store %arg3[%swap3A_307, %swap3A_308, %swap3A_309], %swap3A_312 {strides = array<i32>} : memref<128x128x128xf32, #tpu.memory_space<vmem>>, vector<1x128x128xf32>,
    %get3A_313 = arith.constant 10 : index
    %get3A_314 = arith.constant 0 : index
    %get3A_315 = memref.load %arg1[%get3A_313, %get3A_314] : memref<128x4xi32, #tpu.memory_space<smem>>
    %get3A_316 = arith.constant 10 : index
    %get3A_317 = arith.constant 1 : index
    %get3A_318 = memref.load %arg1[%get3A_316, %get3A_317] : memref<128x4xi32, #tpu.memory_space<smem>>
    %get3A_319 = arith.constant 10 : index
    %get3A_320 = arith.constant 2 : index
    %get3A_321 = memref.load %arg1[%get3A_319, %get3A_320] : memref<128x4xi32, #tpu.memory_space<smem>>
    %get3A_322 = arith.constant 10 : index
    %get3A_323 = arith.constant 3 : index
    %get3A_324 = memref.load %arg1[%get3A_322, %get3A_323] : memref<128x4xi32, #tpu.memory_space<smem>>
    %sub3A_325 = vector.broadcast %get3A_318 : i32 to vector<128x128xi32>
    %sub3A_326 = arith.subi %iota3A, %sub3A_325 : vector<128x128xi32>
    %le3A_327 = vector.broadcast %get3A_324 : i32 to vector<128x128xi32>
    %le3A_328 = arith.cmpi ule, %sub3A_326, %le3A_327 : vector<128x128xi32>
    %sub3A_329 = vector.broadcast %get3A_315 : i32 to vector<128x128xi32>
    %sub3A_330 = arith.subi %iota3A_0, %sub3A_329 : vector<128x128xi32>
    %le3A_331 = vector.broadcast %get3A_321 : i32 to vector<128x128xi32>
    %le3A_332 = arith.cmpi ule, %sub3A_330, %le3A_331 : vector<128x128xi32>
    %and3A_333 = arith.andi %le3A_328, %le3A_332 : vector<128x128xi1>
    %jit3A_334 = arith.constant 1.000000e+00 : f32
    %jit3A_335 = arith.constant 0.000000e+00 : f32
    %broadcast_in_dim3A_336 = vector.broadcast %jit3A_334 : f32 to vector<128x128xf32>
    %broadcast_in_dim3A_337 = vector.broadcast %jit3A_335 : f32 to vector<128x128xf32>
    %select_n3A_338 = arith.select %and3A_333, %broadcast_in_dim3A_336, %broadcast_in_dim3A_337 : vector<128x128xi1>, vector<128x128xf32>
    %swap3A_339 = arith.constant 10 : index
    %swap3A_340 = arith.constant 0 : index
    %swap3A_341 = arith.constant 0 : index
    %swap3A_342 = vector.load %arg3[%swap3A_339, %swap3A_340, %swap3A_341] : memref<128x128x128xf32, #tpu.memory_space<vmem>>, vector<1x128x128xf32>
    %swap3A_343 = vector.shape_cast %swap3A_342 : vector<1x128x128xf32> to vector<128x128xf32>
    %swap3A_344 = vector.shape_cast %select_n3A_338 : vector<128x128xf32> to vector<1x128x128xf32>
    tpu.vector_store %arg3[%swap3A_339, %swap3A_340, %swap3A_341], %swap3A_344 {strides = array<i32>} : memref<128x128x128xf32, #tpu.memory_space<vmem>>, vector<1x128x128xf32>,
    %get3A_345 = arith.constant 11 : index
    %get3A_346 = arith.constant 0 : index
    %get3A_347 = memref.load %arg1[%get3A_345, %get3A_346] : memref<128x4xi32, #tpu.memory_space<smem>>
    %get3A_348 = arith.constant 11 : index
    %get3A_349 = arith.constant 1 : index
    %get3A_350 = memref.load %arg1[%get3A_348, %get3A_349] : memref<128x4xi32, #tpu.memory_space<smem>>
    %get3A_351 = arith.constant 11 : index
    %get3A_352 = arith.constant 2 : index
    %get3A_353 = memref.load %arg1[%get3A_351, %get3A_352] : memref<128x4xi32, #tpu.memory_space<smem>>
    %get3A_354 = arith.constant 11 : index
    %get3A_355 = arith.constant 3 : index
    %get3A_356 = memref.load %arg1[%get3A_354, %get3A_355] : memref<128x4xi32, #tpu.memory_space<smem>>
    %sub3A_357 = vector.broadcast %get3A_350 : i32 to vector<128x128xi32>
    %sub3A_358 = arith.subi %iota3A, %sub3A_357 : vector<128x128xi32>
    %le3A_359 = vector.broadcast %get3A_356 : i32 to vector<128x128xi32>
    %le3A_360 = arith.cmpi ule, %sub3A_358, %le3A_359 : vector<128x128xi32>
    %sub3A_361 = vector.broadcast %get3A_347 : i32 to vector<128x128xi32>
    %sub3A_362 = arith.subi %iota3A_0, %sub3A_361 : vector<128x128xi32>
    %le3A_363 = vector.broadcast %get3A_353 : i32 to vector<128x128xi32>
    %le3A_364 = arith.cmpi ule, %sub3A_362, %le3A_363 : vector<128x128xi32>
    %and3A_365 = arith.andi %le3A_360, %le3A_364 : vector<128x128xi1>
    %jit3A_366 = arith.constant 1.000000e+00 : f32
    %jit3A_367 = arith.constant 0.000000e+00 : f32
    %broadcast_in_dim3A_368 = vector.broadcast %jit3A_366 : f32 to vector<128x128xf32>
    %broadcast_in_dim3A_369 = vector.broadcast %jit3A_367 : f32 to vector<128x128xf32>
    %select_n3A_370 = arith.select %and3A_365, %broadcast_in_dim3A_368, %broadcast_in_dim3A_369 : vector<128x128xi1>, vector<128x128xf32>
    %swap3A_371 = arith.constant 11 : index
    %swap3A_372 = arith.constant 0 : index
    %swap3A_373 = arith.constant 0 : index
    %swap3A_374 = vector.load %arg3[%swap3A_371, %swap3A_372, %swap3A_373] : memref<128x128x128xf32, #tpu.memory_space<vmem>>, vector<1x128x128xf32>
    %swap3A_375 = vector.shape_cast %swap3A_374 : vector<1x128x128xf32> to vector<128x128xf32>
    %swap3A_376 = vector.shape_cast %select_n3A_370 : vector<128x128xf32> to vector<1x128x128xf32>
    tpu.vector_store %arg3[%swap3A_371, %swap3A_372, %swap3A_373], %swap3A_376 {strides = array<i32>} : memref<128x128x128xf32, #tpu.memory_space<vmem>>, vector<1x128x128xf32>,
    %get3A_377 = arith.constant 12 : index
    %get3A_378 = arith.constant 0 : index
    %get3A_379 = memref.load %arg1[%get3A_377, %get3A_378] : memref<128x4xi32, #tpu.memory_space<smem>>
    %get3A_380 = arith.constant 12 : index
    %get3A_381 = arith.constant 1 : index
    %get3A_382 = memref.load %arg1[%get3A_380, %get3A_381] : memref<128x4xi32, #tpu.memory_space<smem>>
    %get3A_383 = arith.constant 12 : index
    %get3A_384 = arith.constant 2 : index
    %get3A_385 = memref.load %arg1[%get3A_383, %get3A_384] : memref<128x4xi32, #tpu.memory_space<smem>>
    %get3A_386 = arith.constant 12 : index
    %get3A_387 = arith.constant 3 : index
    %get3A_388 = memref.load %arg1[%get3A_386, %get3A_387] : memref<128x4xi32, #tpu.memory_space<smem>>
    %sub3A_389 = vector.broadcast %get3A_382 : i32 to vector<128x128xi32>
    %sub3A_390 = arith.subi %iota3A, %sub3A_389 : vector<128x128xi32>
    %le3A_391 = vector.broadcast %get3A_388 : i32 to vector<128x128xi32>
    %le3A_392 = arith.cmpi ule, %sub3A_390, %le3A_391 : vector<128x128xi32>
    %sub3A_393 = vector.broadcast %get3A_379 : i32 to vector<128x128xi32>
    %sub3A_394 = arith.subi %iota3A_0, %sub3A_393 : vector<128x128xi32>
    %le3A_395 = vector.broadcast %get3A_385 : i32 to vector<128x128xi32>
    %le3A_396 = arith.cmpi ule, %sub3A_394, %le3A_395 : vector<128x128xi32>
    %and3A_397 = arith.andi %le3A_392, %le3A_396 : vector<128x128xi1>
    %jit3A_398 = arith.constant 1.000000e+00 : f32
    %jit3A_399 = arith.constant 0.000000e+00 : f32
    %broadcast_in_dim3A_400 = vector.broadcast %jit3A_398 : f32 to vector<128x128xf32>
    %broadcast_in_dim3A_401 = vector.broadcast %jit3A_399 : f32 to vector<128x128xf32>
    %select_n3A_402 = arith.select %and3A_397, %broadcast_in_dim3A_400, %broadcast_in_dim3A_401 : vector<128x128xi1>, vector<128x128xf32>
    %swap3A_403 = arith.constant 12 : index
    %swap3A_404 = arith.constant 0 : index
    %swap3A_405 = arith.constant 0 : index
    %swap3A_406 = vector.load %arg3[%swap3A_403, %swap3A_404, %swap3A_405] : memref<128x128x128xf32, #tpu.memory_space<vmem>>, vector<1x128x128xf32>
    %swap3A_407 = vector.shape_cast %swap3A_406 : vector<1x128x128xf32> to vector<128x128xf32>
    %swap3A_408 = vector.shape_cast %select_n3A_402 : vector<128x128xf32> to vector<1x128x128xf32>
    tpu.vector_store %arg3[%swap3A_403, %swap3A_404, %swap3A_405], %swap3A_408 {strides = array<i32>} : memref<128x128x128xf32, #tpu.memory_space<vmem>>, vector<1x128x128xf32>,
    %get3A_409 = arith.constant 13 : index
    %get3A_410 = arith.constant 0 : index
    %get3A_411 = memref.load %arg1[%get3A_409, %get3A_410] : memref<128x4xi32, #tpu.memory_space<smem>>
    %get3A_412 = arith.constant 13 : index
    %get3A_413 = arith.constant 1 : index
    %get3A_414 = memref.load %arg1[%get3A_412, %get3A_413] : memref<128x4xi32, #tpu.memory_space<smem>>
    %get3A_415 = arith.constant 13 : index
    %get3A_416 = arith.constant 2 : index
    %get3A_417 = memref.load %arg1[%get3A_415, %get3A_416] : memref<128x4xi32, #tpu.memory_space<smem>>
    %get3A_418 = arith.constant 13 : index
    %get3A_419 = arith.constant 3 : index
    %get3A_420 = memref.load %arg1[%get3A_418, %get3A_419] : memref<128x4xi32, #tpu.memory_space<smem>>
    %sub3A_421 = vector.broadcast %get3A_414 : i32 to vector<128x128xi32>
    %sub3A_422 = arith.subi %iota3A, %sub3A_421 : vector<128x128xi32>
    %le3A_423 = vector.broadcast %get3A_420 : i32 to vector<128x128xi32>
    %le3A_424 = arith.cmpi ule, %sub3A_422, %le3A_423 : vector<128x128xi32>
    %sub3A_425 = vector.broadcast %get3A_411 : i32 to vector<128x128xi32>
    %sub3A_426 = arith.subi %iota3A_0, %sub3A_425 : vector<128x128xi32>
    %le3A_427 = vector.broadcast %get3A_417 : i32 to vector<128x128xi32>
    %le3A_428 = arith.cmpi ule, %sub3A_426, %le3A_427 : vector<128x128xi32>
    %and3A_429 = arith.andi %le3A_424, %le3A_428 : vector<128x128xi1>
    %jit3A_430 = arith.constant 1.000000e+00 : f32
    %jit3A_431 = arith.constant 0.000000e+00 : f32
    %broadcast_in_dim3A_432 = vector.broadcast %jit3A_430 : f32 to vector<128x128xf32>
    %broadcast_in_dim3A_433 = vector.broadcast %jit3A_431 : f32 to vector<128x128xf32>
    %select_n3A_434 = arith.select %and3A_429, %broadcast_in_dim3A_432, %broadcast_in_dim3A_433 : vector<128x128xi1>, vector<128x128xf32>
    %swap3A_435 = arith.constant 13 : index
    %swap3A_436 = arith.constant 0 : index
    %swap3A_437 = arith.constant 0 : index
    %swap3A_438 = vector.load %arg3[%swap3A_435, %swap3A_436, %swap3A_437] : memref<128x128x128xf32, #tpu.memory_space<vmem>>, vector<1x128x128xf32>
    %swap3A_439 = vector.shape_cast %swap3A_438 : vector<1x128x128xf32> to vector<128x128xf32>
    %swap3A_440 = vector.shape_cast %select_n3A_434 : vector<128x128xf32> to vector<1x128x128xf32>
    tpu.vector_store %arg3[%swap3A_435, %swap3A_436, %swap3A_437], %swap3A_440 {strides = array<i32>} : memref<128x128x128xf32, #tpu.memory_space<vmem>>, vector<1x128x128xf32>,
    %get3A_441 = arith.constant 14 : index
    %get3A_442 = arith.constant 0 : index
    %get3A_443 = memref.load %arg1[%get3A_441, %get3A_442] : memref<128x4xi32, #tpu.memory_space<smem>>
    %get3A_444 = arith.constant 14 : index
    %get3A_445 = arith.constant 1 : index
    %get3A_446 = memref.load %arg1[%get3A_444, %get3A_445] : memref<128x4xi32, #tpu.memory_space<smem>>
    %get3A_447 = arith.constant 14 : index
    %get3A_448 = arith.constant 2 : index
    %get3A_449 = memref.load %arg1[%get3A_447, %get3A_448] : memref<128x4xi32, #tpu.memory_space<smem>>
    %get3A_450 = arith.constant 14 : index
    %get3A_451 = arith.constant 3 : index
    %get3A_452 = memref.load %arg1[%get3A_450, %get3A_451] : memref<128x4xi32, #tpu.memory_space<smem>>
    %sub3A_453 = vector.broadcast %get3A_446 : i32 to vector<128x128xi32>
    %sub3A_454 = arith.subi %iota3A, %sub3A_453 : vector<128x128xi32>
    %le3A_455 = vector.broadcast %get3A_452 : i32 to vector<128x128xi32>
    %le3A_456 = arith.cmpi ule, %sub3A_454, %le3A_455 : vector<128x128xi32>
    %sub3A_457 = vector.broadcast %get3A_443 : i32 to vector<128x128xi32>
    %sub3A_458 = arith.subi %iota3A_0, %sub3A_457 : vector<128x128xi32>
    %le3A_459 = vector.broadcast %get3A_449 : i32 to vector<128x128xi32>
    %le3A_460 = arith.cmpi ule, %sub3A_458, %le3A_459 : vector<128x128xi32>
    %and3A_461 = arith.andi %le3A_456, %le3A_460 : vector<128x128xi1>
    %jit3A_462 = arith.constant 1.000000e+00 : f32
    %jit3A_463 = arith.constant 0.000000e+00 : f32
    %broadcast_in_dim3A_464 = vector.broadcast %jit3A_462 : f32 to vector<128x128xf32>
    %broadcast_in_dim3A_465 = vector.broadcast %jit3A_463 : f32 to vector<128x128xf32>
    %select_n3A_466 = arith.select %and3A_461, %broadcast_in_dim3A_464, %broadcast_in_dim3A_465 : vector<128x128xi1>, vector<128x128xf32>
    %swap3A_467 = arith.constant 14 : index
    %swap3A_468 = arith.constant 0 : index
    %swap3A_469 = arith.constant 0 : index
    %swap3A_470 = vector.load %arg3[%swap3A_467, %swap3A_468, %swap3A_469] : memref<128x128x128xf32, #tpu.memory_space<vmem>>, vector<1x128x128xf32>
    %swap3A_471 = vector.shape_cast %swap3A_470 : vector<1x128x128xf32> to vector<128x128xf32>
    %swap3A_472 = vector.shape_cast %select_n3A_466 : vector<128x128xf32> to vector<1x128x128xf32>
    tpu.vector_store %arg3[%swap3A_467, %swap3A_468, %swap3A_469], %swap3A_472 {strides = array<i32>} : memref<128x128x128xf32, #tpu.memory_space<vmem>>, vector<1x128x128xf32>,
    %get3A_473 = arith.constant 15 : index
    %get3A_474 = arith.constant 0 : index
    %get3A_475 = memref.load %arg1[%get3A_473, %get3A_474] : memref<128x4xi32, #tpu.memory_space<smem>>
    %get3A_476 = arith.constant 15 : index
    %get3A_477 = arith.constant 1 : index
    %get3A_478 = memref.load %arg1[%get3A_476, %get3A_477] : memref<128x4xi32, #tpu.memory_space<smem>>
    %get3A_479 = arith.constant 15 : index
    %get3A_480 = arith.constant 2 : index
    %get3A_481 = memref.load %arg1[%get3A_479, %get3A_480] : memref<128x4xi32, #tpu.memory_space<smem>>
    %get3A_482 = arith.constant 15 : index
    %get3A_483 = arith.constant 3 : index
    %get3A_484 = memref.load %arg1[%get3A_482, %get3A_483] : memref<128x4xi32, #tpu.memory_space<smem>>
    %sub3A_485 = vector.broadcast %get3A_478 : i32 to vector<128x128xi32>
    %sub3A_486 = arith.subi %iota3A, %sub3A_485 : vector<128x128xi32>
    %le3A_487 = vector.broadcast %get3A_484 : i32 to vector<128x128xi32>
    %le3A_488 = arith.cmpi ule, %sub3A_486, %le3A_487 : vector<128x128xi32>
    %sub3A_489 = vector.broadcast %get3A_475 : i32 to vector<128x128xi32>
    %sub3A_490 = arith.subi %iota3A_0, %sub3A_489 : vector<128x128xi32>
    %le3A_491 = vector.broadcast %get3A_481 : i32 to vector<128x128xi32>
    %le3A_492 = arith.cmpi ule, %sub3A_490, %le3A_491 : vector<128x128xi32>
    %and3A_493 = arith.andi %le3A_488, %le3A_492 : vector<128x128xi1>
    %jit3A_494 = arith.constant 1.000000e+00 : f32
    %jit3A_495 = arith.constant 0.000000e+00 : f32
    %broadcast_in_dim3A_496 = vector.broadcast %jit3A_494 : f32 to vector<128x128xf32>
    %broadcast_in_dim3A_497 = vector.broadcast %jit3A_495 : f32 to vector<128x128xf32>
    %select_n3A_498 = arith.select %and3A_493, %broadcast_in_dim3A_496, %broadcast_in_dim3A_497 : vector<128x128xi1>, vector<128x128xf32>
    %swap3A_499 = arith.constant 15 : index
    %swap3A_500 = arith.constant 0 : index
    %swap3A_501 = arith.constant 0 : index
    %swap3A_502 = vector.load %arg3[%swap3A_499, %swap3A_500, %swap3A_501] : memref<128x128x128xf32, #tpu.memory_space<vmem>>, vector<1x128x128xf32>
    %swap3A_503 = vector.shape_cast %swap3A_502 : vector<1x128x128xf32> to vector<128x128xf32>
    %swap3A_504 = vector.shape_cast %select_n3A_498 : vector<128x128xf32> to vector<1x128x128xf32>
    tpu.vector_store %arg3[%swap3A_499, %swap3A_500, %swap3A_501], %swap3A_504 {strides = array<i32>} : memref<128x128x128xf32, #tpu.memory_space<vmem>>, vector<1x128x128xf32>,
    %get3A_505 = arith.constant 16 : index
    %get3A_506 = arith.constant 0 : index
    %get3A_507 = memref.load %arg1[%get3A_505, %get3A_506] : memref<128x4xi32, #tpu.memory_space<smem>>
    %get3A_508 = arith.constant 16 : index
    %get3A_509 = arith.constant 1 : index
    %get3A_510 = memref.load %arg1[%get3A_508, %get3A_509] : memref<128x4xi32, #tpu.memory_space<smem>>
    %get3A_511 = arith.constant 16 : index
    %get3A_512 = arith.constant 2 : index
    %get3A_513 = memref.load %arg1[%get3A_511, %get3A_512] : memref<128x4xi32, #tpu.memory_space<smem>>
    %get3A_514 = arith.constant 16 : index
    %get3A_515 = arith.constant 3 : index
    %get3A_516 = memref.load %arg1[%get3A_514, %get3A_515] : memref<128x4xi32, #tpu.memory_space<smem>>
    %sub3A_517 = vector.broadcast %get3A_510 : i32 to vector<128x128xi32>
    %sub3A_518 = arith.subi %iota3A, %sub3A_517 : vector<128x128xi32>
    %le3A_519 = vector.broadcast %get3A_516 : i32 to vector<128x128xi32>
    %le3A_520 = arith.cmpi ule, %sub3A_518, %le3A_519 : vector<128x128xi32>
    %sub3A_521 = vector.broadcast %get3A_507 : i32 to vector<128x128xi32>
    %sub3A_522 = arith.subi %iota3A_0, %sub3A_521 : vector<128x128xi32>
    %le3A_523 = vector.broadcast %get3A_513 : i32 to vector<128x128xi32>
    %le3A_524 = arith.cmpi ule, %sub3A_522, %le3A_523 : vector<128x128xi32>
    %and3A_525 = arith.andi %le3A_520, %le3A_524 : vector<128x128xi1>
    %jit3A_526 = arith.constant 1.000000e+00 : f32
    %jit3A_527 = arith.constant 0.000000e+00 : f32
    %broadcast_in_dim3A_528 = vector.broadcast %jit3A_526 : f32 to vector<128x128xf32>
    %broadcast_in_dim3A_529 = vector.broadcast %jit3A_527 : f32 to vector<128x128xf32>
    %select_n3A_530 = arith.select %and3A_525, %broadcast_in_dim3A_528, %broadcast_in_dim3A_529 : vector<128x128xi1>, vector<128x128xf32>
    %swap3A_531 = arith.constant 16 : index
    %swap3A_532 = arith.constant 0 : index
    %swap3A_533 = arith.constant 0 : index
    %swap3A_534 = vector.load %arg3[%swap3A_531, %swap3A_532, %swap3A_533] : memref<128x128x128xf32, #tpu.memory_space<vmem>>, vector<1x128x128xf32>
    %swap3A_535 = vector.shape_cast %swap3A_534 : vector<1x128x128xf32> to vector<128x128xf32>
    %swap3A_536 = vector.shape_cast %select_n3A_530 : vector<128x128xf32> to vector<1x128x128xf32>
    tpu.vector_store %arg3[%swap3A_531, %swap3A_532, %swap3A_533], %swap3A_536 {strides = array<i32>} : memref<128x128x128xf32, #tpu.memory_space<vmem>>, vector<1x128x128xf32>,
    %get3A_537 = arith.constant 17 : index
    %get3A_538 = arith.constant 0 : index
    %get3A_539 = memref.load %arg1[%get3A_537, %get3A_538] : memref<128x4xi32, #tpu.memory_space<smem>>
    %get3A_540 = arith.constant 17 : index
    %get3A_541 = arith.constant 1 : index
    %get3A_542 = memref.load %arg1[%get3A_540, %get3A_541] : memref<128x4xi32, #tpu.memory_space<smem>>
    %get3A_543 = arith.constant 17 : index
    %get3A_544 = arith.constant 2 : index
    %get3A_545 = memref.load %arg1[%get3A_543, %get3A_544] : memref<128x4xi32, #tpu.memory_space<smem>>
    %get3A_546 = arith.constant 17 : index
    %get3A_547 = arith.constant 3 : index
    %get3A_548 = memref.load %arg1[%get3A_546, %get3A_547] : memref<128x4xi32, #tpu.memory_space<smem>>
    %sub3A_549 = vector.broadcast %get3A_542 : i32 to vector<128x128xi32>
    %sub3A_550 = arith.subi %iota3A, %sub3A_549 : vector<128x128xi32>
    %le3A_551 = vector.broadcast %get3A_548 : i32 to vector<128x128xi32>
    %le3A_552 = arith.cmpi ule, %sub3A_550, %le3A_551 : vector<128x128xi32>
    %sub3A_553 = vector.broadcast %get3A_539 : i32 to vector<128x128xi32>
    %sub3A_554 = arith.subi %iota3A_0, %sub3A_553 : vector<128x128xi32>
    %le3A_555 = vector.broadcast %get3A_545 : i32 to vector<128x128xi32>
    %le3A_556 = arith.cmpi ule, %sub3A_554, %le3A_555 : vector<128x128xi32>
    %and3A_557 = arith.andi %le3A_552, %le3A_556 : vector<128x128xi1>
    %jit3A_558 = arith.constant 1.000000e+00 : f32
    %jit3A_559 = arith.constant 0.000000e+00 : f32
    %broadcast_in_dim3A_560 = vector.broadcast %jit3A_558 : f32 to vector<128x128xf32>
    %broadcast_in_dim3A_561 = vector.broadcast %jit3A_559 : f32 to vector<128x128xf32>
    %select_n3A_562 = arith.select %and3A_557, %broadcast_in_dim3A_560, %broadcast_in_dim3A_561 : vector<128x128xi1>, vector<128x128xf32>
    %swap3A_563 = arith.constant 17 : index
    %swap3A_564 = arith.constant 0 : index
    %swap3A_565 = arith.constant 0 : index
    %swap3A_566 = vector.load %arg3[%swap3A_563, %swap3A_564, %swap3A_565] : memref<128x128x128xf32, #tpu.memory_space<vmem>>, vector<1x128x128xf32>
    %swap3A_567 = vector.shape_cast %swap3A_566 : vector<1x128x128xf32> to vector<128x128xf32>
    %swap3A_568 = vector.shape_cast %select_n3A_562 : vector<128x128xf32> to vector<1x128x128xf32>
    tpu.vector_store %arg3[%swap3A_563, %swap3A_564, %swap3A_565], %swap3A_568 {strides = array<i32>} : memref<128x128x128xf32, #tpu.memory_space<vmem>>, vector<1x128x128xf32>,
    %get3A_569 = arith.constant 18 : index
    %get3A_570 = arith.constant 0 : index
    %get3A_571 = memref.load %arg1[%get3A_569, %get3A_570] : memref<128x4xi32, #tpu.memory_space<smem>>
    %get3A_572 = arith.constant 18 : index
    %get3A_573 = arith.constant 1 : index
    %get3A_574 = memref.load %arg1[%get3A_572, %get3A_573] : memref<128x4xi32, #tpu.memory_space<smem>>
    %get3A_575 = arith.constant 18 : index
    %get3A_576 = arith.constant 2 : index
    %get3A_577 = memref.load %arg1[%get3A_575, %get3A_576] : memref<128x4xi32, #tpu.memory_space<smem>>
    %get3A_578 = arith.constant 18 : index
    %get3A_579 = arith.constant 3 : index
    %get3A_580 = memref.load %arg1[%get3A_578, %get3A_579] : memref<128x4xi32, #tpu.memory_space<smem>>
    %sub3A_581 = vector.broadcast %get3A_574 : i32 to vector<128x128xi32>
    %sub3A_582 = arith.subi %iota3A, %sub3A_581 : vector<128x128xi32>
    %le3A_583 = vector.broadcast %get3A_580 : i32 to vector<128x128xi32>
    %le3A_584 = arith.cmpi ule, %sub3A_582, %le3A_583 : vector<128x128xi32>
    %sub3A_585 = vector.broadcast %get3A_571 : i32 to vector<128x128xi32>
    %sub3A_586 = arith.subi %iota3A_0, %sub3A_585 : vector<128x128xi32>
    %le3A_587 = vector.broadcast %get3A_577 : i32 to vector<128x128xi32>
    %le3A_588 = arith.cmpi ule, %sub3A_586, %le3A_587 : vector<128x128xi32>
    %and3A_589 = arith.andi %le3A_584, %le3A_588 : vector<128x128xi1>
    %jit3A_590 = arith.constant 1.000000e+00 : f32
    %jit3A_591 = arith.constant 0.000000e+00 : f32
    %broadcast_in_dim3A_592 = vector.broadcast %jit3A_590 : f32 to vector<128x128xf32>
    %broadcast_in_dim3A_593 = vector.broadcast %jit3A_591 : f32 to vector<128x128xf32>
    %select_n3A_594 = arith.select %and3A_589, %broadcast_in_dim3A_592, %broadcast_in_dim3A_593 : vector<128x128xi1>, vector<128x128xf32>
    %swap3A_595 = arith.constant 18 : index
    %swap3A_596 = arith.constant 0 : index
    %swap3A_597 = arith.constant 0 : index
    %swap3A_598 = vector.load %arg3[%swap3A_595, %swap3A_596, %swap3A_597] : memref<128x128x128xf32, #tpu.memory_space<vmem>>, vector<1x128x128xf32>
    %swap3A_599 = vector.shape_cast %swap3A_598 : vector<1x128x128xf32> to vector<128x128xf32>
    %swap3A_600 = vector.shape_cast %select_n3A_594 : vector<128x128xf32> to vector<1x128x128xf32>
    tpu.vector_store %arg3[%swap3A_595, %swap3A_596, %swap3A_597], %swap3A_600 {strides = array<i32>} : memref<128x128x128xf32, #tpu.memory_space<vmem>>, vector<1x128x128xf32>,
    %get3A_601 = arith.constant 19 : index
    %get3A_602 = arith.constant 0 : index
    %get3A_603 = memref.load %arg1[%get3A_601, %get3A_602] : memref<128x4xi32, #tpu.memory_space<smem>>
    %get3A_604 = arith.constant 19 : index
    %get3A_605 = arith.constant 1 : index
    %get3A_606 = memref.load %arg1[%get3A_604, %get3A_605] : memref<128x4xi32, #tpu.memory_space<smem>>
    %get3A_607 = arith.constant 19 : index
    %get3A_608 = arith.constant 2 : index
    %get3A_609 = memref.load %arg1[%get3A_607, %get3A_608] : memref<128x4xi32, #tpu.memory_space<smem>>
    %get3A_610 = arith.constant 19 : index
    %get3A_611 = arith.constant 3 : index
    %get3A_612 = memref.load %arg1[%get3A_610, %get3A_611] : memref<128x4xi32, #tpu.memory_space<smem>>
    %sub3A_613 = vector.broadcast %get3A_606 : i32 to vector<128x128xi32>
    %sub3A_614 = arith.subi %iota3A, %sub3A_613 : vector<128x128xi32>
    %le3A_615 = vector.broadcast %get3A_612 : i32 to vector<128x128xi32>
    %le3A_616 = arith.cmpi ule, %sub3A_614, %le3A_615 : vector<128x128xi32>
    %sub3A_617 = vector.broadcast %get3A_603 : i32 to vector<128x128xi32>
    %sub3A_618 = arith.subi %iota3A_0, %sub3A_617 : vector<128x128xi32>
    %le3A_619 = vector.broadcast %get3A_609 : i32 to vector<128x128xi32>
    %le3A_620 = arith.cmpi ule, %sub3A_618, %le3A_619 : vector<128x128xi32>
    %and3A_621 = arith.andi %le3A_616, %le3A_620 : vector<128x128xi1>
    %jit3A_622 = arith.constant 1.000000e+00 : f32
    %jit3A_623 = arith.constant 0.000000e+00 : f32
    %broadcast_in_dim3A_624 = vector.broadcast %jit3A_622 : f32 to vector<128x128xf32>
    %broadcast_in_dim3A_625 = vector.broadcast %jit3A_623 : f32 to vector<128x128xf32>
    %select_n3A_626 = arith.select %and3A_621, %broadcast_in_dim3A_624, %broadcast_in_dim3A_625 : vector<128x128xi1>, vector<128x128xf32>
    %swap3A_627 = arith.constant 19 : index
    %swap3A_628 = arith.constant 0 : index
    %swap3A_629 = arith.constant 0 : index
    %swap3A_630 = vector.load %arg3[%swap3A_627, %swap3A_628, %swap3A_629] : memref<128x128x128xf32, #tpu.memory_space<vmem>>, vector<1x128x128xf32>
    %swap3A_631 = vector.shape_cast %swap3A_630 : vector<1x128x128xf32> to vector<128x128xf32>
    %swap3A_632 = vector.shape_cast %select_n3A_626 : vector<128x128xf32> to vector<1x128x128xf32>
    tpu.vector_store %arg3[%swap3A_627, %swap3A_628, %swap3A_629], %swap3A_632 {strides = array<i32>} : memref<128x128x128xf32, #tpu.memory_space<vmem>>, vector<1x128x128xf32>,
    %get3A_633 = arith.constant 20 : index
    %get3A_634 = arith.constant 0 : index
    %get3A_635 = memref.load %arg1[%get3A_633, %get3A_634] : memref<128x4xi32, #tpu.memory_space<smem>>
    %get3A_636 = arith.constant 20 : index
    %get3A_637 = arith.constant 1 : index
    %get3A_638 = memref.load %arg1[%get3A_636, %get3A_637] : memref<128x4xi32, #tpu.memory_space<smem>>
    %get3A_639 = arith.constant 20 : index
    %get3A_640 = arith.constant 2 : index
    %get3A_641 = memref.load %arg1[%get3A_639, %get3A_640] : memref<128x4xi32, #tpu.memory_space<smem>>
    %get3A_642 = arith.constant 20 : index
    %get3A_643 = arith.constant 3 : index
    %get3A_644 = memref.load %arg1[%get3A_642, %get3A_643] : memref<128x4xi32, #tpu.memory_space<smem>>
    %sub3A_645 = vector.broadcast %get3A_638 : i32 to vector<128x128xi32>
    %sub3A_646 = arith.subi %iota3A, %sub3A_645 : vector<128x128xi32>
    %le3A_647 = vector.broadcast %get3A_644 : i32 to vector<128x128xi32>
    %le3A_648 = arith.cmpi ule, %sub3A_646, %le3A_647 : vector<128x128xi32>
    %sub3A_649 = vector.broadcast %get3A_635 : i32 to vector<128x128xi32>
    %sub3A_650 = arith.subi %iota3A_0, %sub3A_649 : vector<128x128xi32>
    %le3A_651 = vector.broadcast %get3A_641 : i32 to vector<128x128xi32>
    %le3A_652 = arith.cmpi ule, %sub3A_650, %le3A_651 : vector<128x128xi32>
    %and3A_653 = arith.andi %le3A_648, %le3A_652 : vector<128x128xi1>
    %jit3A_654 = arith.constant 1.000000e+00 : f32
    %jit3A_655 = arith.constant 0.000000e+00 : f32
    %broadcast_in_dim3A_656 = vector.broadcast %jit3A_654 : f32 to vector<128x128xf32>
    %broadcast_in_dim3A_657 = vector.broadcast %jit3A_655 : f32 to vector<128x128xf32>
    %select_n3A_658 = arith.select %and3A_653, %broadcast_in_dim3A_656, %broadcast_in_dim3A_657 : vector<128x128xi1>, vector<128x128xf32>
    %swap3A_659 = arith.constant 20 : index
    %swap3A_660 = arith.constant 0 : index
    %swap3A_661 = arith.constant 0 : index
    %swap3A_662 = vector.load %arg3[%swap3A_659, %swap3A_660, %swap3A_661] : memref<128x128x128xf32, #tpu.memory_space<vmem>>, vector<1x128x128xf32>
    %swap3A_663 = vector.shape_cast %swap3A_662 : vector<1x128x128xf32> to vector<128x128xf32>
    %swap3A_664 = vector.shape_cast %select_n3A_658 : vector<128x128xf32> to vector<1x128x128xf32>
    tpu.vector_store %arg3[%swap3A_659, %swap3A_660, %swap3A_661], %swap3A_664 {strides = array<i32>} : memref<128x128x128xf32, #tpu.memory_space<vmem>>, vector<1x128x128xf32>,
    %get3A_665 = arith.constant 21 : index
    %get3A_666 = arith.constant 0 : index
    %get3A_667 = memref.load %arg1[%get3A_665, %get3A_666] : memref<128x4xi32, #tpu.memory_space<smem>>
    %get3A_668 = arith.constant 21 : index
    %get3A_669 = arith.constant 1 : index
    %get3A_670 = memref.load %arg1[%get3A_668, %get3A_669] : memref<128x4xi32, #tpu.memory_space<smem>>
    %get3A_671 = arith.constant 21 : index
    %get3A_672 = arith.constant 2 : index
    %get3A_673 = memref.load %arg1[%get3A_671, %get3A_672] : memref<128x4xi32, #tpu.memory_space<smem>>
    %get3A_674 = arith.constant 21 : index
    %get3A_675 = arith.constant 3 : index
    %get3A_676 = memref.load %arg1[%get3A_674, %get3A_675] : memref<128x4xi32, #tpu.memory_space<smem>>
    %sub3A_677 = vector.broadcast %get3A_670 : i32 to vector<128x128xi32>
    %sub3A_678 = arith.subi %iota3A, %sub3A_677 : vector<128x128xi32>
    %le3A_679 = vector.broadcast %get3A_676 : i32 to vector<128x128xi32>
    %le3A_680 = arith.cmpi ule, %sub3A_678, %le3A_679 : vector<128x128xi32>
    %sub3A_681 = vector.broadcast %get3A_667 : i32 to vector<128x128xi32>
    %sub3A_682 = arith.subi %iota3A_0, %sub3A_681 : vector<128x128xi32>
    %le3A_683 = vector.broadcast %get3A_673 : i32 to vector<128x128xi32>
    %le3A_684 = arith.cmpi ule, %sub3A_682, %le3A_683 : vector<128x128xi32>
    %and3A_685 = arith.andi %le3A_680, %le3A_684 : vector<128x128xi1>
    %jit3A_686 = arith.constant 1.000000e+00 : f32
    %jit3A_687 = arith.constant 0.000000e+00 : f32
    %broadcast_in_dim3A_688 = vector.broadcast %jit3A_686 : f32 to vector<128x128xf32>
    %broadcast_in_dim3A_689 = vector.broadcast %jit3A_687 : f32 to vector<128x128xf32>
    %select_n3A_690 = arith.select %and3A_685, %broadcast_in_dim3A_688, %broadcast_in_dim3A_689 : vector<128x128xi1>, vector<128x128xf32>
    %swap3A_691 = arith.constant 21 : index
    %swap3A_692 = arith.constant 0 : index
    %swap3A_693 = arith.constant 0 : index
    %swap3A_694 = vector.load %arg3[%swap3A_691, %swap3A_692, %swap3A_693] : memref<128x128x128xf32, #tpu.memory_space<vmem>>, vector<1x128x128xf32>
    %swap3A_695 = vector.shape_cast %swap3A_694 : vector<1x128x128xf32> to vector<128x128xf32>
    %swap3A_696 = vector.shape_cast %select_n3A_690 : vector<128x128xf32> to vector<1x128x128xf32>
    tpu.vector_store %arg3[%swap3A_691, %swap3A_692, %swap3A_693], %swap3A_696 {strides = array<i32>} : memref<128x128x128xf32, #tpu.memory_space<vmem>>, vector<1x128x128xf32>,
    %get3A_697 = arith.constant 22 : index
    %get3A_698 = arith.constant 0 : index
    %get3A_699 = memref.load %arg1[%get3A_697, %get3A_698] : memref<128x4xi32, #tpu.memory_space<smem>>
    %get3A_700 = arith.constant 22 : index
    %get3A_701 = arith.constant 1 : index
    %get3A_702 = memref.load %arg1[%get3A_700, %get3A_701] : memref<128x4xi32, #tpu.memory_space<smem>>
    %get3A_703 = arith.constant 22 : index
    %get3A_704 = arith.constant 2 : index
    %get3A_705 = memref.load %arg1[%get3A_703, %get3A_704] : memref<128x4xi32, #tpu.memory_space<smem>>
    %get3A_706 = arith.constant 22 : index
    %get3A_707 = arith.constant 3 : index
    %get3A_708 = memref.load %arg1[%get3A_706, %get3A_707] : memref<128x4xi32, #tpu.memory_space<smem>>
    %sub3A_709 = vector.broadcast %get3A_702 : i32 to vector<128x128xi32>
    %sub3A_710 = arith.subi %iota3A, %sub3A_709 : vector<128x128xi32>
    %le3A_711 = vector.broadcast %get3A_708 : i32 to vector<128x128xi32>
    %le3A_712 = arith.cmpi ule, %sub3A_710, %le3A_711 : vector<128x128xi32>
    %sub3A_713 = vector.broadcast %get3A_699 : i32 to vector<128x128xi32>
    %sub3A_714 = arith.subi %iota3A_0, %sub3A_713 : vector<128x128xi32>
    %le3A_715 = vector.broadcast %get3A_705 : i32 to vector<128x128xi32>
    %le3A_716 = arith.cmpi ule, %sub3A_714, %le3A_715 : vector<128x128xi32>
    %and3A_717 = arith.andi %le3A_712, %le3A_716 : vector<128x128xi1>
    %jit3A_718 = arith.constant 1.000000e+00 : f32
    %jit3A_719 = arith.constant 0.000000e+00 : f32
    %broadcast_in_dim3A_720 = vector.broadcast %jit3A_718 : f32 to vector<128x128xf32>
    %broadcast_in_dim3A_721 = vector.broadcast %jit3A_719 : f32 to vector<128x128xf32>
    %select_n3A_722 = arith.select %and3A_717, %broadcast_in_dim3A_720, %broadcast_in_dim3A_721 : vector<128x128xi1>, vector<128x128xf32>
    %swap3A_723 = arith.constant 22 : index
    %swap3A_724 = arith.constant 0 : index
    %swap3A_725 = arith.constant 0 : index
    %swap3A_726 = vector.load %arg3[%swap3A_723, %swap3A_724, %swap3A_725] : memref<128x128x128xf32, #tpu.memory_space<vmem>>, vector<1x128x128xf32>
    %swap3A_727 = vector.shape_cast %swap3A_726 : vector<1x128x128xf32> to vector<128x128xf32>
    %swap3A_728 = vector.shape_cast %select_n3A_722 : vector<128x128xf32> to vector<1x128x128xf32>
    tpu.vector_store %arg3[%swap3A_723, %swap3A_724, %swap3A_725], %swap3A_728 {strides = array<i32>} : memref<128x128x128xf32, #tpu.memory_space<vmem>>, vector<1x128x128xf32>,
    %get3A_729 = arith.constant 23 : index
    %get3A_730 = arith.constant 0 : index
    %get3A_731 = memref.load %arg1[%get3A_729, %get3A_730] : memref<128x4xi32, #tpu.memory_space<smem>>
    %get3A_732 = arith.constant 23 : index
    %get3A_733 = arith.constant 1 : index
    %get3A_734 = memref.load %arg1[%get3A_732, %get3A_733] : memref<128x4xi32, #tpu.memory_space<smem>>
    %get3A_735 = arith.constant 23 : index
    %get3A_736 = arith.constant 2 : index
    %get3A_737 = memref.load %arg1[%get3A_735, %get3A_736] : memref<128x4xi32, #tpu.memory_space<smem>>
    %get3A_738 = arith.constant 23 : index
    %get3A_739 = arith.constant 3 : index
    %get3A_740 = memref.load %arg1[%get3A_738, %get3A_739] : memref<128x4xi32, #tpu.memory_space<smem>>
    %sub3A_741 = vector.broadcast %get3A_734 : i32 to vector<128x128xi32>
    %sub3A_742 = arith.subi %iota3A, %sub3A_741 : vector<128x128xi32>
    %le3A_743 = vector.broadcast %get3A_740 : i32 to vector<128x128xi32>
    %le3A_744 = arith.cmpi ule, %sub3A_742, %le3A_743 : vector<128x128xi32>
    %sub3A_745 = vector.broadcast %get3A_731 : i32 to vector<128x128xi32>
    %sub3A_746 = arith.subi %iota3A_0, %sub3A_745 : vector<128x128xi32>
    %le3A_747 = vector.broadcast %get3A_737 : i32 to vector<128x128xi32>
    %le3A_748 = arith.cmpi ule, %sub3A_746, %le3A_747 : vector<128x128xi32>
    %and3A_749 = arith.andi %le3A_744, %le3A_748 : vector<128x128xi1>
    %jit3A_750 = arith.constant 1.000000e+00 : f32
    %jit3A_751 = arith.constant 0.000000e+00 : f32
    %broadcast_in_dim3A_752 = vector.broadcast %jit3A_750 : f32 to vector<128x128xf32>
    %broadcast_in_dim3A_753 = vector.broadcast %jit3A_751 : f32 to vector<128x128xf32>
    %select_n3A_754 = arith.select %and3A_749, %broadcast_in_dim3A_752, %broadcast_in_dim3A_753 : vector<128x128xi1>, vector<128x128xf32>
    %swap3A_755 = arith.constant 23 : index
    %swap3A_756 = arith.constant 0 : index
    %swap3A_757 = arith.constant 0 : index
    %swap3A_758 = vector.load %arg3[%swap3A_755, %swap3A_756, %swap3A_757] : memref<128x128x128xf32, #tpu.memory_space<vmem>>, vector<1x128x128xf32>
    %swap3A_759 = vector.shape_cast %swap3A_758 : vector<1x128x128xf32> to vector<128x128xf32>
    %swap3A_760 = vector.shape_cast %select_n3A_754 : vector<128x128xf32> to vector<1x128x128xf32>
    tpu.vector_store %arg3[%swap3A_755, %swap3A_756, %swap3A_757], %swap3A_760 {strides = array<i32>} : memref<128x128x128xf32, #tpu.memory_space<vmem>>, vector<1x128x128xf32>,
    %get3A_761 = arith.constant 24 : index
    %get3A_762 = arith.constant 0 : index
    %get3A_763 = memref.load %arg1[%get3A_761, %get3A_762] : memref<128x4xi32, #tpu.memory_space<smem>>
    %get3A_764 = arith.constant 24 : index
    %get3A_765 = arith.constant 1 : index
    %get3A_766 = memref.load %arg1[%get3A_764, %get3A_765] : memref<128x4xi32, #tpu.memory_space<smem>>
    %get3A_767 = arith.constant 24 : index
    %get3A_768 = arith.constant 2 : index
    %get3A_769 = memref.load %arg1[%get3A_767, %get3A_768] : memref<128x4xi32, #tpu.memory_space<smem>>
    %get3A_770 = arith.constant 24 : index
    %get3A_771 = arith.constant 3 : index
    %get3A_772 = memref.load %arg1[%get3A_770, %get3A_771] : memref<128x4xi32, #tpu.memory_space<smem>>
    %sub3A_773 = vector.broadcast %get3A_766 : i32 to vector<128x128xi32>
    %sub3A_774 = arith.subi %iota3A, %sub3A_773 : vector<128x128xi32>
    %le3A_775 = vector.broadcast %get3A_772 : i32 to vector<128x128xi32>
    %le3A_776 = arith.cmpi ule, %sub3A_774, %le3A_775 : vector<128x128xi32>
    %sub3A_777 = vector.broadcast %get3A_763 : i32 to vector<128x128xi32>
    %sub3A_778 = arith.subi %iota3A_0, %sub3A_777 : vector<128x128xi32>
    %le3A_779 = vector.broadcast %get3A_769 : i32 to vector<128x128xi32>
    %le3A_780 = arith.cmpi ule, %sub3A_778, %le3A_779 : vector<128x128xi32>
    %and3A_781 = arith.andi %le3A_776, %le3A_780 : vector<128x128xi1>
    %jit3A_782 = arith.constant 1.000000e+00 : f32
    %jit3A_783 = arith.constant 0.000000e+00 : f32
    %broadcast_in_dim3A_784 = vector.broadcast %jit3A_782 : f32 to vector<128x128xf32>
    %broadcast_in_dim3A_785 = vector.broadcast %jit3A_783 : f32 to vector<128x128xf32>
    %select_n3A_786 = arith.select %and3A_781, %broadcast_in_dim3A_784, %broadcast_in_dim3A_785 : vector<128x128xi1>, vector<128x128xf32>
    %swap3A_787 = arith.constant 24 : index
    %swap3A_788 = arith.constant 0 : index
    %swap3A_789 = arith.constant 0 : index
    %swap3A_790 = vector.load %arg3[%swap3A_787, %swap3A_788, %swap3A_789] : memref<128x128x128xf32, #tpu.memory_space<vmem>>, vector<1x128x128xf32>
    %swap3A_791 = vector.shape_cast %swap3A_790 : vector<1x128x128xf32> to vector<128x128xf32>
    %swap3A_792 = vector.shape_cast %select_n3A_786 : vector<128x128xf32> to vector<1x128x128xf32>
    tpu.vector_store %arg3[%swap3A_787, %swap3A_788, %swap3A_789], %swap3A_792 {strides = array<i32>} : memref<128x128x128xf32, #tpu.memory_space<vmem>>, vector<1x128x128xf32>,
    %get3A_793 = arith.constant 25 : index
    %get3A_794 = arith.constant 0 : index
    %get3A_795 = memref.load %arg1[%get3A_793, %get3A_794] : memref<128x4xi32, #tpu.memory_space<smem>>
    %get3A_796 = arith.constant 25 : index
    %get3A_797 = arith.constant 1 : index
    %get3A_798 = memref.load %arg1[%get3A_796, %get3A_797] : memref<128x4xi32, #tpu.memory_space<smem>>
    %get3A_799 = arith.constant 25 : index
    %get3A_800 = arith.constant 2 : index
    %get3A_801 = memref.load %arg1[%get3A_799, %get3A_800] : memref<128x4xi32, #tpu.memory_space<smem>>
    %get3A_802 = arith.constant 25 : index
    %get3A_803 = arith.constant 3 : index
    %get3A_804 = memref.load %arg1[%get3A_802, %get3A_803] : memref<128x4xi32, #tpu.memory_space<smem>>
    %sub3A_805 = vector.broadcast %get3A_798 : i32 to vector<128x128xi32>
    %sub3A_806 = arith.subi %iota3A, %sub3A_805 : vector<128x128xi32>
    %le3A_807 = vector.broadcast %get3A_804 : i32 to vector<128x128xi32>
    %le3A_808 = arith.cmpi ule, %sub3A_806, %le3A_807 : vector<128x128xi32>
    %sub3A_809 = vector.broadcast %get3A_795 : i32 to vector<128x128xi32>
    %sub3A_810 = arith.subi %iota3A_0, %sub3A_809 : vector<128x128xi32>
    %le3A_811 = vector.broadcast %get3A_801 : i32 to vector<128x128xi32>
    %le3A_812 = arith.cmpi ule, %sub3A_810, %le3A_811 : vector<128x128xi32>
    %and3A_813 = arith.andi %le3A_808, %le3A_812 : vector<128x128xi1>
    %jit3A_814 = arith.constant 1.000000e+00 : f32
    %jit3A_815 = arith.constant 0.000000e+00 : f32
    %broadcast_in_dim3A_816 = vector.broadcast %jit3A_814 : f32 to vector<128x128xf32>
    %broadcast_in_dim3A_817 = vector.broadcast %jit3A_815 : f32 to vector<128x128xf32>
    %select_n3A_818 = arith.select %and3A_813, %broadcast_in_dim3A_816, %broadcast_in_dim3A_817 : vector<128x128xi1>, vector<128x128xf32>
    %swap3A_819 = arith.constant 25 : index
    %swap3A_820 = arith.constant 0 : index
    %swap3A_821 = arith.constant 0 : index
    %swap3A_822 = vector.load %arg3[%swap3A_819, %swap3A_820, %swap3A_821] : memref<128x128x128xf32, #tpu.memory_space<vmem>>, vector<1x128x128xf32>
    %swap3A_823 = vector.shape_cast %swap3A_822 : vector<1x128x128xf32> to vector<128x128xf32>
    %swap3A_824 = vector.shape_cast %select_n3A_818 : vector<128x128xf32> to vector<1x128x128xf32>
    tpu.vector_store %arg3[%swap3A_819, %swap3A_820, %swap3A_821], %swap3A_824 {strides = array<i32>} : memref<128x128x128xf32, #tpu.memory_space<vmem>>, vector<1x128x128xf32>,
    %get3A_825 = arith.constant 26 : index
    %get3A_826 = arith.constant 0 : index
    %get3A_827 = memref.load %arg1[%get3A_825, %get3A_826] : memref<128x4xi32, #tpu.memory_space<smem>>
    %get3A_828 = arith.constant 26 : index
    %get3A_829 = arith.constant 1 : index
    %get3A_830 = memref.load %arg1[%get3A_828, %get3A_829] : memref<128x4xi32, #tpu.memory_space<smem>>
    %get3A_831 = arith.constant 26 : index
    %get3A_832 = arith.constant 2 : index
    %get3A_833 = memref.load %arg1[%get3A_831, %get3A_832] : memref<128x4xi32, #tpu.memory_space<smem>>
    %get3A_834 = arith.constant 26 : index
    %get3A_835 = arith.constant 3 : index
    %get3A_836 = memref.load %arg1[%get3A_834, %get3A_835] : memref<128x4xi32, #tpu.memory_space<smem>>
    %sub3A_837 = vector.broadcast %get3A_830 : i32 to vector<128x128xi32>
    %sub3A_838 = arith.subi %iota3A, %sub3A_837 : vector<128x128xi32>
    %le3A_839 = vector.broadcast %get3A_836 : i32 to vector<128x128xi32>
    %le3A_840 = arith.cmpi ule, %sub3A_838, %le3A_839 : vector<128x128xi32>
    %sub3A_841 = vector.broadcast %get3A_827 : i32 to vector<128x128xi32>
    %sub3A_842 = arith.subi %iota3A_0, %sub3A_841 : vector<128x128xi32>
    %le3A_843 = vector.broadcast %get3A_833 : i32 to vector<128x128xi32>
    %le3A_844 = arith.cmpi ule, %sub3A_842, %le3A_843 : vector<128x128xi32>
    %and3A_845 = arith.andi %le3A_840, %le3A_844 : vector<128x128xi1>
    %jit3A_846 = arith.constant 1.000000e+00 : f32
    %jit3A_847 = arith.constant 0.000000e+00 : f32
    %broadcast_in_dim3A_848 = vector.broadcast %jit3A_846 : f32 to vector<128x128xf32>
    %broadcast_in_dim3A_849 = vector.broadcast %jit3A_847 : f32 to vector<128x128xf32>
    %select_n3A_850 = arith.select %and3A_845, %broadcast_in_dim3A_848, %broadcast_in_dim3A_849 : vector<128x128xi1>, vector<128x128xf32>
    %swap3A_851 = arith.constant 26 : index
    %swap3A_852 = arith.constant 0 : index
    %swap3A_853 = arith.constant 0 : index
    %swap3A_854 = vector.load %arg3[%swap3A_851, %swap3A_852, %swap3A_853] : memref<128x128x128xf32, #tpu.memory_space<vmem>>, vector<1x128x128xf32>
    %swap3A_855 = vector.shape_cast %swap3A_854 : vector<1x128x128xf32> to vector<128x128xf32>
    %swap3A_856 = vector.shape_cast %select_n3A_850 : vector<128x128xf32> to vector<1x128x128xf32>
    tpu.vector_store %arg3[%swap3A_851, %swap3A_852, %swap3A_853], %swap3A_856 {strides = array<i32>} : memref<128x128x128xf32, #tpu.memory_space<vmem>>, vector<1x128x128xf32>,
    %get3A_857 = arith.constant 27 : index
    %get3A_858 = arith.constant 0 : index
    %get3A_859 = memref.load %arg1[%get3A_857, %get3A_858] : memref<128x4xi32, #tpu.memory_space<smem>>
    %get3A_860 = arith.constant 27 : index
    %get3A_861 = arith.constant 1 : index
    %get3A_862 = memref.load %arg1[%get3A_860, %get3A_861] : memref<128x4xi32, #tpu.memory_space<smem>>
    %get3A_863 = arith.constant 27 : index
    %get3A_864 = arith.constant 2 : index
    %get3A_865 = memref.load %arg1[%get3A_863, %get3A_864] : memref<128x4xi32, #tpu.memory_space<smem>>
    %get3A_866 = arith.constant 27 : index
    %get3A_867 = arith.constant 3 : index
    %get3A_868 = memref.load %arg1[%get3A_866, %get3A_867] : memref<128x4xi32, #tpu.memory_space<smem>>
    %sub3A_869 = vector.broadcast %get3A_862 : i32 to vector<128x128xi32>
    %sub3A_870 = arith.subi %iota3A, %sub3A_869 : vector<128x128xi32>
    %le3A_871 = vector.broadcast %get3A_868 : i32 to vector<128x128xi32>
    %le3A_872 = arith.cmpi ule, %sub3A_870, %le3A_871 : vector<128x128xi32>
    %sub3A_873 = vector.broadcast %get3A_859 : i32 to vector<128x128xi32>
    %sub3A_874 = arith.subi %iota3A_0, %sub3A_873 : vector<128x128xi32>
    %le3A_875 = vector.broadcast %get3A_865 : i32 to vector<128x128xi32>
    %le3A_876 = arith.cmpi ule, %sub3A_874, %le3A_875 : vector<128x128xi32>
    %and3A_877 = arith.andi %le3A_872, %le3A_876 : vector<128x128xi1>
    %jit3A_878 = arith.constant 1.000000e+00 : f32
    %jit3A_879 = arith.constant 0.000000e+00 : f32
    %broadcast_in_dim3A_880 = vector.broadcast %jit3A_878 : f32 to vector<128x128xf32>
    %broadcast_in_dim3A_881 = vector.broadcast %jit3A_879 : f32 to vector<128x128xf32>
    %select_n3A_882 = arith.select %and3A_877, %broadcast_in_dim3A_880, %broadcast_in_dim3A_881 : vector<128x128xi1>, vector<128x128xf32>
    %swap3A_883 = arith.constant 27 : index
    %swap3A_884 = arith.constant 0 : index
    %swap3A_885 = arith.constant 0 : index
    %swap3A_886 = vector.load %arg3[%swap3A_883, %swap3A_884, %swap3A_885] : memref<128x128x128xf32, #tpu.memory_space<vmem>>, vector<1x128x128xf32>
    %swap3A_887 = vector.shape_cast %swap3A_886 : vector<1x128x128xf32> to vector<128x128xf32>
    %swap3A_888 = vector.shape_cast %select_n3A_882 : vector<128x128xf32> to vector<1x128x128xf32>
    tpu.vector_store %arg3[%swap3A_883, %swap3A_884, %swap3A_885], %swap3A_888 {strides = array<i32>} : memref<128x128x128xf32, #tpu.memory_space<vmem>>, vector<1x128x128xf32>,
    %get3A_889 = arith.constant 28 : index
    %get3A_890 = arith.constant 0 : index
    %get3A_891 = memref.load %arg1[%get3A_889, %get3A_890] : memref<128x4xi32, #tpu.memory_space<smem>>
    %get3A_892 = arith.constant 28 : index
    %get3A_893 = arith.constant 1 : index
    %get3A_894 = memref.load %arg1[%get3A_892, %get3A_893] : memref<128x4xi32, #tpu.memory_space<smem>>
    %get3A_895 = arith.constant 28 : index
    %get3A_896 = arith.constant 2 : index
    %get3A_897 = memref.load %arg1[%get3A_895, %get3A_896] : memref<128x4xi32, #tpu.memory_space<smem>>
    %get3A_898 = arith.constant 28 : index
    %get3A_899 = arith.constant 3 : index
    %get3A_900 = memref.load %arg1[%get3A_898, %get3A_899] : memref<128x4xi32, #tpu.memory_space<smem>>
    %sub3A_901 = vector.broadcast %get3A_894 : i32 to vector<128x128xi32>
    %sub3A_902 = arith.subi %iota3A, %sub3A_901 : vector<128x128xi32>
    %le3A_903 = vector.broadcast %get3A_900 : i32 to vector<128x128xi32>
    %le3A_904 = arith.cmpi ule, %sub3A_902, %le3A_903 : vector<128x128xi32>
    %sub3A_905 = vector.broadcast %get3A_891 : i32 to vector<128x128xi32>
    %sub3A_906 = arith.subi %iota3A_0, %sub3A_905 : vector<128x128xi32>
    %le3A_907 = vector.broadcast %get3A_897 : i32 to vector<128x128xi32>
    %le3A_908 = arith.cmpi ule, %sub3A_906, %le3A_907 : vector<128x128xi32>
    %and3A_909 = arith.andi %le3A_904, %le3A_908 : vector<128x128xi1>
    %jit3A_910 = arith.constant 1.000000e+00 : f32
    %jit3A_911 = arith.constant 0.000000e+00 : f32
    %broadcast_in_dim3A_912 = vector.broadcast %jit3A_910 : f32 to vector<128x128xf32>
    %broadcast_in_dim3A_913 = vector.broadcast %jit3A_911 : f32 to vector<128x128xf32>
    %select_n3A_914 = arith.select %and3A_909, %broadcast_in_dim3A_912, %broadcast_in_dim3A_913 : vector<128x128xi1>, vector<128x128xf32>
    %swap3A_915 = arith.constant 28 : index
    %swap3A_916 = arith.constant 0 : index
    %swap3A_917 = arith.constant 0 : index
    %swap3A_918 = vector.load %arg3[%swap3A_915, %swap3A_916, %swap3A_917] : memref<128x128x128xf32, #tpu.memory_space<vmem>>, vector<1x128x128xf32>
    %swap3A_919 = vector.shape_cast %swap3A_918 : vector<1x128x128xf32> to vector<128x128xf32>
    %swap3A_920 = vector.shape_cast %select_n3A_914 : vector<128x128xf32> to vector<1x128x128xf32>
    tpu.vector_store %arg3[%swap3A_915, %swap3A_916, %swap3A_917], %swap3A_920 {strides = array<i32>} : memref<128x128x128xf32, #tpu.memory_space<vmem>>, vector<1x128x128xf32>,
    %get3A_921 = arith.constant 29 : index
    %get3A_922 = arith.constant 0 : index
    %get3A_923 = memref.load %arg1[%get3A_921, %get3A_922] : memref<128x4xi32, #tpu.memory_space<smem>>
    %get3A_924 = arith.constant 29 : index
    %get3A_925 = arith.constant 1 : index
    %get3A_926 = memref.load %arg1[%get3A_924, %get3A_925] : memref<128x4xi32, #tpu.memory_space<smem>>
    %get3A_927 = arith.constant 29 : index
    %get3A_928 = arith.constant 2 : index
    %get3A_929 = memref.load %arg1[%get3A_927, %get3A_928] : memref<128x4xi32, #tpu.memory_space<smem>>
    %get3A_930 = arith.constant 29 : index
    %get3A_931 = arith.constant 3 : index
    %get3A_932 = memref.load %arg1[%get3A_930, %get3A_931] : memref<128x4xi32, #tpu.memory_space<smem>>
    %sub3A_933 = vector.broadcast %get3A_926 : i32 to vector<128x128xi32>
    %sub3A_934 = arith.subi %iota3A, %sub3A_933 : vector<128x128xi32>
    %le3A_935 = vector.broadcast %get3A_932 : i32 to vector<128x128xi32>
    %le3A_936 = arith.cmpi ule, %sub3A_934, %le3A_935 : vector<128x128xi32>
    %sub3A_937 = vector.broadcast %get3A_923 : i32 to vector<128x128xi32>
    %sub3A_938 = arith.subi %iota3A_0, %sub3A_937 : vector<128x128xi32>
    %le3A_939 = vector.broadcast %get3A_929 : i32 to vector<128x128xi32>
    %le3A_940 = arith.cmpi ule, %sub3A_938, %le3A_939 : vector<128x128xi32>
    %and3A_941 = arith.andi %le3A_936, %le3A_940 : vector<128x128xi1>
    %jit3A_942 = arith.constant 1.000000e+00 : f32
    %jit3A_943 = arith.constant 0.000000e+00 : f32
    %broadcast_in_dim3A_944 = vector.broadcast %jit3A_942 : f32 to vector<128x128xf32>
    %broadcast_in_dim3A_945 = vector.broadcast %jit3A_943 : f32 to vector<128x128xf32>
    %select_n3A_946 = arith.select %and3A_941, %broadcast_in_dim3A_944, %broadcast_in_dim3A_945 : vector<128x128xi1>, vector<128x128xf32>
    %swap3A_947 = arith.constant 29 : index
    %swap3A_948 = arith.constant 0 : index
    %swap3A_949 = arith.constant 0 : index
    %swap3A_950 = vector.load %arg3[%swap3A_947, %swap3A_948, %swap3A_949] : memref<128x128x128xf32, #tpu.memory_space<vmem>>, vector<1x128x128xf32>
    %swap3A_951 = vector.shape_cast %swap3A_950 : vector<1x128x128xf32> to vector<128x128xf32>
    %swap3A_952 = vector.shape_cast %select_n3A_946 : vector<128x128xf32> to vector<1x128x128xf32>
    tpu.vector_store %arg3[%swap3A_947, %swap3A_948, %swap3A_949], %swap3A_952 {strides = array<i32>} : memref<128x128x128xf32, #tpu.memory_space<vmem>>, vector<1x128x128xf32>,
    %get3A_953 = arith.constant 30 : index
    %get3A_954 = arith.constant 0 : index
    %get3A_955 = memref.load %arg1[%get3A_953, %get3A_954] : memref<128x4xi32, #tpu.memory_space<smem>>
    %get3A_956 = arith.constant 30 : index
    %get3A_957 = arith.constant 1 : index
    %get3A_958 = memref.load %arg1[%get3A_956, %get3A_957] : memref<128x4xi32, #tpu.memory_space<smem>>
    %get3A_959 = arith.constant 30 : index
    %get3A_960 = arith.constant 2 : index
    %get3A_961 = memref.load %arg1[%get3A_959, %get3A_960] : memref<128x4xi32, #tpu.memory_space<smem>>
    %get3A_962 = arith.constant 30 : index
    %get3A_963 = arith.constant 3 : index
    %get3A_964 = memref.load %arg1[%get3A_962, %get3A_963] : memref<128x4xi32, #tpu.memory_space<smem>>
    %sub3A_965 = vector.broadcast %get3A_958 : i32 to vector<128x128xi32>
    %sub3A_966 = arith.subi %iota3A, %sub3A_965 : vector<128x128xi32>
    %le3A_967 = vector.broadcast %get3A_964 : i32 to vector<128x128xi32>
    %le3A_968 = arith.cmpi ule, %sub3A_966, %le3A_967 : vector<128x128xi32>
    %sub3A_969 = vector.broadcast %get3A_955 : i32 to vector<128x128xi32>
    %sub3A_970 = arith.subi %iota3A_0, %sub3A_969 : vector<128x128xi32>
    %le3A_971 = vector.broadcast %get3A_961 : i32 to vector<128x128xi32>
    %le3A_972 = arith.cmpi ule, %sub3A_970, %le3A_971 : vector<128x128xi32>
    %and3A_973 = arith.andi %le3A_968, %le3A_972 : vector<128x128xi1>
    %jit3A_974 = arith.constant 1.000000e+00 : f32
    %jit3A_975 = arith.constant 0.000000e+00 : f32
    %broadcast_in_dim3A_976 = vector.broadcast %jit3A_974 : f32 to vector<128x128xf32>
    %broadcast_in_dim3A_977 = vector.broadcast %jit3A_975 : f32 to vector<128x128xf32>
    %select_n3A_978 = arith.select %and3A_973, %broadcast_in_dim3A_976, %broadcast_in_dim3A_977 : vector<128x128xi1>, vector<128x128xf32>
    %swap3A_979 = arith.constant 30 : index
    %swap3A_980 = arith.constant 0 : index
    %swap3A_981 = arith.constant 0 : index
    %swap3A_982 = vector.load %arg3[%swap3A_979, %swap3A_980, %swap3A_981] : memref<128x128x128xf32, #tpu.memory_space<vmem>>, vector<1x128x128xf32>
    %swap3A_983 = vector.shape_cast %swap3A_982 : vector<1x128x128xf32> to vector<128x128xf32>
    %swap3A_984 = vector.shape_cast %select_n3A_978 : vector<128x128xf32> to vector<1x128x128xf32>
    tpu.vector_store %arg3[%swap3A_979, %swap3A_980, %swap3A_981], %swap3A_984 {strides = array<i32>} : memref<128x128x128xf32, #tpu.memory_space<vmem>>, vector<1x128x128xf32>,
    %get3A_985 = arith.constant 31 : index
    %get3A_986 = arith.constant 0 : index
    %get3A_987 = memref.load %arg1[%get3A_985, %get3A_986] : memref<128x4xi32, #tpu.memory_space<smem>>
    %get3A_988 = arith.constant 31 : index
    %get3A_989 = arith.constant 1 : index
    %get3A_990 = memref.load %arg1[%get3A_988, %get3A_989] : memref<128x4xi32, #tpu.memory_space<smem>>
    %get3A_991 = arith.constant 31 : index
    %get3A_992 = arith.constant 2 : index
    %get3A_993 = memref.load %arg1[%get3A_991, %get3A_992] : memref<128x4xi32, #tpu.memory_space<smem>>
    %get3A_994 = arith.constant 31 : index
    %get3A_995 = arith.constant 3 : index
    %get3A_996 = memref.load %arg1[%get3A_994, %get3A_995] : memref<128x4xi32, #tpu.memory_space<smem>>
    %sub3A_997 = vector.broadcast %get3A_990 : i32 to vector<128x128xi32>
    %sub3A_998 = arith.subi %iota3A, %sub3A_997 : vector<128x128xi32>
    %le3A_999 = vector.broadcast %get3A_996 : i32 to vector<128x128xi32>
    %le3A_1000 = arith.cmpi ule, %sub3A_998, %le3A_999 : vector<128x128xi32>
    %sub3A_1001 = vector.broadcast %get3A_987 : i32 to vector<128x128xi32>
    %sub3A_1002 = arith.subi %iota3A_0, %sub3A_1001 : vector<128x128xi32>
    %le3A_1003 = vector.broadcast %get3A_993 : i32 to vector<128x128xi32>
    %le3A_1004 = arith.cmpi ule, %sub3A_1002, %le3A_1003 : vector<128x128xi32>
    %and3A_1005 = arith.andi %le3A_1000, %le3A_1004 : vector<128x128xi1>
    %jit3A_1006 = arith.constant 1.000000e+00 : f32
    %jit3A_1007 = arith.constant 0.000000e+00 : f32
    %broadcast_in_dim3A_1008 = vector.broadcast %jit3A_1006 : f32 to vector<128x128xf32>
    %broadcast_in_dim3A_1009 = vector.broadcast %jit3A_1007 : f32 to vector<128x128xf32>
    %select_n3A_1010 = arith.select %and3A_1005, %broadcast_in_dim3A_1008, %broadcast_in_dim3A_1009 : vector<128x128xi1>, vector<128x128xf32>
    %swap3A_1011 = arith.constant 31 : index
    %swap3A_1012 = arith.constant 0 : index
    %swap3A_1013 = arith.constant 0 : index
    %swap3A_1014 = vector.load %arg3[%swap3A_1011, %swap3A_1012, %swap3A_1013] : memref<128x128x128xf32, #tpu.memory_space<vmem>>, vector<1x128x128xf32>
    %swap3A_1015 = vector.shape_cast %swap3A_1014 : vector<1x128x128xf32> to vector<128x128xf32>
    %swap3A_1016 = vector.shape_cast %select_n3A_1010 : vector<128x128xf32> to vector<1x128x128xf32>
    tpu.vector_store %arg3[%swap3A_1011, %swap3A_1012, %swap3A_1013], %swap3A_1016 {strides = array<i32>} : memref<128x128x128xf32, #tpu.memory_space<vmem>>, vector<1x128x128xf32>,
    %get3A_1017 = arith.constant 32 : index
    %get3A_1018 = arith.constant 0 : index
    %get3A_1019 = memref.load %arg1[%get3A_1017, %get3A_1018] : memref<128x4xi32, #tpu.memory_space<smem>>
    %get3A_1020 = arith.constant 32 : index
    %get3A_1021 = arith.constant 1 : index
    %get3A_1022 = memref.load %arg1[%get3A_1020, %get3A_1021] : memref<128x4xi32, #tpu.memory_space<smem>>
    %get3A_1023 = arith.constant 32 : index
    %get3A_1024 = arith.constant 2 : index
    %get3A_1025 = memref.load %arg1[%get3A_1023, %get3A_1024] : memref<128x4xi32, #tpu.memory_space<smem>>
    %get3A_1026 = arith.constant 32 : index
    %get3A_1027 = arith.constant 3 : index
    %get3A_1028 = memref.load %arg1[%get3A_1026, %get3A_1027] : memref<128x4xi32, #tpu.memory_space<smem>>
    %sub3A_1029 = vector.broadcast %get3A_1022 : i32 to vector<128x128xi32>
    %sub3A_1030 = arith.subi %iota3A, %sub3A_1029 : vector<128x128xi32>
    %le3A_1031 = vector.broadcast %get3A_1028 : i32 to vector<128x128xi32>
    %le3A_1032 = arith.cmpi ule, %sub3A_1030, %le3A_1031 : vector<128x128xi32>
    %sub3A_1033 = vector.broadcast %get3A_1019 : i32 to vector<128x128xi32>
    %sub3A_1034 = arith.subi %iota3A_0, %sub3A_1033 : vector<128x128xi32>
    %le3A_1035 = vector.broadcast %get3A_1025 : i32 to vector<128x128xi32>
    %le3A_1036 = arith.cmpi ule, %sub3A_1034, %le3A_1035 : vector<128x128xi32>
    %and3A_1037 = arith.andi %le3A_1032, %le3A_1036 : vector<128x128xi1>
    %jit3A_1038 = arith.constant 1.000000e+00 : f32
    %jit3A_1039 = arith.constant 0.000000e+00 : f32
    %broadcast_in_dim3A_1040 = vector.broadcast %jit3A_1038 : f32 to vector<128x128xf32>
    %broadcast_in_dim3A_1041 = vector.broadcast %jit3A_1039 : f32 to vector<128x128xf32>
    %select_n3A_1042 = arith.select %and3A_1037, %broadcast_in_dim3A_1040, %broadcast_in_dim3A_1041 : vector<128x128xi1>, vector<128x128xf32>
    %swap3A_1043 = arith.constant 32 : index
    %swap3A_1044 = arith.constant 0 : index
    %swap3A_1045 = arith.constant 0 : index
    %swap3A_1046 = vector.load %arg3[%swap3A_1043, %swap3A_1044, %swap3A_1045] : memref<128x128x128xf32, #tpu.memory_space<vmem>>, vector<1x128x128xf32>
    %swap3A_1047 = vector.shape_cast %swap3A_1046 : vector<1x128x128xf32> to vector<128x128xf32>
    %swap3A_1048 = vector.shape_cast %select_n3A_1042 : vector<128x128xf32> to vector<1x128x128xf32>
    tpu.vector_store %arg3[%swap3A_1043, %swap3A_1044, %swap3A_1045], %swap3A_1048 {strides = array<i32>} : memref<128x128x128xf32, #tpu.memory_space<vmem>>, vector<1x128x128xf32>,
    %get3A_1049 = arith.constant 33 : index
    %get3A_1050 = arith.constant 0 : index
    %get3A_1051 = memref.load %arg1[%get3A_1049, %get3A_1050] : memref<128x4xi32, #tpu.memory_space<smem>>
    %get3A_1052 = arith.constant 33 : index
    %get3A_1053 = arith.constant 1 : index
    %get3A_1054 = memref.load %arg1[%get3A_1052, %get3A_1053] : memref<128x4xi32, #tpu.memory_space<smem>>
    %get3A_1055 = arith.constant 33 : index
    %get3A_1056 = arith.constant 2 : index
    %get3A_1057 = memref.load %arg1[%get3A_1055, %get3A_1056] : memref<128x4xi32, #tpu.memory_space<smem>>
    %get3A_1058 = arith.constant 33 : index
    %get3A_1059 = arith.constant 3 : index
    %get3A_1060 = memref.load %arg1[%get3A_1058, %get3A_1059] : memref<128x4xi32, #tpu.memory_space<smem>>
    %sub3A_1061 = vector.broadcast %get3A_1054 : i32 to vector<128x128xi32>
    %sub3A_1062 = arith.subi %iota3A, %sub3A_1061 : vector<128x128xi32>
    %le3A_1063 = vector.broadcast %get3A_1060 : i32 to vector<128x128xi32>
    %le3A_1064 = arith.cmpi ule, %sub3A_1062, %le3A_1063 : vector<128x128xi32>
    %sub3A_1065 = vector.broadcast %get3A_1051 : i32 to vector<128x128xi32>
    %sub3A_1066 = arith.subi %iota3A_0, %sub3A_1065 : vector<128x128xi32>
    %le3A_1067 = vector.broadcast %get3A_1057 : i32 to vector<128x128xi32>
    %le3A_1068 = arith.cmpi ule, %sub3A_1066, %le3A_1067 : vector<128x128xi32>
    %and3A_1069 = arith.andi %le3A_1064, %le3A_1068 : vector<128x128xi1>
    %jit3A_1070 = arith.constant 1.000000e+00 : f32
    %jit3A_1071 = arith.constant 0.000000e+00 : f32
    %broadcast_in_dim3A_1072 = vector.broadcast %jit3A_1070 : f32 to vector<128x128xf32>
    %broadcast_in_dim3A_1073 = vector.broadcast %jit3A_1071 : f32 to vector<128x128xf32>
    %select_n3A_1074 = arith.select %and3A_1069, %broadcast_in_dim3A_1072, %broadcast_in_dim3A_1073 : vector<128x128xi1>, vector<128x128xf32>
    %swap3A_1075 = arith.constant 33 : index
    %swap3A_1076 = arith.constant 0 : index
    %swap3A_1077 = arith.constant 0 : index
    %swap3A_1078 = vector.load %arg3[%swap3A_1075, %swap3A_1076, %swap3A_1077] : memref<128x128x128xf32, #tpu.memory_space<vmem>>, vector<1x128x128xf32>
    %swap3A_1079 = vector.shape_cast %swap3A_1078 : vector<1x128x128xf32> to vector<128x128xf32>
    %swap3A_1080 = vector.shape_cast %select_n3A_1074 : vector<128x128xf32> to vector<1x128x128xf32>
    tpu.vector_store %arg3[%swap3A_1075, %swap3A_1076, %swap3A_1077], %swap3A_1080 {strides = array<i32>} : memref<128x128x128xf32, #tpu.memory_space<vmem>>, vector<1x128x128xf32>,
    %get3A_1081 = arith.constant 34 : index
    %get3A_1082 = arith.constant 0 : index
    %get3A_1083 = memref.load %arg1[%get3A_1081, %get3A_1082] : memref<128x4xi32, #tpu.memory_space<smem>>
    %get3A_1084 = arith.constant 34 : index
    %get3A_1085 = arith.constant 1 : index
    %get3A_1086 = memref.load %arg1[%get3A_1084, %get3A_1085] : memref<128x4xi32, #tpu.memory_space<smem>>
    %get3A_1087 = arith.constant 34 : index
    %get3A_1088 = arith.constant 2 : index
    %get3A_1089 = memref.load %arg1[%get3A_1087, %get3A_1088] : memref<128x4xi32, #tpu.memory_space<smem>>
    %get3A_1090 = arith.constant 34 : index
    %get3A_1091 = arith.constant 3 : index
    %get3A_1092 = memref.load %arg1[%get3A_1090, %get3A_1091] : memref<128x4xi32, #tpu.memory_space<smem>>
    %sub3A_1093 = vector.broadcast %get3A_1086 : i32 to vector<128x128xi32>
    %sub3A_1094 = arith.subi %iota3A, %sub3A_1093 : vector<128x128xi32>
    %le3A_1095 = vector.broadcast %get3A_1092 : i32 to vector<128x128xi32>
    %le3A_1096 = arith.cmpi ule, %sub3A_1094, %le3A_1095 : vector<128x128xi32>
    %sub3A_1097 = vector.broadcast %get3A_1083 : i32 to vector<128x128xi32>
    %sub3A_1098 = arith.subi %iota3A_0, %sub3A_1097 : vector<128x128xi32>
    %le3A_1099 = vector.broadcast %get3A_1089 : i32 to vector<128x128xi32>
    %le3A_1100 = arith.cmpi ule, %sub3A_1098, %le3A_1099 : vector<128x128xi32>
    %and3A_1101 = arith.andi %le3A_1096, %le3A_1100 : vector<128x128xi1>
    %jit3A_1102 = arith.constant 1.000000e+00 : f32
    %jit3A_1103 = arith.constant 0.000000e+00 : f32
    %broadcast_in_dim3A_1104 = vector.broadcast %jit3A_1102 : f32 to vector<128x128xf32>
    %broadcast_in_dim3A_1105 = vector.broadcast %jit3A_1103 : f32 to vector<128x128xf32>
    %select_n3A_1106 = arith.select %and3A_1101, %broadcast_in_dim3A_1104, %broadcast_in_dim3A_1105 : vector<128x128xi1>, vector<128x128xf32>
    %swap3A_1107 = arith.constant 34 : index
    %swap3A_1108 = arith.constant 0 : index
    %swap3A_1109 = arith.constant 0 : index
    %swap3A_1110 = vector.load %arg3[%swap3A_1107, %swap3A_1108, %swap3A_1109] : memref<128x128x128xf32, #tpu.memory_space<vmem>>, vector<1x128x128xf32>
    %swap3A_1111 = vector.shape_cast %swap3A_1110 : vector<1x128x128xf32> to vector<128x128xf32>
    %swap3A_1112 = vector.shape_cast %select_n3A_1106 : vector<128x128xf32> to vector<1x128x128xf32>
    tpu.vector_store %arg3[%swap3A_1107, %swap3A_1108, %swap3A_1109], %swap3A_1112 {strides = array<i32>} : memref<128x128x128xf32, #tpu.memory_space<vmem>>, vector<1x128x128xf32>,
    %get3A_1113 = arith.constant 35 : index
    %get3A_1114 = arith.constant 0 : index
    %get3A_1115 = memref.load %arg1[%get3A_1113, %get3A_1114] : memref<128x4xi32, #tpu.memory_space<smem>>
    %get3A_1116 = arith.constant 35 : index
    %get3A_1117 = arith.constant 1 : index
    %get3A_1118 = memref.load %arg1[%get3A_1116, %get3A_1117] : memref<128x4xi32, #tpu.memory_space<smem>>
    %get3A_1119 = arith.constant 35 : index
    %get3A_1120 = arith.constant 2 : index
    %get3A_1121 = memref.load %arg1[%get3A_1119, %get3A_1120] : memref<128x4xi32, #tpu.memory_space<smem>>
    %get3A_1122 = arith.constant 35 : index
    %get3A_1123 = arith.constant 3 : index
    %get3A_1124 = memref.load %arg1[%get3A_1122, %get3A_1123] : memref<128x4xi32, #tpu.memory_space<smem>>
    %sub3A_1125 = vector.broadcast %get3A_1118 : i32 to vector<128x128xi32>
    %sub3A_1126 = arith.subi %iota3A, %sub3A_1125 : vector<128x128xi32>
    %le3A_1127 = vector.broadcast %get3A_1124 : i32 to vector<128x128xi32>
    %le3A_1128 = arith.cmpi ule, %sub3A_1126, %le3A_1127 : vector<128x128xi32>
    %sub3A_1129 = vector.broadcast %get3A_1115 : i32 to vector<128x128xi32>
    %sub3A_1130 = arith.subi %iota3A_0, %sub3A_1129 : vector<128x128xi32>
    %le3A_1131 = vector.broadcast %get3A_1121 : i32 to vector<128x128xi32>
    %le3A_1132 = arith.cmpi ule, %sub3A_1130, %le3A_1131 : vector<128x128xi32>
    %and3A_1133 = arith.andi %le3A_1128, %le3A_1132 : vector<128x128xi1>
    %jit3A_1134 = arith.constant 1.000000e+00 : f32
    %jit3A_1135 = arith.constant 0.000000e+00 : f32
    %broadcast_in_dim3A_1136 = vector.broadcast %jit3A_1134 : f32 to vector<128x128xf32>
    %broadcast_in_dim3A_1137 = vector.broadcast %jit3A_1135 : f32 to vector<128x128xf32>
    %select_n3A_1138 = arith.select %and3A_1133, %broadcast_in_dim3A_1136, %broadcast_in_dim3A_1137 : vector<128x128xi1>, vector<128x128xf32>
    %swap3A_1139 = arith.constant 35 : index
    %swap3A_1140 = arith.constant 0 : index
    %swap3A_1141 = arith.constant 0 : index
    %swap3A_1142 = vector.load %arg3[%swap3A_1139, %swap3A_1140, %swap3A_1141] : memref<128x128x128xf32, #tpu.memory_space<vmem>>, vector<1x128x128xf32>
    %swap3A_1143 = vector.shape_cast %swap3A_1142 : vector<1x128x128xf32> to vector<128x128xf32>
    %swap3A_1144 = vector.shape_cast %select_n3A_1138 : vector<128x128xf32> to vector<1x128x128xf32>
    tpu.vector_store %arg3[%swap3A_1139, %swap3A_1140, %swap3A_1141], %swap3A_1144 {strides = array<i32>} : memref<128x128x128xf32, #tpu.memory_space<vmem>>, vector<1x128x128xf32>,
    %get3A_1145 = arith.constant 36 : index
    %get3A_1146 = arith.constant 0 : index
    %get3A_1147 = memref.load %arg1[%get3A_1145, %get3A_1146] : memref<128x4xi32, #tpu.memory_space<smem>>
    %get3A_1148 = arith.constant 36 : index
    %get3A_1149 = arith.constant 1 : index
    %get3A_1150 = memref.load %arg1[%get3A_1148, %get3A_1149] : memref<128x4xi32, #tpu.memory_space<smem>>
    %get3A_1151 = arith.constant 36 : index
    %get3A_1152 = arith.constant 2 : index
    %get3A_1153 = memref.load %arg1[%get3A_1151, %get3A_1152] : memref<128x4xi32, #tpu.memory_space<smem>>
    %get3A_1154 = arith.constant 36 : index
    %get3A_1155 = arith.constant 3 : index
    %get3A_1156 = memref.load %arg1[%get3A_1154, %get3A_1155] : memref<128x4xi32, #tpu.memory_space<smem>>
    %sub3A_1157 = vector.broadcast %get3A_1150 : i32 to vector<128x128xi32>
    %sub3A_1158 = arith.subi %iota3A, %sub3A_1157 : vector<128x128xi32>
    %le3A_1159 = vector.broadcast %get3A_1156 : i32 to vector<128x128xi32>
    %le3A_1160 = arith.cmpi ule, %sub3A_1158, %le3A_1159 : vector<128x128xi32>
    %sub3A_1161 = vector.broadcast %get3A_1147 : i32 to vector<128x128xi32>
    %sub3A_1162 = arith.subi %iota3A_0, %sub3A_1161 : vector<128x128xi32>
    %le3A_1163 = vector.broadcast %get3A_1153 : i32 to vector<128x128xi32>
    %le3A_1164 = arith.cmpi ule, %sub3A_1162, %le3A_1163 : vector<128x128xi32>
    %and3A_1165 = arith.andi %le3A_1160, %le3A_1164 : vector<128x128xi1>
    %jit3A_1166 = arith.constant 1.000000e+00 : f32
    %jit3A_1167 = arith.constant 0.000000e+00 : f32
    %broadcast_in_dim3A_1168 = vector.broadcast %jit3A_1166 : f32 to vector<128x128xf32>
    %broadcast_in_dim3A_1169 = vector.broadcast %jit3A_1167 : f32 to vector<128x128xf32>
    %select_n3A_1170 = arith.select %and3A_1165, %broadcast_in_dim3A_1168, %broadcast_in_dim3A_1169 : vector<128x128xi1>, vector<128x128xf32>
    %swap3A_1171 = arith.constant 36 : index
    %swap3A_1172 = arith.constant 0 : index
    %swap3A_1173 = arith.constant 0 : index
    %swap3A_1174 = vector.load %arg3[%swap3A_1171, %swap3A_1172, %swap3A_1173] : memref<128x128x128xf32, #tpu.memory_space<vmem>>, vector<1x128x128xf32>
    %swap3A_1175 = vector.shape_cast %swap3A_1174 : vector<1x128x128xf32> to vector<128x128xf32>
    %swap3A_1176 = vector.shape_cast %select_n3A_1170 : vector<128x128xf32> to vector<1x128x128xf32>
    tpu.vector_store %arg3[%swap3A_1171, %swap3A_1172, %swap3A_1173], %swap3A_1176 {strides = array<i32>} : memref<128x128x128xf32, #tpu.memory_space<vmem>>, vector<1x128x128xf32>,
    %get3A_1177 = arith.constant 37 : index
    %get3A_1178 = arith.constant 0 : index
    %get3A_1179 = memref.load %arg1[%get3A_1177, %get3A_1178] : memref<128x4xi32, #tpu.memory_space<smem>>
    %get3A_1180 = arith.constant 37 : index
    %get3A_1181 = arith.constant 1 : index
    %get3A_1182 = memref.load %arg1[%get3A_1180, %get3A_1181] : memref<128x4xi32, #tpu.memory_space<smem>>
    %get3A_1183 = arith.constant 37 : index
    %get3A_1184 = arith.constant 2 : index
    %get3A_1185 = memref.load %arg1[%get3A_1183, %get3A_1184] : memref<128x4xi32, #tpu.memory_space<smem>>
    %get3A_1186 = arith.constant 37 : index
    %get3A_1187 = arith.constant 3 : index
    %get3A_1188 = memref.load %arg1[%get3A_1186, %get3A_1187] : memref<128x4xi32, #tpu.memory_space<smem>>
    %sub3A_1189 = vector.broadcast %get3A_1182 : i32 to vector<128x128xi32>
    %sub3A_1190 = arith.subi %iota3A, %sub3A_1189 : vector<128x128xi32>
    %le3A_1191 = vector.broadcast %get3A_1188 : i32 to vector<128x128xi32>
    %le3A_1192 = arith.cmpi ule, %sub3A_1190, %le3A_1191 : vector<128x128xi32>
    %sub3A_1193 = vector.broadcast %get3A_1179 : i32 to vector<128x128xi32>
    %sub3A_1194 = arith.subi %iota3A_0, %sub3A_1193 : vector<128x128xi32>
    %le3A_1195 = vector.broadcast %get3A_1185 : i32 to vector<128x128xi32>
    %le3A_1196 = arith.cmpi ule, %sub3A_1194, %le3A_1195 : vector<128x128xi32>
    %and3A_1197 = arith.andi %le3A_1192, %le3A_1196 : vector<128x128xi1>
    %jit3A_1198 = arith.constant 1.000000e+00 : f32
    %jit3A_1199 = arith.constant 0.000000e+00 : f32
    %broadcast_in_dim3A_1200 = vector.broadcast %jit3A_1198 : f32 to vector<128x128xf32>
    %broadcast_in_dim3A_1201 = vector.broadcast %jit3A_1199 : f32 to vector<128x128xf32>
    %select_n3A_1202 = arith.select %and3A_1197, %broadcast_in_dim3A_1200, %broadcast_in_dim3A_1201 : vector<128x128xi1>, vector<128x128xf32>
    %swap3A_1203 = arith.constant 37 : index
    %swap3A_1204 = arith.constant 0 : index
    %swap3A_1205 = arith.constant 0 : index
    %swap3A_1206 = vector.load %arg3[%swap3A_1203, %swap3A_1204, %swap3A_1205] : memref<128x128x128xf32, #tpu.memory_space<vmem>>, vector<1x128x128xf32>
    %swap3A_1207 = vector.shape_cast %swap3A_1206 : vector<1x128x128xf32> to vector<128x128xf32>
    %swap3A_1208 = vector.shape_cast %select_n3A_1202 : vector<128x128xf32> to vector<1x128x128xf32>
    tpu.vector_store %arg3[%swap3A_1203, %swap3A_1204, %swap3A_1205], %swap3A_1208 {strides = array<i32>} : memref<128x128x128xf32, #tpu.memory_space<vmem>>, vector<1x128x128xf32>,
    %get3A_1209 = arith.constant 38 : index
    %get3A_1210 = arith.constant 0 : index
    %get3A_1211 = memref.load %arg1[%get3A_1209, %get3A_1210] : memref<128x4xi32, #tpu.memory_space<smem>>
    %get3A_1212 = arith.constant 38 : index
    %get3A_1213 = arith.constant 1 : index
    %get3A_1214 = memref.load %arg1[%get3A_1212, %get3A_1213] : memref<128x4xi32, #tpu.memory_space<smem>>
    %get3A_1215 = arith.constant 38 : index
    %get3A_1216 = arith.constant 2 : index
    %get3A_1217 = memref.load %arg1[%get3A_1215, %get3A_1216] : memref<128x4xi32, #tpu.memory_space<smem>>
    %get3A_1218 = arith.constant 38 : index
    %get3A_1219 = arith.constant 3 : index
    %get3A_1220 = memref.load %arg1[%get3A_1218, %get3A_1219] : memref<128x4xi32, #tpu.memory_space<smem>>
    %sub3A_1221 = vector.broadcast %get3A_1214 : i32 to vector<128x128xi32>
    %sub3A_1222 = arith.subi %iota3A, %sub3A_1221 : vector<128x128xi32>
    %le3A_1223 = vector.broadcast %get3A_1220 : i32 to vector<128x128xi32>
    %le3A_1224 = arith.cmpi ule, %sub3A_1222, %le3A_1223 : vector<128x128xi32>
    %sub3A_1225 = vector.broadcast %get3A_1211 : i32 to vector<128x128xi32>
    %sub3A_1226 = arith.subi %iota3A_0, %sub3A_1225 : vector<128x128xi32>
    %le3A_1227 = vector.broadcast %get3A_1217 : i32 to vector<128x128xi32>
    %le3A_1228 = arith.cmpi ule, %sub3A_1226, %le3A_1227 : vector<128x128xi32>
    %and3A_1229 = arith.andi %le3A_1224, %le3A_1228 : vector<128x128xi1>
    %jit3A_1230 = arith.constant 1.000000e+00 : f32
    %jit3A_1231 = arith.constant 0.000000e+00 : f32
    %broadcast_in_dim3A_1232 = vector.broadcast %jit3A_1230 : f32 to vector<128x128xf32>
    %broadcast_in_dim3A_1233 = vector.broadcast %jit3A_1231 : f32 to vector<128x128xf32>
    %select_n3A_1234 = arith.select %and3A_1229, %broadcast_in_dim3A_1232, %broadcast_in_dim3A_1233 : vector<128x128xi1>, vector<128x128xf32>
    %swap3A_1235 = arith.constant 38 : index
    %swap3A_1236 = arith.constant 0 : index
    %swap3A_1237 = arith.constant 0 : index
    %swap3A_1238 = vector.load %arg3[%swap3A_1235, %swap3A_1236, %swap3A_1237] : memref<128x128x128xf32, #tpu.memory_space<vmem>>, vector<1x128x128xf32>
    %swap3A_1239 = vector.shape_cast %swap3A_1238 : vector<1x128x128xf32> to vector<128x128xf32>
    %swap3A_1240 = vector.shape_cast %select_n3A_1234 : vector<128x128xf32> to vector<1x128x128xf32>
    tpu.vector_store %arg3[%swap3A_1235, %swap3A_1236, %swap3A_1237], %swap3A_1240 {strides = array<i32>} : memref<128x128x128xf32, #tpu.memory_space<vmem>>, vector<1x128x128xf32>,
    %get3A_1241 = arith.constant 39 : index
    %get3A_1242 = arith.constant 0 : index
    %get3A_1243 = memref.load %arg1[%get3A_1241, %get3A_1242] : memref<128x4xi32, #tpu.memory_space<smem>>
    %get3A_1244 = arith.constant 39 : index
    %get3A_1245 = arith.constant 1 : index
    %get3A_1246 = memref.load %arg1[%get3A_1244, %get3A_1245] : memref<128x4xi32, #tpu.memory_space<smem>>
    %get3A_1247 = arith.constant 39 : index
    %get3A_1248 = arith.constant 2 : index
    %get3A_1249 = memref.load %arg1[%get3A_1247, %get3A_1248] : memref<128x4xi32, #tpu.memory_space<smem>>
    %get3A_1250 = arith.constant 39 : index
    %get3A_1251 = arith.constant 3 : index
    %get3A_1252 = memref.load %arg1[%get3A_1250, %get3A_1251] : memref<128x4xi32, #tpu.memory_space<smem>>
    %sub3A_1253 = vector.broadcast %get3A_1246 : i32 to vector<128x128xi32>
    %sub3A_1254 = arith.subi %iota3A, %sub3A_1253 : vector<128x128xi32>
    %le3A_1255 = vector.broadcast %get3A_1252 : i32 to vector<128x128xi32>
    %le3A_1256 = arith.cmpi ule, %sub3A_1254, %le3A_1255 : vector<128x128xi32>
    %sub3A_1257 = vector.broadcast %get3A_1243 : i32 to vector<128x128xi32>
    %sub3A_1258 = arith.subi %iota3A_0, %sub3A_1257 : vector<128x128xi32>
    %le3A_1259 = vector.broadcast %get3A_1249 : i32 to vector<128x128xi32>
    %le3A_1260 = arith.cmpi ule, %sub3A_1258, %le3A_1259 : vector<128x128xi32>
    %and3A_1261 = arith.andi %le3A_1256, %le3A_1260 : vector<128x128xi1>
    %jit3A_1262 = arith.constant 1.000000e+00 : f32
    %jit3A_1263 = arith.constant 0.000000e+00 : f32
    %broadcast_in_dim3A_1264 = vector.broadcast %jit3A_1262 : f32 to vector<128x128xf32>
    %broadcast_in_dim3A_1265 = vector.broadcast %jit3A_1263 : f32 to vector<128x128xf32>
    %select_n3A_1266 = arith.select %and3A_1261, %broadcast_in_dim3A_1264, %broadcast_in_dim3A_1265 : vector<128x128xi1>, vector<128x128xf32>
    %swap3A_1267 = arith.constant 39 : index
    %swap3A_1268 = arith.constant 0 : index
    %swap3A_1269 = arith.constant 0 : index
    %swap3A_1270 = vector.load %arg3[%swap3A_1267, %swap3A_1268, %swap3A_1269] : memref<128x128x128xf32, #tpu.memory_space<vmem>>, vector<1x128x128xf32>
    %swap3A_1271 = vector.shape_cast %swap3A_1270 : vector<1x128x128xf32> to vector<128x128xf32>
    %swap3A_1272 = vector.shape_cast %select_n3A_1266 : vector<128x128xf32> to vector<1x128x128xf32>
    tpu.vector_store %arg3[%swap3A_1267, %swap3A_1268, %swap3A_1269], %swap3A_1272 {strides = array<i32>} : memref<128x128x128xf32, #tpu.memory_space<vmem>>, vector<1x128x128xf32>,
    %get3A_1273 = arith.constant 40 : index
    %get3A_1274 = arith.constant 0 : index
    %get3A_1275 = memref.load %arg1[%get3A_1273, %get3A_1274] : memref<128x4xi32, #tpu.memory_space<smem>>
    %get3A_1276 = arith.constant 40 : index
    %get3A_1277 = arith.constant 1 : index
    %get3A_1278 = memref.load %arg1[%get3A_1276, %get3A_1277] : memref<128x4xi32, #tpu.memory_space<smem>>
    %get3A_1279 = arith.constant 40 : index
    %get3A_1280 = arith.constant 2 : index
    %get3A_1281 = memref.load %arg1[%get3A_1279, %get3A_1280] : memref<128x4xi32, #tpu.memory_space<smem>>
    %get3A_1282 = arith.constant 40 : index
    %get3A_1283 = arith.constant 3 : index
    %get3A_1284 = memref.load %arg1[%get3A_1282, %get3A_1283] : memref<128x4xi32, #tpu.memory_space<smem>>
    %sub3A_1285 = vector.broadcast %get3A_1278 : i32 to vector<128x128xi32>
    %sub3A_1286 = arith.subi %iota3A, %sub3A_1285 : vector<128x128xi32>
    %le3A_1287 = vector.broadcast %get3A_1284 : i32 to vector<128x128xi32>
    %le3A_1288 = arith.cmpi ule, %sub3A_1286, %le3A_1287 : vector<128x128xi32>
    %sub3A_1289 = vector.broadcast %get3A_1275 : i32 to vector<128x128xi32>
    %sub3A_1290 = arith.subi %iota3A_0, %sub3A_1289 : vector<128x128xi32>
    %le3A_1291 = vector.broadcast %get3A_1281 : i32 to vector<128x128xi32>
    %le3A_1292 = arith.cmpi ule, %sub3A_1290, %le3A_1291 : vector<128x128xi32>
    %and3A_1293 = arith.andi %le3A_1288, %le3A_1292 : vector<128x128xi1>
    %jit3A_1294 = arith.constant 1.000000e+00 : f32
    %jit3A_1295 = arith.constant 0.000000e+00 : f32
    %broadcast_in_dim3A_1296 = vector.broadcast %jit3A_1294 : f32 to vector<128x128xf32>
    %broadcast_in_dim3A_1297 = vector.broadcast %jit3A_1295 : f32 to vector<128x128xf32>
    %select_n3A_1298 = arith.select %and3A_1293, %broadcast_in_dim3A_1296, %broadcast_in_dim3A_1297 : vector<128x128xi1>, vector<128x128xf32>
    %swap3A_1299 = arith.constant 40 : index
    %swap3A_1300 = arith.constant 0 : index
    %swap3A_1301 = arith.constant 0 : index
    %swap3A_1302 = vector.load %arg3[%swap3A_1299, %swap3A_1300, %swap3A_1301] : memref<128x128x128xf32, #tpu.memory_space<vmem>>, vector<1x128x128xf32>
    %swap3A_1303 = vector.shape_cast %swap3A_1302 : vector<1x128x128xf32> to vector<128x128xf32>
    %swap3A_1304 = vector.shape_cast %select_n3A_1298 : vector<128x128xf32> to vector<1x128x128xf32>
    tpu.vector_store %arg3[%swap3A_1299, %swap3A_1300, %swap3A_1301], %swap3A_1304 {strides = array<i32>} : memref<128x128x128xf32, #tpu.memory_space<vmem>>, vector<1x128x128xf32>,
    %get3A_1305 = arith.constant 41 : index
    %get3A_1306 = arith.constant 0 : index
    %get3A_1307 = memref.load %arg1[%get3A_1305, %get3A_1306] : memref<128x4xi32, #tpu.memory_space<smem>>
    %get3A_1308 = arith.constant 41 : index
    %get3A_1309 = arith.constant 1 : index
    %get3A_1310 = memref.load %arg1[%get3A_1308, %get3A_1309] : memref<128x4xi32, #tpu.memory_space<smem>>
    %get3A_1311 = arith.constant 41 : index
    %get3A_1312 = arith.constant 2 : index
    %get3A_1313 = memref.load %arg1[%get3A_1311, %get3A_1312] : memref<128x4xi32, #tpu.memory_space<smem>>
    %get3A_1314 = arith.constant 41 : index
    %get3A_1315 = arith.constant 3 : index
    %get3A_1316 = memref.load %arg1[%get3A_1314, %get3A_1315] : memref<128x4xi32, #tpu.memory_space<smem>>
    %sub3A_1317 = vector.broadcast %get3A_1310 : i32 to vector<128x128xi32>
    %sub3A_1318 = arith.subi %iota3A, %sub3A_1317 : vector<128x128xi32>
    %le3A_1319 = vector.broadcast %get3A_1316 : i32 to vector<128x128xi32>
    %le3A_1320 = arith.cmpi ule, %sub3A_1318, %le3A_1319 : vector<128x128xi32>
    %sub3A_1321 = vector.broadcast %get3A_1307 : i32 to vector<128x128xi32>
    %sub3A_1322 = arith.subi %iota3A_0, %sub3A_1321 : vector<128x128xi32>
    %le3A_1323 = vector.broadcast %get3A_1313 : i32 to vector<128x128xi32>
    %le3A_1324 = arith.cmpi ule, %sub3A_1322, %le3A_1323 : vector<128x128xi32>
    %and3A_1325 = arith.andi %le3A_1320, %le3A_1324 : vector<128x128xi1>
    %jit3A_1326 = arith.constant 1.000000e+00 : f32
    %jit3A_1327 = arith.constant 0.000000e+00 : f32
    %broadcast_in_dim3A_1328 = vector.broadcast %jit3A_1326 : f32 to vector<128x128xf32>
    %broadcast_in_dim3A_1329 = vector.broadcast %jit3A_1327 : f32 to vector<128x128xf32>
    %select_n3A_1330 = arith.select %and3A_1325, %broadcast_in_dim3A_1328, %broadcast_in_dim3A_1329 : vector<128x128xi1>, vector<128x128xf32>
    %swap3A_1331 = arith.constant 41 : index
    %swap3A_1332 = arith.constant 0 : index
    %swap3A_1333 = arith.constant 0 : index
    %swap3A_1334 = vector.load %arg3[%swap3A_1331, %swap3A_1332, %swap3A_1333] : memref<128x128x128xf32, #tpu.memory_space<vmem>>, vector<1x128x128xf32>
    %swap3A_1335 = vector.shape_cast %swap3A_1334 : vector<1x128x128xf32> to vector<128x128xf32>
    %swap3A_1336 = vector.shape_cast %select_n3A_1330 : vector<128x128xf32> to vector<1x128x128xf32>
    tpu.vector_store %arg3[%swap3A_1331, %swap3A_1332, %swap3A_1333], %swap3A_1336 {strides = array<i32>} : memref<128x128x128xf32, #tpu.memory_space<vmem>>, vector<1x128x128xf32>,
    %get3A_1337 = arith.constant 42 : index
    %get3A_1338 = arith.constant 0 : index
    %get3A_1339 = memref.load %arg1[%get3A_1337, %get3A_1338] : memref<128x4xi32, #tpu.memory_space<smem>>
    %get3A_1340 = arith.constant 42 : index
    %get3A_1341 = arith.constant 1 : index
    %get3A_1342 = memref.load %arg1[%get3A_1340, %get3A_1341] : memref<128x4xi32, #tpu.memory_space<smem>>
    %get3A_1343 = arith.constant 42 : index
    %get3A_1344 = arith.constant 2 : index
    %get3A_1345 = memref.load %arg1[%get3A_1343, %get3A_1344] : memref<128x4xi32, #tpu.memory_space<smem>>
    %get3A_1346 = arith.constant 42 : index
    %get3A_1347 = arith.constant 3 : index
    %get3A_1348 = memref.load %arg1[%get3A_1346, %get3A_1347] : memref<128x4xi32, #tpu.memory_space<smem>>
    %sub3A_1349 = vector.broadcast %get3A_1342 : i32 to vector<128x128xi32>
    %sub3A_1350 = arith.subi %iota3A, %sub3A_1349 : vector<128x128xi32>
    %le3A_1351 = vector.broadcast %get3A_1348 : i32 to vector<128x128xi32>
    %le3A_1352 = arith.cmpi ule, %sub3A_1350, %le3A_1351 : vector<128x128xi32>
    %sub3A_1353 = vector.broadcast %get3A_1339 : i32 to vector<128x128xi32>
    %sub3A_1354 = arith.subi %iota3A_0, %sub3A_1353 : vector<128x128xi32>
    %le3A_1355 = vector.broadcast %get3A_1345 : i32 to vector<128x128xi32>
    %le3A_1356 = arith.cmpi ule, %sub3A_1354, %le3A_1355 : vector<128x128xi32>
    %and3A_1357 = arith.andi %le3A_1352, %le3A_1356 : vector<128x128xi1>
    %jit3A_1358 = arith.constant 1.000000e+00 : f32
    %jit3A_1359 = arith.constant 0.000000e+00 : f32
    %broadcast_in_dim3A_1360 = vector.broadcast %jit3A_1358 : f32 to vector<128x128xf32>
    %broadcast_in_dim3A_1361 = vector.broadcast %jit3A_1359 : f32 to vector<128x128xf32>
    %select_n3A_1362 = arith.select %and3A_1357, %broadcast_in_dim3A_1360, %broadcast_in_dim3A_1361 : vector<128x128xi1>, vector<128x128xf32>
    %swap3A_1363 = arith.constant 42 : index
    %swap3A_1364 = arith.constant 0 : index
    %swap3A_1365 = arith.constant 0 : index
    %swap3A_1366 = vector.load %arg3[%swap3A_1363, %swap3A_1364, %swap3A_1365] : memref<128x128x128xf32, #tpu.memory_space<vmem>>, vector<1x128x128xf32>
    %swap3A_1367 = vector.shape_cast %swap3A_1366 : vector<1x128x128xf32> to vector<128x128xf32>
    %swap3A_1368 = vector.shape_cast %select_n3A_1362 : vector<128x128xf32> to vector<1x128x128xf32>
    tpu.vector_store %arg3[%swap3A_1363, %swap3A_1364, %swap3A_1365], %swap3A_1368 {strides = array<i32>} : memref<128x128x128xf32, #tpu.memory_space<vmem>>, vector<1x128x128xf32>,
    %get3A_1369 = arith.constant 43 : index
    %get3A_1370 = arith.constant 0 : index
    %get3A_1371 = memref.load %arg1[%get3A_1369, %get3A_1370] : memref<128x4xi32, #tpu.memory_space<smem>>
    %get3A_1372 = arith.constant 43 : index
    %get3A_1373 = arith.constant 1 : index
    %get3A_1374 = memref.load %arg1[%get3A_1372, %get3A_1373] : memref<128x4xi32, #tpu.memory_space<smem>>
    %get3A_1375 = arith.constant 43 : index
    %get3A_1376 = arith.constant 2 : index
    %get3A_1377 = memref.load %arg1[%get3A_1375, %get3A_1376] : memref<128x4xi32, #tpu.memory_space<smem>>
    %get3A_1378 = arith.constant 43 : index
    %get3A_1379 = arith.constant 3 : index
    %get3A_1380 = memref.load %arg1[%get3A_1378, %get3A_1379] : memref<128x4xi32, #tpu.memory_space<smem>>
    %sub3A_1381 = vector.broadcast %get3A_1374 : i32 to vector<128x128xi32>
    %sub3A_1382 = arith.subi %iota3A, %sub3A_1381 : vector<128x128xi32>
    %le3A_1383 = vector.broadcast %get3A_1380 : i32 to vector<128x128xi32>
    %le3A_1384 = arith.cmpi ule, %sub3A_1382, %le3A_1383 : vector<128x128xi32>
    %sub3A_1385 = vector.broadcast %get3A_1371 : i32 to vector<128x128xi32>
    %sub3A_1386 = arith.subi %iota3A_0, %sub3A_1385 : vector<128x128xi32>
    %le3A_1387 = vector.broadcast %get3A_1377 : i32 to vector<128x128xi32>
    %le3A_1388 = arith.cmpi ule, %sub3A_1386, %le3A_1387 : vector<128x128xi32>
    %and3A_1389 = arith.andi %le3A_1384, %le3A_1388 : vector<128x128xi1>
    %jit3A_1390 = arith.constant 1.000000e+00 : f32
    %jit3A_1391 = arith.constant 0.000000e+00 : f32
    %broadcast_in_dim3A_1392 = vector.broadcast %jit3A_1390 : f32 to vector<128x128xf32>
    %broadcast_in_dim3A_1393 = vector.broadcast %jit3A_1391 : f32 to vector<128x128xf32>
    %select_n3A_1394 = arith.select %and3A_1389, %broadcast_in_dim3A_1392, %broadcast_in_dim3A_1393 : vector<128x128xi1>, vector<128x128xf32>
    %swap3A_1395 = arith.constant 43 : index
    %swap3A_1396 = arith.constant 0 : index
    %swap3A_1397 = arith.constant 0 : index
    %swap3A_1398 = vector.load %arg3[%swap3A_1395, %swap3A_1396, %swap3A_1397] : memref<128x128x128xf32, #tpu.memory_space<vmem>>, vector<1x128x128xf32>
    %swap3A_1399 = vector.shape_cast %swap3A_1398 : vector<1x128x128xf32> to vector<128x128xf32>
    %swap3A_1400 = vector.shape_cast %select_n3A_1394 : vector<128x128xf32> to vector<1x128x128xf32>
    tpu.vector_store %arg3[%swap3A_1395, %swap3A_1396, %swap3A_1397], %swap3A_1400 {strides = array<i32>} : memref<128x128x128xf32, #tpu.memory_space<vmem>>, vector<1x128x128xf32>,
    %get3A_1401 = arith.constant 44 : index
    %get3A_1402 = arith.constant 0 : index
    %get3A_1403 = memref.load %arg1[%get3A_1401, %get3A_1402] : memref<128x4xi32, #tpu.memory_space<smem>>
    %get3A_1404 = arith.constant 44 : index
    %get3A_1405 = arith.constant 1 : index
    %get3A_1406 = memref.load %arg1[%get3A_1404, %get3A_1405] : memref<128x4xi32, #tpu.memory_space<smem>>
    %get3A_1407 = arith.constant 44 : index
    %get3A_1408 = arith.constant 2 : index
    %get3A_1409 = memref.load %arg1[%get3A_1407, %get3A_1408] : memref<128x4xi32, #tpu.memory_space<smem>>
    %get3A_1410 = arith.constant 44 : index
    %get3A_1411 = arith.constant 3 : index
    %get3A_1412 = memref.load %arg1[%get3A_1410, %get3A_1411] : memref<128x4xi32, #tpu.memory_space<smem>>
    %sub3A_1413 = vector.broadcast %get3A_1406 : i32 to vector<128x128xi32>
    %sub3A_1414 = arith.subi %iota3A, %sub3A_1413 : vector<128x128xi32>
    %le3A_1415 = vector.broadcast %get3A_1412 : i32 to vector<128x128xi32>
    %le3A_1416 = arith.cmpi ule, %sub3A_1414, %le3A_1415 : vector<128x128xi32>
    %sub3A_1417 = vector.broadcast %get3A_1403 : i32 to vector<128x128xi32>
    %sub3A_1418 = arith.subi %iota3A_0, %sub3A_1417 : vector<128x128xi32>
    %le3A_1419 = vector.broadcast %get3A_1409 : i32 to vector<128x128xi32>
    %le3A_1420 = arith.cmpi ule, %sub3A_1418, %le3A_1419 : vector<128x128xi32>
    %and3A_1421 = arith.andi %le3A_1416, %le3A_1420 : vector<128x128xi1>
    %jit3A_1422 = arith.constant 1.000000e+00 : f32
    %jit3A_1423 = arith.constant 0.000000e+00 : f32
    %broadcast_in_dim3A_1424 = vector.broadcast %jit3A_1422 : f32 to vector<128x128xf32>
    %broadcast_in_dim3A_1425 = vector.broadcast %jit3A_1423 : f32 to vector<128x128xf32>
    %select_n3A_1426 = arith.select %and3A_1421, %broadcast_in_dim3A_1424, %broadcast_in_dim3A_1425 : vector<128x128xi1>, vector<128x128xf32>
    %swap3A_1427 = arith.constant 44 : index
    %swap3A_1428 = arith.constant 0 : index
    %swap3A_1429 = arith.constant 0 : index
    %swap3A_1430 = vector.load %arg3[%swap3A_1427, %swap3A_1428, %swap3A_1429] : memref<128x128x128xf32, #tpu.memory_space<vmem>>, vector<1x128x128xf32>
    %swap3A_1431 = vector.shape_cast %swap3A_1430 : vector<1x128x128xf32> to vector<128x128xf32>
    %swap3A_1432 = vector.shape_cast %select_n3A_1426 : vector<128x128xf32> to vector<1x128x128xf32>
    tpu.vector_store %arg3[%swap3A_1427, %swap3A_1428, %swap3A_1429], %swap3A_1432 {strides = array<i32>} : memref<128x128x128xf32, #tpu.memory_space<vmem>>, vector<1x128x128xf32>,
    %get3A_1433 = arith.constant 45 : index
    %get3A_1434 = arith.constant 0 : index
    %get3A_1435 = memref.load %arg1[%get3A_1433, %get3A_1434] : memref<128x4xi32, #tpu.memory_space<smem>>
    %get3A_1436 = arith.constant 45 : index
    %get3A_1437 = arith.constant 1 : index
    %get3A_1438 = memref.load %arg1[%get3A_1436, %get3A_1437] : memref<128x4xi32, #tpu.memory_space<smem>>
    %get3A_1439 = arith.constant 45 : index
    %get3A_1440 = arith.constant 2 : index
    %get3A_1441 = memref.load %arg1[%get3A_1439, %get3A_1440] : memref<128x4xi32, #tpu.memory_space<smem>>
    %get3A_1442 = arith.constant 45 : index
    %get3A_1443 = arith.constant 3 : index
    %get3A_1444 = memref.load %arg1[%get3A_1442, %get3A_1443] : memref<128x4xi32, #tpu.memory_space<smem>>
    %sub3A_1445 = vector.broadcast %get3A_1438 : i32 to vector<128x128xi32>
    %sub3A_1446 = arith.subi %iota3A, %sub3A_1445 : vector<128x128xi32>
    %le3A_1447 = vector.broadcast %get3A_1444 : i32 to vector<128x128xi32>
    %le3A_1448 = arith.cmpi ule, %sub3A_1446, %le3A_1447 : vector<128x128xi32>
    %sub3A_1449 = vector.broadcast %get3A_1435 : i32 to vector<128x128xi32>
    %sub3A_1450 = arith.subi %iota3A_0, %sub3A_1449 : vector<128x128xi32>
    %le3A_1451 = vector.broadcast %get3A_1441 : i32 to vector<128x128xi32>
    %le3A_1452 = arith.cmpi ule, %sub3A_1450, %le3A_1451 : vector<128x128xi32>
    %and3A_1453 = arith.andi %le3A_1448, %le3A_1452 : vector<128x128xi1>
    %jit3A_1454 = arith.constant 1.000000e+00 : f32
    %jit3A_1455 = arith.constant 0.000000e+00 : f32
    %broadcast_in_dim3A_1456 = vector.broadcast %jit3A_1454 : f32 to vector<128x128xf32>
    %broadcast_in_dim3A_1457 = vector.broadcast %jit3A_1455 : f32 to vector<128x128xf32>
    %select_n3A_1458 = arith.select %and3A_1453, %broadcast_in_dim3A_1456, %broadcast_in_dim3A_1457 : vector<128x128xi1>, vector<128x128xf32>
    %swap3A_1459 = arith.constant 45 : index
    %swap3A_1460 = arith.constant 0 : index
    %swap3A_1461 = arith.constant 0 : index
    %swap3A_1462 = vector.load %arg3[%swap3A_1459, %swap3A_1460, %swap3A_1461] : memref<128x128x128xf32, #tpu.memory_space<vmem>>, vector<1x128x128xf32>
    %swap3A_1463 = vector.shape_cast %swap3A_1462 : vector<1x128x128xf32> to vector<128x128xf32>
    %swap3A_1464 = vector.shape_cast %select_n3A_1458 : vector<128x128xf32> to vector<1x128x128xf32>
    tpu.vector_store %arg3[%swap3A_1459, %swap3A_1460, %swap3A_1461], %swap3A_1464 {strides = array<i32>} : memref<128x128x128xf32, #tpu.memory_space<vmem>>, vector<1x128x128xf32>,
    %get3A_1465 = arith.constant 46 : index
    %get3A_1466 = arith.constant 0 : index
    %get3A_1467 = memref.load %arg1[%get3A_1465, %get3A_1466] : memref<128x4xi32, #tpu.memory_space<smem>>
    %get3A_1468 = arith.constant 46 : index
    %get3A_1469 = arith.constant 1 : index
    %get3A_1470 = memref.load %arg1[%get3A_1468, %get3A_1469] : memref<128x4xi32, #tpu.memory_space<smem>>
    %get3A_1471 = arith.constant 46 : index
    %get3A_1472 = arith.constant 2 : index
    %get3A_1473 = memref.load %arg1[%get3A_1471, %get3A_1472] : memref<128x4xi32, #tpu.memory_space<smem>>
    %get3A_1474 = arith.constant 46 : index
    %get3A_1475 = arith.constant 3 : index
    %get3A_1476 = memref.load %arg1[%get3A_1474, %get3A_1475] : memref<128x4xi32, #tpu.memory_space<smem>>
    %sub3A_1477 = vector.broadcast %get3A_1470 : i32 to vector<128x128xi32>
    %sub3A_1478 = arith.subi %iota3A, %sub3A_1477 : vector<128x128xi32>
    %le3A_1479 = vector.broadcast %get3A_1476 : i32 to vector<128x128xi32>
    %le3A_1480 = arith.cmpi ule, %sub3A_1478, %le3A_1479 : vector<128x128xi32>
    %sub3A_1481 = vector.broadcast %get3A_1467 : i32 to vector<128x128xi32>
    %sub3A_1482 = arith.subi %iota3A_0, %sub3A_1481 : vector<128x128xi32>
    %le3A_1483 = vector.broadcast %get3A_1473 : i32 to vector<128x128xi32>
    %le3A_1484 = arith.cmpi ule, %sub3A_1482, %le3A_1483 : vector<128x128xi32>
    %and3A_1485 = arith.andi %le3A_1480, %le3A_1484 : vector<128x128xi1>
    %jit3A_1486 = arith.constant 1.000000e+00 : f32
    %jit3A_1487 = arith.constant 0.000000e+00 : f32
    %broadcast_in_dim3A_1488 = vector.broadcast %jit3A_1486 : f32 to vector<128x128xf32>
    %broadcast_in_dim3A_1489 = vector.broadcast %jit3A_1487 : f32 to vector<128x128xf32>
    %select_n3A_1490 = arith.select %and3A_1485, %broadcast_in_dim3A_1488, %broadcast_in_dim3A_1489 : vector<128x128xi1>, vector<128x128xf32>
    %swap3A_1491 = arith.constant 46 : index
    %swap3A_1492 = arith.constant 0 : index
    %swap3A_1493 = arith.constant 0 : index
    %swap3A_1494 = vector.load %arg3[%swap3A_1491, %swap3A_1492, %swap3A_1493] : memref<128x128x128xf32, #tpu.memory_space<vmem>>, vector<1x128x128xf32>
    %swap3A_1495 = vector.shape_cast %swap3A_1494 : vector<1x128x128xf32> to vector<128x128xf32>
    %swap3A_1496 = vector.shape_cast %select_n3A_1490 : vector<128x128xf32> to vector<1x128x128xf32>
    tpu.vector_store %arg3[%swap3A_1491, %swap3A_1492, %swap3A_1493], %swap3A_1496 {strides = array<i32>} : memref<128x128x128xf32, #tpu.memory_space<vmem>>, vector<1x128x128xf32>,
    %get3A_1497 = arith.constant 47 : index
    %get3A_1498 = arith.constant 0 : index
    %get3A_1499 = memref.load %arg1[%get3A_1497, %get3A_1498] : memref<128x4xi32, #tpu.memory_space<smem>>
    %get3A_1500 = arith.constant 47 : index
    %get3A_1501 = arith.constant 1 : index
    %get3A_1502 = memref.load %arg1[%get3A_1500, %get3A_1501] : memref<128x4xi32, #tpu.memory_space<smem>>
    %get3A_1503 = arith.constant 47 : index
    %get3A_1504 = arith.constant 2 : index
    %get3A_1505 = memref.load %arg1[%get3A_1503, %get3A_1504] : memref<128x4xi32, #tpu.memory_space<smem>>
    %get3A_1506 = arith.constant 47 : index
    %get3A_1507 = arith.constant 3 : index
    %get3A_1508 = memref.load %arg1[%get3A_1506, %get3A_1507] : memref<128x4xi32, #tpu.memory_space<smem>>
    %sub3A_1509 = vector.broadcast %get3A_1502 : i32 to vector<128x128xi32>
    %sub3A_1510 = arith.subi %iota3A, %sub3A_1509 : vector<128x128xi32>
    %le3A_1511 = vector.broadcast %get3A_1508 : i32 to vector<128x128xi32>
    %le3A_1512 = arith.cmpi ule, %sub3A_1510, %le3A_1511 : vector<128x128xi32>
    %sub3A_1513 = vector.broadcast %get3A_1499 : i32 to vector<128x128xi32>
    %sub3A_1514 = arith.subi %iota3A_0, %sub3A_1513 : vector<128x128xi32>
    %le3A_1515 = vector.broadcast %get3A_1505 : i32 to vector<128x128xi32>
    %le3A_1516 = arith.cmpi ule, %sub3A_1514, %le3A_1515 : vector<128x128xi32>
    %and3A_1517 = arith.andi %le3A_1512, %le3A_1516 : vector<128x128xi1>
    %jit3A_1518 = arith.constant 1.000000e+00 : f32
    %jit3A_1519 = arith.constant 0.000000e+00 : f32
    %broadcast_in_dim3A_1520 = vector.broadcast %jit3A_1518 : f32 to vector<128x128xf32>
    %broadcast_in_dim3A_1521 = vector.broadcast %jit3A_1519 : f32 to vector<128x128xf32>
    %select_n3A_1522 = arith.select %and3A_1517, %broadcast_in_dim3A_1520, %broadcast_in_dim3A_1521 : vector<128x128xi1>, vector<128x128xf32>
    %swap3A_1523 = arith.constant 47 : index
    %swap3A_1524 = arith.constant 0 : index
    %swap3A_1525 = arith.constant 0 : index
    %swap3A_1526 = vector.load %arg3[%swap3A_1523, %swap3A_1524, %swap3A_1525] : memref<128x128x128xf32, #tpu.memory_space<vmem>>, vector<1x128x128xf32>
    %swap3A_1527 = vector.shape_cast %swap3A_1526 : vector<1x128x128xf32> to vector<128x128xf32>
    %swap3A_1528 = vector.shape_cast %select_n3A_1522 : vector<128x128xf32> to vector<1x128x128xf32>
    tpu.vector_store %arg3[%swap3A_1523, %swap3A_1524, %swap3A_1525], %swap3A_1528 {strides = array<i32>} : memref<128x128x128xf32, #tpu.memory_space<vmem>>, vector<1x128x128xf32>,
    %get3A_1529 = arith.constant 48 : index
    %get3A_1530 = arith.constant 0 : index
    %get3A_1531 = memref.load %arg1[%get3A_1529, %get3A_1530] : memref<128x4xi32, #tpu.memory_space<smem>>
    %get3A_1532 = arith.constant 48 : index
    %get3A_1533 = arith.constant 1 : index
    %get3A_1534 = memref.load %arg1[%get3A_1532, %get3A_1533] : memref<128x4xi32, #tpu.memory_space<smem>>
    %get3A_1535 = arith.constant 48 : index
    %get3A_1536 = arith.constant 2 : index
    %get3A_1537 = memref.load %arg1[%get3A_1535, %get3A_1536] : memref<128x4xi32, #tpu.memory_space<smem>>
    %get3A_1538 = arith.constant 48 : index
    %get3A_1539 = arith.constant 3 : index
    %get3A_1540 = memref.load %arg1[%get3A_1538, %get3A_1539] : memref<128x4xi32, #tpu.memory_space<smem>>
    %sub3A_1541 = vector.broadcast %get3A_1534 : i32 to vector<128x128xi32>
    %sub3A_1542 = arith.subi %iota3A, %sub3A_1541 : vector<128x128xi32>
    %le3A_1543 = vector.broadcast %get3A_1540 : i32 to vector<128x128xi32>
    %le3A_1544 = arith.cmpi ule, %sub3A_1542, %le3A_1543 : vector<128x128xi32>
    %sub3A_1545 = vector.broadcast %get3A_1531 : i32 to vector<128x128xi32>
    %sub3A_1546 = arith.subi %iota3A_0, %sub3A_1545 : vector<128x128xi32>
    %le3A_1547 = vector.broadcast %get3A_1537 : i32 to vector<128x128xi32>
    %le3A_1548 = arith.cmpi ule, %sub3A_1546, %le3A_1547 : vector<128x128xi32>
    %and3A_1549 = arith.andi %le3A_1544, %le3A_1548 : vector<128x128xi1>
    %jit3A_1550 = arith.constant 1.000000e+00 : f32
    %jit3A_1551 = arith.constant 0.000000e+00 : f32
    %broadcast_in_dim3A_1552 = vector.broadcast %jit3A_1550 : f32 to vector<128x128xf32>
    %broadcast_in_dim3A_1553 = vector.broadcast %jit3A_1551 : f32 to vector<128x128xf32>
    %select_n3A_1554 = arith.select %and3A_1549, %broadcast_in_dim3A_1552, %broadcast_in_dim3A_1553 : vector<128x128xi1>, vector<128x128xf32>
    %swap3A_1555 = arith.constant 48 : index
    %swap3A_1556 = arith.constant 0 : index
    %swap3A_1557 = arith.constant 0 : index
    %swap3A_1558 = vector.load %arg3[%swap3A_1555, %swap3A_1556, %swap3A_1557] : memref<128x128x128xf32, #tpu.memory_space<vmem>>, vector<1x128x128xf32>
    %swap3A_1559 = vector.shape_cast %swap3A_1558 : vector<1x128x128xf32> to vector<128x128xf32>
    %swap3A_1560 = vector.shape_cast %select_n3A_1554 : vector<128x128xf32> to vector<1x128x128xf32>
    tpu.vector_store %arg3[%swap3A_1555, %swap3A_1556, %swap3A_1557], %swap3A_1560 {strides = array<i32>} : memref<128x128x128xf32, #tpu.memory_space<vmem>>, vector<1x128x128xf32>,
    %get3A_1561 = arith.constant 49 : index
    %get3A_1562 = arith.constant 0 : index
    %get3A_1563 = memref.load %arg1[%get3A_1561, %get3A_1562] : memref<128x4xi32, #tpu.memory_space<smem>>
    %get3A_1564 = arith.constant 49 : index
    %get3A_1565 = arith.constant 1 : index
    %get3A_1566 = memref.load %arg1[%get3A_1564, %get3A_1565] : memref<128x4xi32, #tpu.memory_space<smem>>
    %get3A_1567 = arith.constant 49 : index
    %get3A_1568 = arith.constant 2 : index
    %get3A_1569 = memref.load %arg1[%get3A_1567, %get3A_1568] : memref<128x4xi32, #tpu.memory_space<smem>>
    %get3A_1570 = arith.constant 49 : index
    %get3A_1571 = arith.constant 3 : index
    %get3A_1572 = memref.load %arg1[%get3A_1570, %get3A_1571] : memref<128x4xi32, #tpu.memory_space<smem>>
    %sub3A_1573 = vector.broadcast %get3A_1566 : i32 to vector<128x128xi32>
    %sub3A_1574 = arith.subi %iota3A, %sub3A_1573 : vector<128x128xi32>
    %le3A_1575 = vector.broadcast %get3A_1572 : i32 to vector<128x128xi32>
    %le3A_1576 = arith.cmpi ule, %sub3A_1574, %le3A_1575 : vector<128x128xi32>
    %sub3A_1577 = vector.broadcast %get3A_1563 : i32 to vector<128x128xi32>
    %sub3A_1578 = arith.subi %iota3A_0, %sub3A_1577 : vector<128x128xi32>
    %le3A_1579 = vector.broadcast %get3A_1569 : i32 to vector<128x128xi32>
    %le3A_1580 = arith.cmpi ule, %sub3A_1578, %le3A_1579 : vector<128x128xi32>
    %and3A_1581 = arith.andi %le3A_1576, %le3A_1580 : vector<128x128xi1>
    %jit3A_1582 = arith.constant 1.000000e+00 : f32
    %jit3A_1583 = arith.constant 0.000000e+00 : f32
    %broadcast_in_dim3A_1584 = vector.broadcast %jit3A_1582 : f32 to vector<128x128xf32>
    %broadcast_in_dim3A_1585 = vector.broadcast %jit3A_1583 : f32 to vector<128x128xf32>
    %select_n3A_1586 = arith.select %and3A_1581, %broadcast_in_dim3A_1584, %broadcast_in_dim3A_1585 : vector<128x128xi1>, vector<128x128xf32>
    %swap3A_1587 = arith.constant 49 : index
    %swap3A_1588 = arith.constant 0 : index
    %swap3A_1589 = arith.constant 0 : index
    %swap3A_1590 = vector.load %arg3[%swap3A_1587, %swap3A_1588, %swap3A_1589] : memref<128x128x128xf32, #tpu.memory_space<vmem>>, vector<1x128x128xf32>
    %swap3A_1591 = vector.shape_cast %swap3A_1590 : vector<1x128x128xf32> to vector<128x128xf32>
    %swap3A_1592 = vector.shape_cast %select_n3A_1586 : vector<128x128xf32> to vector<1x128x128xf32>
    tpu.vector_store %arg3[%swap3A_1587, %swap3A_1588, %swap3A_1589], %swap3A_1592 {strides = array<i32>} : memref<128x128x128xf32, #tpu.memory_space<vmem>>, vector<1x128x128xf32>,
    %get3A_1593 = arith.constant 50 : index
    %get3A_1594 = arith.constant 0 : index
    %get3A_1595 = memref.load %arg1[%get3A_1593, %get3A_1594] : memref<128x4xi32, #tpu.memory_space<smem>>
    %get3A_1596 = arith.constant 50 : index
    %get3A_1597 = arith.constant 1 : index
    %get3A_1598 = memref.load %arg1[%get3A_1596, %get3A_1597] : memref<128x4xi32, #tpu.memory_space<smem>>
    %get3A_1599 = arith.constant 50 : index
    %get3A_1600 = arith.constant 2 : index
    %get3A_1601 = memref.load %arg1[%get3A_1599, %get3A_1600] : memref<128x4xi32, #tpu.memory_space<smem>>
    %get3A_1602 = arith.constant 50 : index
    %get3A_1603 = arith.constant 3 : index
    %get3A_1604 = memref.load %arg1[%get3A_1602, %get3A_1603] : memref<128x4xi32, #tpu.memory_space<smem>>
    %sub3A_1605 = vector.broadcast %get3A_1598 : i32 to vector<128x128xi32>
    %sub3A_1606 = arith.subi %iota3A, %sub3A_1605 : vector<128x128xi32>
    %le3A_1607 = vector.broadcast %get3A_1604 : i32 to vector<128x128xi32>
    %le3A_1608 = arith.cmpi ule, %sub3A_1606, %le3A_1607 : vector<128x128xi32>
    %sub3A_1609 = vector.broadcast %get3A_1595 : i32 to vector<128x128xi32>
    %sub3A_1610 = arith.subi %iota3A_0, %sub3A_1609 : vector<128x128xi32>
    %le3A_1611 = vector.broadcast %get3A_1601 : i32 to vector<128x128xi32>
    %le3A_1612 = arith.cmpi ule, %sub3A_1610, %le3A_1611 : vector<128x128xi32>
    %and3A_1613 = arith.andi %le3A_1608, %le3A_1612 : vector<128x128xi1>
    %jit3A_1614 = arith.constant 1.000000e+00 : f32
    %jit3A_1615 = arith.constant 0.000000e+00 : f32
    %broadcast_in_dim3A_1616 = vector.broadcast %jit3A_1614 : f32 to vector<128x128xf32>
    %broadcast_in_dim3A_1617 = vector.broadcast %jit3A_1615 : f32 to vector<128x128xf32>
    %select_n3A_1618 = arith.select %and3A_1613, %broadcast_in_dim3A_1616, %broadcast_in_dim3A_1617 : vector<128x128xi1>, vector<128x128xf32>
    %swap3A_1619 = arith.constant 50 : index
    %swap3A_1620 = arith.constant 0 : index
    %swap3A_1621 = arith.constant 0 : index
    %swap3A_1622 = vector.load %arg3[%swap3A_1619, %swap3A_1620, %swap3A_1621] : memref<128x128x128xf32, #tpu.memory_space<vmem>>, vector<1x128x128xf32>
    %swap3A_1623 = vector.shape_cast %swap3A_1622 : vector<1x128x128xf32> to vector<128x128xf32>
    %swap3A_1624 = vector.shape_cast %select_n3A_1618 : vector<128x128xf32> to vector<1x128x128xf32>
    tpu.vector_store %arg3[%swap3A_1619, %swap3A_1620, %swap3A_1621], %swap3A_1624 {strides = array<i32>} : memref<128x128x128xf32, #tpu.memory_space<vmem>>, vector<1x128x128xf32>,
    %get3A_1625 = arith.constant 51 : index
    %get3A_1626 = arith.constant 0 : index
    %get3A_1627 = memref.load %arg1[%get3A_1625, %get3A_1626] : memref<128x4xi32, #tpu.memory_space<smem>>
    %get3A_1628 = arith.constant 51 : index
    %get3A_1629 = arith.constant 1 : index
    %get3A_1630 = memref.load %arg1[%get3A_1628, %get3A_1629] : memref<128x4xi32, #tpu.memory_space<smem>>
    %get3A_1631 = arith.constant 51 : index
    %get3A_1632 = arith.constant 2 : index
    %get3A_1633 = memref.load %arg1[%get3A_1631, %get3A_1632] : memref<128x4xi32, #tpu.memory_space<smem>>
    %get3A_1634 = arith.constant 51 : index
    %get3A_1635 = arith.constant 3 : index
    %get3A_1636 = memref.load %arg1[%get3A_1634, %get3A_1635] : memref<128x4xi32, #tpu.memory_space<smem>>
    %sub3A_1637 = vector.broadcast %get3A_1630 : i32 to vector<128x128xi32>
    %sub3A_1638 = arith.subi %iota3A, %sub3A_1637 : vector<128x128xi32>
    %le3A_1639 = vector.broadcast %get3A_1636 : i32 to vector<128x128xi32>
    %le3A_1640 = arith.cmpi ule, %sub3A_1638, %le3A_1639 : vector<128x128xi32>
    %sub3A_1641 = vector.broadcast %get3A_1627 : i32 to vector<128x128xi32>
    %sub3A_1642 = arith.subi %iota3A_0, %sub3A_1641 : vector<128x128xi32>
    %le3A_1643 = vector.broadcast %get3A_1633 : i32 to vector<128x128xi32>
    %le3A_1644 = arith.cmpi ule, %sub3A_1642, %le3A_1643 : vector<128x128xi32>
    %and3A_1645 = arith.andi %le3A_1640, %le3A_1644 : vector<128x128xi1>
    %jit3A_1646 = arith.constant 1.000000e+00 : f32
    %jit3A_1647 = arith.constant 0.000000e+00 : f32
    %broadcast_in_dim3A_1648 = vector.broadcast %jit3A_1646 : f32 to vector<128x128xf32>
    %broadcast_in_dim3A_1649 = vector.broadcast %jit3A_1647 : f32 to vector<128x128xf32>
    %select_n3A_1650 = arith.select %and3A_1645, %broadcast_in_dim3A_1648, %broadcast_in_dim3A_1649 : vector<128x128xi1>, vector<128x128xf32>
    %swap3A_1651 = arith.constant 51 : index
    %swap3A_1652 = arith.constant 0 : index
    %swap3A_1653 = arith.constant 0 : index
    %swap3A_1654 = vector.load %arg3[%swap3A_1651, %swap3A_1652, %swap3A_1653] : memref<128x128x128xf32, #tpu.memory_space<vmem>>, vector<1x128x128xf32>
    %swap3A_1655 = vector.shape_cast %swap3A_1654 : vector<1x128x128xf32> to vector<128x128xf32>
    %swap3A_1656 = vector.shape_cast %select_n3A_1650 : vector<128x128xf32> to vector<1x128x128xf32>
    tpu.vector_store %arg3[%swap3A_1651, %swap3A_1652, %swap3A_1653], %swap3A_1656 {strides = array<i32>} : memref<128x128x128xf32, #tpu.memory_space<vmem>>, vector<1x128x128xf32>,
    %get3A_1657 = arith.constant 52 : index
    %get3A_1658 = arith.constant 0 : index
    %get3A_1659 = memref.load %arg1[%get3A_1657, %get3A_1658] : memref<128x4xi32, #tpu.memory_space<smem>>
    %get3A_1660 = arith.constant 52 : index
    %get3A_1661 = arith.constant 1 : index
    %get3A_1662 = memref.load %arg1[%get3A_1660, %get3A_1661] : memref<128x4xi32, #tpu.memory_space<smem>>
    %get3A_1663 = arith.constant 52 : index
    %get3A_1664 = arith.constant 2 : index
    %get3A_1665 = memref.load %arg1[%get3A_1663, %get3A_1664] : memref<128x4xi32, #tpu.memory_space<smem>>
    %get3A_1666 = arith.constant 52 : index
    %get3A_1667 = arith.constant 3 : index
    %get3A_1668 = memref.load %arg1[%get3A_1666, %get3A_1667] : memref<128x4xi32, #tpu.memory_space<smem>>
    %sub3A_1669 = vector.broadcast %get3A_1662 : i32 to vector<128x128xi32>
    %sub3A_1670 = arith.subi %iota3A, %sub3A_1669 : vector<128x128xi32>
    %le3A_1671 = vector.broadcast %get3A_1668 : i32 to vector<128x128xi32>
    %le3A_1672 = arith.cmpi ule, %sub3A_1670, %le3A_1671 : vector<128x128xi32>
    %sub3A_1673 = vector.broadcast %get3A_1659 : i32 to vector<128x128xi32>
    %sub3A_1674 = arith.subi %iota3A_0, %sub3A_1673 : vector<128x128xi32>
    %le3A_1675 = vector.broadcast %get3A_1665 : i32 to vector<128x128xi32>
    %le3A_1676 = arith.cmpi ule, %sub3A_1674, %le3A_1675 : vector<128x128xi32>
    %and3A_1677 = arith.andi %le3A_1672, %le3A_1676 : vector<128x128xi1>
    %jit3A_1678 = arith.constant 1.000000e+00 : f32
    %jit3A_1679 = arith.constant 0.000000e+00 : f32
    %broadcast_in_dim3A_1680 = vector.broadcast %jit3A_1678 : f32 to vector<128x128xf32>
    %broadcast_in_dim3A_1681 = vector.broadcast %jit3A_1679 : f32 to vector<128x128xf32>
    %select_n3A_1682 = arith.select %and3A_1677, %broadcast_in_dim3A_1680, %broadcast_in_dim3A_1681 : vector<128x128xi1>, vector<128x128xf32>
    %swap3A_1683 = arith.constant 52 : index
    %swap3A_1684 = arith.constant 0 : index
    %swap3A_1685 = arith.constant 0 : index
    %swap3A_1686 = vector.load %arg3[%swap3A_1683, %swap3A_1684, %swap3A_1685] : memref<128x128x128xf32, #tpu.memory_space<vmem>>, vector<1x128x128xf32>
    %swap3A_1687 = vector.shape_cast %swap3A_1686 : vector<1x128x128xf32> to vector<128x128xf32>
    %swap3A_1688 = vector.shape_cast %select_n3A_1682 : vector<128x128xf32> to vector<1x128x128xf32>
    tpu.vector_store %arg3[%swap3A_1683, %swap3A_1684, %swap3A_1685], %swap3A_1688 {strides = array<i32>} : memref<128x128x128xf32, #tpu.memory_space<vmem>>, vector<1x128x128xf32>,
    %get3A_1689 = arith.constant 53 : index
    %get3A_1690 = arith.constant 0 : index
    %get3A_1691 = memref.load %arg1[%get3A_1689, %get3A_1690] : memref<128x4xi32, #tpu.memory_space<smem>>
    %get3A_1692 = arith.constant 53 : index
    %get3A_1693 = arith.constant 1 : index
    %get3A_1694 = memref.load %arg1[%get3A_1692, %get3A_1693] : memref<128x4xi32, #tpu.memory_space<smem>>
    %get3A_1695 = arith.constant 53 : index
    %get3A_1696 = arith.constant 2 : index
    %get3A_1697 = memref.load %arg1[%get3A_1695, %get3A_1696] : memref<128x4xi32, #tpu.memory_space<smem>>
    %get3A_1698 = arith.constant 53 : index
    %get3A_1699 = arith.constant 3 : index
    %get3A_1700 = memref.load %arg1[%get3A_1698, %get3A_1699] : memref<128x4xi32, #tpu.memory_space<smem>>
    %sub3A_1701 = vector.broadcast %get3A_1694 : i32 to vector<128x128xi32>
    %sub3A_1702 = arith.subi %iota3A, %sub3A_1701 : vector<128x128xi32>
    %le3A_1703 = vector.broadcast %get3A_1700 : i32 to vector<128x128xi32>
    %le3A_1704 = arith.cmpi ule, %sub3A_1702, %le3A_1703 : vector<128x128xi32>
    %sub3A_1705 = vector.broadcast %get3A_1691 : i32 to vector<128x128xi32>
    %sub3A_1706 = arith.subi %iota3A_0, %sub3A_1705 : vector<128x128xi32>
    %le3A_1707 = vector.broadcast %get3A_1697 : i32 to vector<128x128xi32>
    %le3A_1708 = arith.cmpi ule, %sub3A_1706, %le3A_1707 : vector<128x128xi32>
    %and3A_1709 = arith.andi %le3A_1704, %le3A_1708 : vector<128x128xi1>
    %jit3A_1710 = arith.constant 1.000000e+00 : f32
    %jit3A_1711 = arith.constant 0.000000e+00 : f32
    %broadcast_in_dim3A_1712 = vector.broadcast %jit3A_1710 : f32 to vector<128x128xf32>
    %broadcast_in_dim3A_1713 = vector.broadcast %jit3A_1711 : f32 to vector<128x128xf32>
    %select_n3A_1714 = arith.select %and3A_1709, %broadcast_in_dim3A_1712, %broadcast_in_dim3A_1713 : vector<128x128xi1>, vector<128x128xf32>
    %swap3A_1715 = arith.constant 53 : index
    %swap3A_1716 = arith.constant 0 : index
    %swap3A_1717 = arith.constant 0 : index
    %swap3A_1718 = vector.load %arg3[%swap3A_1715, %swap3A_1716, %swap3A_1717] : memref<128x128x128xf32, #tpu.memory_space<vmem>>, vector<1x128x128xf32>
    %swap3A_1719 = vector.shape_cast %swap3A_1718 : vector<1x128x128xf32> to vector<128x128xf32>
    %swap3A_1720 = vector.shape_cast %select_n3A_1714 : vector<128x128xf32> to vector<1x128x128xf32>
    tpu.vector_store %arg3[%swap3A_1715, %swap3A_1716, %swap3A_1717], %swap3A_1720 {strides = array<i32>} : memref<128x128x128xf32, #tpu.memory_space<vmem>>, vector<1x128x128xf32>,
    %get3A_1721 = arith.constant 54 : index
    %get3A_1722 = arith.constant 0 : index
    %get3A_1723 = memref.load %arg1[%get3A_1721, %get3A_1722] : memref<128x4xi32, #tpu.memory_space<smem>>
    %get3A_1724 = arith.constant 54 : index
    %get3A_1725 = arith.constant 1 : index
    %get3A_1726 = memref.load %arg1[%get3A_1724, %get3A_1725] : memref<128x4xi32, #tpu.memory_space<smem>>
    %get3A_1727 = arith.constant 54 : index
    %get3A_1728 = arith.constant 2 : index
    %get3A_1729 = memref.load %arg1[%get3A_1727, %get3A_1728] : memref<128x4xi32, #tpu.memory_space<smem>>
    %get3A_1730 = arith.constant 54 : index
    %get3A_1731 = arith.constant 3 : index
    %get3A_1732 = memref.load %arg1[%get3A_1730, %get3A_1731] : memref<128x4xi32, #tpu.memory_space<smem>>
    %sub3A_1733 = vector.broadcast %get3A_1726 : i32 to vector<128x128xi32>
    %sub3A_1734 = arith.subi %iota3A, %sub3A_1733 : vector<128x128xi32>
    %le3A_1735 = vector.broadcast %get3A_1732 : i32 to vector<128x128xi32>
    %le3A_1736 = arith.cmpi ule, %sub3A_1734, %le3A_1735 : vector<128x128xi32>
    %sub3A_1737 = vector.broadcast %get3A_1723 : i32 to vector<128x128xi32>
    %sub3A_1738 = arith.subi %iota3A_0, %sub3A_1737 : vector<128x128xi32>
    %le3A_1739 = vector.broadcast %get3A_1729 : i32 to vector<128x128xi32>
    %le3A_1740 = arith.cmpi ule, %sub3A_1738, %le3A_1739 : vector<128x128xi32>
    %and3A_1741 = arith.andi %le3A_1736, %le3A_1740 : vector<128x128xi1>
    %jit3A_1742 = arith.constant 1.000000e+00 : f32
    %jit3A_1743 = arith.constant 0.000000e+00 : f32
    %broadcast_in_dim3A_1744 = vector.broadcast %jit3A_1742 : f32 to vector<128x128xf32>
    %broadcast_in_dim3A_1745 = vector.broadcast %jit3A_1743 : f32 to vector<128x128xf32>
    %select_n3A_1746 = arith.select %and3A_1741, %broadcast_in_dim3A_1744, %broadcast_in_dim3A_1745 : vector<128x128xi1>, vector<128x128xf32>
    %swap3A_1747 = arith.constant 54 : index
    %swap3A_1748 = arith.constant 0 : index
    %swap3A_1749 = arith.constant 0 : index
    %swap3A_1750 = vector.load %arg3[%swap3A_1747, %swap3A_1748, %swap3A_1749] : memref<128x128x128xf32, #tpu.memory_space<vmem>>, vector<1x128x128xf32>
    %swap3A_1751 = vector.shape_cast %swap3A_1750 : vector<1x128x128xf32> to vector<128x128xf32>
    %swap3A_1752 = vector.shape_cast %select_n3A_1746 : vector<128x128xf32> to vector<1x128x128xf32>
    tpu.vector_store %arg3[%swap3A_1747, %swap3A_1748, %swap3A_1749], %swap3A_1752 {strides = array<i32>} : memref<128x128x128xf32, #tpu.memory_space<vmem>>, vector<1x128x128xf32>,
    %get3A_1753 = arith.constant 55 : index
    %get3A_1754 = arith.constant 0 : index
    %get3A_1755 = memref.load %arg1[%get3A_1753, %get3A_1754] : memref<128x4xi32, #tpu.memory_space<smem>>
    %get3A_1756 = arith.constant 55 : index
    %get3A_1757 = arith.constant 1 : index
    %get3A_1758 = memref.load %arg1[%get3A_1756, %get3A_1757] : memref<128x4xi32, #tpu.memory_space<smem>>
    %get3A_1759 = arith.constant 55 : index
    %get3A_1760 = arith.constant 2 : index
    %get3A_1761 = memref.load %arg1[%get3A_1759, %get3A_1760] : memref<128x4xi32, #tpu.memory_space<smem>>
    %get3A_1762 = arith.constant 55 : index
    %get3A_1763 = arith.constant 3 : index
    %get3A_1764 = memref.load %arg1[%get3A_1762, %get3A_1763] : memref<128x4xi32, #tpu.memory_space<smem>>
    %sub3A_1765 = vector.broadcast %get3A_1758 : i32 to vector<128x128xi32>
    %sub3A_1766 = arith.subi %iota3A, %sub3A_1765 : vector<128x128xi32>
    %le3A_1767 = vector.broadcast %get3A_1764 : i32 to vector<128x128xi32>
    %le3A_1768 = arith.cmpi ule, %sub3A_1766, %le3A_1767 : vector<128x128xi32>
    %sub3A_1769 = vector.broadcast %get3A_1755 : i32 to vector<128x128xi32>
    %sub3A_1770 = arith.subi %iota3A_0, %sub3A_1769 : vector<128x128xi32>
    %le3A_1771 = vector.broadcast %get3A_1761 : i32 to vector<128x128xi32>
    %le3A_1772 = arith.cmpi ule, %sub3A_1770, %le3A_1771 : vector<128x128xi32>
    %and3A_1773 = arith.andi %le3A_1768, %le3A_1772 : vector<128x128xi1>
    %jit3A_1774 = arith.constant 1.000000e+00 : f32
    %jit3A_1775 = arith.constant 0.000000e+00 : f32
    %broadcast_in_dim3A_1776 = vector.broadcast %jit3A_1774 : f32 to vector<128x128xf32>
    %broadcast_in_dim3A_1777 = vector.broadcast %jit3A_1775 : f32 to vector<128x128xf32>
    %select_n3A_1778 = arith.select %and3A_1773, %broadcast_in_dim3A_1776, %broadcast_in_dim3A_1777 : vector<128x128xi1>, vector<128x128xf32>
    %swap3A_1779 = arith.constant 55 : index
    %swap3A_1780 = arith.constant 0 : index
    %swap3A_1781 = arith.constant 0 : index
    %swap3A_1782 = vector.load %arg3[%swap3A_1779, %swap3A_1780, %swap3A_1781] : memref<128x128x128xf32, #tpu.memory_space<vmem>>, vector<1x128x128xf32>
    %swap3A_1783 = vector.shape_cast %swap3A_1782 : vector<1x128x128xf32> to vector<128x128xf32>
    %swap3A_1784 = vector.shape_cast %select_n3A_1778 : vector<128x128xf32> to vector<1x128x128xf32>
    tpu.vector_store %arg3[%swap3A_1779, %swap3A_1780, %swap3A_1781], %swap3A_1784 {strides = array<i32>} : memref<128x128x128xf32, #tpu.memory_space<vmem>>, vector<1x128x128xf32>,
    %get3A_1785 = arith.constant 56 : index
    %get3A_1786 = arith.constant 0 : index
    %get3A_1787 = memref.load %arg1[%get3A_1785, %get3A_1786] : memref<128x4xi32, #tpu.memory_space<smem>>
    %get3A_1788 = arith.constant 56 : index
    %get3A_1789 = arith.constant 1 : index
    %get3A_1790 = memref.load %arg1[%get3A_1788, %get3A_1789] : memref<128x4xi32, #tpu.memory_space<smem>>
    %get3A_1791 = arith.constant 56 : index
    %get3A_1792 = arith.constant 2 : index
    %get3A_1793 = memref.load %arg1[%get3A_1791, %get3A_1792] : memref<128x4xi32, #tpu.memory_space<smem>>
    %get3A_1794 = arith.constant 56 : index
    %get3A_1795 = arith.constant 3 : index
    %get3A_1796 = memref.load %arg1[%get3A_1794, %get3A_1795] : memref<128x4xi32, #tpu.memory_space<smem>>
    %sub3A_1797 = vector.broadcast %get3A_1790 : i32 to vector<128x128xi32>
    %sub3A_1798 = arith.subi %iota3A, %sub3A_1797 : vector<128x128xi32>
    %le3A_1799 = vector.broadcast %get3A_1796 : i32 to vector<128x128xi32>
    %le3A_1800 = arith.cmpi ule, %sub3A_1798, %le3A_1799 : vector<128x128xi32>
    %sub3A_1801 = vector.broadcast %get3A_1787 : i32 to vector<128x128xi32>
    %sub3A_1802 = arith.subi %iota3A_0, %sub3A_1801 : vector<128x128xi32>
    %le3A_1803 = vector.broadcast %get3A_1793 : i32 to vector<128x128xi32>
    %le3A_1804 = arith.cmpi ule, %sub3A_1802, %le3A_1803 : vector<128x128xi32>
    %and3A_1805 = arith.andi %le3A_1800, %le3A_1804 : vector<128x128xi1>
    %jit3A_1806 = arith.constant 1.000000e+00 : f32
    %jit3A_1807 = arith.constant 0.000000e+00 : f32
    %broadcast_in_dim3A_1808 = vector.broadcast %jit3A_1806 : f32 to vector<128x128xf32>
    %broadcast_in_dim3A_1809 = vector.broadcast %jit3A_1807 : f32 to vector<128x128xf32>
    %select_n3A_1810 = arith.select %and3A_1805, %broadcast_in_dim3A_1808, %broadcast_in_dim3A_1809 : vector<128x128xi1>, vector<128x128xf32>
    %swap3A_1811 = arith.constant 56 : index
    %swap3A_1812 = arith.constant 0 : index
    %swap3A_1813 = arith.constant 0 : index
    %swap3A_1814 = vector.load %arg3[%swap3A_1811, %swap3A_1812, %swap3A_1813] : memref<128x128x128xf32, #tpu.memory_space<vmem>>, vector<1x128x128xf32>
    %swap3A_1815 = vector.shape_cast %swap3A_1814 : vector<1x128x128xf32> to vector<128x128xf32>
    %swap3A_1816 = vector.shape_cast %select_n3A_1810 : vector<128x128xf32> to vector<1x128x128xf32>
    tpu.vector_store %arg3[%swap3A_1811, %swap3A_1812, %swap3A_1813], %swap3A_1816 {strides = array<i32>} : memref<128x128x128xf32, #tpu.memory_space<vmem>>, vector<1x128x128xf32>,
    %get3A_1817 = arith.constant 57 : index
    %get3A_1818 = arith.constant 0 : index
    %get3A_1819 = memref.load %arg1[%get3A_1817, %get3A_1818] : memref<128x4xi32, #tpu.memory_space<smem>>
    %get3A_1820 = arith.constant 57 : index
    %get3A_1821 = arith.constant 1 : index
    %get3A_1822 = memref.load %arg1[%get3A_1820, %get3A_1821] : memref<128x4xi32, #tpu.memory_space<smem>>
    %get3A_1823 = arith.constant 57 : index
    %get3A_1824 = arith.constant 2 : index
    %get3A_1825 = memref.load %arg1[%get3A_1823, %get3A_1824] : memref<128x4xi32, #tpu.memory_space<smem>>
    %get3A_1826 = arith.constant 57 : index
    %get3A_1827 = arith.constant 3 : index
    %get3A_1828 = memref.load %arg1[%get3A_1826, %get3A_1827] : memref<128x4xi32, #tpu.memory_space<smem>>
    %sub3A_1829 = vector.broadcast %get3A_1822 : i32 to vector<128x128xi32>
    %sub3A_1830 = arith.subi %iota3A, %sub3A_1829 : vector<128x128xi32>
    %le3A_1831 = vector.broadcast %get3A_1828 : i32 to vector<128x128xi32>
    %le3A_1832 = arith.cmpi ule, %sub3A_1830, %le3A_1831 : vector<128x128xi32>
    %sub3A_1833 = vector.broadcast %get3A_1819 : i32 to vector<128x128xi32>
    %sub3A_1834 = arith.subi %iota3A_0, %sub3A_1833 : vector<128x128xi32>
    %le3A_1835 = vector.broadcast %get3A_1825 : i32 to vector<128x128xi32>
    %le3A_1836 = arith.cmpi ule, %sub3A_1834, %le3A_1835 : vector<128x128xi32>
    %and3A_1837 = arith.andi %le3A_1832, %le3A_1836 : vector<128x128xi1>
    %jit3A_1838 = arith.constant 1.000000e+00 : f32
    %jit3A_1839 = arith.constant 0.000000e+00 : f32
    %broadcast_in_dim3A_1840 = vector.broadcast %jit3A_1838 : f32 to vector<128x128xf32>
    %broadcast_in_dim3A_1841 = vector.broadcast %jit3A_1839 : f32 to vector<128x128xf32>
    %select_n3A_1842 = arith.select %and3A_1837, %broadcast_in_dim3A_1840, %broadcast_in_dim3A_1841 : vector<128x128xi1>, vector<128x128xf32>
    %swap3A_1843 = arith.constant 57 : index
    %swap3A_1844 = arith.constant 0 : index
    %swap3A_1845 = arith.constant 0 : index
    %swap3A_1846 = vector.load %arg3[%swap3A_1843, %swap3A_1844, %swap3A_1845] : memref<128x128x128xf32, #tpu.memory_space<vmem>>, vector<1x128x128xf32>
    %swap3A_1847 = vector.shape_cast %swap3A_1846 : vector<1x128x128xf32> to vector<128x128xf32>
    %swap3A_1848 = vector.shape_cast %select_n3A_1842 : vector<128x128xf32> to vector<1x128x128xf32>
    tpu.vector_store %arg3[%swap3A_1843, %swap3A_1844, %swap3A_1845], %swap3A_1848 {strides = array<i32>} : memref<128x128x128xf32, #tpu.memory_space<vmem>>, vector<1x128x128xf32>,
    %get3A_1849 = arith.constant 58 : index
    %get3A_1850 = arith.constant 0 : index
    %get3A_1851 = memref.load %arg1[%get3A_1849, %get3A_1850] : memref<128x4xi32, #tpu.memory_space<smem>>
    %get3A_1852 = arith.constant 58 : index
    %get3A_1853 = arith.constant 1 : index
    %get3A_1854 = memref.load %arg1[%get3A_1852, %get3A_1853] : memref<128x4xi32, #tpu.memory_space<smem>>
    %get3A_1855 = arith.constant 58 : index
    %get3A_1856 = arith.constant 2 : index
    %get3A_1857 = memref.load %arg1[%get3A_1855, %get3A_1856] : memref<128x4xi32, #tpu.memory_space<smem>>
    %get3A_1858 = arith.constant 58 : index
    %get3A_1859 = arith.constant 3 : index
    %get3A_1860 = memref.load %arg1[%get3A_1858, %get3A_1859] : memref<128x4xi32, #tpu.memory_space<smem>>
    %sub3A_1861 = vector.broadcast %get3A_1854 : i32 to vector<128x128xi32>
    %sub3A_1862 = arith.subi %iota3A, %sub3A_1861 : vector<128x128xi32>
    %le3A_1863 = vector.broadcast %get3A_1860 : i32 to vector<128x128xi32>
    %le3A_1864 = arith.cmpi ule, %sub3A_1862, %le3A_1863 : vector<128x128xi32>
    %sub3A_1865 = vector.broadcast %get3A_1851 : i32 to vector<128x128xi32>
    %sub3A_1866 = arith.subi %iota3A_0, %sub3A_1865 : vector<128x128xi32>
    %le3A_1867 = vector.broadcast %get3A_1857 : i32 to vector<128x128xi32>
    %le3A_1868 = arith.cmpi ule, %sub3A_1866, %le3A_1867 : vector<128x128xi32>
    %and3A_1869 = arith.andi %le3A_1864, %le3A_1868 : vector<128x128xi1>
    %jit3A_1870 = arith.constant 1.000000e+00 : f32
    %jit3A_1871 = arith.constant 0.000000e+00 : f32
    %broadcast_in_dim3A_1872 = vector.broadcast %jit3A_1870 : f32 to vector<128x128xf32>
    %broadcast_in_dim3A_1873 = vector.broadcast %jit3A_1871 : f32 to vector<128x128xf32>
    %select_n3A_1874 = arith.select %and3A_1869, %broadcast_in_dim3A_1872, %broadcast_in_dim3A_1873 : vector<128x128xi1>, vector<128x128xf32>
    %swap3A_1875 = arith.constant 58 : index
    %swap3A_1876 = arith.constant 0 : index
    %swap3A_1877 = arith.constant 0 : index
    %swap3A_1878 = vector.load %arg3[%swap3A_1875, %swap3A_1876, %swap3A_1877] : memref<128x128x128xf32, #tpu.memory_space<vmem>>, vector<1x128x128xf32>
    %swap3A_1879 = vector.shape_cast %swap3A_1878 : vector<1x128x128xf32> to vector<128x128xf32>
    %swap3A_1880 = vector.shape_cast %select_n3A_1874 : vector<128x128xf32> to vector<1x128x128xf32>
    tpu.vector_store %arg3[%swap3A_1875, %swap3A_1876, %swap3A_1877], %swap3A_1880 {strides = array<i32>} : memref<128x128x128xf32, #tpu.memory_space<vmem>>, vector<1x128x128xf32>,
    %get3A_1881 = arith.constant 59 : index
    %get3A_1882 = arith.constant 0 : index
    %get3A_1883 = memref.load %arg1[%get3A_1881, %get3A_1882] : memref<128x4xi32, #tpu.memory_space<smem>>
    %get3A_1884 = arith.constant 59 : index
    %get3A_1885 = arith.constant 1 : index
    %get3A_1886 = memref.load %arg1[%get3A_1884, %get3A_1885] : memref<128x4xi32, #tpu.memory_space<smem>>
    %get3A_1887 = arith.constant 59 : index
    %get3A_1888 = arith.constant 2 : index
    %get3A_1889 = memref.load %arg1[%get3A_1887, %get3A_1888] : memref<128x4xi32, #tpu.memory_space<smem>>
    %get3A_1890 = arith.constant 59 : index
    %get3A_1891 = arith.constant 3 : index
    %get3A_1892 = memref.load %arg1[%get3A_1890, %get3A_1891] : memref<128x4xi32, #tpu.memory_space<smem>>
    %sub3A_1893 = vector.broadcast %get3A_1886 : i32 to vector<128x128xi32>
    %sub3A_1894 = arith.subi %iota3A, %sub3A_1893 : vector<128x128xi32>
    %le3A_1895 = vector.broadcast %get3A_1892 : i32 to vector<128x128xi32>
    %le3A_1896 = arith.cmpi ule, %sub3A_1894, %le3A_1895 : vector<128x128xi32>
    %sub3A_1897 = vector.broadcast %get3A_1883 : i32 to vector<128x128xi32>
    %sub3A_1898 = arith.subi %iota3A_0, %sub3A_1897 : vector<128x128xi32>
    %le3A_1899 = vector.broadcast %get3A_1889 : i32 to vector<128x128xi32>
    %le3A_1900 = arith.cmpi ule, %sub3A_1898, %le3A_1899 : vector<128x128xi32>
    %and3A_1901 = arith.andi %le3A_1896, %le3A_1900 : vector<128x128xi1>
    %jit3A_1902 = arith.constant 1.000000e+00 : f32
    %jit3A_1903 = arith.constant 0.000000e+00 : f32
    %broadcast_in_dim3A_1904 = vector.broadcast %jit3A_1902 : f32 to vector<128x128xf32>
    %broadcast_in_dim3A_1905 = vector.broadcast %jit3A_1903 : f32 to vector<128x128xf32>
    %select_n3A_1906 = arith.select %and3A_1901, %broadcast_in_dim3A_1904, %broadcast_in_dim3A_1905 : vector<128x128xi1>, vector<128x128xf32>
    %swap3A_1907 = arith.constant 59 : index
    %swap3A_1908 = arith.constant 0 : index
    %swap3A_1909 = arith.constant 0 : index
    %swap3A_1910 = vector.load %arg3[%swap3A_1907, %swap3A_1908, %swap3A_1909] : memref<128x128x128xf32, #tpu.memory_space<vmem>>, vector<1x128x128xf32>
    %swap3A_1911 = vector.shape_cast %swap3A_1910 : vector<1x128x128xf32> to vector<128x128xf32>
    %swap3A_1912 = vector.shape_cast %select_n3A_1906 : vector<128x128xf32> to vector<1x128x128xf32>
    tpu.vector_store %arg3[%swap3A_1907, %swap3A_1908, %swap3A_1909], %swap3A_1912 {strides = array<i32>} : memref<128x128x128xf32, #tpu.memory_space<vmem>>, vector<1x128x128xf32>,
    %get3A_1913 = arith.constant 60 : index
    %get3A_1914 = arith.constant 0 : index
    %get3A_1915 = memref.load %arg1[%get3A_1913, %get3A_1914] : memref<128x4xi32, #tpu.memory_space<smem>>
    %get3A_1916 = arith.constant 60 : index
    %get3A_1917 = arith.constant 1 : index
    %get3A_1918 = memref.load %arg1[%get3A_1916, %get3A_1917] : memref<128x4xi32, #tpu.memory_space<smem>>
    %get3A_1919 = arith.constant 60 : index
    %get3A_1920 = arith.constant 2 : index
    %get3A_1921 = memref.load %arg1[%get3A_1919, %get3A_1920] : memref<128x4xi32, #tpu.memory_space<smem>>
    %get3A_1922 = arith.constant 60 : index
    %get3A_1923 = arith.constant 3 : index
    %get3A_1924 = memref.load %arg1[%get3A_1922, %get3A_1923] : memref<128x4xi32, #tpu.memory_space<smem>>
    %sub3A_1925 = vector.broadcast %get3A_1918 : i32 to vector<128x128xi32>
    %sub3A_1926 = arith.subi %iota3A, %sub3A_1925 : vector<128x128xi32>
    %le3A_1927 = vector.broadcast %get3A_1924 : i32 to vector<128x128xi32>
    %le3A_1928 = arith.cmpi ule, %sub3A_1926, %le3A_1927 : vector<128x128xi32>
    %sub3A_1929 = vector.broadcast %get3A_1915 : i32 to vector<128x128xi32>
    %sub3A_1930 = arith.subi %iota3A_0, %sub3A_1929 : vector<128x128xi32>
    %le3A_1931 = vector.broadcast %get3A_1921 : i32 to vector<128x128xi32>
    %le3A_1932 = arith.cmpi ule, %sub3A_1930, %le3A_1931 : vector<128x128xi32>
    %and3A_1933 = arith.andi %le3A_1928, %le3A_1932 : vector<128x128xi1>
    %jit3A_1934 = arith.constant 1.000000e+00 : f32
    %jit3A_1935 = arith.constant 0.000000e+00 : f32
    %broadcast_in_dim3A_1936 = vector.broadcast %jit3A_1934 : f32 to vector<128x128xf32>
    %broadcast_in_dim3A_1937 = vector.broadcast %jit3A_1935 : f32 to vector<128x128xf32>
    %select_n3A_1938 = arith.select %and3A_1933, %broadcast_in_dim3A_1936, %broadcast_in_dim3A_1937 : vector<128x128xi1>, vector<128x128xf32>
    %swap3A_1939 = arith.constant 60 : index
    %swap3A_1940 = arith.constant 0 : index
    %swap3A_1941 = arith.constant 0 : index
    %swap3A_1942 = vector.load %arg3[%swap3A_1939, %swap3A_1940, %swap3A_1941] : memref<128x128x128xf32, #tpu.memory_space<vmem>>, vector<1x128x128xf32>
    %swap3A_1943 = vector.shape_cast %swap3A_1942 : vector<1x128x128xf32> to vector<128x128xf32>
    %swap3A_1944 = vector.shape_cast %select_n3A_1938 : vector<128x128xf32> to vector<1x128x128xf32>
    tpu.vector_store %arg3[%swap3A_1939, %swap3A_1940, %swap3A_1941], %swap3A_1944 {strides = array<i32>} : memref<128x128x128xf32, #tpu.memory_space<vmem>>, vector<1x128x128xf32>,
    %get3A_1945 = arith.constant 61 : index
    %get3A_1946 = arith.constant 0 : index
    %get3A_1947 = memref.load %arg1[%get3A_1945, %get3A_1946] : memref<128x4xi32, #tpu.memory_space<smem>>
    %get3A_1948 = arith.constant 61 : index
    %get3A_1949 = arith.constant 1 : index
    %get3A_1950 = memref.load %arg1[%get3A_1948, %get3A_1949] : memref<128x4xi32, #tpu.memory_space<smem>>
    %get3A_1951 = arith.constant 61 : index
    %get3A_1952 = arith.constant 2 : index
    %get3A_1953 = memref.load %arg1[%get3A_1951, %get3A_1952] : memref<128x4xi32, #tpu.memory_space<smem>>
    %get3A_1954 = arith.constant 61 : index
    %get3A_1955 = arith.constant 3 : index
    %get3A_1956 = memref.load %arg1[%get3A_1954, %get3A_1955] : memref<128x4xi32, #tpu.memory_space<smem>>
    %sub3A_1957 = vector.broadcast %get3A_1950 : i32 to vector<128x128xi32>
    %sub3A_1958 = arith.subi %iota3A, %sub3A_1957 : vector<128x128xi32>
    %le3A_1959 = vector.broadcast %get3A_1956 : i32 to vector<128x128xi32>
    %le3A_1960 = arith.cmpi ule, %sub3A_1958, %le3A_1959 : vector<128x128xi32>
    %sub3A_1961 = vector.broadcast %get3A_1947 : i32 to vector<128x128xi32>
    %sub3A_1962 = arith.subi %iota3A_0, %sub3A_1961 : vector<128x128xi32>
    %le3A_1963 = vector.broadcast %get3A_1953 : i32 to vector<128x128xi32>
    %le3A_1964 = arith.cmpi ule, %sub3A_1962, %le3A_1963 : vector<128x128xi32>
    %and3A_1965 = arith.andi %le3A_1960, %le3A_1964 : vector<128x128xi1>
    %jit3A_1966 = arith.constant 1.000000e+00 : f32
    %jit3A_1967 = arith.constant 0.000000e+00 : f32
    %broadcast_in_dim3A_1968 = vector.broadcast %jit3A_1966 : f32 to vector<128x128xf32>
    %broadcast_in_dim3A_1969 = vector.broadcast %jit3A_1967 : f32 to vector<128x128xf32>
    %select_n3A_1970 = arith.select %and3A_1965, %broadcast_in_dim3A_1968, %broadcast_in_dim3A_1969 : vector<128x128xi1>, vector<128x128xf32>
    %swap3A_1971 = arith.constant 61 : index
    %swap3A_1972 = arith.constant 0 : index
    %swap3A_1973 = arith.constant 0 : index
    %swap3A_1974 = vector.load %arg3[%swap3A_1971, %swap3A_1972, %swap3A_1973] : memref<128x128x128xf32, #tpu.memory_space<vmem>>, vector<1x128x128xf32>
    %swap3A_1975 = vector.shape_cast %swap3A_1974 : vector<1x128x128xf32> to vector<128x128xf32>
    %swap3A_1976 = vector.shape_cast %select_n3A_1970 : vector<128x128xf32> to vector<1x128x128xf32>
    tpu.vector_store %arg3[%swap3A_1971, %swap3A_1972, %swap3A_1973], %swap3A_1976 {strides = array<i32>} : memref<128x128x128xf32, #tpu.memory_space<vmem>>, vector<1x128x128xf32>,
    %get3A_1977 = arith.constant 62 : index
    %get3A_1978 = arith.constant 0 : index
    %get3A_1979 = memref.load %arg1[%get3A_1977, %get3A_1978] : memref<128x4xi32, #tpu.memory_space<smem>>
    %get3A_1980 = arith.constant 62 : index
    %get3A_1981 = arith.constant 1 : index
    %get3A_1982 = memref.load %arg1[%get3A_1980, %get3A_1981] : memref<128x4xi32, #tpu.memory_space<smem>>
    %get3A_1983 = arith.constant 62 : index
    %get3A_1984 = arith.constant 2 : index
    %get3A_1985 = memref.load %arg1[%get3A_1983, %get3A_1984] : memref<128x4xi32, #tpu.memory_space<smem>>
    %get3A_1986 = arith.constant 62 : index
    %get3A_1987 = arith.constant 3 : index
    %get3A_1988 = memref.load %arg1[%get3A_1986, %get3A_1987] : memref<128x4xi32, #tpu.memory_space<smem>>
    %sub3A_1989 = vector.broadcast %get3A_1982 : i32 to vector<128x128xi32>
    %sub3A_1990 = arith.subi %iota3A, %sub3A_1989 : vector<128x128xi32>
    %le3A_1991 = vector.broadcast %get3A_1988 : i32 to vector<128x128xi32>
    %le3A_1992 = arith.cmpi ule, %sub3A_1990, %le3A_1991 : vector<128x128xi32>
    %sub3A_1993 = vector.broadcast %get3A_1979 : i32 to vector<128x128xi32>
    %sub3A_1994 = arith.subi %iota3A_0, %sub3A_1993 : vector<128x128xi32>
    %le3A_1995 = vector.broadcast %get3A_1985 : i32 to vector<128x128xi32>
    %le3A_1996 = arith.cmpi ule, %sub3A_1994, %le3A_1995 : vector<128x128xi32>
    %and3A_1997 = arith.andi %le3A_1992, %le3A_1996 : vector<128x128xi1>
    %jit3A_1998 = arith.constant 1.000000e+00 : f32
    %jit3A_1999 = arith.constant 0.000000e+00 : f32
    %broadcast_in_dim3A_2000 = vector.broadcast %jit3A_1998 : f32 to vector<128x128xf32>
    %broadcast_in_dim3A_2001 = vector.broadcast %jit3A_1999 : f32 to vector<128x128xf32>
    %select_n3A_2002 = arith.select %and3A_1997, %broadcast_in_dim3A_2000, %broadcast_in_dim3A_2001 : vector<128x128xi1>, vector<128x128xf32>
    %swap3A_2003 = arith.constant 62 : index
    %swap3A_2004 = arith.constant 0 : index
    %swap3A_2005 = arith.constant 0 : index
    %swap3A_2006 = vector.load %arg3[%swap3A_2003, %swap3A_2004, %swap3A_2005] : memref<128x128x128xf32, #tpu.memory_space<vmem>>, vector<1x128x128xf32>
    %swap3A_2007 = vector.shape_cast %swap3A_2006 : vector<1x128x128xf32> to vector<128x128xf32>
    %swap3A_2008 = vector.shape_cast %select_n3A_2002 : vector<128x128xf32> to vector<1x128x128xf32>
    tpu.vector_store %arg3[%swap3A_2003, %swap3A_2004, %swap3A_2005], %swap3A_2008 {strides = array<i32>} : memref<128x128x128xf32, #tpu.memory_space<vmem>>, vector<1x128x128xf32>,
    %get3A_2009 = arith.constant 63 : index
    %get3A_2010 = arith.constant 0 : index
    %get3A_2011 = memref.load %arg1[%get3A_2009, %get3A_2010] : memref<128x4xi32, #tpu.memory_space<smem>>
    %get3A_2012 = arith.constant 63 : index
    %get3A_2013 = arith.constant 1 : index
    %get3A_2014 = memref.load %arg1[%get3A_2012, %get3A_2013] : memref<128x4xi32, #tpu.memory_space<smem>>
    %get3A_2015 = arith.constant 63 : index
    %get3A_2016 = arith.constant 2 : index
    %get3A_2017 = memref.load %arg1[%get3A_2015, %get3A_2016] : memref<128x4xi32, #tpu.memory_space<smem>>
    %get3A_2018 = arith.constant 63 : index
    %get3A_2019 = arith.constant 3 : index
    %get3A_2020 = memref.load %arg1[%get3A_2018, %get3A_2019] : memref<128x4xi32, #tpu.memory_space<smem>>
    %sub3A_2021 = vector.broadcast %get3A_2014 : i32 to vector<128x128xi32>
    %sub3A_2022 = arith.subi %iota3A, %sub3A_2021 : vector<128x128xi32>
    %le3A_2023 = vector.broadcast %get3A_2020 : i32 to vector<128x128xi32>
    %le3A_2024 = arith.cmpi ule, %sub3A_2022, %le3A_2023 : vector<128x128xi32>
    %sub3A_2025 = vector.broadcast %get3A_2011 : i32 to vector<128x128xi32>
    %sub3A_2026 = arith.subi %iota3A_0, %sub3A_2025 : vector<128x128xi32>
    %le3A_2027 = vector.broadcast %get3A_2017 : i32 to vector<128x128xi32>
    %le3A_2028 = arith.cmpi ule, %sub3A_2026, %le3A_2027 : vector<128x128xi32>
    %and3A_2029 = arith.andi %le3A_2024, %le3A_2028 : vector<128x128xi1>
    %jit3A_2030 = arith.constant 1.000000e+00 : f32
    %jit3A_2031 = arith.constant 0.000000e+00 : f32
    %broadcast_in_dim3A_2032 = vector.broadcast %jit3A_2030 : f32 to vector<128x128xf32>
    %broadcast_in_dim3A_2033 = vector.broadcast %jit3A_2031 : f32 to vector<128x128xf32>
    %select_n3A_2034 = arith.select %and3A_2029, %broadcast_in_dim3A_2032, %broadcast_in_dim3A_2033 : vector<128x128xi1>, vector<128x128xf32>
    %swap3A_2035 = arith.constant 63 : index
    %swap3A_2036 = arith.constant 0 : index
    %swap3A_2037 = arith.constant 0 : index
    %swap3A_2038 = vector.load %arg3[%swap3A_2035, %swap3A_2036, %swap3A_2037] : memref<128x128x128xf32, #tpu.memory_space<vmem>>, vector<1x128x128xf32>
    %swap3A_2039 = vector.shape_cast %swap3A_2038 : vector<1x128x128xf32> to vector<128x128xf32>
    %swap3A_2040 = vector.shape_cast %select_n3A_2034 : vector<128x128xf32> to vector<1x128x128xf32>
    tpu.vector_store %arg3[%swap3A_2035, %swap3A_2036, %swap3A_2037], %swap3A_2040 {strides = array<i32>} : memref<128x128x128xf32, #tpu.memory_space<vmem>>, vector<1x128x128xf32>,
    %get3A_2041 = arith.constant 64 : index
    %get3A_2042 = arith.constant 0 : index
    %get3A_2043 = memref.load %arg1[%get3A_2041, %get3A_2042] : memref<128x4xi32, #tpu.memory_space<smem>>
    %get3A_2044 = arith.constant 64 : index
    %get3A_2045 = arith.constant 1 : index
    %get3A_2046 = memref.load %arg1[%get3A_2044, %get3A_2045] : memref<128x4xi32, #tpu.memory_space<smem>>
    %get3A_2047 = arith.constant 64 : index
    %get3A_2048 = arith.constant 2 : index
    %get3A_2049 = memref.load %arg1[%get3A_2047, %get3A_2048] : memref<128x4xi32, #tpu.memory_space<smem>>
    %get3A_2050 = arith.constant 64 : index
    %get3A_2051 = arith.constant 3 : index
    %get3A_2052 = memref.load %arg1[%get3A_2050, %get3A_2051] : memref<128x4xi32, #tpu.memory_space<smem>>
    %sub3A_2053 = vector.broadcast %get3A_2046 : i32 to vector<128x128xi32>
    %sub3A_2054 = arith.subi %iota3A, %sub3A_2053 : vector<128x128xi32>
    %le3A_2055 = vector.broadcast %get3A_2052 : i32 to vector<128x128xi32>
    %le3A_2056 = arith.cmpi ule, %sub3A_2054, %le3A_2055 : vector<128x128xi32>
    %sub3A_2057 = vector.broadcast %get3A_2043 : i32 to vector<128x128xi32>
    %sub3A_2058 = arith.subi %iota3A_0, %sub3A_2057 : vector<128x128xi32>
    %le3A_2059 = vector.broadcast %get3A_2049 : i32 to vector<128x128xi32>
    %le3A_2060 = arith.cmpi ule, %sub3A_2058, %le3A_2059 : vector<128x128xi32>
    %and3A_2061 = arith.andi %le3A_2056, %le3A_2060 : vector<128x128xi1>
    %jit3A_2062 = arith.constant 1.000000e+00 : f32
    %jit3A_2063 = arith.constant 0.000000e+00 : f32
    %broadcast_in_dim3A_2064 = vector.broadcast %jit3A_2062 : f32 to vector<128x128xf32>
    %broadcast_in_dim3A_2065 = vector.broadcast %jit3A_2063 : f32 to vector<128x128xf32>
    %select_n3A_2066 = arith.select %and3A_2061, %broadcast_in_dim3A_2064, %broadcast_in_dim3A_2065 : vector<128x128xi1>, vector<128x128xf32>
    %swap3A_2067 = arith.constant 64 : index
    %swap3A_2068 = arith.constant 0 : index
    %swap3A_2069 = arith.constant 0 : index
    %swap3A_2070 = vector.load %arg3[%swap3A_2067, %swap3A_2068, %swap3A_2069] : memref<128x128x128xf32, #tpu.memory_space<vmem>>, vector<1x128x128xf32>
    %swap3A_2071 = vector.shape_cast %swap3A_2070 : vector<1x128x128xf32> to vector<128x128xf32>
    %swap3A_2072 = vector.shape_cast %select_n3A_2066 : vector<128x128xf32> to vector<1x128x128xf32>
    tpu.vector_store %arg3[%swap3A_2067, %swap3A_2068, %swap3A_2069], %swap3A_2072 {strides = array<i32>} : memref<128x128x128xf32, #tpu.memory_space<vmem>>, vector<1x128x128xf32>,
    %get3A_2073 = arith.constant 65 : index
    %get3A_2074 = arith.constant 0 : index
    %get3A_2075 = memref.load %arg1[%get3A_2073, %get3A_2074] : memref<128x4xi32, #tpu.memory_space<smem>>
    %get3A_2076 = arith.constant 65 : index
    %get3A_2077 = arith.constant 1 : index
    %get3A_2078 = memref.load %arg1[%get3A_2076, %get3A_2077] : memref<128x4xi32, #tpu.memory_space<smem>>
    %get3A_2079 = arith.constant 65 : index
    %get3A_2080 = arith.constant 2 : index
    %get3A_2081 = memref.load %arg1[%get3A_2079, %get3A_2080] : memref<128x4xi32, #tpu.memory_space<smem>>
    %get3A_2082 = arith.constant 65 : index
    %get3A_2083 = arith.constant 3 : index
    %get3A_2084 = memref.load %arg1[%get3A_2082, %get3A_2083] : memref<128x4xi32, #tpu.memory_space<smem>>
    %sub3A_2085 = vector.broadcast %get3A_2078 : i32 to vector<128x128xi32>
    %sub3A_2086 = arith.subi %iota3A, %sub3A_2085 : vector<128x128xi32>
    %le3A_2087 = vector.broadcast %get3A_2084 : i32 to vector<128x128xi32>
    %le3A_2088 = arith.cmpi ule, %sub3A_2086, %le3A_2087 : vector<128x128xi32>
    %sub3A_2089 = vector.broadcast %get3A_2075 : i32 to vector<128x128xi32>
    %sub3A_2090 = arith.subi %iota3A_0, %sub3A_2089 : vector<128x128xi32>
    %le3A_2091 = vector.broadcast %get3A_2081 : i32 to vector<128x128xi32>
    %le3A_2092 = arith.cmpi ule, %sub3A_2090, %le3A_2091 : vector<128x128xi32>
    %and3A_2093 = arith.andi %le3A_2088, %le3A_2092 : vector<128x128xi1>
    %jit3A_2094 = arith.constant 1.000000e+00 : f32
    %jit3A_2095 = arith.constant 0.000000e+00 : f32
    %broadcast_in_dim3A_2096 = vector.broadcast %jit3A_2094 : f32 to vector<128x128xf32>
    %broadcast_in_dim3A_2097 = vector.broadcast %jit3A_2095 : f32 to vector<128x128xf32>
    %select_n3A_2098 = arith.select %and3A_2093, %broadcast_in_dim3A_2096, %broadcast_in_dim3A_2097 : vector<128x128xi1>, vector<128x128xf32>
    %swap3A_2099 = arith.constant 65 : index
    %swap3A_2100 = arith.constant 0 : index
    %swap3A_2101 = arith.constant 0 : index
    %swap3A_2102 = vector.load %arg3[%swap3A_2099, %swap3A_2100, %swap3A_2101] : memref<128x128x128xf32, #tpu.memory_space<vmem>>, vector<1x128x128xf32>
    %swap3A_2103 = vector.shape_cast %swap3A_2102 : vector<1x128x128xf32> to vector<128x128xf32>
    %swap3A_2104 = vector.shape_cast %select_n3A_2098 : vector<128x128xf32> to vector<1x128x128xf32>
    tpu.vector_store %arg3[%swap3A_2099, %swap3A_2100, %swap3A_2101], %swap3A_2104 {strides = array<i32>} : memref<128x128x128xf32, #tpu.memory_space<vmem>>, vector<1x128x128xf32>,
    %get3A_2105 = arith.constant 66 : index
    %get3A_2106 = arith.constant 0 : index
    %get3A_2107 = memref.load %arg1[%get3A_2105, %get3A_2106] : memref<128x4xi32, #tpu.memory_space<smem>>
    %get3A_2108 = arith.constant 66 : index
    %get3A_2109 = arith.constant 1 : index
    %get3A_2110 = memref.load %arg1[%get3A_2108, %get3A_2109] : memref<128x4xi32, #tpu.memory_space<smem>>
    %get3A_2111 = arith.constant 66 : index
    %get3A_2112 = arith.constant 2 : index
    %get3A_2113 = memref.load %arg1[%get3A_2111, %get3A_2112] : memref<128x4xi32, #tpu.memory_space<smem>>
    %get3A_2114 = arith.constant 66 : index
    %get3A_2115 = arith.constant 3 : index
    %get3A_2116 = memref.load %arg1[%get3A_2114, %get3A_2115] : memref<128x4xi32, #tpu.memory_space<smem>>
    %sub3A_2117 = vector.broadcast %get3A_2110 : i32 to vector<128x128xi32>
    %sub3A_2118 = arith.subi %iota3A, %sub3A_2117 : vector<128x128xi32>
    %le3A_2119 = vector.broadcast %get3A_2116 : i32 to vector<128x128xi32>
    %le3A_2120 = arith.cmpi ule, %sub3A_2118, %le3A_2119 : vector<128x128xi32>
    %sub3A_2121 = vector.broadcast %get3A_2107 : i32 to vector<128x128xi32>
    %sub3A_2122 = arith.subi %iota3A_0, %sub3A_2121 : vector<128x128xi32>
    %le3A_2123 = vector.broadcast %get3A_2113 : i32 to vector<128x128xi32>
    %le3A_2124 = arith.cmpi ule, %sub3A_2122, %le3A_2123 : vector<128x128xi32>
    %and3A_2125 = arith.andi %le3A_2120, %le3A_2124 : vector<128x128xi1>
    %jit3A_2126 = arith.constant 1.000000e+00 : f32
    %jit3A_2127 = arith.constant 0.000000e+00 : f32
    %broadcast_in_dim3A_2128 = vector.broadcast %jit3A_2126 : f32 to vector<128x128xf32>
    %broadcast_in_dim3A_2129 = vector.broadcast %jit3A_2127 : f32 to vector<128x128xf32>
    %select_n3A_2130 = arith.select %and3A_2125, %broadcast_in_dim3A_2128, %broadcast_in_dim3A_2129 : vector<128x128xi1>, vector<128x128xf32>
    %swap3A_2131 = arith.constant 66 : index
    %swap3A_2132 = arith.constant 0 : index
    %swap3A_2133 = arith.constant 0 : index
    %swap3A_2134 = vector.load %arg3[%swap3A_2131, %swap3A_2132, %swap3A_2133] : memref<128x128x128xf32, #tpu.memory_space<vmem>>, vector<1x128x128xf32>
    %swap3A_2135 = vector.shape_cast %swap3A_2134 : vector<1x128x128xf32> to vector<128x128xf32>
    %swap3A_2136 = vector.shape_cast %select_n3A_2130 : vector<128x128xf32> to vector<1x128x128xf32>
    tpu.vector_store %arg3[%swap3A_2131, %swap3A_2132, %swap3A_2133], %swap3A_2136 {strides = array<i32>} : memref<128x128x128xf32, #tpu.memory_space<vmem>>, vector<1x128x128xf32>,
    %get3A_2137 = arith.constant 67 : index
    %get3A_2138 = arith.constant 0 : index
    %get3A_2139 = memref.load %arg1[%get3A_2137, %get3A_2138] : memref<128x4xi32, #tpu.memory_space<smem>>
    %get3A_2140 = arith.constant 67 : index
    %get3A_2141 = arith.constant 1 : index
    %get3A_2142 = memref.load %arg1[%get3A_2140, %get3A_2141] : memref<128x4xi32, #tpu.memory_space<smem>>
    %get3A_2143 = arith.constant 67 : index
    %get3A_2144 = arith.constant 2 : index
    %get3A_2145 = memref.load %arg1[%get3A_2143, %get3A_2144] : memref<128x4xi32, #tpu.memory_space<smem>>
    %get3A_2146 = arith.constant 67 : index
    %get3A_2147 = arith.constant 3 : index
    %get3A_2148 = memref.load %arg1[%get3A_2146, %get3A_2147] : memref<128x4xi32, #tpu.memory_space<smem>>
    %sub3A_2149 = vector.broadcast %get3A_2142 : i32 to vector<128x128xi32>
    %sub3A_2150 = arith.subi %iota3A, %sub3A_2149 : vector<128x128xi32>
    %le3A_2151 = vector.broadcast %get3A_2148 : i32 to vector<128x128xi32>
    %le3A_2152 = arith.cmpi ule, %sub3A_2150, %le3A_2151 : vector<128x128xi32>
    %sub3A_2153 = vector.broadcast %get3A_2139 : i32 to vector<128x128xi32>
    %sub3A_2154 = arith.subi %iota3A_0, %sub3A_2153 : vector<128x128xi32>
    %le3A_2155 = vector.broadcast %get3A_2145 : i32 to vector<128x128xi32>
    %le3A_2156 = arith.cmpi ule, %sub3A_2154, %le3A_2155 : vector<128x128xi32>
    %and3A_2157 = arith.andi %le3A_2152, %le3A_2156 : vector<128x128xi1>
    %jit3A_2158 = arith.constant 1.000000e+00 : f32
    %jit3A_2159 = arith.constant 0.000000e+00 : f32
    %broadcast_in_dim3A_2160 = vector.broadcast %jit3A_2158 : f32 to vector<128x128xf32>
    %broadcast_in_dim3A_2161 = vector.broadcast %jit3A_2159 : f32 to vector<128x128xf32>
    %select_n3A_2162 = arith.select %and3A_2157, %broadcast_in_dim3A_2160, %broadcast_in_dim3A_2161 : vector<128x128xi1>, vector<128x128xf32>
    %swap3A_2163 = arith.constant 67 : index
    %swap3A_2164 = arith.constant 0 : index
    %swap3A_2165 = arith.constant 0 : index
    %swap3A_2166 = vector.load %arg3[%swap3A_2163, %swap3A_2164, %swap3A_2165] : memref<128x128x128xf32, #tpu.memory_space<vmem>>, vector<1x128x128xf32>
    %swap3A_2167 = vector.shape_cast %swap3A_2166 : vector<1x128x128xf32> to vector<128x128xf32>
    %swap3A_2168 = vector.shape_cast %select_n3A_2162 : vector<128x128xf32> to vector<1x128x128xf32>
    tpu.vector_store %arg3[%swap3A_2163, %swap3A_2164, %swap3A_2165], %swap3A_2168 {strides = array<i32>} : memref<128x128x128xf32, #tpu.memory_space<vmem>>, vector<1x128x128xf32>,
    %get3A_2169 = arith.constant 68 : index
    %get3A_2170 = arith.constant 0 : index
    %get3A_2171 = memref.load %arg1[%get3A_2169, %get3A_2170] : memref<128x4xi32, #tpu.memory_space<smem>>
    %get3A_2172 = arith.constant 68 : index
    %get3A_2173 = arith.constant 1 : index
    %get3A_2174 = memref.load %arg1[%get3A_2172, %get3A_2173] : memref<128x4xi32, #tpu.memory_space<smem>>
    %get3A_2175 = arith.constant 68 : index
    %get3A_2176 = arith.constant 2 : index
    %get3A_2177 = memref.load %arg1[%get3A_2175, %get3A_2176] : memref<128x4xi32, #tpu.memory_space<smem>>
    %get3A_2178 = arith.constant 68 : index
    %get3A_2179 = arith.constant 3 : index
    %get3A_2180 = memref.load %arg1[%get3A_2178, %get3A_2179] : memref<128x4xi32, #tpu.memory_space<smem>>
    %sub3A_2181 = vector.broadcast %get3A_2174 : i32 to vector<128x128xi32>
    %sub3A_2182 = arith.subi %iota3A, %sub3A_2181 : vector<128x128xi32>
    %le3A_2183 = vector.broadcast %get3A_2180 : i32 to vector<128x128xi32>
    %le3A_2184 = arith.cmpi ule, %sub3A_2182, %le3A_2183 : vector<128x128xi32>
    %sub3A_2185 = vector.broadcast %get3A_2171 : i32 to vector<128x128xi32>
    %sub3A_2186 = arith.subi %iota3A_0, %sub3A_2185 : vector<128x128xi32>
    %le3A_2187 = vector.broadcast %get3A_2177 : i32 to vector<128x128xi32>
    %le3A_2188 = arith.cmpi ule, %sub3A_2186, %le3A_2187 : vector<128x128xi32>
    %and3A_2189 = arith.andi %le3A_2184, %le3A_2188 : vector<128x128xi1>
    %jit3A_2190 = arith.constant 1.000000e+00 : f32
    %jit3A_2191 = arith.constant 0.000000e+00 : f32
    %broadcast_in_dim3A_2192 = vector.broadcast %jit3A_2190 : f32 to vector<128x128xf32>
    %broadcast_in_dim3A_2193 = vector.broadcast %jit3A_2191 : f32 to vector<128x128xf32>
    %select_n3A_2194 = arith.select %and3A_2189, %broadcast_in_dim3A_2192, %broadcast_in_dim3A_2193 : vector<128x128xi1>, vector<128x128xf32>
    %swap3A_2195 = arith.constant 68 : index
    %swap3A_2196 = arith.constant 0 : index
    %swap3A_2197 = arith.constant 0 : index
    %swap3A_2198 = vector.load %arg3[%swap3A_2195, %swap3A_2196, %swap3A_2197] : memref<128x128x128xf32, #tpu.memory_space<vmem>>, vector<1x128x128xf32>
    %swap3A_2199 = vector.shape_cast %swap3A_2198 : vector<1x128x128xf32> to vector<128x128xf32>
    %swap3A_2200 = vector.shape_cast %select_n3A_2194 : vector<128x128xf32> to vector<1x128x128xf32>
    tpu.vector_store %arg3[%swap3A_2195, %swap3A_2196, %swap3A_2197], %swap3A_2200 {strides = array<i32>} : memref<128x128x128xf32, #tpu.memory_space<vmem>>, vector<1x128x128xf32>,
    %get3A_2201 = arith.constant 69 : index
    %get3A_2202 = arith.constant 0 : index
    %get3A_2203 = memref.load %arg1[%get3A_2201, %get3A_2202] : memref<128x4xi32, #tpu.memory_space<smem>>
    %get3A_2204 = arith.constant 69 : index
    %get3A_2205 = arith.constant 1 : index
    %get3A_2206 = memref.load %arg1[%get3A_2204, %get3A_2205] : memref<128x4xi32, #tpu.memory_space<smem>>
    %get3A_2207 = arith.constant 69 : index
    %get3A_2208 = arith.constant 2 : index
    %get3A_2209 = memref.load %arg1[%get3A_2207, %get3A_2208] : memref<128x4xi32, #tpu.memory_space<smem>>
    %get3A_2210 = arith.constant 69 : index
    %get3A_2211 = arith.constant 3 : index
    %get3A_2212 = memref.load %arg1[%get3A_2210, %get3A_2211] : memref<128x4xi32, #tpu.memory_space<smem>>
    %sub3A_2213 = vector.broadcast %get3A_2206 : i32 to vector<128x128xi32>
    %sub3A_2214 = arith.subi %iota3A, %sub3A_2213 : vector<128x128xi32>
    %le3A_2215 = vector.broadcast %get3A_2212 : i32 to vector<128x128xi32>
    %le3A_2216 = arith.cmpi ule, %sub3A_2214, %le3A_2215 : vector<128x128xi32>
    %sub3A_2217 = vector.broadcast %get3A_2203 : i32 to vector<128x128xi32>
    %sub3A_2218 = arith.subi %iota3A_0, %sub3A_2217 : vector<128x128xi32>
    %le3A_2219 = vector.broadcast %get3A_2209 : i32 to vector<128x128xi32>
    %le3A_2220 = arith.cmpi ule, %sub3A_2218, %le3A_2219 : vector<128x128xi32>
    %and3A_2221 = arith.andi %le3A_2216, %le3A_2220 : vector<128x128xi1>
    %jit3A_2222 = arith.constant 1.000000e+00 : f32
    %jit3A_2223 = arith.constant 0.000000e+00 : f32
    %broadcast_in_dim3A_2224 = vector.broadcast %jit3A_2222 : f32 to vector<128x128xf32>
    %broadcast_in_dim3A_2225 = vector.broadcast %jit3A_2223 : f32 to vector<128x128xf32>
    %select_n3A_2226 = arith.select %and3A_2221, %broadcast_in_dim3A_2224, %broadcast_in_dim3A_2225 : vector<128x128xi1>, vector<128x128xf32>
    %swap3A_2227 = arith.constant 69 : index
    %swap3A_2228 = arith.constant 0 : index
    %swap3A_2229 = arith.constant 0 : index
    %swap3A_2230 = vector.load %arg3[%swap3A_2227, %swap3A_2228, %swap3A_2229] : memref<128x128x128xf32, #tpu.memory_space<vmem>>, vector<1x128x128xf32>
    %swap3A_2231 = vector.shape_cast %swap3A_2230 : vector<1x128x128xf32> to vector<128x128xf32>
    %swap3A_2232 = vector.shape_cast %select_n3A_2226 : vector<128x128xf32> to vector<1x128x128xf32>
    tpu.vector_store %arg3[%swap3A_2227, %swap3A_2228, %swap3A_2229], %swap3A_2232 {strides = array<i32>} : memref<128x128x128xf32, #tpu.memory_space<vmem>>, vector<1x128x128xf32>,
    %get3A_2233 = arith.constant 70 : index
    %get3A_2234 = arith.constant 0 : index
    %get3A_2235 = memref.load %arg1[%get3A_2233, %get3A_2234] : memref<128x4xi32, #tpu.memory_space<smem>>
    %get3A_2236 = arith.constant 70 : index
    %get3A_2237 = arith.constant 1 : index
    %get3A_2238 = memref.load %arg1[%get3A_2236, %get3A_2237] : memref<128x4xi32, #tpu.memory_space<smem>>
    %get3A_2239 = arith.constant 70 : index
    %get3A_2240 = arith.constant 2 : index
    %get3A_2241 = memref.load %arg1[%get3A_2239, %get3A_2240] : memref<128x4xi32, #tpu.memory_space<smem>>
    %get3A_2242 = arith.constant 70 : index
    %get3A_2243 = arith.constant 3 : index
    %get3A_2244 = memref.load %arg1[%get3A_2242, %get3A_2243] : memref<128x4xi32, #tpu.memory_space<smem>>
    %sub3A_2245 = vector.broadcast %get3A_2238 : i32 to vector<128x128xi32>
    %sub3A_2246 = arith.subi %iota3A, %sub3A_2245 : vector<128x128xi32>
    %le3A_2247 = vector.broadcast %get3A_2244 : i32 to vector<128x128xi32>
    %le3A_2248 = arith.cmpi ule, %sub3A_2246, %le3A_2247 : vector<128x128xi32>
    %sub3A_2249 = vector.broadcast %get3A_2235 : i32 to vector<128x128xi32>
    %sub3A_2250 = arith.subi %iota3A_0, %sub3A_2249 : vector<128x128xi32>
    %le3A_2251 = vector.broadcast %get3A_2241 : i32 to vector<128x128xi32>
    %le3A_2252 = arith.cmpi ule, %sub3A_2250, %le3A_2251 : vector<128x128xi32>
    %and3A_2253 = arith.andi %le3A_2248, %le3A_2252 : vector<128x128xi1>
    %jit3A_2254 = arith.constant 1.000000e+00 : f32
    %jit3A_2255 = arith.constant 0.000000e+00 : f32
    %broadcast_in_dim3A_2256 = vector.broadcast %jit3A_2254 : f32 to vector<128x128xf32>
    %broadcast_in_dim3A_2257 = vector.broadcast %jit3A_2255 : f32 to vector<128x128xf32>
    %select_n3A_2258 = arith.select %and3A_2253, %broadcast_in_dim3A_2256, %broadcast_in_dim3A_2257 : vector<128x128xi1>, vector<128x128xf32>
    %swap3A_2259 = arith.constant 70 : index
    %swap3A_2260 = arith.constant 0 : index
    %swap3A_2261 = arith.constant 0 : index
    %swap3A_2262 = vector.load %arg3[%swap3A_2259, %swap3A_2260, %swap3A_2261] : memref<128x128x128xf32, #tpu.memory_space<vmem>>, vector<1x128x128xf32>
    %swap3A_2263 = vector.shape_cast %swap3A_2262 : vector<1x128x128xf32> to vector<128x128xf32>
    %swap3A_2264 = vector.shape_cast %select_n3A_2258 : vector<128x128xf32> to vector<1x128x128xf32>
    tpu.vector_store %arg3[%swap3A_2259, %swap3A_2260, %swap3A_2261], %swap3A_2264 {strides = array<i32>} : memref<128x128x128xf32, #tpu.memory_space<vmem>>, vector<1x128x128xf32>,
    %get3A_2265 = arith.constant 71 : index
    %get3A_2266 = arith.constant 0 : index
    %get3A_2267 = memref.load %arg1[%get3A_2265, %get3A_2266] : memref<128x4xi32, #tpu.memory_space<smem>>
    %get3A_2268 = arith.constant 71 : index
    %get3A_2269 = arith.constant 1 : index
    %get3A_2270 = memref.load %arg1[%get3A_2268, %get3A_2269] : memref<128x4xi32, #tpu.memory_space<smem>>
    %get3A_2271 = arith.constant 71 : index
    %get3A_2272 = arith.constant 2 : index
    %get3A_2273 = memref.load %arg1[%get3A_2271, %get3A_2272] : memref<128x4xi32, #tpu.memory_space<smem>>
    %get3A_2274 = arith.constant 71 : index
    %get3A_2275 = arith.constant 3 : index
    %get3A_2276 = memref.load %arg1[%get3A_2274, %get3A_2275] : memref<128x4xi32, #tpu.memory_space<smem>>
    %sub3A_2277 = vector.broadcast %get3A_2270 : i32 to vector<128x128xi32>
    %sub3A_2278 = arith.subi %iota3A, %sub3A_2277 : vector<128x128xi32>
    %le3A_2279 = vector.broadcast %get3A_2276 : i32 to vector<128x128xi32>
    %le3A_2280 = arith.cmpi ule, %sub3A_2278, %le3A_2279 : vector<128x128xi32>
    %sub3A_2281 = vector.broadcast %get3A_2267 : i32 to vector<128x128xi32>
    %sub3A_2282 = arith.subi %iota3A_0, %sub3A_2281 : vector<128x128xi32>
    %le3A_2283 = vector.broadcast %get3A_2273 : i32 to vector<128x128xi32>
    %le3A_2284 = arith.cmpi ule, %sub3A_2282, %le3A_2283 : vector<128x128xi32>
    %and3A_2285 = arith.andi %le3A_2280, %le3A_2284 : vector<128x128xi1>
    %jit3A_2286 = arith.constant 1.000000e+00 : f32
    %jit3A_2287 = arith.constant 0.000000e+00 : f32
    %broadcast_in_dim3A_2288 = vector.broadcast %jit3A_2286 : f32 to vector<128x128xf32>
    %broadcast_in_dim3A_2289 = vector.broadcast %jit3A_2287 : f32 to vector<128x128xf32>
    %select_n3A_2290 = arith.select %and3A_2285, %broadcast_in_dim3A_2288, %broadcast_in_dim3A_2289 : vector<128x128xi1>, vector<128x128xf32>
    %swap3A_2291 = arith.constant 71 : index
    %swap3A_2292 = arith.constant 0 : index
    %swap3A_2293 = arith.constant 0 : index
    %swap3A_2294 = vector.load %arg3[%swap3A_2291, %swap3A_2292, %swap3A_2293] : memref<128x128x128xf32, #tpu.memory_space<vmem>>, vector<1x128x128xf32>
    %swap3A_2295 = vector.shape_cast %swap3A_2294 : vector<1x128x128xf32> to vector<128x128xf32>
    %swap3A_2296 = vector.shape_cast %select_n3A_2290 : vector<128x128xf32> to vector<1x128x128xf32>
    tpu.vector_store %arg3[%swap3A_2291, %swap3A_2292, %swap3A_2293], %swap3A_2296 {strides = array<i32>} : memref<128x128x128xf32, #tpu.memory_space<vmem>>, vector<1x128x128xf32>,
    %get3A_2297 = arith.constant 72 : index
    %get3A_2298 = arith.constant 0 : index
    %get3A_2299 = memref.load %arg1[%get3A_2297, %get3A_2298] : memref<128x4xi32, #tpu.memory_space<smem>>
    %get3A_2300 = arith.constant 72 : index
    %get3A_2301 = arith.constant 1 : index
    %get3A_2302 = memref.load %arg1[%get3A_2300, %get3A_2301] : memref<128x4xi32, #tpu.memory_space<smem>>
    %get3A_2303 = arith.constant 72 : index
    %get3A_2304 = arith.constant 2 : index
    %get3A_2305 = memref.load %arg1[%get3A_2303, %get3A_2304] : memref<128x4xi32, #tpu.memory_space<smem>>
    %get3A_2306 = arith.constant 72 : index
    %get3A_2307 = arith.constant 3 : index
    %get3A_2308 = memref.load %arg1[%get3A_2306, %get3A_2307] : memref<128x4xi32, #tpu.memory_space<smem>>
    %sub3A_2309 = vector.broadcast %get3A_2302 : i32 to vector<128x128xi32>
    %sub3A_2310 = arith.subi %iota3A, %sub3A_2309 : vector<128x128xi32>
    %le3A_2311 = vector.broadcast %get3A_2308 : i32 to vector<128x128xi32>
    %le3A_2312 = arith.cmpi ule, %sub3A_2310, %le3A_2311 : vector<128x128xi32>
    %sub3A_2313 = vector.broadcast %get3A_2299 : i32 to vector<128x128xi32>
    %sub3A_2314 = arith.subi %iota3A_0, %sub3A_2313 : vector<128x128xi32>
    %le3A_2315 = vector.broadcast %get3A_2305 : i32 to vector<128x128xi32>
    %le3A_2316 = arith.cmpi ule, %sub3A_2314, %le3A_2315 : vector<128x128xi32>
    %and3A_2317 = arith.andi %le3A_2312, %le3A_2316 : vector<128x128xi1>
    %jit3A_2318 = arith.constant 1.000000e+00 : f32
    %jit3A_2319 = arith.constant 0.000000e+00 : f32
    %broadcast_in_dim3A_2320 = vector.broadcast %jit3A_2318 : f32 to vector<128x128xf32>
    %broadcast_in_dim3A_2321 = vector.broadcast %jit3A_2319 : f32 to vector<128x128xf32>
    %select_n3A_2322 = arith.select %and3A_2317, %broadcast_in_dim3A_2320, %broadcast_in_dim3A_2321 : vector<128x128xi1>, vector<128x128xf32>
    %swap3A_2323 = arith.constant 72 : index
    %swap3A_2324 = arith.constant 0 : index
    %swap3A_2325 = arith.constant 0 : index
    %swap3A_2326 = vector.load %arg3[%swap3A_2323, %swap3A_2324, %swap3A_2325] : memref<128x128x128xf32, #tpu.memory_space<vmem>>, vector<1x128x128xf32>
    %swap3A_2327 = vector.shape_cast %swap3A_2326 : vector<1x128x128xf32> to vector<128x128xf32>
    %swap3A_2328 = vector.shape_cast %select_n3A_2322 : vector<128x128xf32> to vector<1x128x128xf32>
    tpu.vector_store %arg3[%swap3A_2323, %swap3A_2324, %swap3A_2325], %swap3A_2328 {strides = array<i32>} : memref<128x128x128xf32, #tpu.memory_space<vmem>>, vector<1x128x128xf32>,
    %get3A_2329 = arith.constant 73 : index
    %get3A_2330 = arith.constant 0 : index
    %get3A_2331 = memref.load %arg1[%get3A_2329, %get3A_2330] : memref<128x4xi32, #tpu.memory_space<smem>>
    %get3A_2332 = arith.constant 73 : index
    %get3A_2333 = arith.constant 1 : index
    %get3A_2334 = memref.load %arg1[%get3A_2332, %get3A_2333] : memref<128x4xi32, #tpu.memory_space<smem>>
    %get3A_2335 = arith.constant 73 : index
    %get3A_2336 = arith.constant 2 : index
    %get3A_2337 = memref.load %arg1[%get3A_2335, %get3A_2336] : memref<128x4xi32, #tpu.memory_space<smem>>
    %get3A_2338 = arith.constant 73 : index
    %get3A_2339 = arith.constant 3 : index
    %get3A_2340 = memref.load %arg1[%get3A_2338, %get3A_2339] : memref<128x4xi32, #tpu.memory_space<smem>>
    %sub3A_2341 = vector.broadcast %get3A_2334 : i32 to vector<128x128xi32>
    %sub3A_2342 = arith.subi %iota3A, %sub3A_2341 : vector<128x128xi32>
    %le3A_2343 = vector.broadcast %get3A_2340 : i32 to vector<128x128xi32>
    %le3A_2344 = arith.cmpi ule, %sub3A_2342, %le3A_2343 : vector<128x128xi32>
    %sub3A_2345 = vector.broadcast %get3A_2331 : i32 to vector<128x128xi32>
    %sub3A_2346 = arith.subi %iota3A_0, %sub3A_2345 : vector<128x128xi32>
    %le3A_2347 = vector.broadcast %get3A_2337 : i32 to vector<128x128xi32>
    %le3A_2348 = arith.cmpi ule, %sub3A_2346, %le3A_2347 : vector<128x128xi32>
    %and3A_2349 = arith.andi %le3A_2344, %le3A_2348 : vector<128x128xi1>
    %jit3A_2350 = arith.constant 1.000000e+00 : f32
    %jit3A_2351 = arith.constant 0.000000e+00 : f32
    %broadcast_in_dim3A_2352 = vector.broadcast %jit3A_2350 : f32 to vector<128x128xf32>
    %broadcast_in_dim3A_2353 = vector.broadcast %jit3A_2351 : f32 to vector<128x128xf32>
    %select_n3A_2354 = arith.select %and3A_2349, %broadcast_in_dim3A_2352, %broadcast_in_dim3A_2353 : vector<128x128xi1>, vector<128x128xf32>
    %swap3A_2355 = arith.constant 73 : index
    %swap3A_2356 = arith.constant 0 : index
    %swap3A_2357 = arith.constant 0 : index
    %swap3A_2358 = vector.load %arg3[%swap3A_2355, %swap3A_2356, %swap3A_2357] : memref<128x128x128xf32, #tpu.memory_space<vmem>>, vector<1x128x128xf32>
    %swap3A_2359 = vector.shape_cast %swap3A_2358 : vector<1x128x128xf32> to vector<128x128xf32>
    %swap3A_2360 = vector.shape_cast %select_n3A_2354 : vector<128x128xf32> to vector<1x128x128xf32>
    tpu.vector_store %arg3[%swap3A_2355, %swap3A_2356, %swap3A_2357], %swap3A_2360 {strides = array<i32>} : memref<128x128x128xf32, #tpu.memory_space<vmem>>, vector<1x128x128xf32>,
    %get3A_2361 = arith.constant 74 : index
    %get3A_2362 = arith.constant 0 : index
    %get3A_2363 = memref.load %arg1[%get3A_2361, %get3A_2362] : memref<128x4xi32, #tpu.memory_space<smem>>
    %get3A_2364 = arith.constant 74 : index
    %get3A_2365 = arith.constant 1 : index
    %get3A_2366 = memref.load %arg1[%get3A_2364, %get3A_2365] : memref<128x4xi32, #tpu.memory_space<smem>>
    %get3A_2367 = arith.constant 74 : index
    %get3A_2368 = arith.constant 2 : index
    %get3A_2369 = memref.load %arg1[%get3A_2367, %get3A_2368] : memref<128x4xi32, #tpu.memory_space<smem>>
    %get3A_2370 = arith.constant 74 : index
    %get3A_2371 = arith.constant 3 : index
    %get3A_2372 = memref.load %arg1[%get3A_2370, %get3A_2371] : memref<128x4xi32, #tpu.memory_space<smem>>
    %sub3A_2373 = vector.broadcast %get3A_2366 : i32 to vector<128x128xi32>
    %sub3A_2374 = arith.subi %iota3A, %sub3A_2373 : vector<128x128xi32>
    %le3A_2375 = vector.broadcast %get3A_2372 : i32 to vector<128x128xi32>
    %le3A_2376 = arith.cmpi ule, %sub3A_2374, %le3A_2375 : vector<128x128xi32>
    %sub3A_2377 = vector.broadcast %get3A_2363 : i32 to vector<128x128xi32>
    %sub3A_2378 = arith.subi %iota3A_0, %sub3A_2377 : vector<128x128xi32>
    %le3A_2379 = vector.broadcast %get3A_2369 : i32 to vector<128x128xi32>
    %le3A_2380 = arith.cmpi ule, %sub3A_2378, %le3A_2379 : vector<128x128xi32>
    %and3A_2381 = arith.andi %le3A_2376, %le3A_2380 : vector<128x128xi1>
    %jit3A_2382 = arith.constant 1.000000e+00 : f32
    %jit3A_2383 = arith.constant 0.000000e+00 : f32
    %broadcast_in_dim3A_2384 = vector.broadcast %jit3A_2382 : f32 to vector<128x128xf32>
    %broadcast_in_dim3A_2385 = vector.broadcast %jit3A_2383 : f32 to vector<128x128xf32>
    %select_n3A_2386 = arith.select %and3A_2381, %broadcast_in_dim3A_2384, %broadcast_in_dim3A_2385 : vector<128x128xi1>, vector<128x128xf32>
    %swap3A_2387 = arith.constant 74 : index
    %swap3A_2388 = arith.constant 0 : index
    %swap3A_2389 = arith.constant 0 : index
    %swap3A_2390 = vector.load %arg3[%swap3A_2387, %swap3A_2388, %swap3A_2389] : memref<128x128x128xf32, #tpu.memory_space<vmem>>, vector<1x128x128xf32>
    %swap3A_2391 = vector.shape_cast %swap3A_2390 : vector<1x128x128xf32> to vector<128x128xf32>
    %swap3A_2392 = vector.shape_cast %select_n3A_2386 : vector<128x128xf32> to vector<1x128x128xf32>
    tpu.vector_store %arg3[%swap3A_2387, %swap3A_2388, %swap3A_2389], %swap3A_2392 {strides = array<i32>} : memref<128x128x128xf32, #tpu.memory_space<vmem>>, vector<1x128x128xf32>,
    %get3A_2393 = arith.constant 75 : index
    %get3A_2394 = arith.constant 0 : index
    %get3A_2395 = memref.load %arg1[%get3A_2393, %get3A_2394] : memref<128x4xi32, #tpu.memory_space<smem>>
    %get3A_2396 = arith.constant 75 : index
    %get3A_2397 = arith.constant 1 : index
    %get3A_2398 = memref.load %arg1[%get3A_2396, %get3A_2397] : memref<128x4xi32, #tpu.memory_space<smem>>
    %get3A_2399 = arith.constant 75 : index
    %get3A_2400 = arith.constant 2 : index
    %get3A_2401 = memref.load %arg1[%get3A_2399, %get3A_2400] : memref<128x4xi32, #tpu.memory_space<smem>>
    %get3A_2402 = arith.constant 75 : index
    %get3A_2403 = arith.constant 3 : index
    %get3A_2404 = memref.load %arg1[%get3A_2402, %get3A_2403] : memref<128x4xi32, #tpu.memory_space<smem>>
    %sub3A_2405 = vector.broadcast %get3A_2398 : i32 to vector<128x128xi32>
    %sub3A_2406 = arith.subi %iota3A, %sub3A_2405 : vector<128x128xi32>
    %le3A_2407 = vector.broadcast %get3A_2404 : i32 to vector<128x128xi32>
    %le3A_2408 = arith.cmpi ule, %sub3A_2406, %le3A_2407 : vector<128x128xi32>
    %sub3A_2409 = vector.broadcast %get3A_2395 : i32 to vector<128x128xi32>
    %sub3A_2410 = arith.subi %iota3A_0, %sub3A_2409 : vector<128x128xi32>
    %le3A_2411 = vector.broadcast %get3A_2401 : i32 to vector<128x128xi32>
    %le3A_2412 = arith.cmpi ule, %sub3A_2410, %le3A_2411 : vector<128x128xi32>
    %and3A_2413 = arith.andi %le3A_2408, %le3A_2412 : vector<128x128xi1>
    %jit3A_2414 = arith.constant 1.000000e+00 : f32
    %jit3A_2415 = arith.constant 0.000000e+00 : f32
    %broadcast_in_dim3A_2416 = vector.broadcast %jit3A_2414 : f32 to vector<128x128xf32>
    %broadcast_in_dim3A_2417 = vector.broadcast %jit3A_2415 : f32 to vector<128x128xf32>
    %select_n3A_2418 = arith.select %and3A_2413, %broadcast_in_dim3A_2416, %broadcast_in_dim3A_2417 : vector<128x128xi1>, vector<128x128xf32>
    %swap3A_2419 = arith.constant 75 : index
    %swap3A_2420 = arith.constant 0 : index
    %swap3A_2421 = arith.constant 0 : index
    %swap3A_2422 = vector.load %arg3[%swap3A_2419, %swap3A_2420, %swap3A_2421] : memref<128x128x128xf32, #tpu.memory_space<vmem>>, vector<1x128x128xf32>
    %swap3A_2423 = vector.shape_cast %swap3A_2422 : vector<1x128x128xf32> to vector<128x128xf32>
    %swap3A_2424 = vector.shape_cast %select_n3A_2418 : vector<128x128xf32> to vector<1x128x128xf32>
    tpu.vector_store %arg3[%swap3A_2419, %swap3A_2420, %swap3A_2421], %swap3A_2424 {strides = array<i32>} : memref<128x128x128xf32, #tpu.memory_space<vmem>>, vector<1x128x128xf32>,
    %get3A_2425 = arith.constant 76 : index
    %get3A_2426 = arith.constant 0 : index
    %get3A_2427 = memref.load %arg1[%get3A_2425, %get3A_2426] : memref<128x4xi32, #tpu.memory_space<smem>>
    %get3A_2428 = arith.constant 76 : index
    %get3A_2429 = arith.constant 1 : index
    %get3A_2430 = memref.load %arg1[%get3A_2428, %get3A_2429] : memref<128x4xi32, #tpu.memory_space<smem>>
    %get3A_2431 = arith.constant 76 : index
    %get3A_2432 = arith.constant 2 : index
    %get3A_2433 = memref.load %arg1[%get3A_2431, %get3A_2432] : memref<128x4xi32, #tpu.memory_space<smem>>
    %get3A_2434 = arith.constant 76 : index
    %get3A_2435 = arith.constant 3 : index
    %get3A_2436 = memref.load %arg1[%get3A_2434, %get3A_2435] : memref<128x4xi32, #tpu.memory_space<smem>>
    %sub3A_2437 = vector.broadcast %get3A_2430 : i32 to vector<128x128xi32>
    %sub3A_2438 = arith.subi %iota3A, %sub3A_2437 : vector<128x128xi32>
    %le3A_2439 = vector.broadcast %get3A_2436 : i32 to vector<128x128xi32>
    %le3A_2440 = arith.cmpi ule, %sub3A_2438, %le3A_2439 : vector<128x128xi32>
    %sub3A_2441 = vector.broadcast %get3A_2427 : i32 to vector<128x128xi32>
    %sub3A_2442 = arith.subi %iota3A_0, %sub3A_2441 : vector<128x128xi32>
    %le3A_2443 = vector.broadcast %get3A_2433 : i32 to vector<128x128xi32>
    %le3A_2444 = arith.cmpi ule, %sub3A_2442, %le3A_2443 : vector<128x128xi32>
    %and3A_2445 = arith.andi %le3A_2440, %le3A_2444 : vector<128x128xi1>
    %jit3A_2446 = arith.constant 1.000000e+00 : f32
    %jit3A_2447 = arith.constant 0.000000e+00 : f32
    %broadcast_in_dim3A_2448 = vector.broadcast %jit3A_2446 : f32 to vector<128x128xf32>
    %broadcast_in_dim3A_2449 = vector.broadcast %jit3A_2447 : f32 to vector<128x128xf32>
    %select_n3A_2450 = arith.select %and3A_2445, %broadcast_in_dim3A_2448, %broadcast_in_dim3A_2449 : vector<128x128xi1>, vector<128x128xf32>
    %swap3A_2451 = arith.constant 76 : index
    %swap3A_2452 = arith.constant 0 : index
    %swap3A_2453 = arith.constant 0 : index
    %swap3A_2454 = vector.load %arg3[%swap3A_2451, %swap3A_2452, %swap3A_2453] : memref<128x128x128xf32, #tpu.memory_space<vmem>>, vector<1x128x128xf32>
    %swap3A_2455 = vector.shape_cast %swap3A_2454 : vector<1x128x128xf32> to vector<128x128xf32>
    %swap3A_2456 = vector.shape_cast %select_n3A_2450 : vector<128x128xf32> to vector<1x128x128xf32>
    tpu.vector_store %arg3[%swap3A_2451, %swap3A_2452, %swap3A_2453], %swap3A_2456 {strides = array<i32>} : memref<128x128x128xf32, #tpu.memory_space<vmem>>, vector<1x128x128xf32>,
    %get3A_2457 = arith.constant 77 : index
    %get3A_2458 = arith.constant 0 : index
    %get3A_2459 = memref.load %arg1[%get3A_2457, %get3A_2458] : memref<128x4xi32, #tpu.memory_space<smem>>
    %get3A_2460 = arith.constant 77 : index
    %get3A_2461 = arith.constant 1 : index
    %get3A_2462 = memref.load %arg1[%get3A_2460, %get3A_2461] : memref<128x4xi32, #tpu.memory_space<smem>>
    %get3A_2463 = arith.constant 77 : index
    %get3A_2464 = arith.constant 2 : index
    %get3A_2465 = memref.load %arg1[%get3A_2463, %get3A_2464] : memref<128x4xi32, #tpu.memory_space<smem>>
    %get3A_2466 = arith.constant 77 : index
    %get3A_2467 = arith.constant 3 : index
    %get3A_2468 = memref.load %arg1[%get3A_2466, %get3A_2467] : memref<128x4xi32, #tpu.memory_space<smem>>
    %sub3A_2469 = vector.broadcast %get3A_2462 : i32 to vector<128x128xi32>
    %sub3A_2470 = arith.subi %iota3A, %sub3A_2469 : vector<128x128xi32>
    %le3A_2471 = vector.broadcast %get3A_2468 : i32 to vector<128x128xi32>
    %le3A_2472 = arith.cmpi ule, %sub3A_2470, %le3A_2471 : vector<128x128xi32>
    %sub3A_2473 = vector.broadcast %get3A_2459 : i32 to vector<128x128xi32>
    %sub3A_2474 = arith.subi %iota3A_0, %sub3A_2473 : vector<128x128xi32>
    %le3A_2475 = vector.broadcast %get3A_2465 : i32 to vector<128x128xi32>
    %le3A_2476 = arith.cmpi ule, %sub3A_2474, %le3A_2475 : vector<128x128xi32>
    %and3A_2477 = arith.andi %le3A_2472, %le3A_2476 : vector<128x128xi1>
    %jit3A_2478 = arith.constant 1.000000e+00 : f32
    %jit3A_2479 = arith.constant 0.000000e+00 : f32
    %broadcast_in_dim3A_2480 = vector.broadcast %jit3A_2478 : f32 to vector<128x128xf32>
    %broadcast_in_dim3A_2481 = vector.broadcast %jit3A_2479 : f32 to vector<128x128xf32>
    %select_n3A_2482 = arith.select %and3A_2477, %broadcast_in_dim3A_2480, %broadcast_in_dim3A_2481 : vector<128x128xi1>, vector<128x128xf32>
    %swap3A_2483 = arith.constant 77 : index
    %swap3A_2484 = arith.constant 0 : index
    %swap3A_2485 = arith.constant 0 : index
    %swap3A_2486 = vector.load %arg3[%swap3A_2483, %swap3A_2484, %swap3A_2485] : memref<128x128x128xf32, #tpu.memory_space<vmem>>, vector<1x128x128xf32>
    %swap3A_2487 = vector.shape_cast %swap3A_2486 : vector<1x128x128xf32> to vector<128x128xf32>
    %swap3A_2488 = vector.shape_cast %select_n3A_2482 : vector<128x128xf32> to vector<1x128x128xf32>
    tpu.vector_store %arg3[%swap3A_2483, %swap3A_2484, %swap3A_2485], %swap3A_2488 {strides = array<i32>} : memref<128x128x128xf32, #tpu.memory_space<vmem>>, vector<1x128x128xf32>,
    %get3A_2489 = arith.constant 78 : index
    %get3A_2490 = arith.constant 0 : index
    %get3A_2491 = memref.load %arg1[%get3A_2489, %get3A_2490] : memref<128x4xi32, #tpu.memory_space<smem>>
    %get3A_2492 = arith.constant 78 : index
    %get3A_2493 = arith.constant 1 : index
    %get3A_2494 = memref.load %arg1[%get3A_2492, %get3A_2493] : memref<128x4xi32, #tpu.memory_space<smem>>
    %get3A_2495 = arith.constant 78 : index
    %get3A_2496 = arith.constant 2 : index
    %get3A_2497 = memref.load %arg1[%get3A_2495, %get3A_2496] : memref<128x4xi32, #tpu.memory_space<smem>>
    %get3A_2498 = arith.constant 78 : index
    %get3A_2499 = arith.constant 3 : index
    %get3A_2500 = memref.load %arg1[%get3A_2498, %get3A_2499] : memref<128x4xi32, #tpu.memory_space<smem>>
    %sub3A_2501 = vector.broadcast %get3A_2494 : i32 to vector<128x128xi32>
    %sub3A_2502 = arith.subi %iota3A, %sub3A_2501 : vector<128x128xi32>
    %le3A_2503 = vector.broadcast %get3A_2500 : i32 to vector<128x128xi32>
    %le3A_2504 = arith.cmpi ule, %sub3A_2502, %le3A_2503 : vector<128x128xi32>
    %sub3A_2505 = vector.broadcast %get3A_2491 : i32 to vector<128x128xi32>
    %sub3A_2506 = arith.subi %iota3A_0, %sub3A_2505 : vector<128x128xi32>
    %le3A_2507 = vector.broadcast %get3A_2497 : i32 to vector<128x128xi32>
    %le3A_2508 = arith.cmpi ule, %sub3A_2506, %le3A_2507 : vector<128x128xi32>
    %and3A_2509 = arith.andi %le3A_2504, %le3A_2508 : vector<128x128xi1>
    %jit3A_2510 = arith.constant 1.000000e+00 : f32
    %jit3A_2511 = arith.constant 0.000000e+00 : f32
    %broadcast_in_dim3A_2512 = vector.broadcast %jit3A_2510 : f32 to vector<128x128xf32>
    %broadcast_in_dim3A_2513 = vector.broadcast %jit3A_2511 : f32 to vector<128x128xf32>
    %select_n3A_2514 = arith.select %and3A_2509, %broadcast_in_dim3A_2512, %broadcast_in_dim3A_2513 : vector<128x128xi1>, vector<128x128xf32>
    %swap3A_2515 = arith.constant 78 : index
    %swap3A_2516 = arith.constant 0 : index
    %swap3A_2517 = arith.constant 0 : index
    %swap3A_2518 = vector.load %arg3[%swap3A_2515, %swap3A_2516, %swap3A_2517] : memref<128x128x128xf32, #tpu.memory_space<vmem>>, vector<1x128x128xf32>
    %swap3A_2519 = vector.shape_cast %swap3A_2518 : vector<1x128x128xf32> to vector<128x128xf32>
    %swap3A_2520 = vector.shape_cast %select_n3A_2514 : vector<128x128xf32> to vector<1x128x128xf32>
    tpu.vector_store %arg3[%swap3A_2515, %swap3A_2516, %swap3A_2517], %swap3A_2520 {strides = array<i32>} : memref<128x128x128xf32, #tpu.memory_space<vmem>>, vector<1x128x128xf32>,
    %get3A_2521 = arith.constant 79 : index
    %get3A_2522 = arith.constant 0 : index
    %get3A_2523 = memref.load %arg1[%get3A_2521, %get3A_2522] : memref<128x4xi32, #tpu.memory_space<smem>>
    %get3A_2524 = arith.constant 79 : index
    %get3A_2525 = arith.constant 1 : index
    %get3A_2526 = memref.load %arg1[%get3A_2524, %get3A_2525] : memref<128x4xi32, #tpu.memory_space<smem>>
    %get3A_2527 = arith.constant 79 : index
    %get3A_2528 = arith.constant 2 : index
    %get3A_2529 = memref.load %arg1[%get3A_2527, %get3A_2528] : memref<128x4xi32, #tpu.memory_space<smem>>
    %get3A_2530 = arith.constant 79 : index
    %get3A_2531 = arith.constant 3 : index
    %get3A_2532 = memref.load %arg1[%get3A_2530, %get3A_2531] : memref<128x4xi32, #tpu.memory_space<smem>>
    %sub3A_2533 = vector.broadcast %get3A_2526 : i32 to vector<128x128xi32>
    %sub3A_2534 = arith.subi %iota3A, %sub3A_2533 : vector<128x128xi32>
    %le3A_2535 = vector.broadcast %get3A_2532 : i32 to vector<128x128xi32>
    %le3A_2536 = arith.cmpi ule, %sub3A_2534, %le3A_2535 : vector<128x128xi32>
    %sub3A_2537 = vector.broadcast %get3A_2523 : i32 to vector<128x128xi32>
    %sub3A_2538 = arith.subi %iota3A_0, %sub3A_2537 : vector<128x128xi32>
    %le3A_2539 = vector.broadcast %get3A_2529 : i32 to vector<128x128xi32>
    %le3A_2540 = arith.cmpi ule, %sub3A_2538, %le3A_2539 : vector<128x128xi32>
    %and3A_2541 = arith.andi %le3A_2536, %le3A_2540 : vector<128x128xi1>
    %jit3A_2542 = arith.constant 1.000000e+00 : f32
    %jit3A_2543 = arith.constant 0.000000e+00 : f32
    %broadcast_in_dim3A_2544 = vector.broadcast %jit3A_2542 : f32 to vector<128x128xf32>
    %broadcast_in_dim3A_2545 = vector.broadcast %jit3A_2543 : f32 to vector<128x128xf32>
    %select_n3A_2546 = arith.select %and3A_2541, %broadcast_in_dim3A_2544, %broadcast_in_dim3A_2545 : vector<128x128xi1>, vector<128x128xf32>
    %swap3A_2547 = arith.constant 79 : index
    %swap3A_2548 = arith.constant 0 : index
    %swap3A_2549 = arith.constant 0 : index
    %swap3A_2550 = vector.load %arg3[%swap3A_2547, %swap3A_2548, %swap3A_2549] : memref<128x128x128xf32, #tpu.memory_space<vmem>>, vector<1x128x128xf32>
    %swap3A_2551 = vector.shape_cast %swap3A_2550 : vector<1x128x128xf32> to vector<128x128xf32>
    %swap3A_2552 = vector.shape_cast %select_n3A_2546 : vector<128x128xf32> to vector<1x128x128xf32>
    tpu.vector_store %arg3[%swap3A_2547, %swap3A_2548, %swap3A_2549], %swap3A_2552 {strides = array<i32>} : memref<128x128x128xf32, #tpu.memory_space<vmem>>, vector<1x128x128xf32>,
    %get3A_2553 = arith.constant 80 : index
    %get3A_2554 = arith.constant 0 : index
    %get3A_2555 = memref.load %arg1[%get3A_2553, %get3A_2554] : memref<128x4xi32, #tpu.memory_space<smem>>
    %get3A_2556 = arith.constant 80 : index
    %get3A_2557 = arith.constant 1 : index
    %get3A_2558 = memref.load %arg1[%get3A_2556, %get3A_2557] : memref<128x4xi32, #tpu.memory_space<smem>>
    %get3A_2559 = arith.constant 80 : index
    %get3A_2560 = arith.constant 2 : index
    %get3A_2561 = memref.load %arg1[%get3A_2559, %get3A_2560] : memref<128x4xi32, #tpu.memory_space<smem>>
    %get3A_2562 = arith.constant 80 : index
    %get3A_2563 = arith.constant 3 : index
    %get3A_2564 = memref.load %arg1[%get3A_2562, %get3A_2563] : memref<128x4xi32, #tpu.memory_space<smem>>
    %sub3A_2565 = vector.broadcast %get3A_2558 : i32 to vector<128x128xi32>
    %sub3A_2566 = arith.subi %iota3A, %sub3A_2565 : vector<128x128xi32>
    %le3A_2567 = vector.broadcast %get3A_2564 : i32 to vector<128x128xi32>
    %le3A_2568 = arith.cmpi ule, %sub3A_2566, %le3A_2567 : vector<128x128xi32>
    %sub3A_2569 = vector.broadcast %get3A_2555 : i32 to vector<128x128xi32>
    %sub3A_2570 = arith.subi %iota3A_0, %sub3A_2569 : vector<128x128xi32>
    %le3A_2571 = vector.broadcast %get3A_2561 : i32 to vector<128x128xi32>
    %le3A_2572 = arith.cmpi ule, %sub3A_2570, %le3A_2571 : vector<128x128xi32>
    %and3A_2573 = arith.andi %le3A_2568, %le3A_2572 : vector<128x128xi1>
    %jit3A_2574 = arith.constant 1.000000e+00 : f32
    %jit3A_2575 = arith.constant 0.000000e+00 : f32
    %broadcast_in_dim3A_2576 = vector.broadcast %jit3A_2574 : f32 to vector<128x128xf32>
    %broadcast_in_dim3A_2577 = vector.broadcast %jit3A_2575 : f32 to vector<128x128xf32>
    %select_n3A_2578 = arith.select %and3A_2573, %broadcast_in_dim3A_2576, %broadcast_in_dim3A_2577 : vector<128x128xi1>, vector<128x128xf32>
    %swap3A_2579 = arith.constant 80 : index
    %swap3A_2580 = arith.constant 0 : index
    %swap3A_2581 = arith.constant 0 : index
    %swap3A_2582 = vector.load %arg3[%swap3A_2579, %swap3A_2580, %swap3A_2581] : memref<128x128x128xf32, #tpu.memory_space<vmem>>, vector<1x128x128xf32>
    %swap3A_2583 = vector.shape_cast %swap3A_2582 : vector<1x128x128xf32> to vector<128x128xf32>
    %swap3A_2584 = vector.shape_cast %select_n3A_2578 : vector<128x128xf32> to vector<1x128x128xf32>
    tpu.vector_store %arg3[%swap3A_2579, %swap3A_2580, %swap3A_2581], %swap3A_2584 {strides = array<i32>} : memref<128x128x128xf32, #tpu.memory_space<vmem>>, vector<1x128x128xf32>,
    %get3A_2585 = arith.constant 81 : index
    %get3A_2586 = arith.constant 0 : index
    %get3A_2587 = memref.load %arg1[%get3A_2585, %get3A_2586] : memref<128x4xi32, #tpu.memory_space<smem>>
    %get3A_2588 = arith.constant 81 : index
    %get3A_2589 = arith.constant 1 : index
    %get3A_2590 = memref.load %arg1[%get3A_2588, %get3A_2589] : memref<128x4xi32, #tpu.memory_space<smem>>
    %get3A_2591 = arith.constant 81 : index
    %get3A_2592 = arith.constant 2 : index
    %get3A_2593 = memref.load %arg1[%get3A_2591, %get3A_2592] : memref<128x4xi32, #tpu.memory_space<smem>>
    %get3A_2594 = arith.constant 81 : index
    %get3A_2595 = arith.constant 3 : index
    %get3A_2596 = memref.load %arg1[%get3A_2594, %get3A_2595] : memref<128x4xi32, #tpu.memory_space<smem>>
    %sub3A_2597 = vector.broadcast %get3A_2590 : i32 to vector<128x128xi32>
    %sub3A_2598 = arith.subi %iota3A, %sub3A_2597 : vector<128x128xi32>
    %le3A_2599 = vector.broadcast %get3A_2596 : i32 to vector<128x128xi32>
    %le3A_2600 = arith.cmpi ule, %sub3A_2598, %le3A_2599 : vector<128x128xi32>
    %sub3A_2601 = vector.broadcast %get3A_2587 : i32 to vector<128x128xi32>
    %sub3A_2602 = arith.subi %iota3A_0, %sub3A_2601 : vector<128x128xi32>
    %le3A_2603 = vector.broadcast %get3A_2593 : i32 to vector<128x128xi32>
    %le3A_2604 = arith.cmpi ule, %sub3A_2602, %le3A_2603 : vector<128x128xi32>
    %and3A_2605 = arith.andi %le3A_2600, %le3A_2604 : vector<128x128xi1>
    %jit3A_2606 = arith.constant 1.000000e+00 : f32
    %jit3A_2607 = arith.constant 0.000000e+00 : f32
    %broadcast_in_dim3A_2608 = vector.broadcast %jit3A_2606 : f32 to vector<128x128xf32>
    %broadcast_in_dim3A_2609 = vector.broadcast %jit3A_2607 : f32 to vector<128x128xf32>
    %select_n3A_2610 = arith.select %and3A_2605, %broadcast_in_dim3A_2608, %broadcast_in_dim3A_2609 : vector<128x128xi1>, vector<128x128xf32>
    %swap3A_2611 = arith.constant 81 : index
    %swap3A_2612 = arith.constant 0 : index
    %swap3A_2613 = arith.constant 0 : index
    %swap3A_2614 = vector.load %arg3[%swap3A_2611, %swap3A_2612, %swap3A_2613] : memref<128x128x128xf32, #tpu.memory_space<vmem>>, vector<1x128x128xf32>
    %swap3A_2615 = vector.shape_cast %swap3A_2614 : vector<1x128x128xf32> to vector<128x128xf32>
    %swap3A_2616 = vector.shape_cast %select_n3A_2610 : vector<128x128xf32> to vector<1x128x128xf32>
    tpu.vector_store %arg3[%swap3A_2611, %swap3A_2612, %swap3A_2613], %swap3A_2616 {strides = array<i32>} : memref<128x128x128xf32, #tpu.memory_space<vmem>>, vector<1x128x128xf32>,
    %get3A_2617 = arith.constant 82 : index
    %get3A_2618 = arith.constant 0 : index
    %get3A_2619 = memref.load %arg1[%get3A_2617, %get3A_2618] : memref<128x4xi32, #tpu.memory_space<smem>>
    %get3A_2620 = arith.constant 82 : index
    %get3A_2621 = arith.constant 1 : index
    %get3A_2622 = memref.load %arg1[%get3A_2620, %get3A_2621] : memref<128x4xi32, #tpu.memory_space<smem>>
    %get3A_2623 = arith.constant 82 : index
    %get3A_2624 = arith.constant 2 : index
    %get3A_2625 = memref.load %arg1[%get3A_2623, %get3A_2624] : memref<128x4xi32, #tpu.memory_space<smem>>
    %get3A_2626 = arith.constant 82 : index
    %get3A_2627 = arith.constant 3 : index
    %get3A_2628 = memref.load %arg1[%get3A_2626, %get3A_2627] : memref<128x4xi32, #tpu.memory_space<smem>>
    %sub3A_2629 = vector.broadcast %get3A_2622 : i32 to vector<128x128xi32>
    %sub3A_2630 = arith.subi %iota3A, %sub3A_2629 : vector<128x128xi32>
    %le3A_2631 = vector.broadcast %get3A_2628 : i32 to vector<128x128xi32>
    %le3A_2632 = arith.cmpi ule, %sub3A_2630, %le3A_2631 : vector<128x128xi32>
    %sub3A_2633 = vector.broadcast %get3A_2619 : i32 to vector<128x128xi32>
    %sub3A_2634 = arith.subi %iota3A_0, %sub3A_2633 : vector<128x128xi32>
    %le3A_2635 = vector.broadcast %get3A_2625 : i32 to vector<128x128xi32>
    %le3A_2636 = arith.cmpi ule, %sub3A_2634, %le3A_2635 : vector<128x128xi32>
    %and3A_2637 = arith.andi %le3A_2632, %le3A_2636 : vector<128x128xi1>
    %jit3A_2638 = arith.constant 1.000000e+00 : f32
    %jit3A_2639 = arith.constant 0.000000e+00 : f32
    %broadcast_in_dim3A_2640 = vector.broadcast %jit3A_2638 : f32 to vector<128x128xf32>
    %broadcast_in_dim3A_2641 = vector.broadcast %jit3A_2639 : f32 to vector<128x128xf32>
    %select_n3A_2642 = arith.select %and3A_2637, %broadcast_in_dim3A_2640, %broadcast_in_dim3A_2641 : vector<128x128xi1>, vector<128x128xf32>
    %swap3A_2643 = arith.constant 82 : index
    %swap3A_2644 = arith.constant 0 : index
    %swap3A_2645 = arith.constant 0 : index
    %swap3A_2646 = vector.load %arg3[%swap3A_2643, %swap3A_2644, %swap3A_2645] : memref<128x128x128xf32, #tpu.memory_space<vmem>>, vector<1x128x128xf32>
    %swap3A_2647 = vector.shape_cast %swap3A_2646 : vector<1x128x128xf32> to vector<128x128xf32>
    %swap3A_2648 = vector.shape_cast %select_n3A_2642 : vector<128x128xf32> to vector<1x128x128xf32>
    tpu.vector_store %arg3[%swap3A_2643, %swap3A_2644, %swap3A_2645], %swap3A_2648 {strides = array<i32>} : memref<128x128x128xf32, #tpu.memory_space<vmem>>, vector<1x128x128xf32>,
    %get3A_2649 = arith.constant 83 : index
    %get3A_2650 = arith.constant 0 : index
    %get3A_2651 = memref.load %arg1[%get3A_2649, %get3A_2650] : memref<128x4xi32, #tpu.memory_space<smem>>
    %get3A_2652 = arith.constant 83 : index
    %get3A_2653 = arith.constant 1 : index
    %get3A_2654 = memref.load %arg1[%get3A_2652, %get3A_2653] : memref<128x4xi32, #tpu.memory_space<smem>>
    %get3A_2655 = arith.constant 83 : index
    %get3A_2656 = arith.constant 2 : index
    %get3A_2657 = memref.load %arg1[%get3A_2655, %get3A_2656] : memref<128x4xi32, #tpu.memory_space<smem>>
    %get3A_2658 = arith.constant 83 : index
    %get3A_2659 = arith.constant 3 : index
    %get3A_2660 = memref.load %arg1[%get3A_2658, %get3A_2659] : memref<128x4xi32, #tpu.memory_space<smem>>
    %sub3A_2661 = vector.broadcast %get3A_2654 : i32 to vector<128x128xi32>
    %sub3A_2662 = arith.subi %iota3A, %sub3A_2661 : vector<128x128xi32>
    %le3A_2663 = vector.broadcast %get3A_2660 : i32 to vector<128x128xi32>
    %le3A_2664 = arith.cmpi ule, %sub3A_2662, %le3A_2663 : vector<128x128xi32>
    %sub3A_2665 = vector.broadcast %get3A_2651 : i32 to vector<128x128xi32>
    %sub3A_2666 = arith.subi %iota3A_0, %sub3A_2665 : vector<128x128xi32>
    %le3A_2667 = vector.broadcast %get3A_2657 : i32 to vector<128x128xi32>
    %le3A_2668 = arith.cmpi ule, %sub3A_2666, %le3A_2667 : vector<128x128xi32>
    %and3A_2669 = arith.andi %le3A_2664, %le3A_2668 : vector<128x128xi1>
    %jit3A_2670 = arith.constant 1.000000e+00 : f32
    %jit3A_2671 = arith.constant 0.000000e+00 : f32
    %broadcast_in_dim3A_2672 = vector.broadcast %jit3A_2670 : f32 to vector<128x128xf32>
    %broadcast_in_dim3A_2673 = vector.broadcast %jit3A_2671 : f32 to vector<128x128xf32>
    %select_n3A_2674 = arith.select %and3A_2669, %broadcast_in_dim3A_2672, %broadcast_in_dim3A_2673 : vector<128x128xi1>, vector<128x128xf32>
    %swap3A_2675 = arith.constant 83 : index
    %swap3A_2676 = arith.constant 0 : index
    %swap3A_2677 = arith.constant 0 : index
    %swap3A_2678 = vector.load %arg3[%swap3A_2675, %swap3A_2676, %swap3A_2677] : memref<128x128x128xf32, #tpu.memory_space<vmem>>, vector<1x128x128xf32>
    %swap3A_2679 = vector.shape_cast %swap3A_2678 : vector<1x128x128xf32> to vector<128x128xf32>
    %swap3A_2680 = vector.shape_cast %select_n3A_2674 : vector<128x128xf32> to vector<1x128x128xf32>
    tpu.vector_store %arg3[%swap3A_2675, %swap3A_2676, %swap3A_2677], %swap3A_2680 {strides = array<i32>} : memref<128x128x128xf32, #tpu.memory_space<vmem>>, vector<1x128x128xf32>,
    %get3A_2681 = arith.constant 84 : index
    %get3A_2682 = arith.constant 0 : index
    %get3A_2683 = memref.load %arg1[%get3A_2681, %get3A_2682] : memref<128x4xi32, #tpu.memory_space<smem>>
    %get3A_2684 = arith.constant 84 : index
    %get3A_2685 = arith.constant 1 : index
    %get3A_2686 = memref.load %arg1[%get3A_2684, %get3A_2685] : memref<128x4xi32, #tpu.memory_space<smem>>
    %get3A_2687 = arith.constant 84 : index
    %get3A_2688 = arith.constant 2 : index
    %get3A_2689 = memref.load %arg1[%get3A_2687, %get3A_2688] : memref<128x4xi32, #tpu.memory_space<smem>>
    %get3A_2690 = arith.constant 84 : index
    %get3A_2691 = arith.constant 3 : index
    %get3A_2692 = memref.load %arg1[%get3A_2690, %get3A_2691] : memref<128x4xi32, #tpu.memory_space<smem>>
    %sub3A_2693 = vector.broadcast %get3A_2686 : i32 to vector<128x128xi32>
    %sub3A_2694 = arith.subi %iota3A, %sub3A_2693 : vector<128x128xi32>
    %le3A_2695 = vector.broadcast %get3A_2692 : i32 to vector<128x128xi32>
    %le3A_2696 = arith.cmpi ule, %sub3A_2694, %le3A_2695 : vector<128x128xi32>
    %sub3A_2697 = vector.broadcast %get3A_2683 : i32 to vector<128x128xi32>
    %sub3A_2698 = arith.subi %iota3A_0, %sub3A_2697 : vector<128x128xi32>
    %le3A_2699 = vector.broadcast %get3A_2689 : i32 to vector<128x128xi32>
    %le3A_2700 = arith.cmpi ule, %sub3A_2698, %le3A_2699 : vector<128x128xi32>
    %and3A_2701 = arith.andi %le3A_2696, %le3A_2700 : vector<128x128xi1>
    %jit3A_2702 = arith.constant 1.000000e+00 : f32
    %jit3A_2703 = arith.constant 0.000000e+00 : f32
    %broadcast_in_dim3A_2704 = vector.broadcast %jit3A_2702 : f32 to vector<128x128xf32>
    %broadcast_in_dim3A_2705 = vector.broadcast %jit3A_2703 : f32 to vector<128x128xf32>
    %select_n3A_2706 = arith.select %and3A_2701, %broadcast_in_dim3A_2704, %broadcast_in_dim3A_2705 : vector<128x128xi1>, vector<128x128xf32>
    %swap3A_2707 = arith.constant 84 : index
    %swap3A_2708 = arith.constant 0 : index
    %swap3A_2709 = arith.constant 0 : index
    %swap3A_2710 = vector.load %arg3[%swap3A_2707, %swap3A_2708, %swap3A_2709] : memref<128x128x128xf32, #tpu.memory_space<vmem>>, vector<1x128x128xf32>
    %swap3A_2711 = vector.shape_cast %swap3A_2710 : vector<1x128x128xf32> to vector<128x128xf32>
    %swap3A_2712 = vector.shape_cast %select_n3A_2706 : vector<128x128xf32> to vector<1x128x128xf32>
    tpu.vector_store %arg3[%swap3A_2707, %swap3A_2708, %swap3A_2709], %swap3A_2712 {strides = array<i32>} : memref<128x128x128xf32, #tpu.memory_space<vmem>>, vector<1x128x128xf32>,
    %get3A_2713 = arith.constant 85 : index
    %get3A_2714 = arith.constant 0 : index
    %get3A_2715 = memref.load %arg1[%get3A_2713, %get3A_2714] : memref<128x4xi32, #tpu.memory_space<smem>>
    %get3A_2716 = arith.constant 85 : index
    %get3A_2717 = arith.constant 1 : index
    %get3A_2718 = memref.load %arg1[%get3A_2716, %get3A_2717] : memref<128x4xi32, #tpu.memory_space<smem>>
    %get3A_2719 = arith.constant 85 : index
    %get3A_2720 = arith.constant 2 : index
    %get3A_2721 = memref.load %arg1[%get3A_2719, %get3A_2720] : memref<128x4xi32, #tpu.memory_space<smem>>
    %get3A_2722 = arith.constant 85 : index
    %get3A_2723 = arith.constant 3 : index
    %get3A_2724 = memref.load %arg1[%get3A_2722, %get3A_2723] : memref<128x4xi32, #tpu.memory_space<smem>>
    %sub3A_2725 = vector.broadcast %get3A_2718 : i32 to vector<128x128xi32>
    %sub3A_2726 = arith.subi %iota3A, %sub3A_2725 : vector<128x128xi32>
    %le3A_2727 = vector.broadcast %get3A_2724 : i32 to vector<128x128xi32>
    %le3A_2728 = arith.cmpi ule, %sub3A_2726, %le3A_2727 : vector<128x128xi32>
    %sub3A_2729 = vector.broadcast %get3A_2715 : i32 to vector<128x128xi32>
    %sub3A_2730 = arith.subi %iota3A_0, %sub3A_2729 : vector<128x128xi32>
    %le3A_2731 = vector.broadcast %get3A_2721 : i32 to vector<128x128xi32>
    %le3A_2732 = arith.cmpi ule, %sub3A_2730, %le3A_2731 : vector<128x128xi32>
    %and3A_2733 = arith.andi %le3A_2728, %le3A_2732 : vector<128x128xi1>
    %jit3A_2734 = arith.constant 1.000000e+00 : f32
    %jit3A_2735 = arith.constant 0.000000e+00 : f32
    %broadcast_in_dim3A_2736 = vector.broadcast %jit3A_2734 : f32 to vector<128x128xf32>
    %broadcast_in_dim3A_2737 = vector.broadcast %jit3A_2735 : f32 to vector<128x128xf32>
    %select_n3A_2738 = arith.select %and3A_2733, %broadcast_in_dim3A_2736, %broadcast_in_dim3A_2737 : vector<128x128xi1>, vector<128x128xf32>
    %swap3A_2739 = arith.constant 85 : index
    %swap3A_2740 = arith.constant 0 : index
    %swap3A_2741 = arith.constant 0 : index
    %swap3A_2742 = vector.load %arg3[%swap3A_2739, %swap3A_2740, %swap3A_2741] : memref<128x128x128xf32, #tpu.memory_space<vmem>>, vector<1x128x128xf32>
    %swap3A_2743 = vector.shape_cast %swap3A_2742 : vector<1x128x128xf32> to vector<128x128xf32>
    %swap3A_2744 = vector.shape_cast %select_n3A_2738 : vector<128x128xf32> to vector<1x128x128xf32>
    tpu.vector_store %arg3[%swap3A_2739, %swap3A_2740, %swap3A_2741], %swap3A_2744 {strides = array<i32>} : memref<128x128x128xf32, #tpu.memory_space<vmem>>, vector<1x128x128xf32>,
    %get3A_2745 = arith.constant 86 : index
    %get3A_2746 = arith.constant 0 : index
    %get3A_2747 = memref.load %arg1[%get3A_2745, %get3A_2746] : memref<128x4xi32, #tpu.memory_space<smem>>
    %get3A_2748 = arith.constant 86 : index
    %get3A_2749 = arith.constant 1 : index
    %get3A_2750 = memref.load %arg1[%get3A_2748, %get3A_2749] : memref<128x4xi32, #tpu.memory_space<smem>>
    %get3A_2751 = arith.constant 86 : index
    %get3A_2752 = arith.constant 2 : index
    %get3A_2753 = memref.load %arg1[%get3A_2751, %get3A_2752] : memref<128x4xi32, #tpu.memory_space<smem>>
    %get3A_2754 = arith.constant 86 : index
    %get3A_2755 = arith.constant 3 : index
    %get3A_2756 = memref.load %arg1[%get3A_2754, %get3A_2755] : memref<128x4xi32, #tpu.memory_space<smem>>
    %sub3A_2757 = vector.broadcast %get3A_2750 : i32 to vector<128x128xi32>
    %sub3A_2758 = arith.subi %iota3A, %sub3A_2757 : vector<128x128xi32>
    %le3A_2759 = vector.broadcast %get3A_2756 : i32 to vector<128x128xi32>
    %le3A_2760 = arith.cmpi ule, %sub3A_2758, %le3A_2759 : vector<128x128xi32>
    %sub3A_2761 = vector.broadcast %get3A_2747 : i32 to vector<128x128xi32>
    %sub3A_2762 = arith.subi %iota3A_0, %sub3A_2761 : vector<128x128xi32>
    %le3A_2763 = vector.broadcast %get3A_2753 : i32 to vector<128x128xi32>
    %le3A_2764 = arith.cmpi ule, %sub3A_2762, %le3A_2763 : vector<128x128xi32>
    %and3A_2765 = arith.andi %le3A_2760, %le3A_2764 : vector<128x128xi1>
    %jit3A_2766 = arith.constant 1.000000e+00 : f32
    %jit3A_2767 = arith.constant 0.000000e+00 : f32
    %broadcast_in_dim3A_2768 = vector.broadcast %jit3A_2766 : f32 to vector<128x128xf32>
    %broadcast_in_dim3A_2769 = vector.broadcast %jit3A_2767 : f32 to vector<128x128xf32>
    %select_n3A_2770 = arith.select %and3A_2765, %broadcast_in_dim3A_2768, %broadcast_in_dim3A_2769 : vector<128x128xi1>, vector<128x128xf32>
    %swap3A_2771 = arith.constant 86 : index
    %swap3A_2772 = arith.constant 0 : index
    %swap3A_2773 = arith.constant 0 : index
    %swap3A_2774 = vector.load %arg3[%swap3A_2771, %swap3A_2772, %swap3A_2773] : memref<128x128x128xf32, #tpu.memory_space<vmem>>, vector<1x128x128xf32>
    %swap3A_2775 = vector.shape_cast %swap3A_2774 : vector<1x128x128xf32> to vector<128x128xf32>
    %swap3A_2776 = vector.shape_cast %select_n3A_2770 : vector<128x128xf32> to vector<1x128x128xf32>
    tpu.vector_store %arg3[%swap3A_2771, %swap3A_2772, %swap3A_2773], %swap3A_2776 {strides = array<i32>} : memref<128x128x128xf32, #tpu.memory_space<vmem>>, vector<1x128x128xf32>,
    %get3A_2777 = arith.constant 87 : index
    %get3A_2778 = arith.constant 0 : index
    %get3A_2779 = memref.load %arg1[%get3A_2777, %get3A_2778] : memref<128x4xi32, #tpu.memory_space<smem>>
    %get3A_2780 = arith.constant 87 : index
    %get3A_2781 = arith.constant 1 : index
    %get3A_2782 = memref.load %arg1[%get3A_2780, %get3A_2781] : memref<128x4xi32, #tpu.memory_space<smem>>
    %get3A_2783 = arith.constant 87 : index
    %get3A_2784 = arith.constant 2 : index
    %get3A_2785 = memref.load %arg1[%get3A_2783, %get3A_2784] : memref<128x4xi32, #tpu.memory_space<smem>>
    %get3A_2786 = arith.constant 87 : index
    %get3A_2787 = arith.constant 3 : index
    %get3A_2788 = memref.load %arg1[%get3A_2786, %get3A_2787] : memref<128x4xi32, #tpu.memory_space<smem>>
    %sub3A_2789 = vector.broadcast %get3A_2782 : i32 to vector<128x128xi32>
    %sub3A_2790 = arith.subi %iota3A, %sub3A_2789 : vector<128x128xi32>
    %le3A_2791 = vector.broadcast %get3A_2788 : i32 to vector<128x128xi32>
    %le3A_2792 = arith.cmpi ule, %sub3A_2790, %le3A_2791 : vector<128x128xi32>
    %sub3A_2793 = vector.broadcast %get3A_2779 : i32 to vector<128x128xi32>
    %sub3A_2794 = arith.subi %iota3A_0, %sub3A_2793 : vector<128x128xi32>
    %le3A_2795 = vector.broadcast %get3A_2785 : i32 to vector<128x128xi32>
    %le3A_2796 = arith.cmpi ule, %sub3A_2794, %le3A_2795 : vector<128x128xi32>
    %and3A_2797 = arith.andi %le3A_2792, %le3A_2796 : vector<128x128xi1>
    %jit3A_2798 = arith.constant 1.000000e+00 : f32
    %jit3A_2799 = arith.constant 0.000000e+00 : f32
    %broadcast_in_dim3A_2800 = vector.broadcast %jit3A_2798 : f32 to vector<128x128xf32>
    %broadcast_in_dim3A_2801 = vector.broadcast %jit3A_2799 : f32 to vector<128x128xf32>
    %select_n3A_2802 = arith.select %and3A_2797, %broadcast_in_dim3A_2800, %broadcast_in_dim3A_2801 : vector<128x128xi1>, vector<128x128xf32>
    %swap3A_2803 = arith.constant 87 : index
    %swap3A_2804 = arith.constant 0 : index
    %swap3A_2805 = arith.constant 0 : index
    %swap3A_2806 = vector.load %arg3[%swap3A_2803, %swap3A_2804, %swap3A_2805] : memref<128x128x128xf32, #tpu.memory_space<vmem>>, vector<1x128x128xf32>
    %swap3A_2807 = vector.shape_cast %swap3A_2806 : vector<1x128x128xf32> to vector<128x128xf32>
    %swap3A_2808 = vector.shape_cast %select_n3A_2802 : vector<128x128xf32> to vector<1x128x128xf32>
    tpu.vector_store %arg3[%swap3A_2803, %swap3A_2804, %swap3A_2805], %swap3A_2808 {strides = array<i32>} : memref<128x128x128xf32, #tpu.memory_space<vmem>>, vector<1x128x128xf32>,
    %get3A_2809 = arith.constant 88 : index
    %get3A_2810 = arith.constant 0 : index
    %get3A_2811 = memref.load %arg1[%get3A_2809, %get3A_2810] : memref<128x4xi32, #tpu.memory_space<smem>>
    %get3A_2812 = arith.constant 88 : index
    %get3A_2813 = arith.constant 1 : index
    %get3A_2814 = memref.load %arg1[%get3A_2812, %get3A_2813] : memref<128x4xi32, #tpu.memory_space<smem>>
    %get3A_2815 = arith.constant 88 : index
    %get3A_2816 = arith.constant 2 : index
    %get3A_2817 = memref.load %arg1[%get3A_2815, %get3A_2816] : memref<128x4xi32, #tpu.memory_space<smem>>
    %get3A_2818 = arith.constant 88 : index
    %get3A_2819 = arith.constant 3 : index
    %get3A_2820 = memref.load %arg1[%get3A_2818, %get3A_2819] : memref<128x4xi32, #tpu.memory_space<smem>>
    %sub3A_2821 = vector.broadcast %get3A_2814 : i32 to vector<128x128xi32>
    %sub3A_2822 = arith.subi %iota3A, %sub3A_2821 : vector<128x128xi32>
    %le3A_2823 = vector.broadcast %get3A_2820 : i32 to vector<128x128xi32>
    %le3A_2824 = arith.cmpi ule, %sub3A_2822, %le3A_2823 : vector<128x128xi32>
    %sub3A_2825 = vector.broadcast %get3A_2811 : i32 to vector<128x128xi32>
    %sub3A_2826 = arith.subi %iota3A_0, %sub3A_2825 : vector<128x128xi32>
    %le3A_2827 = vector.broadcast %get3A_2817 : i32 to vector<128x128xi32>
    %le3A_2828 = arith.cmpi ule, %sub3A_2826, %le3A_2827 : vector<128x128xi32>
    %and3A_2829 = arith.andi %le3A_2824, %le3A_2828 : vector<128x128xi1>
    %jit3A_2830 = arith.constant 1.000000e+00 : f32
    %jit3A_2831 = arith.constant 0.000000e+00 : f32
    %broadcast_in_dim3A_2832 = vector.broadcast %jit3A_2830 : f32 to vector<128x128xf32>
    %broadcast_in_dim3A_2833 = vector.broadcast %jit3A_2831 : f32 to vector<128x128xf32>
    %select_n3A_2834 = arith.select %and3A_2829, %broadcast_in_dim3A_2832, %broadcast_in_dim3A_2833 : vector<128x128xi1>, vector<128x128xf32>
    %swap3A_2835 = arith.constant 88 : index
    %swap3A_2836 = arith.constant 0 : index
    %swap3A_2837 = arith.constant 0 : index
    %swap3A_2838 = vector.load %arg3[%swap3A_2835, %swap3A_2836, %swap3A_2837] : memref<128x128x128xf32, #tpu.memory_space<vmem>>, vector<1x128x128xf32>
    %swap3A_2839 = vector.shape_cast %swap3A_2838 : vector<1x128x128xf32> to vector<128x128xf32>
    %swap3A_2840 = vector.shape_cast %select_n3A_2834 : vector<128x128xf32> to vector<1x128x128xf32>
    tpu.vector_store %arg3[%swap3A_2835, %swap3A_2836, %swap3A_2837], %swap3A_2840 {strides = array<i32>} : memref<128x128x128xf32, #tpu.memory_space<vmem>>, vector<1x128x128xf32>,
    %get3A_2841 = arith.constant 89 : index
    %get3A_2842 = arith.constant 0 : index
    %get3A_2843 = memref.load %arg1[%get3A_2841, %get3A_2842] : memref<128x4xi32, #tpu.memory_space<smem>>
    %get3A_2844 = arith.constant 89 : index
    %get3A_2845 = arith.constant 1 : index
    %get3A_2846 = memref.load %arg1[%get3A_2844, %get3A_2845] : memref<128x4xi32, #tpu.memory_space<smem>>
    %get3A_2847 = arith.constant 89 : index
    %get3A_2848 = arith.constant 2 : index
    %get3A_2849 = memref.load %arg1[%get3A_2847, %get3A_2848] : memref<128x4xi32, #tpu.memory_space<smem>>
    %get3A_2850 = arith.constant 89 : index
    %get3A_2851 = arith.constant 3 : index
    %get3A_2852 = memref.load %arg1[%get3A_2850, %get3A_2851] : memref<128x4xi32, #tpu.memory_space<smem>>
    %sub3A_2853 = vector.broadcast %get3A_2846 : i32 to vector<128x128xi32>
    %sub3A_2854 = arith.subi %iota3A, %sub3A_2853 : vector<128x128xi32>
    %le3A_2855 = vector.broadcast %get3A_2852 : i32 to vector<128x128xi32>
    %le3A_2856 = arith.cmpi ule, %sub3A_2854, %le3A_2855 : vector<128x128xi32>
    %sub3A_2857 = vector.broadcast %get3A_2843 : i32 to vector<128x128xi32>
    %sub3A_2858 = arith.subi %iota3A_0, %sub3A_2857 : vector<128x128xi32>
    %le3A_2859 = vector.broadcast %get3A_2849 : i32 to vector<128x128xi32>
    %le3A_2860 = arith.cmpi ule, %sub3A_2858, %le3A_2859 : vector<128x128xi32>
    %and3A_2861 = arith.andi %le3A_2856, %le3A_2860 : vector<128x128xi1>
    %jit3A_2862 = arith.constant 1.000000e+00 : f32
    %jit3A_2863 = arith.constant 0.000000e+00 : f32
    %broadcast_in_dim3A_2864 = vector.broadcast %jit3A_2862 : f32 to vector<128x128xf32>
    %broadcast_in_dim3A_2865 = vector.broadcast %jit3A_2863 : f32 to vector<128x128xf32>
    %select_n3A_2866 = arith.select %and3A_2861, %broadcast_in_dim3A_2864, %broadcast_in_dim3A_2865 : vector<128x128xi1>, vector<128x128xf32>
    %swap3A_2867 = arith.constant 89 : index
    %swap3A_2868 = arith.constant 0 : index
    %swap3A_2869 = arith.constant 0 : index
    %swap3A_2870 = vector.load %arg3[%swap3A_2867, %swap3A_2868, %swap3A_2869] : memref<128x128x128xf32, #tpu.memory_space<vmem>>, vector<1x128x128xf32>
    %swap3A_2871 = vector.shape_cast %swap3A_2870 : vector<1x128x128xf32> to vector<128x128xf32>
    %swap3A_2872 = vector.shape_cast %select_n3A_2866 : vector<128x128xf32> to vector<1x128x128xf32>
    tpu.vector_store %arg3[%swap3A_2867, %swap3A_2868, %swap3A_2869], %swap3A_2872 {strides = array<i32>} : memref<128x128x128xf32, #tpu.memory_space<vmem>>, vector<1x128x128xf32>,
    %get3A_2873 = arith.constant 90 : index
    %get3A_2874 = arith.constant 0 : index
    %get3A_2875 = memref.load %arg1[%get3A_2873, %get3A_2874] : memref<128x4xi32, #tpu.memory_space<smem>>
    %get3A_2876 = arith.constant 90 : index
    %get3A_2877 = arith.constant 1 : index
    %get3A_2878 = memref.load %arg1[%get3A_2876, %get3A_2877] : memref<128x4xi32, #tpu.memory_space<smem>>
    %get3A_2879 = arith.constant 90 : index
    %get3A_2880 = arith.constant 2 : index
    %get3A_2881 = memref.load %arg1[%get3A_2879, %get3A_2880] : memref<128x4xi32, #tpu.memory_space<smem>>
    %get3A_2882 = arith.constant 90 : index
    %get3A_2883 = arith.constant 3 : index
    %get3A_2884 = memref.load %arg1[%get3A_2882, %get3A_2883] : memref<128x4xi32, #tpu.memory_space<smem>>
    %sub3A_2885 = vector.broadcast %get3A_2878 : i32 to vector<128x128xi32>
    %sub3A_2886 = arith.subi %iota3A, %sub3A_2885 : vector<128x128xi32>
    %le3A_2887 = vector.broadcast %get3A_2884 : i32 to vector<128x128xi32>
    %le3A_2888 = arith.cmpi ule, %sub3A_2886, %le3A_2887 : vector<128x128xi32>
    %sub3A_2889 = vector.broadcast %get3A_2875 : i32 to vector<128x128xi32>
    %sub3A_2890 = arith.subi %iota3A_0, %sub3A_2889 : vector<128x128xi32>
    %le3A_2891 = vector.broadcast %get3A_2881 : i32 to vector<128x128xi32>
    %le3A_2892 = arith.cmpi ule, %sub3A_2890, %le3A_2891 : vector<128x128xi32>
    %and3A_2893 = arith.andi %le3A_2888, %le3A_2892 : vector<128x128xi1>
    %jit3A_2894 = arith.constant 1.000000e+00 : f32
    %jit3A_2895 = arith.constant 0.000000e+00 : f32
    %broadcast_in_dim3A_2896 = vector.broadcast %jit3A_2894 : f32 to vector<128x128xf32>
    %broadcast_in_dim3A_2897 = vector.broadcast %jit3A_2895 : f32 to vector<128x128xf32>
    %select_n3A_2898 = arith.select %and3A_2893, %broadcast_in_dim3A_2896, %broadcast_in_dim3A_2897 : vector<128x128xi1>, vector<128x128xf32>
    %swap3A_2899 = arith.constant 90 : index
    %swap3A_2900 = arith.constant 0 : index
    %swap3A_2901 = arith.constant 0 : index
    %swap3A_2902 = vector.load %arg3[%swap3A_2899, %swap3A_2900, %swap3A_2901] : memref<128x128x128xf32, #tpu.memory_space<vmem>>, vector<1x128x128xf32>
    %swap3A_2903 = vector.shape_cast %swap3A_2902 : vector<1x128x128xf32> to vector<128x128xf32>
    %swap3A_2904 = vector.shape_cast %select_n3A_2898 : vector<128x128xf32> to vector<1x128x128xf32>
    tpu.vector_store %arg3[%swap3A_2899, %swap3A_2900, %swap3A_2901], %swap3A_2904 {strides = array<i32>} : memref<128x128x128xf32, #tpu.memory_space<vmem>>, vector<1x128x128xf32>,
    %get3A_2905 = arith.constant 91 : index
    %get3A_2906 = arith.constant 0 : index
    %get3A_2907 = memref.load %arg1[%get3A_2905, %get3A_2906] : memref<128x4xi32, #tpu.memory_space<smem>>
    %get3A_2908 = arith.constant 91 : index
    %get3A_2909 = arith.constant 1 : index
    %get3A_2910 = memref.load %arg1[%get3A_2908, %get3A_2909] : memref<128x4xi32, #tpu.memory_space<smem>>
    %get3A_2911 = arith.constant 91 : index
    %get3A_2912 = arith.constant 2 : index
    %get3A_2913 = memref.load %arg1[%get3A_2911, %get3A_2912] : memref<128x4xi32, #tpu.memory_space<smem>>
    %get3A_2914 = arith.constant 91 : index
    %get3A_2915 = arith.constant 3 : index
    %get3A_2916 = memref.load %arg1[%get3A_2914, %get3A_2915] : memref<128x4xi32, #tpu.memory_space<smem>>
    %sub3A_2917 = vector.broadcast %get3A_2910 : i32 to vector<128x128xi32>
    %sub3A_2918 = arith.subi %iota3A, %sub3A_2917 : vector<128x128xi32>
    %le3A_2919 = vector.broadcast %get3A_2916 : i32 to vector<128x128xi32>
    %le3A_2920 = arith.cmpi ule, %sub3A_2918, %le3A_2919 : vector<128x128xi32>
    %sub3A_2921 = vector.broadcast %get3A_2907 : i32 to vector<128x128xi32>
    %sub3A_2922 = arith.subi %iota3A_0, %sub3A_2921 : vector<128x128xi32>
    %le3A_2923 = vector.broadcast %get3A_2913 : i32 to vector<128x128xi32>
    %le3A_2924 = arith.cmpi ule, %sub3A_2922, %le3A_2923 : vector<128x128xi32>
    %and3A_2925 = arith.andi %le3A_2920, %le3A_2924 : vector<128x128xi1>
    %jit3A_2926 = arith.constant 1.000000e+00 : f32
    %jit3A_2927 = arith.constant 0.000000e+00 : f32
    %broadcast_in_dim3A_2928 = vector.broadcast %jit3A_2926 : f32 to vector<128x128xf32>
    %broadcast_in_dim3A_2929 = vector.broadcast %jit3A_2927 : f32 to vector<128x128xf32>
    %select_n3A_2930 = arith.select %and3A_2925, %broadcast_in_dim3A_2928, %broadcast_in_dim3A_2929 : vector<128x128xi1>, vector<128x128xf32>
    %swap3A_2931 = arith.constant 91 : index
    %swap3A_2932 = arith.constant 0 : index
    %swap3A_2933 = arith.constant 0 : index
    %swap3A_2934 = vector.load %arg3[%swap3A_2931, %swap3A_2932, %swap3A_2933] : memref<128x128x128xf32, #tpu.memory_space<vmem>>, vector<1x128x128xf32>
    %swap3A_2935 = vector.shape_cast %swap3A_2934 : vector<1x128x128xf32> to vector<128x128xf32>
    %swap3A_2936 = vector.shape_cast %select_n3A_2930 : vector<128x128xf32> to vector<1x128x128xf32>
    tpu.vector_store %arg3[%swap3A_2931, %swap3A_2932, %swap3A_2933], %swap3A_2936 {strides = array<i32>} : memref<128x128x128xf32, #tpu.memory_space<vmem>>, vector<1x128x128xf32>,
    %get3A_2937 = arith.constant 92 : index
    %get3A_2938 = arith.constant 0 : index
    %get3A_2939 = memref.load %arg1[%get3A_2937, %get3A_2938] : memref<128x4xi32, #tpu.memory_space<smem>>
    %get3A_2940 = arith.constant 92 : index
    %get3A_2941 = arith.constant 1 : index
    %get3A_2942 = memref.load %arg1[%get3A_2940, %get3A_2941] : memref<128x4xi32, #tpu.memory_space<smem>>
    %get3A_2943 = arith.constant 92 : index
    %get3A_2944 = arith.constant 2 : index
    %get3A_2945 = memref.load %arg1[%get3A_2943, %get3A_2944] : memref<128x4xi32, #tpu.memory_space<smem>>
    %get3A_2946 = arith.constant 92 : index
    %get3A_2947 = arith.constant 3 : index
    %get3A_2948 = memref.load %arg1[%get3A_2946, %get3A_2947] : memref<128x4xi32, #tpu.memory_space<smem>>
    %sub3A_2949 = vector.broadcast %get3A_2942 : i32 to vector<128x128xi32>
    %sub3A_2950 = arith.subi %iota3A, %sub3A_2949 : vector<128x128xi32>
    %le3A_2951 = vector.broadcast %get3A_2948 : i32 to vector<128x128xi32>
    %le3A_2952 = arith.cmpi ule, %sub3A_2950, %le3A_2951 : vector<128x128xi32>
    %sub3A_2953 = vector.broadcast %get3A_2939 : i32 to vector<128x128xi32>
    %sub3A_2954 = arith.subi %iota3A_0, %sub3A_2953 : vector<128x128xi32>
    %le3A_2955 = vector.broadcast %get3A_2945 : i32 to vector<128x128xi32>
    %le3A_2956 = arith.cmpi ule, %sub3A_2954, %le3A_2955 : vector<128x128xi32>
    %and3A_2957 = arith.andi %le3A_2952, %le3A_2956 : vector<128x128xi1>
    %jit3A_2958 = arith.constant 1.000000e+00 : f32
    %jit3A_2959 = arith.constant 0.000000e+00 : f32
    %broadcast_in_dim3A_2960 = vector.broadcast %jit3A_2958 : f32 to vector<128x128xf32>
    %broadcast_in_dim3A_2961 = vector.broadcast %jit3A_2959 : f32 to vector<128x128xf32>
    %select_n3A_2962 = arith.select %and3A_2957, %broadcast_in_dim3A_2960, %broadcast_in_dim3A_2961 : vector<128x128xi1>, vector<128x128xf32>
    %swap3A_2963 = arith.constant 92 : index
    %swap3A_2964 = arith.constant 0 : index
    %swap3A_2965 = arith.constant 0 : index
    %swap3A_2966 = vector.load %arg3[%swap3A_2963, %swap3A_2964, %swap3A_2965] : memref<128x128x128xf32, #tpu.memory_space<vmem>>, vector<1x128x128xf32>
    %swap3A_2967 = vector.shape_cast %swap3A_2966 : vector<1x128x128xf32> to vector<128x128xf32>
    %swap3A_2968 = vector.shape_cast %select_n3A_2962 : vector<128x128xf32> to vector<1x128x128xf32>
    tpu.vector_store %arg3[%swap3A_2963, %swap3A_2964, %swap3A_2965], %swap3A_2968 {strides = array<i32>} : memref<128x128x128xf32, #tpu.memory_space<vmem>>, vector<1x128x128xf32>,
    %get3A_2969 = arith.constant 93 : index
    %get3A_2970 = arith.constant 0 : index
    %get3A_2971 = memref.load %arg1[%get3A_2969, %get3A_2970] : memref<128x4xi32, #tpu.memory_space<smem>>
    %get3A_2972 = arith.constant 93 : index
    %get3A_2973 = arith.constant 1 : index
    %get3A_2974 = memref.load %arg1[%get3A_2972, %get3A_2973] : memref<128x4xi32, #tpu.memory_space<smem>>
    %get3A_2975 = arith.constant 93 : index
    %get3A_2976 = arith.constant 2 : index
    %get3A_2977 = memref.load %arg1[%get3A_2975, %get3A_2976] : memref<128x4xi32, #tpu.memory_space<smem>>
    %get3A_2978 = arith.constant 93 : index
    %get3A_2979 = arith.constant 3 : index
    %get3A_2980 = memref.load %arg1[%get3A_2978, %get3A_2979] : memref<128x4xi32, #tpu.memory_space<smem>>
    %sub3A_2981 = vector.broadcast %get3A_2974 : i32 to vector<128x128xi32>
    %sub3A_2982 = arith.subi %iota3A, %sub3A_2981 : vector<128x128xi32>
    %le3A_2983 = vector.broadcast %get3A_2980 : i32 to vector<128x128xi32>
    %le3A_2984 = arith.cmpi ule, %sub3A_2982, %le3A_2983 : vector<128x128xi32>
    %sub3A_2985 = vector.broadcast %get3A_2971 : i32 to vector<128x128xi32>
    %sub3A_2986 = arith.subi %iota3A_0, %sub3A_2985 : vector<128x128xi32>
    %le3A_2987 = vector.broadcast %get3A_2977 : i32 to vector<128x128xi32>
    %le3A_2988 = arith.cmpi ule, %sub3A_2986, %le3A_2987 : vector<128x128xi32>
    %and3A_2989 = arith.andi %le3A_2984, %le3A_2988 : vector<128x128xi1>
    %jit3A_2990 = arith.constant 1.000000e+00 : f32
    %jit3A_2991 = arith.constant 0.000000e+00 : f32
    %broadcast_in_dim3A_2992 = vector.broadcast %jit3A_2990 : f32 to vector<128x128xf32>
    %broadcast_in_dim3A_2993 = vector.broadcast %jit3A_2991 : f32 to vector<128x128xf32>
    %select_n3A_2994 = arith.select %and3A_2989, %broadcast_in_dim3A_2992, %broadcast_in_dim3A_2993 : vector<128x128xi1>, vector<128x128xf32>
    %swap3A_2995 = arith.constant 93 : index
    %swap3A_2996 = arith.constant 0 : index
    %swap3A_2997 = arith.constant 0 : index
    %swap3A_2998 = vector.load %arg3[%swap3A_2995, %swap3A_2996, %swap3A_2997] : memref<128x128x128xf32, #tpu.memory_space<vmem>>, vector<1x128x128xf32>
    %swap3A_2999 = vector.shape_cast %swap3A_2998 : vector<1x128x128xf32> to vector<128x128xf32>
    %swap3A_3000 = vector.shape_cast %select_n3A_2994 : vector<128x128xf32> to vector<1x128x128xf32>
    tpu.vector_store %arg3[%swap3A_2995, %swap3A_2996, %swap3A_2997], %swap3A_3000 {strides = array<i32>} : memref<128x128x128xf32, #tpu.memory_space<vmem>>, vector<1x128x128xf32>,
    %get3A_3001 = arith.constant 94 : index
    %get3A_3002 = arith.constant 0 : index
    %get3A_3003 = memref.load %arg1[%get3A_3001, %get3A_3002] : memref<128x4xi32, #tpu.memory_space<smem>>
    %get3A_3004 = arith.constant 94 : index
    %get3A_3005 = arith.constant 1 : index
    %get3A_3006 = memref.load %arg1[%get3A_3004, %get3A_3005] : memref<128x4xi32, #tpu.memory_space<smem>>
    %get3A_3007 = arith.constant 94 : index
    %get3A_3008 = arith.constant 2 : index
    %get3A_3009 = memref.load %arg1[%get3A_3007, %get3A_3008] : memref<128x4xi32, #tpu.memory_space<smem>>
    %get3A_3010 = arith.constant 94 : index
    %get3A_3011 = arith.constant 3 : index
    %get3A_3012 = memref.load %arg1[%get3A_3010, %get3A_3011] : memref<128x4xi32, #tpu.memory_space<smem>>
    %sub3A_3013 = vector.broadcast %get3A_3006 : i32 to vector<128x128xi32>
    %sub3A_3014 = arith.subi %iota3A, %sub3A_3013 : vector<128x128xi32>
    %le3A_3015 = vector.broadcast %get3A_3012 : i32 to vector<128x128xi32>
    %le3A_3016 = arith.cmpi ule, %sub3A_3014, %le3A_3015 : vector<128x128xi32>
    %sub3A_3017 = vector.broadcast %get3A_3003 : i32 to vector<128x128xi32>
    %sub3A_3018 = arith.subi %iota3A_0, %sub3A_3017 : vector<128x128xi32>
    %le3A_3019 = vector.broadcast %get3A_3009 : i32 to vector<128x128xi32>
    %le3A_3020 = arith.cmpi ule, %sub3A_3018, %le3A_3019 : vector<128x128xi32>
    %and3A_3021 = arith.andi %le3A_3016, %le3A_3020 : vector<128x128xi1>
    %jit3A_3022 = arith.constant 1.000000e+00 : f32
    %jit3A_3023 = arith.constant 0.000000e+00 : f32
    %broadcast_in_dim3A_3024 = vector.broadcast %jit3A_3022 : f32 to vector<128x128xf32>
    %broadcast_in_dim3A_3025 = vector.broadcast %jit3A_3023 : f32 to vector<128x128xf32>
    %select_n3A_3026 = arith.select %and3A_3021, %broadcast_in_dim3A_3024, %broadcast_in_dim3A_3025 : vector<128x128xi1>, vector<128x128xf32>
    %swap3A_3027 = arith.constant 94 : index
    %swap3A_3028 = arith.constant 0 : index
    %swap3A_3029 = arith.constant 0 : index
    %swap3A_3030 = vector.load %arg3[%swap3A_3027, %swap3A_3028, %swap3A_3029] : memref<128x128x128xf32, #tpu.memory_space<vmem>>, vector<1x128x128xf32>
    %swap3A_3031 = vector.shape_cast %swap3A_3030 : vector<1x128x128xf32> to vector<128x128xf32>
    %swap3A_3032 = vector.shape_cast %select_n3A_3026 : vector<128x128xf32> to vector<1x128x128xf32>
    tpu.vector_store %arg3[%swap3A_3027, %swap3A_3028, %swap3A_3029], %swap3A_3032 {strides = array<i32>} : memref<128x128x128xf32, #tpu.memory_space<vmem>>, vector<1x128x128xf32>,
    %get3A_3033 = arith.constant 95 : index
    %get3A_3034 = arith.constant 0 : index
    %get3A_3035 = memref.load %arg1[%get3A_3033, %get3A_3034] : memref<128x4xi32, #tpu.memory_space<smem>>
    %get3A_3036 = arith.constant 95 : index
    %get3A_3037 = arith.constant 1 : index
    %get3A_3038 = memref.load %arg1[%get3A_3036, %get3A_3037] : memref<128x4xi32, #tpu.memory_space<smem>>
    %get3A_3039 = arith.constant 95 : index
    %get3A_3040 = arith.constant 2 : index
    %get3A_3041 = memref.load %arg1[%get3A_3039, %get3A_3040] : memref<128x4xi32, #tpu.memory_space<smem>>
    %get3A_3042 = arith.constant 95 : index
    %get3A_3043 = arith.constant 3 : index
    %get3A_3044 = memref.load %arg1[%get3A_3042, %get3A_3043] : memref<128x4xi32, #tpu.memory_space<smem>>
    %sub3A_3045 = vector.broadcast %get3A_3038 : i32 to vector<128x128xi32>
    %sub3A_3046 = arith.subi %iota3A, %sub3A_3045 : vector<128x128xi32>
    %le3A_3047 = vector.broadcast %get3A_3044 : i32 to vector<128x128xi32>
    %le3A_3048 = arith.cmpi ule, %sub3A_3046, %le3A_3047 : vector<128x128xi32>
    %sub3A_3049 = vector.broadcast %get3A_3035 : i32 to vector<128x128xi32>
    %sub3A_3050 = arith.subi %iota3A_0, %sub3A_3049 : vector<128x128xi32>
    %le3A_3051 = vector.broadcast %get3A_3041 : i32 to vector<128x128xi32>
    %le3A_3052 = arith.cmpi ule, %sub3A_3050, %le3A_3051 : vector<128x128xi32>
    %and3A_3053 = arith.andi %le3A_3048, %le3A_3052 : vector<128x128xi1>
    %jit3A_3054 = arith.constant 1.000000e+00 : f32
    %jit3A_3055 = arith.constant 0.000000e+00 : f32
    %broadcast_in_dim3A_3056 = vector.broadcast %jit3A_3054 : f32 to vector<128x128xf32>
    %broadcast_in_dim3A_3057 = vector.broadcast %jit3A_3055 : f32 to vector<128x128xf32>
    %select_n3A_3058 = arith.select %and3A_3053, %broadcast_in_dim3A_3056, %broadcast_in_dim3A_3057 : vector<128x128xi1>, vector<128x128xf32>
    %swap3A_3059 = arith.constant 95 : index
    %swap3A_3060 = arith.constant 0 : index
    %swap3A_3061 = arith.constant 0 : index
    %swap3A_3062 = vector.load %arg3[%swap3A_3059, %swap3A_3060, %swap3A_3061] : memref<128x128x128xf32, #tpu.memory_space<vmem>>, vector<1x128x128xf32>
    %swap3A_3063 = vector.shape_cast %swap3A_3062 : vector<1x128x128xf32> to vector<128x128xf32>
    %swap3A_3064 = vector.shape_cast %select_n3A_3058 : vector<128x128xf32> to vector<1x128x128xf32>
    tpu.vector_store %arg3[%swap3A_3059, %swap3A_3060, %swap3A_3061], %swap3A_3064 {strides = array<i32>} : memref<128x128x128xf32, #tpu.memory_space<vmem>>, vector<1x128x128xf32>,
    %get3A_3065 = arith.constant 96 : index
    %get3A_3066 = arith.constant 0 : index
    %get3A_3067 = memref.load %arg1[%get3A_3065, %get3A_3066] : memref<128x4xi32, #tpu.memory_space<smem>>
    %get3A_3068 = arith.constant 96 : index
    %get3A_3069 = arith.constant 1 : index
    %get3A_3070 = memref.load %arg1[%get3A_3068, %get3A_3069] : memref<128x4xi32, #tpu.memory_space<smem>>
    %get3A_3071 = arith.constant 96 : index
    %get3A_3072 = arith.constant 2 : index
    %get3A_3073 = memref.load %arg1[%get3A_3071, %get3A_3072] : memref<128x4xi32, #tpu.memory_space<smem>>
    %get3A_3074 = arith.constant 96 : index
    %get3A_3075 = arith.constant 3 : index
    %get3A_3076 = memref.load %arg1[%get3A_3074, %get3A_3075] : memref<128x4xi32, #tpu.memory_space<smem>>
    %sub3A_3077 = vector.broadcast %get3A_3070 : i32 to vector<128x128xi32>
    %sub3A_3078 = arith.subi %iota3A, %sub3A_3077 : vector<128x128xi32>
    %le3A_3079 = vector.broadcast %get3A_3076 : i32 to vector<128x128xi32>
    %le3A_3080 = arith.cmpi ule, %sub3A_3078, %le3A_3079 : vector<128x128xi32>
    %sub3A_3081 = vector.broadcast %get3A_3067 : i32 to vector<128x128xi32>
    %sub3A_3082 = arith.subi %iota3A_0, %sub3A_3081 : vector<128x128xi32>
    %le3A_3083 = vector.broadcast %get3A_3073 : i32 to vector<128x128xi32>
    %le3A_3084 = arith.cmpi ule, %sub3A_3082, %le3A_3083 : vector<128x128xi32>
    %and3A_3085 = arith.andi %le3A_3080, %le3A_3084 : vector<128x128xi1>
    %jit3A_3086 = arith.constant 1.000000e+00 : f32
    %jit3A_3087 = arith.constant 0.000000e+00 : f32
    %broadcast_in_dim3A_3088 = vector.broadcast %jit3A_3086 : f32 to vector<128x128xf32>
    %broadcast_in_dim3A_3089 = vector.broadcast %jit3A_3087 : f32 to vector<128x128xf32>
    %select_n3A_3090 = arith.select %and3A_3085, %broadcast_in_dim3A_3088, %broadcast_in_dim3A_3089 : vector<128x128xi1>, vector<128x128xf32>
    %swap3A_3091 = arith.constant 96 : index
    %swap3A_3092 = arith.constant 0 : index
    %swap3A_3093 = arith.constant 0 : index
    %swap3A_3094 = vector.load %arg3[%swap3A_3091, %swap3A_3092, %swap3A_3093] : memref<128x128x128xf32, #tpu.memory_space<vmem>>, vector<1x128x128xf32>
    %swap3A_3095 = vector.shape_cast %swap3A_3094 : vector<1x128x128xf32> to vector<128x128xf32>
    %swap3A_3096 = vector.shape_cast %select_n3A_3090 : vector<128x128xf32> to vector<1x128x128xf32>
    tpu.vector_store %arg3[%swap3A_3091, %swap3A_3092, %swap3A_3093], %swap3A_3096 {strides = array<i32>} : memref<128x128x128xf32, #tpu.memory_space<vmem>>, vector<1x128x128xf32>,
    %get3A_3097 = arith.constant 97 : index
    %get3A_3098 = arith.constant 0 : index
    %get3A_3099 = memref.load %arg1[%get3A_3097, %get3A_3098] : memref<128x4xi32, #tpu.memory_space<smem>>
    %get3A_3100 = arith.constant 97 : index
    %get3A_3101 = arith.constant 1 : index
    %get3A_3102 = memref.load %arg1[%get3A_3100, %get3A_3101] : memref<128x4xi32, #tpu.memory_space<smem>>
    %get3A_3103 = arith.constant 97 : index
    %get3A_3104 = arith.constant 2 : index
    %get3A_3105 = memref.load %arg1[%get3A_3103, %get3A_3104] : memref<128x4xi32, #tpu.memory_space<smem>>
    %get3A_3106 = arith.constant 97 : index
    %get3A_3107 = arith.constant 3 : index
    %get3A_3108 = memref.load %arg1[%get3A_3106, %get3A_3107] : memref<128x4xi32, #tpu.memory_space<smem>>
    %sub3A_3109 = vector.broadcast %get3A_3102 : i32 to vector<128x128xi32>
    %sub3A_3110 = arith.subi %iota3A, %sub3A_3109 : vector<128x128xi32>
    %le3A_3111 = vector.broadcast %get3A_3108 : i32 to vector<128x128xi32>
    %le3A_3112 = arith.cmpi ule, %sub3A_3110, %le3A_3111 : vector<128x128xi32>
    %sub3A_3113 = vector.broadcast %get3A_3099 : i32 to vector<128x128xi32>
    %sub3A_3114 = arith.subi %iota3A_0, %sub3A_3113 : vector<128x128xi32>
    %le3A_3115 = vector.broadcast %get3A_3105 : i32 to vector<128x128xi32>
    %le3A_3116 = arith.cmpi ule, %sub3A_3114, %le3A_3115 : vector<128x128xi32>
    %and3A_3117 = arith.andi %le3A_3112, %le3A_3116 : vector<128x128xi1>
    %jit3A_3118 = arith.constant 1.000000e+00 : f32
    %jit3A_3119 = arith.constant 0.000000e+00 : f32
    %broadcast_in_dim3A_3120 = vector.broadcast %jit3A_3118 : f32 to vector<128x128xf32>
    %broadcast_in_dim3A_3121 = vector.broadcast %jit3A_3119 : f32 to vector<128x128xf32>
    %select_n3A_3122 = arith.select %and3A_3117, %broadcast_in_dim3A_3120, %broadcast_in_dim3A_3121 : vector<128x128xi1>, vector<128x128xf32>
    %swap3A_3123 = arith.constant 97 : index
    %swap3A_3124 = arith.constant 0 : index
    %swap3A_3125 = arith.constant 0 : index
    %swap3A_3126 = vector.load %arg3[%swap3A_3123, %swap3A_3124, %swap3A_3125] : memref<128x128x128xf32, #tpu.memory_space<vmem>>, vector<1x128x128xf32>
    %swap3A_3127 = vector.shape_cast %swap3A_3126 : vector<1x128x128xf32> to vector<128x128xf32>
    %swap3A_3128 = vector.shape_cast %select_n3A_3122 : vector<128x128xf32> to vector<1x128x128xf32>
    tpu.vector_store %arg3[%swap3A_3123, %swap3A_3124, %swap3A_3125], %swap3A_3128 {strides = array<i32>} : memref<128x128x128xf32, #tpu.memory_space<vmem>>, vector<1x128x128xf32>,
    %get3A_3129 = arith.constant 98 : index
    %get3A_3130 = arith.constant 0 : index
    %get3A_3131 = memref.load %arg1[%get3A_3129, %get3A_3130] : memref<128x4xi32, #tpu.memory_space<smem>>
    %get3A_3132 = arith.constant 98 : index
    %get3A_3133 = arith.constant 1 : index
    %get3A_3134 = memref.load %arg1[%get3A_3132, %get3A_3133] : memref<128x4xi32, #tpu.memory_space<smem>>
    %get3A_3135 = arith.constant 98 : index
    %get3A_3136 = arith.constant 2 : index
    %get3A_3137 = memref.load %arg1[%get3A_3135, %get3A_3136] : memref<128x4xi32, #tpu.memory_space<smem>>
    %get3A_3138 = arith.constant 98 : index
    %get3A_3139 = arith.constant 3 : index
    %get3A_3140 = memref.load %arg1[%get3A_3138, %get3A_3139] : memref<128x4xi32, #tpu.memory_space<smem>>
    %sub3A_3141 = vector.broadcast %get3A_3134 : i32 to vector<128x128xi32>
    %sub3A_3142 = arith.subi %iota3A, %sub3A_3141 : vector<128x128xi32>
    %le3A_3143 = vector.broadcast %get3A_3140 : i32 to vector<128x128xi32>
    %le3A_3144 = arith.cmpi ule, %sub3A_3142, %le3A_3143 : vector<128x128xi32>
    %sub3A_3145 = vector.broadcast %get3A_3131 : i32 to vector<128x128xi32>
    %sub3A_3146 = arith.subi %iota3A_0, %sub3A_3145 : vector<128x128xi32>
    %le3A_3147 = vector.broadcast %get3A_3137 : i32 to vector<128x128xi32>
    %le3A_3148 = arith.cmpi ule, %sub3A_3146, %le3A_3147 : vector<128x128xi32>
    %and3A_3149 = arith.andi %le3A_3144, %le3A_3148 : vector<128x128xi1>
    %jit3A_3150 = arith.constant 1.000000e+00 : f32
    %jit3A_3151 = arith.constant 0.000000e+00 : f32
    %broadcast_in_dim3A_3152 = vector.broadcast %jit3A_3150 : f32 to vector<128x128xf32>
    %broadcast_in_dim3A_3153 = vector.broadcast %jit3A_3151 : f32 to vector<128x128xf32>
    %select_n3A_3154 = arith.select %and3A_3149, %broadcast_in_dim3A_3152, %broadcast_in_dim3A_3153 : vector<128x128xi1>, vector<128x128xf32>
    %swap3A_3155 = arith.constant 98 : index
    %swap3A_3156 = arith.constant 0 : index
    %swap3A_3157 = arith.constant 0 : index
    %swap3A_3158 = vector.load %arg3[%swap3A_3155, %swap3A_3156, %swap3A_3157] : memref<128x128x128xf32, #tpu.memory_space<vmem>>, vector<1x128x128xf32>
    %swap3A_3159 = vector.shape_cast %swap3A_3158 : vector<1x128x128xf32> to vector<128x128xf32>
    %swap3A_3160 = vector.shape_cast %select_n3A_3154 : vector<128x128xf32> to vector<1x128x128xf32>
    tpu.vector_store %arg3[%swap3A_3155, %swap3A_3156, %swap3A_3157], %swap3A_3160 {strides = array<i32>} : memref<128x128x128xf32, #tpu.memory_space<vmem>>, vector<1x128x128xf32>,
    %get3A_3161 = arith.constant 99 : index
    %get3A_3162 = arith.constant 0 : index
    %get3A_3163 = memref.load %arg1[%get3A_3161, %get3A_3162] : memref<128x4xi32, #tpu.memory_space<smem>>
    %get3A_3164 = arith.constant 99 : index
    %get3A_3165 = arith.constant 1 : index
    %get3A_3166 = memref.load %arg1[%get3A_3164, %get3A_3165] : memref<128x4xi32, #tpu.memory_space<smem>>
    %get3A_3167 = arith.constant 99 : index
    %get3A_3168 = arith.constant 2 : index
    %get3A_3169 = memref.load %arg1[%get3A_3167, %get3A_3168] : memref<128x4xi32, #tpu.memory_space<smem>>
    %get3A_3170 = arith.constant 99 : index
    %get3A_3171 = arith.constant 3 : index
    %get3A_3172 = memref.load %arg1[%get3A_3170, %get3A_3171] : memref<128x4xi32, #tpu.memory_space<smem>>
    %sub3A_3173 = vector.broadcast %get3A_3166 : i32 to vector<128x128xi32>
    %sub3A_3174 = arith.subi %iota3A, %sub3A_3173 : vector<128x128xi32>
    %le3A_3175 = vector.broadcast %get3A_3172 : i32 to vector<128x128xi32>
    %le3A_3176 = arith.cmpi ule, %sub3A_3174, %le3A_3175 : vector<128x128xi32>
    %sub3A_3177 = vector.broadcast %get3A_3163 : i32 to vector<128x128xi32>
    %sub3A_3178 = arith.subi %iota3A_0, %sub3A_3177 : vector<128x128xi32>
    %le3A_3179 = vector.broadcast %get3A_3169 : i32 to vector<128x128xi32>
    %le3A_3180 = arith.cmpi ule, %sub3A_3178, %le3A_3179 : vector<128x128xi32>
    %and3A_3181 = arith.andi %le3A_3176, %le3A_3180 : vector<128x128xi1>
    %jit3A_3182 = arith.constant 1.000000e+00 : f32
    %jit3A_3183 = arith.constant 0.000000e+00 : f32
    %broadcast_in_dim3A_3184 = vector.broadcast %jit3A_3182 : f32 to vector<128x128xf32>
    %broadcast_in_dim3A_3185 = vector.broadcast %jit3A_3183 : f32 to vector<128x128xf32>
    %select_n3A_3186 = arith.select %and3A_3181, %broadcast_in_dim3A_3184, %broadcast_in_dim3A_3185 : vector<128x128xi1>, vector<128x128xf32>
    %swap3A_3187 = arith.constant 99 : index
    %swap3A_3188 = arith.constant 0 : index
    %swap3A_3189 = arith.constant 0 : index
    %swap3A_3190 = vector.load %arg3[%swap3A_3187, %swap3A_3188, %swap3A_3189] : memref<128x128x128xf32, #tpu.memory_space<vmem>>, vector<1x128x128xf32>
    %swap3A_3191 = vector.shape_cast %swap3A_3190 : vector<1x128x128xf32> to vector<128x128xf32>
    %swap3A_3192 = vector.shape_cast %select_n3A_3186 : vector<128x128xf32> to vector<1x128x128xf32>
    tpu.vector_store %arg3[%swap3A_3187, %swap3A_3188, %swap3A_3189], %swap3A_3192 {strides = array<i32>} : memref<128x128x128xf32, #tpu.memory_space<vmem>>, vector<1x128x128xf32>,
    %get3A_3193 = arith.constant 100 : index
    %get3A_3194 = arith.constant 0 : index
    %get3A_3195 = memref.load %arg1[%get3A_3193, %get3A_3194] : memref<128x4xi32, #tpu.memory_space<smem>>
    %get3A_3196 = arith.constant 100 : index
    %get3A_3197 = arith.constant 1 : index
    %get3A_3198 = memref.load %arg1[%get3A_3196, %get3A_3197] : memref<128x4xi32, #tpu.memory_space<smem>>
    %get3A_3199 = arith.constant 100 : index
    %get3A_3200 = arith.constant 2 : index
    %get3A_3201 = memref.load %arg1[%get3A_3199, %get3A_3200] : memref<128x4xi32, #tpu.memory_space<smem>>
    %get3A_3202 = arith.constant 100 : index
    %get3A_3203 = arith.constant 3 : index
    %get3A_3204 = memref.load %arg1[%get3A_3202, %get3A_3203] : memref<128x4xi32, #tpu.memory_space<smem>>
    %sub3A_3205 = vector.broadcast %get3A_3198 : i32 to vector<128x128xi32>
    %sub3A_3206 = arith.subi %iota3A, %sub3A_3205 : vector<128x128xi32>
    %le3A_3207 = vector.broadcast %get3A_3204 : i32 to vector<128x128xi32>
    %le3A_3208 = arith.cmpi ule, %sub3A_3206, %le3A_3207 : vector<128x128xi32>
    %sub3A_3209 = vector.broadcast %get3A_3195 : i32 to vector<128x128xi32>
    %sub3A_3210 = arith.subi %iota3A_0, %sub3A_3209 : vector<128x128xi32>
    %le3A_3211 = vector.broadcast %get3A_3201 : i32 to vector<128x128xi32>
    %le3A_3212 = arith.cmpi ule, %sub3A_3210, %le3A_3211 : vector<128x128xi32>
    %and3A_3213 = arith.andi %le3A_3208, %le3A_3212 : vector<128x128xi1>
    %jit3A_3214 = arith.constant 1.000000e+00 : f32
    %jit3A_3215 = arith.constant 0.000000e+00 : f32
    %broadcast_in_dim3A_3216 = vector.broadcast %jit3A_3214 : f32 to vector<128x128xf32>
    %broadcast_in_dim3A_3217 = vector.broadcast %jit3A_3215 : f32 to vector<128x128xf32>
    %select_n3A_3218 = arith.select %and3A_3213, %broadcast_in_dim3A_3216, %broadcast_in_dim3A_3217 : vector<128x128xi1>, vector<128x128xf32>
    %swap3A_3219 = arith.constant 100 : index
    %swap3A_3220 = arith.constant 0 : index
    %swap3A_3221 = arith.constant 0 : index
    %swap3A_3222 = vector.load %arg3[%swap3A_3219, %swap3A_3220, %swap3A_3221] : memref<128x128x128xf32, #tpu.memory_space<vmem>>, vector<1x128x128xf32>
    %swap3A_3223 = vector.shape_cast %swap3A_3222 : vector<1x128x128xf32> to vector<128x128xf32>
    %swap3A_3224 = vector.shape_cast %select_n3A_3218 : vector<128x128xf32> to vector<1x128x128xf32>
    tpu.vector_store %arg3[%swap3A_3219, %swap3A_3220, %swap3A_3221], %swap3A_3224 {strides = array<i32>} : memref<128x128x128xf32, #tpu.memory_space<vmem>>, vector<1x128x128xf32>,
    %get3A_3225 = arith.constant 101 : index
    %get3A_3226 = arith.constant 0 : index
    %get3A_3227 = memref.load %arg1[%get3A_3225, %get3A_3226] : memref<128x4xi32, #tpu.memory_space<smem>>
    %get3A_3228 = arith.constant 101 : index
    %get3A_3229 = arith.constant 1 : index
    %get3A_3230 = memref.load %arg1[%get3A_3228, %get3A_3229] : memref<128x4xi32, #tpu.memory_space<smem>>
    %get3A_3231 = arith.constant 101 : index
    %get3A_3232 = arith.constant 2 : index
    %get3A_3233 = memref.load %arg1[%get3A_3231, %get3A_3232] : memref<128x4xi32, #tpu.memory_space<smem>>
    %get3A_3234 = arith.constant 101 : index
    %get3A_3235 = arith.constant 3 : index
    %get3A_3236 = memref.load %arg1[%get3A_3234, %get3A_3235] : memref<128x4xi32, #tpu.memory_space<smem>>
    %sub3A_3237 = vector.broadcast %get3A_3230 : i32 to vector<128x128xi32>
    %sub3A_3238 = arith.subi %iota3A, %sub3A_3237 : vector<128x128xi32>
    %le3A_3239 = vector.broadcast %get3A_3236 : i32 to vector<128x128xi32>
    %le3A_3240 = arith.cmpi ule, %sub3A_3238, %le3A_3239 : vector<128x128xi32>
    %sub3A_3241 = vector.broadcast %get3A_3227 : i32 to vector<128x128xi32>
    %sub3A_3242 = arith.subi %iota3A_0, %sub3A_3241 : vector<128x128xi32>
    %le3A_3243 = vector.broadcast %get3A_3233 : i32 to vector<128x128xi32>
    %le3A_3244 = arith.cmpi ule, %sub3A_3242, %le3A_3243 : vector<128x128xi32>
    %and3A_3245 = arith.andi %le3A_3240, %le3A_3244 : vector<128x128xi1>
    %jit3A_3246 = arith.constant 1.000000e+00 : f32
    %jit3A_3247 = arith.constant 0.000000e+00 : f32
    %broadcast_in_dim3A_3248 = vector.broadcast %jit3A_3246 : f32 to vector<128x128xf32>
    %broadcast_in_dim3A_3249 = vector.broadcast %jit3A_3247 : f32 to vector<128x128xf32>
    %select_n3A_3250 = arith.select %and3A_3245, %broadcast_in_dim3A_3248, %broadcast_in_dim3A_3249 : vector<128x128xi1>, vector<128x128xf32>
    %swap3A_3251 = arith.constant 101 : index
    %swap3A_3252 = arith.constant 0 : index
    %swap3A_3253 = arith.constant 0 : index
    %swap3A_3254 = vector.load %arg3[%swap3A_3251, %swap3A_3252, %swap3A_3253] : memref<128x128x128xf32, #tpu.memory_space<vmem>>, vector<1x128x128xf32>
    %swap3A_3255 = vector.shape_cast %swap3A_3254 : vector<1x128x128xf32> to vector<128x128xf32>
    %swap3A_3256 = vector.shape_cast %select_n3A_3250 : vector<128x128xf32> to vector<1x128x128xf32>
    tpu.vector_store %arg3[%swap3A_3251, %swap3A_3252, %swap3A_3253], %swap3A_3256 {strides = array<i32>} : memref<128x128x128xf32, #tpu.memory_space<vmem>>, vector<1x128x128xf32>,
    %get3A_3257 = arith.constant 102 : index
    %get3A_3258 = arith.constant 0 : index
    %get3A_3259 = memref.load %arg1[%get3A_3257, %get3A_3258] : memref<128x4xi32, #tpu.memory_space<smem>>
    %get3A_3260 = arith.constant 102 : index
    %get3A_3261 = arith.constant 1 : index
    %get3A_3262 = memref.load %arg1[%get3A_3260, %get3A_3261] : memref<128x4xi32, #tpu.memory_space<smem>>
    %get3A_3263 = arith.constant 102 : index
    %get3A_3264 = arith.constant 2 : index
    %get3A_3265 = memref.load %arg1[%get3A_3263, %get3A_3264] : memref<128x4xi32, #tpu.memory_space<smem>>
    %get3A_3266 = arith.constant 102 : index
    %get3A_3267 = arith.constant 3 : index
    %get3A_3268 = memref.load %arg1[%get3A_3266, %get3A_3267] : memref<128x4xi32, #tpu.memory_space<smem>>
    %sub3A_3269 = vector.broadcast %get3A_3262 : i32 to vector<128x128xi32>
    %sub3A_3270 = arith.subi %iota3A, %sub3A_3269 : vector<128x128xi32>
    %le3A_3271 = vector.broadcast %get3A_3268 : i32 to vector<128x128xi32>
    %le3A_3272 = arith.cmpi ule, %sub3A_3270, %le3A_3271 : vector<128x128xi32>
    %sub3A_3273 = vector.broadcast %get3A_3259 : i32 to vector<128x128xi32>
    %sub3A_3274 = arith.subi %iota3A_0, %sub3A_3273 : vector<128x128xi32>
    %le3A_3275 = vector.broadcast %get3A_3265 : i32 to vector<128x128xi32>
    %le3A_3276 = arith.cmpi ule, %sub3A_3274, %le3A_3275 : vector<128x128xi32>
    %and3A_3277 = arith.andi %le3A_3272, %le3A_3276 : vector<128x128xi1>
    %jit3A_3278 = arith.constant 1.000000e+00 : f32
    %jit3A_3279 = arith.constant 0.000000e+00 : f32
    %broadcast_in_dim3A_3280 = vector.broadcast %jit3A_3278 : f32 to vector<128x128xf32>
    %broadcast_in_dim3A_3281 = vector.broadcast %jit3A_3279 : f32 to vector<128x128xf32>
    %select_n3A_3282 = arith.select %and3A_3277, %broadcast_in_dim3A_3280, %broadcast_in_dim3A_3281 : vector<128x128xi1>, vector<128x128xf32>
    %swap3A_3283 = arith.constant 102 : index
    %swap3A_3284 = arith.constant 0 : index
    %swap3A_3285 = arith.constant 0 : index
    %swap3A_3286 = vector.load %arg3[%swap3A_3283, %swap3A_3284, %swap3A_3285] : memref<128x128x128xf32, #tpu.memory_space<vmem>>, vector<1x128x128xf32>
    %swap3A_3287 = vector.shape_cast %swap3A_3286 : vector<1x128x128xf32> to vector<128x128xf32>
    %swap3A_3288 = vector.shape_cast %select_n3A_3282 : vector<128x128xf32> to vector<1x128x128xf32>
    tpu.vector_store %arg3[%swap3A_3283, %swap3A_3284, %swap3A_3285], %swap3A_3288 {strides = array<i32>} : memref<128x128x128xf32, #tpu.memory_space<vmem>>, vector<1x128x128xf32>,
    %get3A_3289 = arith.constant 103 : index
    %get3A_3290 = arith.constant 0 : index
    %get3A_3291 = memref.load %arg1[%get3A_3289, %get3A_3290] : memref<128x4xi32, #tpu.memory_space<smem>>
    %get3A_3292 = arith.constant 103 : index
    %get3A_3293 = arith.constant 1 : index
    %get3A_3294 = memref.load %arg1[%get3A_3292, %get3A_3293] : memref<128x4xi32, #tpu.memory_space<smem>>
    %get3A_3295 = arith.constant 103 : index
    %get3A_3296 = arith.constant 2 : index
    %get3A_3297 = memref.load %arg1[%get3A_3295, %get3A_3296] : memref<128x4xi32, #tpu.memory_space<smem>>
    %get3A_3298 = arith.constant 103 : index
    %get3A_3299 = arith.constant 3 : index
    %get3A_3300 = memref.load %arg1[%get3A_3298, %get3A_3299] : memref<128x4xi32, #tpu.memory_space<smem>>
    %sub3A_3301 = vector.broadcast %get3A_3294 : i32 to vector<128x128xi32>
    %sub3A_3302 = arith.subi %iota3A, %sub3A_3301 : vector<128x128xi32>
    %le3A_3303 = vector.broadcast %get3A_3300 : i32 to vector<128x128xi32>
    %le3A_3304 = arith.cmpi ule, %sub3A_3302, %le3A_3303 : vector<128x128xi32>
    %sub3A_3305 = vector.broadcast %get3A_3291 : i32 to vector<128x128xi32>
    %sub3A_3306 = arith.subi %iota3A_0, %sub3A_3305 : vector<128x128xi32>
    %le3A_3307 = vector.broadcast %get3A_3297 : i32 to vector<128x128xi32>
    %le3A_3308 = arith.cmpi ule, %sub3A_3306, %le3A_3307 : vector<128x128xi32>
    %and3A_3309 = arith.andi %le3A_3304, %le3A_3308 : vector<128x128xi1>
    %jit3A_3310 = arith.constant 1.000000e+00 : f32
    %jit3A_3311 = arith.constant 0.000000e+00 : f32
    %broadcast_in_dim3A_3312 = vector.broadcast %jit3A_3310 : f32 to vector<128x128xf32>
    %broadcast_in_dim3A_3313 = vector.broadcast %jit3A_3311 : f32 to vector<128x128xf32>
    %select_n3A_3314 = arith.select %and3A_3309, %broadcast_in_dim3A_3312, %broadcast_in_dim3A_3313 : vector<128x128xi1>, vector<128x128xf32>
    %swap3A_3315 = arith.constant 103 : index
    %swap3A_3316 = arith.constant 0 : index
    %swap3A_3317 = arith.constant 0 : index
    %swap3A_3318 = vector.load %arg3[%swap3A_3315, %swap3A_3316, %swap3A_3317] : memref<128x128x128xf32, #tpu.memory_space<vmem>>, vector<1x128x128xf32>
    %swap3A_3319 = vector.shape_cast %swap3A_3318 : vector<1x128x128xf32> to vector<128x128xf32>
    %swap3A_3320 = vector.shape_cast %select_n3A_3314 : vector<128x128xf32> to vector<1x128x128xf32>
    tpu.vector_store %arg3[%swap3A_3315, %swap3A_3316, %swap3A_3317], %swap3A_3320 {strides = array<i32>} : memref<128x128x128xf32, #tpu.memory_space<vmem>>, vector<1x128x128xf32>,
    %get3A_3321 = arith.constant 104 : index
    %get3A_3322 = arith.constant 0 : index
    %get3A_3323 = memref.load %arg1[%get3A_3321, %get3A_3322] : memref<128x4xi32, #tpu.memory_space<smem>>
    %get3A_3324 = arith.constant 104 : index
    %get3A_3325 = arith.constant 1 : index
    %get3A_3326 = memref.load %arg1[%get3A_3324, %get3A_3325] : memref<128x4xi32, #tpu.memory_space<smem>>
    %get3A_3327 = arith.constant 104 : index
    %get3A_3328 = arith.constant 2 : index
    %get3A_3329 = memref.load %arg1[%get3A_3327, %get3A_3328] : memref<128x4xi32, #tpu.memory_space<smem>>
    %get3A_3330 = arith.constant 104 : index
    %get3A_3331 = arith.constant 3 : index
    %get3A_3332 = memref.load %arg1[%get3A_3330, %get3A_3331] : memref<128x4xi32, #tpu.memory_space<smem>>
    %sub3A_3333 = vector.broadcast %get3A_3326 : i32 to vector<128x128xi32>
    %sub3A_3334 = arith.subi %iota3A, %sub3A_3333 : vector<128x128xi32>
    %le3A_3335 = vector.broadcast %get3A_3332 : i32 to vector<128x128xi32>
    %le3A_3336 = arith.cmpi ule, %sub3A_3334, %le3A_3335 : vector<128x128xi32>
    %sub3A_3337 = vector.broadcast %get3A_3323 : i32 to vector<128x128xi32>
    %sub3A_3338 = arith.subi %iota3A_0, %sub3A_3337 : vector<128x128xi32>
    %le3A_3339 = vector.broadcast %get3A_3329 : i32 to vector<128x128xi32>
    %le3A_3340 = arith.cmpi ule, %sub3A_3338, %le3A_3339 : vector<128x128xi32>
    %and3A_3341 = arith.andi %le3A_3336, %le3A_3340 : vector<128x128xi1>
    %jit3A_3342 = arith.constant 1.000000e+00 : f32
    %jit3A_3343 = arith.constant 0.000000e+00 : f32
    %broadcast_in_dim3A_3344 = vector.broadcast %jit3A_3342 : f32 to vector<128x128xf32>
    %broadcast_in_dim3A_3345 = vector.broadcast %jit3A_3343 : f32 to vector<128x128xf32>
    %select_n3A_3346 = arith.select %and3A_3341, %broadcast_in_dim3A_3344, %broadcast_in_dim3A_3345 : vector<128x128xi1>, vector<128x128xf32>
    %swap3A_3347 = arith.constant 104 : index
    %swap3A_3348 = arith.constant 0 : index
    %swap3A_3349 = arith.constant 0 : index
    %swap3A_3350 = vector.load %arg3[%swap3A_3347, %swap3A_3348, %swap3A_3349] : memref<128x128x128xf32, #tpu.memory_space<vmem>>, vector<1x128x128xf32>
    %swap3A_3351 = vector.shape_cast %swap3A_3350 : vector<1x128x128xf32> to vector<128x128xf32>
    %swap3A_3352 = vector.shape_cast %select_n3A_3346 : vector<128x128xf32> to vector<1x128x128xf32>
    tpu.vector_store %arg3[%swap3A_3347, %swap3A_3348, %swap3A_3349], %swap3A_3352 {strides = array<i32>} : memref<128x128x128xf32, #tpu.memory_space<vmem>>, vector<1x128x128xf32>,
    %get3A_3353 = arith.constant 105 : index
    %get3A_3354 = arith.constant 0 : index
    %get3A_3355 = memref.load %arg1[%get3A_3353, %get3A_3354] : memref<128x4xi32, #tpu.memory_space<smem>>
    %get3A_3356 = arith.constant 105 : index
    %get3A_3357 = arith.constant 1 : index
    %get3A_3358 = memref.load %arg1[%get3A_3356, %get3A_3357] : memref<128x4xi32, #tpu.memory_space<smem>>
    %get3A_3359 = arith.constant 105 : index
    %get3A_3360 = arith.constant 2 : index
    %get3A_3361 = memref.load %arg1[%get3A_3359, %get3A_3360] : memref<128x4xi32, #tpu.memory_space<smem>>
    %get3A_3362 = arith.constant 105 : index
    %get3A_3363 = arith.constant 3 : index
    %get3A_3364 = memref.load %arg1[%get3A_3362, %get3A_3363] : memref<128x4xi32, #tpu.memory_space<smem>>
    %sub3A_3365 = vector.broadcast %get3A_3358 : i32 to vector<128x128xi32>
    %sub3A_3366 = arith.subi %iota3A, %sub3A_3365 : vector<128x128xi32>
    %le3A_3367 = vector.broadcast %get3A_3364 : i32 to vector<128x128xi32>
    %le3A_3368 = arith.cmpi ule, %sub3A_3366, %le3A_3367 : vector<128x128xi32>
    %sub3A_3369 = vector.broadcast %get3A_3355 : i32 to vector<128x128xi32>
    %sub3A_3370 = arith.subi %iota3A_0, %sub3A_3369 : vector<128x128xi32>
    %le3A_3371 = vector.broadcast %get3A_3361 : i32 to vector<128x128xi32>
    %le3A_3372 = arith.cmpi ule, %sub3A_3370, %le3A_3371 : vector<128x128xi32>
    %and3A_3373 = arith.andi %le3A_3368, %le3A_3372 : vector<128x128xi1>
    %jit3A_3374 = arith.constant 1.000000e+00 : f32
    %jit3A_3375 = arith.constant 0.000000e+00 : f32
    %broadcast_in_dim3A_3376 = vector.broadcast %jit3A_3374 : f32 to vector<128x128xf32>
    %broadcast_in_dim3A_3377 = vector.broadcast %jit3A_3375 : f32 to vector<128x128xf32>
    %select_n3A_3378 = arith.select %and3A_3373, %broadcast_in_dim3A_3376, %broadcast_in_dim3A_3377 : vector<128x128xi1>, vector<128x128xf32>
    %swap3A_3379 = arith.constant 105 : index
    %swap3A_3380 = arith.constant 0 : index
    %swap3A_3381 = arith.constant 0 : index
    %swap3A_3382 = vector.load %arg3[%swap3A_3379, %swap3A_3380, %swap3A_3381] : memref<128x128x128xf32, #tpu.memory_space<vmem>>, vector<1x128x128xf32>
    %swap3A_3383 = vector.shape_cast %swap3A_3382 : vector<1x128x128xf32> to vector<128x128xf32>
    %swap3A_3384 = vector.shape_cast %select_n3A_3378 : vector<128x128xf32> to vector<1x128x128xf32>
    tpu.vector_store %arg3[%swap3A_3379, %swap3A_3380, %swap3A_3381], %swap3A_3384 {strides = array<i32>} : memref<128x128x128xf32, #tpu.memory_space<vmem>>, vector<1x128x128xf32>,
    %get3A_3385 = arith.constant 106 : index
    %get3A_3386 = arith.constant 0 : index
    %get3A_3387 = memref.load %arg1[%get3A_3385, %get3A_3386] : memref<128x4xi32, #tpu.memory_space<smem>>
    %get3A_3388 = arith.constant 106 : index
    %get3A_3389 = arith.constant 1 : index
    %get3A_3390 = memref.load %arg1[%get3A_3388, %get3A_3389] : memref<128x4xi32, #tpu.memory_space<smem>>
    %get3A_3391 = arith.constant 106 : index
    %get3A_3392 = arith.constant 2 : index
    %get3A_3393 = memref.load %arg1[%get3A_3391, %get3A_3392] : memref<128x4xi32, #tpu.memory_space<smem>>
    %get3A_3394 = arith.constant 106 : index
    %get3A_3395 = arith.constant 3 : index
    %get3A_3396 = memref.load %arg1[%get3A_3394, %get3A_3395] : memref<128x4xi32, #tpu.memory_space<smem>>
    %sub3A_3397 = vector.broadcast %get3A_3390 : i32 to vector<128x128xi32>
    %sub3A_3398 = arith.subi %iota3A, %sub3A_3397 : vector<128x128xi32>
    %le3A_3399 = vector.broadcast %get3A_3396 : i32 to vector<128x128xi32>
    %le3A_3400 = arith.cmpi ule, %sub3A_3398, %le3A_3399 : vector<128x128xi32>
    %sub3A_3401 = vector.broadcast %get3A_3387 : i32 to vector<128x128xi32>
    %sub3A_3402 = arith.subi %iota3A_0, %sub3A_3401 : vector<128x128xi32>
    %le3A_3403 = vector.broadcast %get3A_3393 : i32 to vector<128x128xi32>
    %le3A_3404 = arith.cmpi ule, %sub3A_3402, %le3A_3403 : vector<128x128xi32>
    %and3A_3405 = arith.andi %le3A_3400, %le3A_3404 : vector<128x128xi1>
    %jit3A_3406 = arith.constant 1.000000e+00 : f32
    %jit3A_3407 = arith.constant 0.000000e+00 : f32
    %broadcast_in_dim3A_3408 = vector.broadcast %jit3A_3406 : f32 to vector<128x128xf32>
    %broadcast_in_dim3A_3409 = vector.broadcast %jit3A_3407 : f32 to vector<128x128xf32>
    %select_n3A_3410 = arith.select %and3A_3405, %broadcast_in_dim3A_3408, %broadcast_in_dim3A_3409 : vector<128x128xi1>, vector<128x128xf32>
    %swap3A_3411 = arith.constant 106 : index
    %swap3A_3412 = arith.constant 0 : index
    %swap3A_3413 = arith.constant 0 : index
    %swap3A_3414 = vector.load %arg3[%swap3A_3411, %swap3A_3412, %swap3A_3413] : memref<128x128x128xf32, #tpu.memory_space<vmem>>, vector<1x128x128xf32>
    %swap3A_3415 = vector.shape_cast %swap3A_3414 : vector<1x128x128xf32> to vector<128x128xf32>
    %swap3A_3416 = vector.shape_cast %select_n3A_3410 : vector<128x128xf32> to vector<1x128x128xf32>
    tpu.vector_store %arg3[%swap3A_3411, %swap3A_3412, %swap3A_3413], %swap3A_3416 {strides = array<i32>} : memref<128x128x128xf32, #tpu.memory_space<vmem>>, vector<1x128x128xf32>,
    %get3A_3417 = arith.constant 107 : index
    %get3A_3418 = arith.constant 0 : index
    %get3A_3419 = memref.load %arg1[%get3A_3417, %get3A_3418] : memref<128x4xi32, #tpu.memory_space<smem>>
    %get3A_3420 = arith.constant 107 : index
    %get3A_3421 = arith.constant 1 : index
    %get3A_3422 = memref.load %arg1[%get3A_3420, %get3A_3421] : memref<128x4xi32, #tpu.memory_space<smem>>
    %get3A_3423 = arith.constant 107 : index
    %get3A_3424 = arith.constant 2 : index
    %get3A_3425 = memref.load %arg1[%get3A_3423, %get3A_3424] : memref<128x4xi32, #tpu.memory_space<smem>>
    %get3A_3426 = arith.constant 107 : index
    %get3A_3427 = arith.constant 3 : index
    %get3A_3428 = memref.load %arg1[%get3A_3426, %get3A_3427] : memref<128x4xi32, #tpu.memory_space<smem>>
    %sub3A_3429 = vector.broadcast %get3A_3422 : i32 to vector<128x128xi32>
    %sub3A_3430 = arith.subi %iota3A, %sub3A_3429 : vector<128x128xi32>
    %le3A_3431 = vector.broadcast %get3A_3428 : i32 to vector<128x128xi32>
    %le3A_3432 = arith.cmpi ule, %sub3A_3430, %le3A_3431 : vector<128x128xi32>
    %sub3A_3433 = vector.broadcast %get3A_3419 : i32 to vector<128x128xi32>
    %sub3A_3434 = arith.subi %iota3A_0, %sub3A_3433 : vector<128x128xi32>
    %le3A_3435 = vector.broadcast %get3A_3425 : i32 to vector<128x128xi32>
    %le3A_3436 = arith.cmpi ule, %sub3A_3434, %le3A_3435 : vector<128x128xi32>
    %and3A_3437 = arith.andi %le3A_3432, %le3A_3436 : vector<128x128xi1>
    %jit3A_3438 = arith.constant 1.000000e+00 : f32
    %jit3A_3439 = arith.constant 0.000000e+00 : f32
    %broadcast_in_dim3A_3440 = vector.broadcast %jit3A_3438 : f32 to vector<128x128xf32>
    %broadcast_in_dim3A_3441 = vector.broadcast %jit3A_3439 : f32 to vector<128x128xf32>
    %select_n3A_3442 = arith.select %and3A_3437, %broadcast_in_dim3A_3440, %broadcast_in_dim3A_3441 : vector<128x128xi1>, vector<128x128xf32>
    %swap3A_3443 = arith.constant 107 : index
    %swap3A_3444 = arith.constant 0 : index
    %swap3A_3445 = arith.constant 0 : index
    %swap3A_3446 = vector.load %arg3[%swap3A_3443, %swap3A_3444, %swap3A_3445] : memref<128x128x128xf32, #tpu.memory_space<vmem>>, vector<1x128x128xf32>
    %swap3A_3447 = vector.shape_cast %swap3A_3446 : vector<1x128x128xf32> to vector<128x128xf32>
    %swap3A_3448 = vector.shape_cast %select_n3A_3442 : vector<128x128xf32> to vector<1x128x128xf32>
    tpu.vector_store %arg3[%swap3A_3443, %swap3A_3444, %swap3A_3445], %swap3A_3448 {strides = array<i32>} : memref<128x128x128xf32, #tpu.memory_space<vmem>>, vector<1x128x128xf32>,
    %get3A_3449 = arith.constant 108 : index
    %get3A_3450 = arith.constant 0 : index
    %get3A_3451 = memref.load %arg1[%get3A_3449, %get3A_3450] : memref<128x4xi32, #tpu.memory_space<smem>>
    %get3A_3452 = arith.constant 108 : index
    %get3A_3453 = arith.constant 1 : index
    %get3A_3454 = memref.load %arg1[%get3A_3452, %get3A_3453] : memref<128x4xi32, #tpu.memory_space<smem>>
    %get3A_3455 = arith.constant 108 : index
    %get3A_3456 = arith.constant 2 : index
    %get3A_3457 = memref.load %arg1[%get3A_3455, %get3A_3456] : memref<128x4xi32, #tpu.memory_space<smem>>
    %get3A_3458 = arith.constant 108 : index
    %get3A_3459 = arith.constant 3 : index
    %get3A_3460 = memref.load %arg1[%get3A_3458, %get3A_3459] : memref<128x4xi32, #tpu.memory_space<smem>>
    %sub3A_3461 = vector.broadcast %get3A_3454 : i32 to vector<128x128xi32>
    %sub3A_3462 = arith.subi %iota3A, %sub3A_3461 : vector<128x128xi32>
    %le3A_3463 = vector.broadcast %get3A_3460 : i32 to vector<128x128xi32>
    %le3A_3464 = arith.cmpi ule, %sub3A_3462, %le3A_3463 : vector<128x128xi32>
    %sub3A_3465 = vector.broadcast %get3A_3451 : i32 to vector<128x128xi32>
    %sub3A_3466 = arith.subi %iota3A_0, %sub3A_3465 : vector<128x128xi32>
    %le3A_3467 = vector.broadcast %get3A_3457 : i32 to vector<128x128xi32>
    %le3A_3468 = arith.cmpi ule, %sub3A_3466, %le3A_3467 : vector<128x128xi32>
    %and3A_3469 = arith.andi %le3A_3464, %le3A_3468 : vector<128x128xi1>
    %jit3A_3470 = arith.constant 1.000000e+00 : f32
    %jit3A_3471 = arith.constant 0.000000e+00 : f32
    %broadcast_in_dim3A_3472 = vector.broadcast %jit3A_3470 : f32 to vector<128x128xf32>
    %broadcast_in_dim3A_3473 = vector.broadcast %jit3A_3471 : f32 to vector<128x128xf32>
    %select_n3A_3474 = arith.select %and3A_3469, %broadcast_in_dim3A_3472, %broadcast_in_dim3A_3473 : vector<128x128xi1>, vector<128x128xf32>
    %swap3A_3475 = arith.constant 108 : index
    %swap3A_3476 = arith.constant 0 : index
    %swap3A_3477 = arith.constant 0 : index
    %swap3A_3478 = vector.load %arg3[%swap3A_3475, %swap3A_3476, %swap3A_3477] : memref<128x128x128xf32, #tpu.memory_space<vmem>>, vector<1x128x128xf32>
    %swap3A_3479 = vector.shape_cast %swap3A_3478 : vector<1x128x128xf32> to vector<128x128xf32>
    %swap3A_3480 = vector.shape_cast %select_n3A_3474 : vector<128x128xf32> to vector<1x128x128xf32>
    tpu.vector_store %arg3[%swap3A_3475, %swap3A_3476, %swap3A_3477], %swap3A_3480 {strides = array<i32>} : memref<128x128x128xf32, #tpu.memory_space<vmem>>, vector<1x128x128xf32>,
    %get3A_3481 = arith.constant 109 : index
    %get3A_3482 = arith.constant 0 : index
    %get3A_3483 = memref.load %arg1[%get3A_3481, %get3A_3482] : memref<128x4xi32, #tpu.memory_space<smem>>
    %get3A_3484 = arith.constant 109 : index
    %get3A_3485 = arith.constant 1 : index
    %get3A_3486 = memref.load %arg1[%get3A_3484, %get3A_3485] : memref<128x4xi32, #tpu.memory_space<smem>>
    %get3A_3487 = arith.constant 109 : index
    %get3A_3488 = arith.constant 2 : index
    %get3A_3489 = memref.load %arg1[%get3A_3487, %get3A_3488] : memref<128x4xi32, #tpu.memory_space<smem>>
    %get3A_3490 = arith.constant 109 : index
    %get3A_3491 = arith.constant 3 : index
    %get3A_3492 = memref.load %arg1[%get3A_3490, %get3A_3491] : memref<128x4xi32, #tpu.memory_space<smem>>
    %sub3A_3493 = vector.broadcast %get3A_3486 : i32 to vector<128x128xi32>
    %sub3A_3494 = arith.subi %iota3A, %sub3A_3493 : vector<128x128xi32>
    %le3A_3495 = vector.broadcast %get3A_3492 : i32 to vector<128x128xi32>
    %le3A_3496 = arith.cmpi ule, %sub3A_3494, %le3A_3495 : vector<128x128xi32>
    %sub3A_3497 = vector.broadcast %get3A_3483 : i32 to vector<128x128xi32>
    %sub3A_3498 = arith.subi %iota3A_0, %sub3A_3497 : vector<128x128xi32>
    %le3A_3499 = vector.broadcast %get3A_3489 : i32 to vector<128x128xi32>
    %le3A_3500 = arith.cmpi ule, %sub3A_3498, %le3A_3499 : vector<128x128xi32>
    %and3A_3501 = arith.andi %le3A_3496, %le3A_3500 : vector<128x128xi1>
    %jit3A_3502 = arith.constant 1.000000e+00 : f32
    %jit3A_3503 = arith.constant 0.000000e+00 : f32
    %broadcast_in_dim3A_3504 = vector.broadcast %jit3A_3502 : f32 to vector<128x128xf32>
    %broadcast_in_dim3A_3505 = vector.broadcast %jit3A_3503 : f32 to vector<128x128xf32>
    %select_n3A_3506 = arith.select %and3A_3501, %broadcast_in_dim3A_3504, %broadcast_in_dim3A_3505 : vector<128x128xi1>, vector<128x128xf32>
    %swap3A_3507 = arith.constant 109 : index
    %swap3A_3508 = arith.constant 0 : index
    %swap3A_3509 = arith.constant 0 : index
    %swap3A_3510 = vector.load %arg3[%swap3A_3507, %swap3A_3508, %swap3A_3509] : memref<128x128x128xf32, #tpu.memory_space<vmem>>, vector<1x128x128xf32>
    %swap3A_3511 = vector.shape_cast %swap3A_3510 : vector<1x128x128xf32> to vector<128x128xf32>
    %swap3A_3512 = vector.shape_cast %select_n3A_3506 : vector<128x128xf32> to vector<1x128x128xf32>
    tpu.vector_store %arg3[%swap3A_3507, %swap3A_3508, %swap3A_3509], %swap3A_3512 {strides = array<i32>} : memref<128x128x128xf32, #tpu.memory_space<vmem>>, vector<1x128x128xf32>,
    %get3A_3513 = arith.constant 110 : index
    %get3A_3514 = arith.constant 0 : index
    %get3A_3515 = memref.load %arg1[%get3A_3513, %get3A_3514] : memref<128x4xi32, #tpu.memory_space<smem>>
    %get3A_3516 = arith.constant 110 : index
    %get3A_3517 = arith.constant 1 : index
    %get3A_3518 = memref.load %arg1[%get3A_3516, %get3A_3517] : memref<128x4xi32, #tpu.memory_space<smem>>
    %get3A_3519 = arith.constant 110 : index
    %get3A_3520 = arith.constant 2 : index
    %get3A_3521 = memref.load %arg1[%get3A_3519, %get3A_3520] : memref<128x4xi32, #tpu.memory_space<smem>>
    %get3A_3522 = arith.constant 110 : index
    %get3A_3523 = arith.constant 3 : index
    %get3A_3524 = memref.load %arg1[%get3A_3522, %get3A_3523] : memref<128x4xi32, #tpu.memory_space<smem>>
    %sub3A_3525 = vector.broadcast %get3A_3518 : i32 to vector<128x128xi32>
    %sub3A_3526 = arith.subi %iota3A, %sub3A_3525 : vector<128x128xi32>
    %le3A_3527 = vector.broadcast %get3A_3524 : i32 to vector<128x128xi32>
    %le3A_3528 = arith.cmpi ule, %sub3A_3526, %le3A_3527 : vector<128x128xi32>
    %sub3A_3529 = vector.broadcast %get3A_3515 : i32 to vector<128x128xi32>
    %sub3A_3530 = arith.subi %iota3A_0, %sub3A_3529 : vector<128x128xi32>
    %le3A_3531 = vector.broadcast %get3A_3521 : i32 to vector<128x128xi32>
    %le3A_3532 = arith.cmpi ule, %sub3A_3530, %le3A_3531 : vector<128x128xi32>
    %and3A_3533 = arith.andi %le3A_3528, %le3A_3532 : vector<128x128xi1>
    %jit3A_3534 = arith.constant 1.000000e+00 : f32
    %jit3A_3535 = arith.constant 0.000000e+00 : f32
    %broadcast_in_dim3A_3536 = vector.broadcast %jit3A_3534 : f32 to vector<128x128xf32>
    %broadcast_in_dim3A_3537 = vector.broadcast %jit3A_3535 : f32 to vector<128x128xf32>
    %select_n3A_3538 = arith.select %and3A_3533, %broadcast_in_dim3A_3536, %broadcast_in_dim3A_3537 : vector<128x128xi1>, vector<128x128xf32>
    %swap3A_3539 = arith.constant 110 : index
    %swap3A_3540 = arith.constant 0 : index
    %swap3A_3541 = arith.constant 0 : index
    %swap3A_3542 = vector.load %arg3[%swap3A_3539, %swap3A_3540, %swap3A_3541] : memref<128x128x128xf32, #tpu.memory_space<vmem>>, vector<1x128x128xf32>
    %swap3A_3543 = vector.shape_cast %swap3A_3542 : vector<1x128x128xf32> to vector<128x128xf32>
    %swap3A_3544 = vector.shape_cast %select_n3A_3538 : vector<128x128xf32> to vector<1x128x128xf32>
    tpu.vector_store %arg3[%swap3A_3539, %swap3A_3540, %swap3A_3541], %swap3A_3544 {strides = array<i32>} : memref<128x128x128xf32, #tpu.memory_space<vmem>>, vector<1x128x128xf32>,
    %get3A_3545 = arith.constant 111 : index
    %get3A_3546 = arith.constant 0 : index
    %get3A_3547 = memref.load %arg1[%get3A_3545, %get3A_3546] : memref<128x4xi32, #tpu.memory_space<smem>>
    %get3A_3548 = arith.constant 111 : index
    %get3A_3549 = arith.constant 1 : index
    %get3A_3550 = memref.load %arg1[%get3A_3548, %get3A_3549] : memref<128x4xi32, #tpu.memory_space<smem>>
    %get3A_3551 = arith.constant 111 : index
    %get3A_3552 = arith.constant 2 : index
    %get3A_3553 = memref.load %arg1[%get3A_3551, %get3A_3552] : memref<128x4xi32, #tpu.memory_space<smem>>
    %get3A_3554 = arith.constant 111 : index
    %get3A_3555 = arith.constant 3 : index
    %get3A_3556 = memref.load %arg1[%get3A_3554, %get3A_3555] : memref<128x4xi32, #tpu.memory_space<smem>>
    %sub3A_3557 = vector.broadcast %get3A_3550 : i32 to vector<128x128xi32>
    %sub3A_3558 = arith.subi %iota3A, %sub3A_3557 : vector<128x128xi32>
    %le3A_3559 = vector.broadcast %get3A_3556 : i32 to vector<128x128xi32>
    %le3A_3560 = arith.cmpi ule, %sub3A_3558, %le3A_3559 : vector<128x128xi32>
    %sub3A_3561 = vector.broadcast %get3A_3547 : i32 to vector<128x128xi32>
    %sub3A_3562 = arith.subi %iota3A_0, %sub3A_3561 : vector<128x128xi32>
    %le3A_3563 = vector.broadcast %get3A_3553 : i32 to vector<128x128xi32>
    %le3A_3564 = arith.cmpi ule, %sub3A_3562, %le3A_3563 : vector<128x128xi32>
    %and3A_3565 = arith.andi %le3A_3560, %le3A_3564 : vector<128x128xi1>
    %jit3A_3566 = arith.constant 1.000000e+00 : f32
    %jit3A_3567 = arith.constant 0.000000e+00 : f32
    %broadcast_in_dim3A_3568 = vector.broadcast %jit3A_3566 : f32 to vector<128x128xf32>
    %broadcast_in_dim3A_3569 = vector.broadcast %jit3A_3567 : f32 to vector<128x128xf32>
    %select_n3A_3570 = arith.select %and3A_3565, %broadcast_in_dim3A_3568, %broadcast_in_dim3A_3569 : vector<128x128xi1>, vector<128x128xf32>
    %swap3A_3571 = arith.constant 111 : index
    %swap3A_3572 = arith.constant 0 : index
    %swap3A_3573 = arith.constant 0 : index
    %swap3A_3574 = vector.load %arg3[%swap3A_3571, %swap3A_3572, %swap3A_3573] : memref<128x128x128xf32, #tpu.memory_space<vmem>>, vector<1x128x128xf32>
    %swap3A_3575 = vector.shape_cast %swap3A_3574 : vector<1x128x128xf32> to vector<128x128xf32>
    %swap3A_3576 = vector.shape_cast %select_n3A_3570 : vector<128x128xf32> to vector<1x128x128xf32>
    tpu.vector_store %arg3[%swap3A_3571, %swap3A_3572, %swap3A_3573], %swap3A_3576 {strides = array<i32>} : memref<128x128x128xf32, #tpu.memory_space<vmem>>, vector<1x128x128xf32>,
    %get3A_3577 = arith.constant 112 : index
    %get3A_3578 = arith.constant 0 : index
    %get3A_3579 = memref.load %arg1[%get3A_3577, %get3A_3578] : memref<128x4xi32, #tpu.memory_space<smem>>
    %get3A_3580 = arith.constant 112 : index
    %get3A_3581 = arith.constant 1 : index
    %get3A_3582 = memref.load %arg1[%get3A_3580, %get3A_3581] : memref<128x4xi32, #tpu.memory_space<smem>>
    %get3A_3583 = arith.constant 112 : index
    %get3A_3584 = arith.constant 2 : index
    %get3A_3585 = memref.load %arg1[%get3A_3583, %get3A_3584] : memref<128x4xi32, #tpu.memory_space<smem>>
    %get3A_3586 = arith.constant 112 : index
    %get3A_3587 = arith.constant 3 : index
    %get3A_3588 = memref.load %arg1[%get3A_3586, %get3A_3587] : memref<128x4xi32, #tpu.memory_space<smem>>
    %sub3A_3589 = vector.broadcast %get3A_3582 : i32 to vector<128x128xi32>
    %sub3A_3590 = arith.subi %iota3A, %sub3A_3589 : vector<128x128xi32>
    %le3A_3591 = vector.broadcast %get3A_3588 : i32 to vector<128x128xi32>
    %le3A_3592 = arith.cmpi ule, %sub3A_3590, %le3A_3591 : vector<128x128xi32>
    %sub3A_3593 = vector.broadcast %get3A_3579 : i32 to vector<128x128xi32>
    %sub3A_3594 = arith.subi %iota3A_0, %sub3A_3593 : vector<128x128xi32>
    %le3A_3595 = vector.broadcast %get3A_3585 : i32 to vector<128x128xi32>
    %le3A_3596 = arith.cmpi ule, %sub3A_3594, %le3A_3595 : vector<128x128xi32>
    %and3A_3597 = arith.andi %le3A_3592, %le3A_3596 : vector<128x128xi1>
    %jit3A_3598 = arith.constant 1.000000e+00 : f32
    %jit3A_3599 = arith.constant 0.000000e+00 : f32
    %broadcast_in_dim3A_3600 = vector.broadcast %jit3A_3598 : f32 to vector<128x128xf32>
    %broadcast_in_dim3A_3601 = vector.broadcast %jit3A_3599 : f32 to vector<128x128xf32>
    %select_n3A_3602 = arith.select %and3A_3597, %broadcast_in_dim3A_3600, %broadcast_in_dim3A_3601 : vector<128x128xi1>, vector<128x128xf32>
    %swap3A_3603 = arith.constant 112 : index
    %swap3A_3604 = arith.constant 0 : index
    %swap3A_3605 = arith.constant 0 : index
    %swap3A_3606 = vector.load %arg3[%swap3A_3603, %swap3A_3604, %swap3A_3605] : memref<128x128x128xf32, #tpu.memory_space<vmem>>, vector<1x128x128xf32>
    %swap3A_3607 = vector.shape_cast %swap3A_3606 : vector<1x128x128xf32> to vector<128x128xf32>
    %swap3A_3608 = vector.shape_cast %select_n3A_3602 : vector<128x128xf32> to vector<1x128x128xf32>
    tpu.vector_store %arg3[%swap3A_3603, %swap3A_3604, %swap3A_3605], %swap3A_3608 {strides = array<i32>} : memref<128x128x128xf32, #tpu.memory_space<vmem>>, vector<1x128x128xf32>,
    %get3A_3609 = arith.constant 113 : index
    %get3A_3610 = arith.constant 0 : index
    %get3A_3611 = memref.load %arg1[%get3A_3609, %get3A_3610] : memref<128x4xi32, #tpu.memory_space<smem>>
    %get3A_3612 = arith.constant 113 : index
    %get3A_3613 = arith.constant 1 : index
    %get3A_3614 = memref.load %arg1[%get3A_3612, %get3A_3613] : memref<128x4xi32, #tpu.memory_space<smem>>
    %get3A_3615 = arith.constant 113 : index
    %get3A_3616 = arith.constant 2 : index
    %get3A_3617 = memref.load %arg1[%get3A_3615, %get3A_3616] : memref<128x4xi32, #tpu.memory_space<smem>>
    %get3A_3618 = arith.constant 113 : index
    %get3A_3619 = arith.constant 3 : index
    %get3A_3620 = memref.load %arg1[%get3A_3618, %get3A_3619] : memref<128x4xi32, #tpu.memory_space<smem>>
    %sub3A_3621 = vector.broadcast %get3A_3614 : i32 to vector<128x128xi32>
    %sub3A_3622 = arith.subi %iota3A, %sub3A_3621 : vector<128x128xi32>
    %le3A_3623 = vector.broadcast %get3A_3620 : i32 to vector<128x128xi32>
    %le3A_3624 = arith.cmpi ule, %sub3A_3622, %le3A_3623 : vector<128x128xi32>
    %sub3A_3625 = vector.broadcast %get3A_3611 : i32 to vector<128x128xi32>
    %sub3A_3626 = arith.subi %iota3A_0, %sub3A_3625 : vector<128x128xi32>
    %le3A_3627 = vector.broadcast %get3A_3617 : i32 to vector<128x128xi32>
    %le3A_3628 = arith.cmpi ule, %sub3A_3626, %le3A_3627 : vector<128x128xi32>
    %and3A_3629 = arith.andi %le3A_3624, %le3A_3628 : vector<128x128xi1>
    %jit3A_3630 = arith.constant 1.000000e+00 : f32
    %jit3A_3631 = arith.constant 0.000000e+00 : f32
    %broadcast_in_dim3A_3632 = vector.broadcast %jit3A_3630 : f32 to vector<128x128xf32>
    %broadcast_in_dim3A_3633 = vector.broadcast %jit3A_3631 : f32 to vector<128x128xf32>
    %select_n3A_3634 = arith.select %and3A_3629, %broadcast_in_dim3A_3632, %broadcast_in_dim3A_3633 : vector<128x128xi1>, vector<128x128xf32>
    %swap3A_3635 = arith.constant 113 : index
    %swap3A_3636 = arith.constant 0 : index
    %swap3A_3637 = arith.constant 0 : index
    %swap3A_3638 = vector.load %arg3[%swap3A_3635, %swap3A_3636, %swap3A_3637] : memref<128x128x128xf32, #tpu.memory_space<vmem>>, vector<1x128x128xf32>
    %swap3A_3639 = vector.shape_cast %swap3A_3638 : vector<1x128x128xf32> to vector<128x128xf32>
    %swap3A_3640 = vector.shape_cast %select_n3A_3634 : vector<128x128xf32> to vector<1x128x128xf32>
    tpu.vector_store %arg3[%swap3A_3635, %swap3A_3636, %swap3A_3637], %swap3A_3640 {strides = array<i32>} : memref<128x128x128xf32, #tpu.memory_space<vmem>>, vector<1x128x128xf32>,
    %get3A_3641 = arith.constant 114 : index
    %get3A_3642 = arith.constant 0 : index
    %get3A_3643 = memref.load %arg1[%get3A_3641, %get3A_3642] : memref<128x4xi32, #tpu.memory_space<smem>>
    %get3A_3644 = arith.constant 114 : index
    %get3A_3645 = arith.constant 1 : index
    %get3A_3646 = memref.load %arg1[%get3A_3644, %get3A_3645] : memref<128x4xi32, #tpu.memory_space<smem>>
    %get3A_3647 = arith.constant 114 : index
    %get3A_3648 = arith.constant 2 : index
    %get3A_3649 = memref.load %arg1[%get3A_3647, %get3A_3648] : memref<128x4xi32, #tpu.memory_space<smem>>
    %get3A_3650 = arith.constant 114 : index
    %get3A_3651 = arith.constant 3 : index
    %get3A_3652 = memref.load %arg1[%get3A_3650, %get3A_3651] : memref<128x4xi32, #tpu.memory_space<smem>>
    %sub3A_3653 = vector.broadcast %get3A_3646 : i32 to vector<128x128xi32>
    %sub3A_3654 = arith.subi %iota3A, %sub3A_3653 : vector<128x128xi32>
    %le3A_3655 = vector.broadcast %get3A_3652 : i32 to vector<128x128xi32>
    %le3A_3656 = arith.cmpi ule, %sub3A_3654, %le3A_3655 : vector<128x128xi32>
    %sub3A_3657 = vector.broadcast %get3A_3643 : i32 to vector<128x128xi32>
    %sub3A_3658 = arith.subi %iota3A_0, %sub3A_3657 : vector<128x128xi32>
    %le3A_3659 = vector.broadcast %get3A_3649 : i32 to vector<128x128xi32>
    %le3A_3660 = arith.cmpi ule, %sub3A_3658, %le3A_3659 : vector<128x128xi32>
    %and3A_3661 = arith.andi %le3A_3656, %le3A_3660 : vector<128x128xi1>
    %jit3A_3662 = arith.constant 1.000000e+00 : f32
    %jit3A_3663 = arith.constant 0.000000e+00 : f32
    %broadcast_in_dim3A_3664 = vector.broadcast %jit3A_3662 : f32 to vector<128x128xf32>
    %broadcast_in_dim3A_3665 = vector.broadcast %jit3A_3663 : f32 to vector<128x128xf32>
    %select_n3A_3666 = arith.select %and3A_3661, %broadcast_in_dim3A_3664, %broadcast_in_dim3A_3665 : vector<128x128xi1>, vector<128x128xf32>
    %swap3A_3667 = arith.constant 114 : index
    %swap3A_3668 = arith.constant 0 : index
    %swap3A_3669 = arith.constant 0 : index
    %swap3A_3670 = vector.load %arg3[%swap3A_3667, %swap3A_3668, %swap3A_3669] : memref<128x128x128xf32, #tpu.memory_space<vmem>>, vector<1x128x128xf32>
    %swap3A_3671 = vector.shape_cast %swap3A_3670 : vector<1x128x128xf32> to vector<128x128xf32>
    %swap3A_3672 = vector.shape_cast %select_n3A_3666 : vector<128x128xf32> to vector<1x128x128xf32>
    tpu.vector_store %arg3[%swap3A_3667, %swap3A_3668, %swap3A_3669], %swap3A_3672 {strides = array<i32>} : memref<128x128x128xf32, #tpu.memory_space<vmem>>, vector<1x128x128xf32>,
    %get3A_3673 = arith.constant 115 : index
    %get3A_3674 = arith.constant 0 : index
    %get3A_3675 = memref.load %arg1[%get3A_3673, %get3A_3674] : memref<128x4xi32, #tpu.memory_space<smem>>
    %get3A_3676 = arith.constant 115 : index
    %get3A_3677 = arith.constant 1 : index
    %get3A_3678 = memref.load %arg1[%get3A_3676, %get3A_3677] : memref<128x4xi32, #tpu.memory_space<smem>>
    %get3A_3679 = arith.constant 115 : index
    %get3A_3680 = arith.constant 2 : index
    %get3A_3681 = memref.load %arg1[%get3A_3679, %get3A_3680] : memref<128x4xi32, #tpu.memory_space<smem>>
    %get3A_3682 = arith.constant 115 : index
    %get3A_3683 = arith.constant 3 : index
    %get3A_3684 = memref.load %arg1[%get3A_3682, %get3A_3683] : memref<128x4xi32, #tpu.memory_space<smem>>
    %sub3A_3685 = vector.broadcast %get3A_3678 : i32 to vector<128x128xi32>
    %sub3A_3686 = arith.subi %iota3A, %sub3A_3685 : vector<128x128xi32>
    %le3A_3687 = vector.broadcast %get3A_3684 : i32 to vector<128x128xi32>
    %le3A_3688 = arith.cmpi ule, %sub3A_3686, %le3A_3687 : vector<128x128xi32>
    %sub3A_3689 = vector.broadcast %get3A_3675 : i32 to vector<128x128xi32>
    %sub3A_3690 = arith.subi %iota3A_0, %sub3A_3689 : vector<128x128xi32>
    %le3A_3691 = vector.broadcast %get3A_3681 : i32 to vector<128x128xi32>
    %le3A_3692 = arith.cmpi ule, %sub3A_3690, %le3A_3691 : vector<128x128xi32>
    %and3A_3693 = arith.andi %le3A_3688, %le3A_3692 : vector<128x128xi1>
    %jit3A_3694 = arith.constant 1.000000e+00 : f32
    %jit3A_3695 = arith.constant 0.000000e+00 : f32
    %broadcast_in_dim3A_3696 = vector.broadcast %jit3A_3694 : f32 to vector<128x128xf32>
    %broadcast_in_dim3A_3697 = vector.broadcast %jit3A_3695 : f32 to vector<128x128xf32>
    %select_n3A_3698 = arith.select %and3A_3693, %broadcast_in_dim3A_3696, %broadcast_in_dim3A_3697 : vector<128x128xi1>, vector<128x128xf32>
    %swap3A_3699 = arith.constant 115 : index
    %swap3A_3700 = arith.constant 0 : index
    %swap3A_3701 = arith.constant 0 : index
    %swap3A_3702 = vector.load %arg3[%swap3A_3699, %swap3A_3700, %swap3A_3701] : memref<128x128x128xf32, #tpu.memory_space<vmem>>, vector<1x128x128xf32>
    %swap3A_3703 = vector.shape_cast %swap3A_3702 : vector<1x128x128xf32> to vector<128x128xf32>
    %swap3A_3704 = vector.shape_cast %select_n3A_3698 : vector<128x128xf32> to vector<1x128x128xf32>
    tpu.vector_store %arg3[%swap3A_3699, %swap3A_3700, %swap3A_3701], %swap3A_3704 {strides = array<i32>} : memref<128x128x128xf32, #tpu.memory_space<vmem>>, vector<1x128x128xf32>,
    %get3A_3705 = arith.constant 116 : index
    %get3A_3706 = arith.constant 0 : index
    %get3A_3707 = memref.load %arg1[%get3A_3705, %get3A_3706] : memref<128x4xi32, #tpu.memory_space<smem>>
    %get3A_3708 = arith.constant 116 : index
    %get3A_3709 = arith.constant 1 : index
    %get3A_3710 = memref.load %arg1[%get3A_3708, %get3A_3709] : memref<128x4xi32, #tpu.memory_space<smem>>
    %get3A_3711 = arith.constant 116 : index
    %get3A_3712 = arith.constant 2 : index
    %get3A_3713 = memref.load %arg1[%get3A_3711, %get3A_3712] : memref<128x4xi32, #tpu.memory_space<smem>>
    %get3A_3714 = arith.constant 116 : index
    %get3A_3715 = arith.constant 3 : index
    %get3A_3716 = memref.load %arg1[%get3A_3714, %get3A_3715] : memref<128x4xi32, #tpu.memory_space<smem>>
    %sub3A_3717 = vector.broadcast %get3A_3710 : i32 to vector<128x128xi32>
    %sub3A_3718 = arith.subi %iota3A, %sub3A_3717 : vector<128x128xi32>
    %le3A_3719 = vector.broadcast %get3A_3716 : i32 to vector<128x128xi32>
    %le3A_3720 = arith.cmpi ule, %sub3A_3718, %le3A_3719 : vector<128x128xi32>
    %sub3A_3721 = vector.broadcast %get3A_3707 : i32 to vector<128x128xi32>
    %sub3A_3722 = arith.subi %iota3A_0, %sub3A_3721 : vector<128x128xi32>
    %le3A_3723 = vector.broadcast %get3A_3713 : i32 to vector<128x128xi32>
    %le3A_3724 = arith.cmpi ule, %sub3A_3722, %le3A_3723 : vector<128x128xi32>
    %and3A_3725 = arith.andi %le3A_3720, %le3A_3724 : vector<128x128xi1>
    %jit3A_3726 = arith.constant 1.000000e+00 : f32
    %jit3A_3727 = arith.constant 0.000000e+00 : f32
    %broadcast_in_dim3A_3728 = vector.broadcast %jit3A_3726 : f32 to vector<128x128xf32>
    %broadcast_in_dim3A_3729 = vector.broadcast %jit3A_3727 : f32 to vector<128x128xf32>
    %select_n3A_3730 = arith.select %and3A_3725, %broadcast_in_dim3A_3728, %broadcast_in_dim3A_3729 : vector<128x128xi1>, vector<128x128xf32>
    %swap3A_3731 = arith.constant 116 : index
    %swap3A_3732 = arith.constant 0 : index
    %swap3A_3733 = arith.constant 0 : index
    %swap3A_3734 = vector.load %arg3[%swap3A_3731, %swap3A_3732, %swap3A_3733] : memref<128x128x128xf32, #tpu.memory_space<vmem>>, vector<1x128x128xf32>
    %swap3A_3735 = vector.shape_cast %swap3A_3734 : vector<1x128x128xf32> to vector<128x128xf32>
    %swap3A_3736 = vector.shape_cast %select_n3A_3730 : vector<128x128xf32> to vector<1x128x128xf32>
    tpu.vector_store %arg3[%swap3A_3731, %swap3A_3732, %swap3A_3733], %swap3A_3736 {strides = array<i32>} : memref<128x128x128xf32, #tpu.memory_space<vmem>>, vector<1x128x128xf32>,
    %get3A_3737 = arith.constant 117 : index
    %get3A_3738 = arith.constant 0 : index
    %get3A_3739 = memref.load %arg1[%get3A_3737, %get3A_3738] : memref<128x4xi32, #tpu.memory_space<smem>>
    %get3A_3740 = arith.constant 117 : index
    %get3A_3741 = arith.constant 1 : index
    %get3A_3742 = memref.load %arg1[%get3A_3740, %get3A_3741] : memref<128x4xi32, #tpu.memory_space<smem>>
    %get3A_3743 = arith.constant 117 : index
    %get3A_3744 = arith.constant 2 : index
    %get3A_3745 = memref.load %arg1[%get3A_3743, %get3A_3744] : memref<128x4xi32, #tpu.memory_space<smem>>
    %get3A_3746 = arith.constant 117 : index
    %get3A_3747 = arith.constant 3 : index
    %get3A_3748 = memref.load %arg1[%get3A_3746, %get3A_3747] : memref<128x4xi32, #tpu.memory_space<smem>>
    %sub3A_3749 = vector.broadcast %get3A_3742 : i32 to vector<128x128xi32>
    %sub3A_3750 = arith.subi %iota3A, %sub3A_3749 : vector<128x128xi32>
    %le3A_3751 = vector.broadcast %get3A_3748 : i32 to vector<128x128xi32>
    %le3A_3752 = arith.cmpi ule, %sub3A_3750, %le3A_3751 : vector<128x128xi32>
    %sub3A_3753 = vector.broadcast %get3A_3739 : i32 to vector<128x128xi32>
    %sub3A_3754 = arith.subi %iota3A_0, %sub3A_3753 : vector<128x128xi32>
    %le3A_3755 = vector.broadcast %get3A_3745 : i32 to vector<128x128xi32>
    %le3A_3756 = arith.cmpi ule, %sub3A_3754, %le3A_3755 : vector<128x128xi32>
    %and3A_3757 = arith.andi %le3A_3752, %le3A_3756 : vector<128x128xi1>
    %jit3A_3758 = arith.constant 1.000000e+00 : f32
    %jit3A_3759 = arith.constant 0.000000e+00 : f32
    %broadcast_in_dim3A_3760 = vector.broadcast %jit3A_3758 : f32 to vector<128x128xf32>
    %broadcast_in_dim3A_3761 = vector.broadcast %jit3A_3759 : f32 to vector<128x128xf32>
    %select_n3A_3762 = arith.select %and3A_3757, %broadcast_in_dim3A_3760, %broadcast_in_dim3A_3761 : vector<128x128xi1>, vector<128x128xf32>
    %swap3A_3763 = arith.constant 117 : index
    %swap3A_3764 = arith.constant 0 : index
    %swap3A_3765 = arith.constant 0 : index
    %swap3A_3766 = vector.load %arg3[%swap3A_3763, %swap3A_3764, %swap3A_3765] : memref<128x128x128xf32, #tpu.memory_space<vmem>>, vector<1x128x128xf32>
    %swap3A_3767 = vector.shape_cast %swap3A_3766 : vector<1x128x128xf32> to vector<128x128xf32>
    %swap3A_3768 = vector.shape_cast %select_n3A_3762 : vector<128x128xf32> to vector<1x128x128xf32>
    tpu.vector_store %arg3[%swap3A_3763, %swap3A_3764, %swap3A_3765], %swap3A_3768 {strides = array<i32>} : memref<128x128x128xf32, #tpu.memory_space<vmem>>, vector<1x128x128xf32>,
    %get3A_3769 = arith.constant 118 : index
    %get3A_3770 = arith.constant 0 : index
    %get3A_3771 = memref.load %arg1[%get3A_3769, %get3A_3770] : memref<128x4xi32, #tpu.memory_space<smem>>
    %get3A_3772 = arith.constant 118 : index
    %get3A_3773 = arith.constant 1 : index
    %get3A_3774 = memref.load %arg1[%get3A_3772, %get3A_3773] : memref<128x4xi32, #tpu.memory_space<smem>>
    %get3A_3775 = arith.constant 118 : index
    %get3A_3776 = arith.constant 2 : index
    %get3A_3777 = memref.load %arg1[%get3A_3775, %get3A_3776] : memref<128x4xi32, #tpu.memory_space<smem>>
    %get3A_3778 = arith.constant 118 : index
    %get3A_3779 = arith.constant 3 : index
    %get3A_3780 = memref.load %arg1[%get3A_3778, %get3A_3779] : memref<128x4xi32, #tpu.memory_space<smem>>
    %sub3A_3781 = vector.broadcast %get3A_3774 : i32 to vector<128x128xi32>
    %sub3A_3782 = arith.subi %iota3A, %sub3A_3781 : vector<128x128xi32>
    %le3A_3783 = vector.broadcast %get3A_3780 : i32 to vector<128x128xi32>
    %le3A_3784 = arith.cmpi ule, %sub3A_3782, %le3A_3783 : vector<128x128xi32>
    %sub3A_3785 = vector.broadcast %get3A_3771 : i32 to vector<128x128xi32>
    %sub3A_3786 = arith.subi %iota3A_0, %sub3A_3785 : vector<128x128xi32>
    %le3A_3787 = vector.broadcast %get3A_3777 : i32 to vector<128x128xi32>
    %le3A_3788 = arith.cmpi ule, %sub3A_3786, %le3A_3787 : vector<128x128xi32>
    %and3A_3789 = arith.andi %le3A_3784, %le3A_3788 : vector<128x128xi1>
    %jit3A_3790 = arith.constant 1.000000e+00 : f32
    %jit3A_3791 = arith.constant 0.000000e+00 : f32
    %broadcast_in_dim3A_3792 = vector.broadcast %jit3A_3790 : f32 to vector<128x128xf32>
    %broadcast_in_dim3A_3793 = vector.broadcast %jit3A_3791 : f32 to vector<128x128xf32>
    %select_n3A_3794 = arith.select %and3A_3789, %broadcast_in_dim3A_3792, %broadcast_in_dim3A_3793 : vector<128x128xi1>, vector<128x128xf32>
    %swap3A_3795 = arith.constant 118 : index
    %swap3A_3796 = arith.constant 0 : index
    %swap3A_3797 = arith.constant 0 : index
    %swap3A_3798 = vector.load %arg3[%swap3A_3795, %swap3A_3796, %swap3A_3797] : memref<128x128x128xf32, #tpu.memory_space<vmem>>, vector<1x128x128xf32>
    %swap3A_3799 = vector.shape_cast %swap3A_3798 : vector<1x128x128xf32> to vector<128x128xf32>
    %swap3A_3800 = vector.shape_cast %select_n3A_3794 : vector<128x128xf32> to vector<1x128x128xf32>
    tpu.vector_store %arg3[%swap3A_3795, %swap3A_3796, %swap3A_3797], %swap3A_3800 {strides = array<i32>} : memref<128x128x128xf32, #tpu.memory_space<vmem>>, vector<1x128x128xf32>,
    %get3A_3801 = arith.constant 119 : index
    %get3A_3802 = arith.constant 0 : index
    %get3A_3803 = memref.load %arg1[%get3A_3801, %get3A_3802] : memref<128x4xi32, #tpu.memory_space<smem>>
    %get3A_3804 = arith.constant 119 : index
    %get3A_3805 = arith.constant 1 : index
    %get3A_3806 = memref.load %arg1[%get3A_3804, %get3A_3805] : memref<128x4xi32, #tpu.memory_space<smem>>
    %get3A_3807 = arith.constant 119 : index
    %get3A_3808 = arith.constant 2 : index
    %get3A_3809 = memref.load %arg1[%get3A_3807, %get3A_3808] : memref<128x4xi32, #tpu.memory_space<smem>>
    %get3A_3810 = arith.constant 119 : index
    %get3A_3811 = arith.constant 3 : index
    %get3A_3812 = memref.load %arg1[%get3A_3810, %get3A_3811] : memref<128x4xi32, #tpu.memory_space<smem>>
    %sub3A_3813 = vector.broadcast %get3A_3806 : i32 to vector<128x128xi32>
    %sub3A_3814 = arith.subi %iota3A, %sub3A_3813 : vector<128x128xi32>
    %le3A_3815 = vector.broadcast %get3A_3812 : i32 to vector<128x128xi32>
    %le3A_3816 = arith.cmpi ule, %sub3A_3814, %le3A_3815 : vector<128x128xi32>
    %sub3A_3817 = vector.broadcast %get3A_3803 : i32 to vector<128x128xi32>
    %sub3A_3818 = arith.subi %iota3A_0, %sub3A_3817 : vector<128x128xi32>
    %le3A_3819 = vector.broadcast %get3A_3809 : i32 to vector<128x128xi32>
    %le3A_3820 = arith.cmpi ule, %sub3A_3818, %le3A_3819 : vector<128x128xi32>
    %and3A_3821 = arith.andi %le3A_3816, %le3A_3820 : vector<128x128xi1>
    %jit3A_3822 = arith.constant 1.000000e+00 : f32
    %jit3A_3823 = arith.constant 0.000000e+00 : f32
    %broadcast_in_dim3A_3824 = vector.broadcast %jit3A_3822 : f32 to vector<128x128xf32>
    %broadcast_in_dim3A_3825 = vector.broadcast %jit3A_3823 : f32 to vector<128x128xf32>
    %select_n3A_3826 = arith.select %and3A_3821, %broadcast_in_dim3A_3824, %broadcast_in_dim3A_3825 : vector<128x128xi1>, vector<128x128xf32>
    %swap3A_3827 = arith.constant 119 : index
    %swap3A_3828 = arith.constant 0 : index
    %swap3A_3829 = arith.constant 0 : index
    %swap3A_3830 = vector.load %arg3[%swap3A_3827, %swap3A_3828, %swap3A_3829] : memref<128x128x128xf32, #tpu.memory_space<vmem>>, vector<1x128x128xf32>
    %swap3A_3831 = vector.shape_cast %swap3A_3830 : vector<1x128x128xf32> to vector<128x128xf32>
    %swap3A_3832 = vector.shape_cast %select_n3A_3826 : vector<128x128xf32> to vector<1x128x128xf32>
    tpu.vector_store %arg3[%swap3A_3827, %swap3A_3828, %swap3A_3829], %swap3A_3832 {strides = array<i32>} : memref<128x128x128xf32, #tpu.memory_space<vmem>>, vector<1x128x128xf32>,
    %get3A_3833 = arith.constant 120 : index
    %get3A_3834 = arith.constant 0 : index
    %get3A_3835 = memref.load %arg1[%get3A_3833, %get3A_3834] : memref<128x4xi32, #tpu.memory_space<smem>>
    %get3A_3836 = arith.constant 120 : index
    %get3A_3837 = arith.constant 1 : index
    %get3A_3838 = memref.load %arg1[%get3A_3836, %get3A_3837] : memref<128x4xi32, #tpu.memory_space<smem>>
    %get3A_3839 = arith.constant 120 : index
    %get3A_3840 = arith.constant 2 : index
    %get3A_3841 = memref.load %arg1[%get3A_3839, %get3A_3840] : memref<128x4xi32, #tpu.memory_space<smem>>
    %get3A_3842 = arith.constant 120 : index
    %get3A_3843 = arith.constant 3 : index
    %get3A_3844 = memref.load %arg1[%get3A_3842, %get3A_3843] : memref<128x4xi32, #tpu.memory_space<smem>>
    %sub3A_3845 = vector.broadcast %get3A_3838 : i32 to vector<128x128xi32>
    %sub3A_3846 = arith.subi %iota3A, %sub3A_3845 : vector<128x128xi32>
    %le3A_3847 = vector.broadcast %get3A_3844 : i32 to vector<128x128xi32>
    %le3A_3848 = arith.cmpi ule, %sub3A_3846, %le3A_3847 : vector<128x128xi32>
    %sub3A_3849 = vector.broadcast %get3A_3835 : i32 to vector<128x128xi32>
    %sub3A_3850 = arith.subi %iota3A_0, %sub3A_3849 : vector<128x128xi32>
    %le3A_3851 = vector.broadcast %get3A_3841 : i32 to vector<128x128xi32>
    %le3A_3852 = arith.cmpi ule, %sub3A_3850, %le3A_3851 : vector<128x128xi32>
    %and3A_3853 = arith.andi %le3A_3848, %le3A_3852 : vector<128x128xi1>
    %jit3A_3854 = arith.constant 1.000000e+00 : f32
    %jit3A_3855 = arith.constant 0.000000e+00 : f32
    %broadcast_in_dim3A_3856 = vector.broadcast %jit3A_3854 : f32 to vector<128x128xf32>
    %broadcast_in_dim3A_3857 = vector.broadcast %jit3A_3855 : f32 to vector<128x128xf32>
    %select_n3A_3858 = arith.select %and3A_3853, %broadcast_in_dim3A_3856, %broadcast_in_dim3A_3857 : vector<128x128xi1>, vector<128x128xf32>
    %swap3A_3859 = arith.constant 120 : index
    %swap3A_3860 = arith.constant 0 : index
    %swap3A_3861 = arith.constant 0 : index
    %swap3A_3862 = vector.load %arg3[%swap3A_3859, %swap3A_3860, %swap3A_3861] : memref<128x128x128xf32, #tpu.memory_space<vmem>>, vector<1x128x128xf32>
    %swap3A_3863 = vector.shape_cast %swap3A_3862 : vector<1x128x128xf32> to vector<128x128xf32>
    %swap3A_3864 = vector.shape_cast %select_n3A_3858 : vector<128x128xf32> to vector<1x128x128xf32>
    tpu.vector_store %arg3[%swap3A_3859, %swap3A_3860, %swap3A_3861], %swap3A_3864 {strides = array<i32>} : memref<128x128x128xf32, #tpu.memory_space<vmem>>, vector<1x128x128xf32>,
    %get3A_3865 = arith.constant 121 : index
    %get3A_3866 = arith.constant 0 : index
    %get3A_3867 = memref.load %arg1[%get3A_3865, %get3A_3866] : memref<128x4xi32, #tpu.memory_space<smem>>
    %get3A_3868 = arith.constant 121 : index
    %get3A_3869 = arith.constant 1 : index
    %get3A_3870 = memref.load %arg1[%get3A_3868, %get3A_3869] : memref<128x4xi32, #tpu.memory_space<smem>>
    %get3A_3871 = arith.constant 121 : index
    %get3A_3872 = arith.constant 2 : index
    %get3A_3873 = memref.load %arg1[%get3A_3871, %get3A_3872] : memref<128x4xi32, #tpu.memory_space<smem>>
    %get3A_3874 = arith.constant 121 : index
    %get3A_3875 = arith.constant 3 : index
    %get3A_3876 = memref.load %arg1[%get3A_3874, %get3A_3875] : memref<128x4xi32, #tpu.memory_space<smem>>
    %sub3A_3877 = vector.broadcast %get3A_3870 : i32 to vector<128x128xi32>
    %sub3A_3878 = arith.subi %iota3A, %sub3A_3877 : vector<128x128xi32>
    %le3A_3879 = vector.broadcast %get3A_3876 : i32 to vector<128x128xi32>
    %le3A_3880 = arith.cmpi ule, %sub3A_3878, %le3A_3879 : vector<128x128xi32>
    %sub3A_3881 = vector.broadcast %get3A_3867 : i32 to vector<128x128xi32>
    %sub3A_3882 = arith.subi %iota3A_0, %sub3A_3881 : vector<128x128xi32>
    %le3A_3883 = vector.broadcast %get3A_3873 : i32 to vector<128x128xi32>
    %le3A_3884 = arith.cmpi ule, %sub3A_3882, %le3A_3883 : vector<128x128xi32>
    %and3A_3885 = arith.andi %le3A_3880, %le3A_3884 : vector<128x128xi1>
    %jit3A_3886 = arith.constant 1.000000e+00 : f32
    %jit3A_3887 = arith.constant 0.000000e+00 : f32
    %broadcast_in_dim3A_3888 = vector.broadcast %jit3A_3886 : f32 to vector<128x128xf32>
    %broadcast_in_dim3A_3889 = vector.broadcast %jit3A_3887 : f32 to vector<128x128xf32>
    %select_n3A_3890 = arith.select %and3A_3885, %broadcast_in_dim3A_3888, %broadcast_in_dim3A_3889 : vector<128x128xi1>, vector<128x128xf32>
    %swap3A_3891 = arith.constant 121 : index
    %swap3A_3892 = arith.constant 0 : index
    %swap3A_3893 = arith.constant 0 : index
    %swap3A_3894 = vector.load %arg3[%swap3A_3891, %swap3A_3892, %swap3A_3893] : memref<128x128x128xf32, #tpu.memory_space<vmem>>, vector<1x128x128xf32>
    %swap3A_3895 = vector.shape_cast %swap3A_3894 : vector<1x128x128xf32> to vector<128x128xf32>
    %swap3A_3896 = vector.shape_cast %select_n3A_3890 : vector<128x128xf32> to vector<1x128x128xf32>
    tpu.vector_store %arg3[%swap3A_3891, %swap3A_3892, %swap3A_3893], %swap3A_3896 {strides = array<i32>} : memref<128x128x128xf32, #tpu.memory_space<vmem>>, vector<1x128x128xf32>,
    %get3A_3897 = arith.constant 122 : index
    %get3A_3898 = arith.constant 0 : index
    %get3A_3899 = memref.load %arg1[%get3A_3897, %get3A_3898] : memref<128x4xi32, #tpu.memory_space<smem>>
    %get3A_3900 = arith.constant 122 : index
    %get3A_3901 = arith.constant 1 : index
    %get3A_3902 = memref.load %arg1[%get3A_3900, %get3A_3901] : memref<128x4xi32, #tpu.memory_space<smem>>
    %get3A_3903 = arith.constant 122 : index
    %get3A_3904 = arith.constant 2 : index
    %get3A_3905 = memref.load %arg1[%get3A_3903, %get3A_3904] : memref<128x4xi32, #tpu.memory_space<smem>>
    %get3A_3906 = arith.constant 122 : index
    %get3A_3907 = arith.constant 3 : index
    %get3A_3908 = memref.load %arg1[%get3A_3906, %get3A_3907] : memref<128x4xi32, #tpu.memory_space<smem>>
    %sub3A_3909 = vector.broadcast %get3A_3902 : i32 to vector<128x128xi32>
    %sub3A_3910 = arith.subi %iota3A, %sub3A_3909 : vector<128x128xi32>
    %le3A_3911 = vector.broadcast %get3A_3908 : i32 to vector<128x128xi32>
    %le3A_3912 = arith.cmpi ule, %sub3A_3910, %le3A_3911 : vector<128x128xi32>
    %sub3A_3913 = vector.broadcast %get3A_3899 : i32 to vector<128x128xi32>
    %sub3A_3914 = arith.subi %iota3A_0, %sub3A_3913 : vector<128x128xi32>
    %le3A_3915 = vector.broadcast %get3A_3905 : i32 to vector<128x128xi32>
    %le3A_3916 = arith.cmpi ule, %sub3A_3914, %le3A_3915 : vector<128x128xi32>
    %and3A_3917 = arith.andi %le3A_3912, %le3A_3916 : vector<128x128xi1>
    %jit3A_3918 = arith.constant 1.000000e+00 : f32
    %jit3A_3919 = arith.constant 0.000000e+00 : f32
    %broadcast_in_dim3A_3920 = vector.broadcast %jit3A_3918 : f32 to vector<128x128xf32>
    %broadcast_in_dim3A_3921 = vector.broadcast %jit3A_3919 : f32 to vector<128x128xf32>
    %select_n3A_3922 = arith.select %and3A_3917, %broadcast_in_dim3A_3920, %broadcast_in_dim3A_3921 : vector<128x128xi1>, vector<128x128xf32>
    %swap3A_3923 = arith.constant 122 : index
    %swap3A_3924 = arith.constant 0 : index
    %swap3A_3925 = arith.constant 0 : index
    %swap3A_3926 = vector.load %arg3[%swap3A_3923, %swap3A_3924, %swap3A_3925] : memref<128x128x128xf32, #tpu.memory_space<vmem>>, vector<1x128x128xf32>
    %swap3A_3927 = vector.shape_cast %swap3A_3926 : vector<1x128x128xf32> to vector<128x128xf32>
    %swap3A_3928 = vector.shape_cast %select_n3A_3922 : vector<128x128xf32> to vector<1x128x128xf32>
    tpu.vector_store %arg3[%swap3A_3923, %swap3A_3924, %swap3A_3925], %swap3A_3928 {strides = array<i32>} : memref<128x128x128xf32, #tpu.memory_space<vmem>>, vector<1x128x128xf32>,
    %get3A_3929 = arith.constant 123 : index
    %get3A_3930 = arith.constant 0 : index
    %get3A_3931 = memref.load %arg1[%get3A_3929, %get3A_3930] : memref<128x4xi32, #tpu.memory_space<smem>>
    %get3A_3932 = arith.constant 123 : index
    %get3A_3933 = arith.constant 1 : index
    %get3A_3934 = memref.load %arg1[%get3A_3932, %get3A_3933] : memref<128x4xi32, #tpu.memory_space<smem>>
    %get3A_3935 = arith.constant 123 : index
    %get3A_3936 = arith.constant 2 : index
    %get3A_3937 = memref.load %arg1[%get3A_3935, %get3A_3936] : memref<128x4xi32, #tpu.memory_space<smem>>
    %get3A_3938 = arith.constant 123 : index
    %get3A_3939 = arith.constant 3 : index
    %get3A_3940 = memref.load %arg1[%get3A_3938, %get3A_3939] : memref<128x4xi32, #tpu.memory_space<smem>>
    %sub3A_3941 = vector.broadcast %get3A_3934 : i32 to vector<128x128xi32>
    %sub3A_3942 = arith.subi %iota3A, %sub3A_3941 : vector<128x128xi32>
    %le3A_3943 = vector.broadcast %get3A_3940 : i32 to vector<128x128xi32>
    %le3A_3944 = arith.cmpi ule, %sub3A_3942, %le3A_3943 : vector<128x128xi32>
    %sub3A_3945 = vector.broadcast %get3A_3931 : i32 to vector<128x128xi32>
    %sub3A_3946 = arith.subi %iota3A_0, %sub3A_3945 : vector<128x128xi32>
    %le3A_3947 = vector.broadcast %get3A_3937 : i32 to vector<128x128xi32>
    %le3A_3948 = arith.cmpi ule, %sub3A_3946, %le3A_3947 : vector<128x128xi32>
    %and3A_3949 = arith.andi %le3A_3944, %le3A_3948 : vector<128x128xi1>
    %jit3A_3950 = arith.constant 1.000000e+00 : f32
    %jit3A_3951 = arith.constant 0.000000e+00 : f32
    %broadcast_in_dim3A_3952 = vector.broadcast %jit3A_3950 : f32 to vector<128x128xf32>
    %broadcast_in_dim3A_3953 = vector.broadcast %jit3A_3951 : f32 to vector<128x128xf32>
    %select_n3A_3954 = arith.select %and3A_3949, %broadcast_in_dim3A_3952, %broadcast_in_dim3A_3953 : vector<128x128xi1>, vector<128x128xf32>
    %swap3A_3955 = arith.constant 123 : index
    %swap3A_3956 = arith.constant 0 : index
    %swap3A_3957 = arith.constant 0 : index
    %swap3A_3958 = vector.load %arg3[%swap3A_3955, %swap3A_3956, %swap3A_3957] : memref<128x128x128xf32, #tpu.memory_space<vmem>>, vector<1x128x128xf32>
    %swap3A_3959 = vector.shape_cast %swap3A_3958 : vector<1x128x128xf32> to vector<128x128xf32>
    %swap3A_3960 = vector.shape_cast %select_n3A_3954 : vector<128x128xf32> to vector<1x128x128xf32>
    tpu.vector_store %arg3[%swap3A_3955, %swap3A_3956, %swap3A_3957], %swap3A_3960 {strides = array<i32>} : memref<128x128x128xf32, #tpu.memory_space<vmem>>, vector<1x128x128xf32>,
    %get3A_3961 = arith.constant 124 : index
    %get3A_3962 = arith.constant 0 : index
    %get3A_3963 = memref.load %arg1[%get3A_3961, %get3A_3962] : memref<128x4xi32, #tpu.memory_space<smem>>
    %get3A_3964 = arith.constant 124 : index
    %get3A_3965 = arith.constant 1 : index
    %get3A_3966 = memref.load %arg1[%get3A_3964, %get3A_3965] : memref<128x4xi32, #tpu.memory_space<smem>>
    %get3A_3967 = arith.constant 124 : index
    %get3A_3968 = arith.constant 2 : index
    %get3A_3969 = memref.load %arg1[%get3A_3967, %get3A_3968] : memref<128x4xi32, #tpu.memory_space<smem>>
    %get3A_3970 = arith.constant 124 : index
    %get3A_3971 = arith.constant 3 : index
    %get3A_3972 = memref.load %arg1[%get3A_3970, %get3A_3971] : memref<128x4xi32, #tpu.memory_space<smem>>
    %sub3A_3973 = vector.broadcast %get3A_3966 : i32 to vector<128x128xi32>
    %sub3A_3974 = arith.subi %iota3A, %sub3A_3973 : vector<128x128xi32>
    %le3A_3975 = vector.broadcast %get3A_3972 : i32 to vector<128x128xi32>
    %le3A_3976 = arith.cmpi ule, %sub3A_3974, %le3A_3975 : vector<128x128xi32>
    %sub3A_3977 = vector.broadcast %get3A_3963 : i32 to vector<128x128xi32>
    %sub3A_3978 = arith.subi %iota3A_0, %sub3A_3977 : vector<128x128xi32>
    %le3A_3979 = vector.broadcast %get3A_3969 : i32 to vector<128x128xi32>
    %le3A_3980 = arith.cmpi ule, %sub3A_3978, %le3A_3979 : vector<128x128xi32>
    %and3A_3981 = arith.andi %le3A_3976, %le3A_3980 : vector<128x128xi1>
    %jit3A_3982 = arith.constant 1.000000e+00 : f32
    %jit3A_3983 = arith.constant 0.000000e+00 : f32
    %broadcast_in_dim3A_3984 = vector.broadcast %jit3A_3982 : f32 to vector<128x128xf32>
    %broadcast_in_dim3A_3985 = vector.broadcast %jit3A_3983 : f32 to vector<128x128xf32>
    %select_n3A_3986 = arith.select %and3A_3981, %broadcast_in_dim3A_3984, %broadcast_in_dim3A_3985 : vector<128x128xi1>, vector<128x128xf32>
    %swap3A_3987 = arith.constant 124 : index
    %swap3A_3988 = arith.constant 0 : index
    %swap3A_3989 = arith.constant 0 : index
    %swap3A_3990 = vector.load %arg3[%swap3A_3987, %swap3A_3988, %swap3A_3989] : memref<128x128x128xf32, #tpu.memory_space<vmem>>, vector<1x128x128xf32>
    %swap3A_3991 = vector.shape_cast %swap3A_3990 : vector<1x128x128xf32> to vector<128x128xf32>
    %swap3A_3992 = vector.shape_cast %select_n3A_3986 : vector<128x128xf32> to vector<1x128x128xf32>
    tpu.vector_store %arg3[%swap3A_3987, %swap3A_3988, %swap3A_3989], %swap3A_3992 {strides = array<i32>} : memref<128x128x128xf32, #tpu.memory_space<vmem>>, vector<1x128x128xf32>,
    %get3A_3993 = arith.constant 125 : index
    %get3A_3994 = arith.constant 0 : index
    %get3A_3995 = memref.load %arg1[%get3A_3993, %get3A_3994] : memref<128x4xi32, #tpu.memory_space<smem>>
    %get3A_3996 = arith.constant 125 : index
    %get3A_3997 = arith.constant 1 : index
    %get3A_3998 = memref.load %arg1[%get3A_3996, %get3A_3997] : memref<128x4xi32, #tpu.memory_space<smem>>
    %get3A_3999 = arith.constant 125 : index
    %get3A_4000 = arith.constant 2 : index
    %get3A_4001 = memref.load %arg1[%get3A_3999, %get3A_4000] : memref<128x4xi32, #tpu.memory_space<smem>>
    %get3A_4002 = arith.constant 125 : index
    %get3A_4003 = arith.constant 3 : index
    %get3A_4004 = memref.load %arg1[%get3A_4002, %get3A_4003] : memref<128x4xi32, #tpu.memory_space<smem>>
    %sub3A_4005 = vector.broadcast %get3A_3998 : i32 to vector<128x128xi32>
    %sub3A_4006 = arith.subi %iota3A, %sub3A_4005 : vector<128x128xi32>
    %le3A_4007 = vector.broadcast %get3A_4004 : i32 to vector<128x128xi32>
    %le3A_4008 = arith.cmpi ule, %sub3A_4006, %le3A_4007 : vector<128x128xi32>
    %sub3A_4009 = vector.broadcast %get3A_3995 : i32 to vector<128x128xi32>
    %sub3A_4010 = arith.subi %iota3A_0, %sub3A_4009 : vector<128x128xi32>
    %le3A_4011 = vector.broadcast %get3A_4001 : i32 to vector<128x128xi32>
    %le3A_4012 = arith.cmpi ule, %sub3A_4010, %le3A_4011 : vector<128x128xi32>
    %and3A_4013 = arith.andi %le3A_4008, %le3A_4012 : vector<128x128xi1>
    %jit3A_4014 = arith.constant 1.000000e+00 : f32
    %jit3A_4015 = arith.constant 0.000000e+00 : f32
    %broadcast_in_dim3A_4016 = vector.broadcast %jit3A_4014 : f32 to vector<128x128xf32>
    %broadcast_in_dim3A_4017 = vector.broadcast %jit3A_4015 : f32 to vector<128x128xf32>
    %select_n3A_4018 = arith.select %and3A_4013, %broadcast_in_dim3A_4016, %broadcast_in_dim3A_4017 : vector<128x128xi1>, vector<128x128xf32>
    %swap3A_4019 = arith.constant 125 : index
    %swap3A_4020 = arith.constant 0 : index
    %swap3A_4021 = arith.constant 0 : index
    %swap3A_4022 = vector.load %arg3[%swap3A_4019, %swap3A_4020, %swap3A_4021] : memref<128x128x128xf32, #tpu.memory_space<vmem>>, vector<1x128x128xf32>
    %swap3A_4023 = vector.shape_cast %swap3A_4022 : vector<1x128x128xf32> to vector<128x128xf32>
    %swap3A_4024 = vector.shape_cast %select_n3A_4018 : vector<128x128xf32> to vector<1x128x128xf32>
    tpu.vector_store %arg3[%swap3A_4019, %swap3A_4020, %swap3A_4021], %swap3A_4024 {strides = array<i32>} : memref<128x128x128xf32, #tpu.memory_space<vmem>>, vector<1x128x128xf32>,
    %get3A_4025 = arith.constant 126 : index
    %get3A_4026 = arith.constant 0 : index
    %get3A_4027 = memref.load %arg1[%get3A_4025, %get3A_4026] : memref<128x4xi32, #tpu.memory_space<smem>>
    %get3A_4028 = arith.constant 126 : index
    %get3A_4029 = arith.constant 1 : index
    %get3A_4030 = memref.load %arg1[%get3A_4028, %get3A_4029] : memref<128x4xi32, #tpu.memory_space<smem>>
    %get3A_4031 = arith.constant 126 : index
    %get3A_4032 = arith.constant 2 : index
    %get3A_4033 = memref.load %arg1[%get3A_4031, %get3A_4032] : memref<128x4xi32, #tpu.memory_space<smem>>
    %get3A_4034 = arith.constant 126 : index
    %get3A_4035 = arith.constant 3 : index
    %get3A_4036 = memref.load %arg1[%get3A_4034, %get3A_4035] : memref<128x4xi32, #tpu.memory_space<smem>>
    %sub3A_4037 = vector.broadcast %get3A_4030 : i32 to vector<128x128xi32>
    %sub3A_4038 = arith.subi %iota3A, %sub3A_4037 : vector<128x128xi32>
    %le3A_4039 = vector.broadcast %get3A_4036 : i32 to vector<128x128xi32>
    %le3A_4040 = arith.cmpi ule, %sub3A_4038, %le3A_4039 : vector<128x128xi32>
    %sub3A_4041 = vector.broadcast %get3A_4027 : i32 to vector<128x128xi32>
    %sub3A_4042 = arith.subi %iota3A_0, %sub3A_4041 : vector<128x128xi32>
    %le3A_4043 = vector.broadcast %get3A_4033 : i32 to vector<128x128xi32>
    %le3A_4044 = arith.cmpi ule, %sub3A_4042, %le3A_4043 : vector<128x128xi32>
    %and3A_4045 = arith.andi %le3A_4040, %le3A_4044 : vector<128x128xi1>
    %jit3A_4046 = arith.constant 1.000000e+00 : f32
    %jit3A_4047 = arith.constant 0.000000e+00 : f32
    %broadcast_in_dim3A_4048 = vector.broadcast %jit3A_4046 : f32 to vector<128x128xf32>
    %broadcast_in_dim3A_4049 = vector.broadcast %jit3A_4047 : f32 to vector<128x128xf32>
    %select_n3A_4050 = arith.select %and3A_4045, %broadcast_in_dim3A_4048, %broadcast_in_dim3A_4049 : vector<128x128xi1>, vector<128x128xf32>
    %swap3A_4051 = arith.constant 126 : index
    %swap3A_4052 = arith.constant 0 : index
    %swap3A_4053 = arith.constant 0 : index
    %swap3A_4054 = vector.load %arg3[%swap3A_4051, %swap3A_4052, %swap3A_4053] : memref<128x128x128xf32, #tpu.memory_space<vmem>>, vector<1x128x128xf32>
    %swap3A_4055 = vector.shape_cast %swap3A_4054 : vector<1x128x128xf32> to vector<128x128xf32>
    %swap3A_4056 = vector.shape_cast %select_n3A_4050 : vector<128x128xf32> to vector<1x128x128xf32>
    tpu.vector_store %arg3[%swap3A_4051, %swap3A_4052, %swap3A_4053], %swap3A_4056 {strides = array<i32>} : memref<128x128x128xf32, #tpu.memory_space<vmem>>, vector<1x128x128xf32>,
    %get3A_4057 = arith.constant 127 : index
    %get3A_4058 = arith.constant 0 : index
    %get3A_4059 = memref.load %arg1[%get3A_4057, %get3A_4058] : memref<128x4xi32, #tpu.memory_space<smem>>
    %get3A_4060 = arith.constant 127 : index
    %get3A_4061 = arith.constant 1 : index
    %get3A_4062 = memref.load %arg1[%get3A_4060, %get3A_4061] : memref<128x4xi32, #tpu.memory_space<smem>>
    %get3A_4063 = arith.constant 127 : index
    %get3A_4064 = arith.constant 2 : index
    %get3A_4065 = memref.load %arg1[%get3A_4063, %get3A_4064] : memref<128x4xi32, #tpu.memory_space<smem>>
    %get3A_4066 = arith.constant 127 : index
    %get3A_4067 = arith.constant 3 : index
    %get3A_4068 = memref.load %arg1[%get3A_4066, %get3A_4067] : memref<128x4xi32, #tpu.memory_space<smem>>
    %sub3A_4069 = vector.broadcast %get3A_4062 : i32 to vector<128x128xi32>
    %sub3A_4070 = arith.subi %iota3A, %sub3A_4069 : vector<128x128xi32>
    %le3A_4071 = vector.broadcast %get3A_4068 : i32 to vector<128x128xi32>
    %le3A_4072 = arith.cmpi ule, %sub3A_4070, %le3A_4071 : vector<128x128xi32>
    %sub3A_4073 = vector.broadcast %get3A_4059 : i32 to vector<128x128xi32>
    %sub3A_4074 = arith.subi %iota3A_0, %sub3A_4073 : vector<128x128xi32>
    %le3A_4075 = vector.broadcast %get3A_4065 : i32 to vector<128x128xi32>
    %le3A_4076 = arith.cmpi ule, %sub3A_4074, %le3A_4075 : vector<128x128xi32>
    %and3A_4077 = arith.andi %le3A_4072, %le3A_4076 : vector<128x128xi1>
    %jit3A_4078 = arith.constant 1.000000e+00 : f32
    %jit3A_4079 = arith.constant 0.000000e+00 : f32
    %broadcast_in_dim3A_4080 = vector.broadcast %jit3A_4078 : f32 to vector<128x128xf32>
    %broadcast_in_dim3A_4081 = vector.broadcast %jit3A_4079 : f32 to vector<128x128xf32>
    %select_n3A_4082 = arith.select %and3A_4077, %broadcast_in_dim3A_4080, %broadcast_in_dim3A_4081 : vector<128x128xi1>, vector<128x128xf32>
    %swap3A_4083 = arith.constant 127 : index
    %swap3A_4084 = arith.constant 0 : index
    %swap3A_4085 = arith.constant 0 : index
    %swap3A_4086 = vector.load %arg3[%swap3A_4083, %swap3A_4084, %swap3A_4085] : memref<128x128x128xf32, #tpu.memory_space<vmem>>, vector<1x128x128xf32>
    %swap3A_4087 = vector.shape_cast %swap3A_4086 : vector<1x128x128xf32> to vector<128x128xf32>
    %swap3A_4088 = vector.shape_cast %select_n3A_4082 : vector<128x128xf32> to vector<1x128x128xf32>
    tpu.vector_store %arg3[%swap3A_4083, %swap3A_4084, %swap3A_4085], %swap3A_4088 {strides = array<i32>} : memref<128x128x128xf32, #tpu.memory_space<vmem>>, vector<1x128x128xf32>,
    return
  }
  func.func @transform_0(%arg0: i32) -> (i32, i32) {
    %add3A = arith.constant 8 : i32
    %add3A_0 = arith.addi %arg0, %add3A : i32
    %c0_i32 = arith.constant 0 : i32
    %c0_i32_1 = arith.constant 0 : i32
    return %add3A_0, %c0_i32 : i32, i32
  }
  func.func @transform_2(%arg0: i32) -> (i32, i32, i32) {
    %add3A = arith.constant 8 : i32
    %add3A_0 = arith.addi %arg0, %add3A : i32
    %c0_i32 = arith.constant 0 : i32
    %c0_i32_1 = arith.constant 0 : i32
    %c0_i32_2 = arith.constant 0 : i32
    return %add3A_0, %c0_i32, %c0_i32_1 : i32, i32, i32
  }
}

</mosaic_0001>

<sc_bundles>
// kernel: kernel.4.cloned.1.call-start
scs
__scs_entry_jumppad:
0x0: {  	(pc) =	sbr.rel $0x88, $3  }
0x1: {  	(tag) =	ssettag $0x0;
	lr =	simm.s32 $0x1  }
0x2: {  	[smem:$0x3FA0] =	sst lr;
	_ =	strace $0xD0000000  }
0x3: {  	_ = 	snop  }
0x4: {  	_ = 	snop  }
0x5: {  	_ = 	snop  }
0x6: {  	_ = 	snop  }
0x7: {  	_ = 	snop  }
__scs_overlays_trampoline_lowered:
0x8: {  	[smem:$0x3FAF] =	sst s0  }
0x9: {  	[smem:$0x3FB0] =	sst s1  }
0xa: {  	[smem:$0x3FB1] =	sst s2  }
0xb: {  	[smem:$0x3FB2] =	sst s3  }
0xc: {  	[smem:$0x3FB3] =	sst s4  }
0xd: {  	[smem:$0x3FB4] =	sst s5  }
0xe: {  	[smem:$0x3FB5] =	sst s6  }
0xf: {  	[smem:$0x3FB6] =	sst s7  }
0x10: {  	[smem:$0x3FB7] =	sst s8  }
0x11: {  	[smem:$0x3FB8] =	sst s9;
	s0 =	simm.s32 @!p0 $0x0  }
0x12: {  	s1 =	sld [smem:$0x3F9E];
	s0 =	simm.s32 @p0 $0x1  }
0x13: {  	[smem:$0x3FB9] =	sst s0;
	s0 =	simm.s32 @!p1 $0x0  }
0x14: {  	s2 =	sld [smem:$0x3F9D];
	s0 =	simm.s32 @p1 $0x1  }
0x15: {  	[smem:$0x3FBA] =	sst s0;
	s0 =	simm.s32 @!p2 $0x0  }
0x16: {  	s3 =	sld [smem:$0x3FDB];
	s0 =	simm.s32 @p2 $0x1  }
0x17: {  	s4 =	simm.s32 $0x1BF5;
	[smem:$0x3FBC] =	sst s0  }
0x18: {  	s0 =	sld [smem:$0x3F9F];
	_ =	swait.ge [sflag:s4], $0x0  }
0x19: {  	s7 =	sld [smem:$0x3FA0]  }
0x1a: {  	s8 =	sadd.s32 $0xFFFFE003, lr  }
0x1b: {  	s9 =	sadd.s32 $0xFFFFFEF7, lr;
	s5 =	simm.s32 $0xFFFFFFFF;
	p2 =	slt.u32 s8, $0xFFFFF086  }
0x1c: {  	p1 =	slt.u32 s9, $0xF7A;
	s5 =	simm.s32 @!p2 $0x0  }
0x1d: {  	s5 =	simm.s32 @p1 $0x1;
	p0 =	seq.s32 s7, s2  }
0x1e: {  	s7 =	smul.u32 @!p0 $0xF7A, s2;
	p2 =	seq.s32 @!p0 s5, $0x0  }
0x1f: {  	s9 =	smul.u32 $0xF7A, s1;
	s8 =	simm.s32 @!p0 $0x1BF5;
	p2 =	por !p2, p0  }
0x20: {  	[sflag:s8] =	ssyncset.s32 @!p0 $0xFFFFF086;
	s6 =	sadd.s32 @!p0 s3, s7;
	s7 =	simm.s32 @!p0 $0x108  }
0x21: {  	s3 =	sadd.s32 s3, s9;
	s6 =	sadd.s32 @!p0 $0x88, s6;
	s7 =	simm.s32 @p2 $0x1082  }
0x22: {  	[simem:s7], [sflag:s8] =	dma.local @!p0 [hbm:s6], $0xF7A  }
0x23: {  	s9 =	sor.u32 $0xD0000000, s2;
	s6 =	simm.s32 $0x108;
	_ =	swait.ge @!p0 [sflag:s8], $0x0  }
0x24: {  	s3 =	sadd.s32 $0x88, s3;
	s6 =	simm.s32 @!p1 $0x1082;
	[sflag:s4] =	ssyncset.s32 $0xFFFFF086  }
0x25: {  	[simem:s6], [sflag:s4] =	dma.local [hbm:s3], $0xF7A  }
0x26: {  	[smem:$0x3FA0] =	sst s1;
	(tag) =	ssettag s2;
	_ =	strace s9  }
0x27: {  	s1 =	sld [smem:$0x3FB0]  }
0x28: {  	s2 =	sld [smem:$0x3FB1]  }
0x29: {  	s4 =	sld [smem:$0x3FB3]  }
0x2a: {  	p0 =	seq.s32 s5, $0x0;
	s5 =	sld [smem:$0x3FB4]  }
0x2b: {  	s6 =	sld [smem:$0x3FB5]  }
0x2c: {  	s7 =	sld [smem:$0x3FB6]  }
0x2d: {  	s3 =	simm.s32 $0x108;
	s8 =	sld [smem:$0x3FB7]  }
0x2e: {  	s3 =	simm.s32 @!p0 $0x1082;
	s9 =	sld [smem:$0x3FB8]  }
0x2f: {  	lr =	sadd.s32 s0, s3;
	s0 =	sld [smem:$0x3FAF]  }
0x30: {  	s3 =	sld [smem:$0x3FB2]  }
0x31: {  	[smem:$0x3FBB] =	sst s10  }
0x32: {  	s10 =	sld [smem:$0x3FB9];
	_ =	sdelay $0x3  }
0x33: {  	p0 =	seq.s32 s10, $0x1;
	s10 =	sld [smem:$0x3FBB];
	_ =	sdelay $0x3  }
0x34: {  	[smem:$0x3FBB] =	sst s10  }
0x35: {  	s10 =	sld [smem:$0x3FBA];
	_ =	sdelay $0x3  }
0x36: {  	p1 =	seq.s32 s10, $0x1;
	s10 =	sld [smem:$0x3FBB];
	_ =	sdelay $0x3  }
0x37: {  	[smem:$0x3FBB] =	sst s10  }
0x38: {  	s10 =	sld [smem:$0x3FBC]  }
0x39: {  	_ = 	snop;
	(pc) =	sbr.ind lr, $3  }
0x3a: {  	_ = 	snop  }
0x3b: {  	_ = 	snop  }
0x3c: {  	p2 =	seq.s32 s10, $0x1;
	s10 =	sld [smem:$0x3FBB]  }
0x3d: {  	_ =	shalt  }
0x3e: {  	_ =	shalt  }
0x3f: {  	_ =	shalt  }
0x40: {  	_ =	shalt  }
0x41: {  	_ =	shalt  }
0x42: {  	_ =	shalt  }
0x43: {  	_ =	shalt  }
0x44: {  	_ =	shalt  }
0x45: {  	_ =	shalt  }
0x46: {  	_ =	shalt  }
0x47: {  	_ =	shalt  }
0x48: {  	_ =	shalt  }
0x49: {  	_ =	shalt  }
0x4a: {  	_ =	shalt  }
0x4b: {  	_ =	shalt  }
0x4c: {  	_ =	shalt  }
0x4d: {  	_ =	shalt  }
0x4e: {  	_ =	shalt  }
0x4f: {  	_ =	shalt  }
0x50: {  	_ =	shalt  }
0x51: {  	_ =	shalt  }
0x52: {  	_ =	shalt  }
0x53: {  	_ =	shalt  }
0x54: {  	_ =	shalt  }
0x55: {  	_ =	shalt  }
0x56: {  	_ =	shalt  }
0x57: {  	_ =	shalt  }
0x58: {  	_ =	shalt  }
0x59: {  	_ =	shalt  }
0x5a: {  	_ =	shalt  }
0x5b: {  	_ =	shalt  }
0x5c: {  	_ =	shalt  }
0x5d: {  	_ =	shalt  }
0x5e: {  	_ =	shalt  }
0x5f: {  	_ =	shalt  }
0x60: {  	_ =	shalt  }
0x61: {  	_ =	shalt  }
0x62: {  	_ =	shalt  }
0x63: {  	_ =	shalt  }
0x64: {  	_ =	shalt  }
0x65: {  	_ =	shalt  }
0x66: {  	_ =	shalt  }
0x67: {  	_ =	shalt  }
0x68: {  	_ =	shalt  }
0x69: {  	_ =	shalt  }
0x6a: {  	_ =	shalt  }
0x6b: {  	_ =	shalt  }
0x6c: {  	_ =	shalt  }
0x6d: {  	_ =	shalt  }
0x6e: {  	_ =	shalt  }
0x6f: {  	_ =	shalt  }
0x70: {  	_ =	shalt  }
0x71: {  	_ =	shalt  }
0x72: {  	_ =	shalt  }
0x73: {  	_ =	shalt  }
0x74: {  	_ =	shalt  }
0x75: {  	_ =	shalt  }
0x76: {  	_ =	shalt  }
0x77: {  	_ =	shalt  }
0x78: {  	_ =	shalt  }
0x79: {  	_ =	shalt  }
0x7a: {  	_ =	shalt  }
0x7b: {  	_ =	shalt  }
0x7c: {  	_ =	shalt  }
0x7d: {  	_ =	shalt  }
0x7e: {  	_ =	shalt  }
0x7f: {  	_ =	shalt  }
0x80: {  	_ =	shalt  }
0x81: {  	_ =	shalt  }
0x82: {  	_ =	shalt  }
0x83: {  	_ =	shalt  }
0x84: {  	_ =	shalt  }
0x85: {  	_ =	shalt  }
0x86: {  	_ =	shalt  }
0x87: {  	_ =	shalt  }
.Lfunc_end0:
.L_simem_size_0:
called_computation_lowered:
.L_overlay_start_0:
0x88: {  	s2 =	sld [smem:$0x3FD9]  }
0x89: {  	s3 =	sld [smem:$0x3FFE];
	_ =	sdelay $0x1  }
0x8a: {  	s1 =	srdreg.scid  }
0x8b: {  	s0 =	sand.u32 $0x1, s1  }
0x8c: {  	s17 =	sshll.u32 s0, $0xA;
	s2 =	sadd.s32 s3, s2  }
0x8d: {  	s2 =	sadd.s32 s2, s17  }
0x8e: {  	[smem:$0x3FC7] =	sst s2  }
0x8f: {  	_ = 	snop  }
0x90: {  	s2 =	sld [smem:$0x3FD0];
	(tm) =	ssettm $0x1  }
0x91: {  	s18 =	sld [smem:$0x3FFB];
	_ =	sdelay $0x3  }
0x92: {  	_ =	strace s18  }
0x93: {  	s3 =	sld [smem:$0x3FFC];
	_ =	sdelay $0x3  }
0x94: {  	_ =	strace s3  }
0x95: {  	s3 =	sld [smem:$0x3FFD];
	_ =	sdelay $0x3  }
0x96: {  	_ =	strace s3  }
0x97: {  	_ =	strace $0x8FFFFFFF  }
0x98: {  	s19 =	sld [smem:$0x3FDB];
	_ =	sdelay $0x1  }
0x99: {  	s4 =	simm.s32 $_scs_section_size  }
0x9a: {  	s5 =	simm.s32 $_size__tile_overlayer_lowered;
	s6 =	simm.s32 $_tile_overlayer_lowered  }
0x9b: {  	s22 =	simm.s32 $0x1BFF;
	s21 =	sshll.u32 s6, $0x1;
	s3 =	sadd.s32 s4, s19  }
0x9c: {  	s7 =	simm.s32 $0x0;
	s20 =	sshll.u32 s5, $0x1;
	s5 =	sadd.s32 s21, s3  }
0x9d: {  	[timem:s7], [sflag:s22] =	dma.local [hbm:s5], s20  }
0x9e: {  	_ =	swait.ge [sflag:s22], s20  }
0x9f: {  	s4 =	ssub.s32 $0x0, s20;
	[sflag:s22] =	ssyncset.done $0x0  }
0xa0: {  	[sflag:s22] =	ssyncadd.s32 s4;
	_ =	sdelay $0x1  }
0xa1: {  	s23 =	simm.s32 $0x1B8B  }
0xa2: {  	_ =	swait.ge [sflag:s23], $0x1  }
0xa3: {  	[sflag:s23] =	ssyncset.done $0x0  }
0xa4: {  	s25 =	simm.s32 $0x1B8E;
	s24 =	sld [smem:$0x3FFE];
	[sflag:s23] =	ssyncadd.s32 $0xFFFFFFFF  }
0xa5: {  	s26 =	simm.s32 $execute0_lowered;
	[smem:$0x3FD2] =	sst s25  }
0xa6: {  	s5 =	sshll.u32 s26, $0x1;
	_ =	strace $0x80000046;
	[dreg:$0x1] =	wrdreg $0xFFFFFFFF  }
0xa7: {  	s28 =	simm.s32 $_size_execute0_lowered;
	s3 =	sadd.s32 s3, s5;
	[dreg:$0x0] =	wrdreg $0x0  }
0xa8: {  	s5 =	sshll.u32 s28, $0x1;
	[dreg:$0x2] =	wrdreg s3  }
0xa9: {  	[dreg:$0x3] =	wrdreg s5  }
0xaa: {  	[dreg:$0x4] =	wrdreg $0xC0  }
0xab: {  	_ =	task [dreg:s7], $0x5FFFF  }
0xac: {  	[dreg:$0x1] =	wrdreg $0xFFFFFFFF  }
0xad: {  	[dreg:$0x0] =	wrdreg $0x60  }
0xae: {  	[dreg:$0x2] =	wrdreg s24  }
0xaf: {  	[dreg:$0x3] =	wrdreg s2  }
0xb0: {  	[dreg:$0x4] =	wrdreg $0x9  }
0xb1: {  	_ =	task.clear_ibuf [dreg:s7], $0x5FFFF;
	_ =	strace $0x90000046  }
0xb2: {  	s29 =	simm.s32 $0x9;
	_ =	strace $0x80000048  }
0xb3: {  	_ =	swait.ge [sflag:s29], $0x1  }
0xb4: {  	[sflag:s29] =	ssyncadd.s32 $0xFFFFFFFF  }
0xb5: {  	_ =	strace $0x90000048  }
0xb6: {  	_ =	sfence  }
0xb7: {  	s30 =	sld [smem:$0x0];
	_ =	sdelay $0x2  }
0xb8: {  	s31 =	sshll.u32 s1, $0xD;
	s1 =	sshrl.u32 s1, $0x2  }
0xb9: {  	s3 =	sand.u32 $0x4000, s31;
	s1 =	sadd.s32 s1, s30  }
0xba: {  	s0 =	sor.u32 s3, s0;
	s1 =	sshll.u32 s1, $0x11  }
0xbb: {  	s0 =	sor.u32 s1, s0  }
0xbc: {  	s0 =	sadd.s32 $0x8F2B, s0  }
0xbd: {  	[sflag:s0] =	ssyncadd.remote.s32 $0x1  }
0xbe: {  	_ =	sfence.sel $0xFFFF  }
0xbf: {  	[dreg:$0x0] =	wrdreg $0xFFFFFFFF;
	(pc) =	sbr.abs _section_cstart, $3  }
0xc0: {  	[dreg:$0x1] =	wrdreg $0xFFFFFFFF  }
0xc1: {  	_ =	task.clear_ibuf [dreg:s7], $0x2FFFF;
	_ =	strace $0x9FFFFFFF  }
0xc2: {  	(tm) =	ssettm $0x7FFFFFFF  }
0xc3: {  	_ =	shalt  }
tec
execute0_lowered:
.L_overlay_start_1:
0x0: {  	(tag) =	ssettag $0x1  }
0x1: {  	s4 =	rddreg [dreg:$0x0]  }
0x2: {  	s2 =	rddreg [dreg:$0x1]  }
0x3: {  	s0 =	rddreg [dreg:$0x2]  }
0x4: {  	s5 =	srdreg.scid;
	s1 =	stileid.u32  }
0x5: {  	s3 =	simm.s32 $0x0;
	s10 =	simm.s32 $0x280;
	s11 =	simm.s32 $0x4280  }
0x6: {  	v16 =	vlaneseq.u32;
	s12 =	simm.s32 $0x1;
	s13 =	simm.s32 $0x2;
	s14 =	simm.s32 $0x0  }
0x7: {  	v0 =	vimm.f32 $0.0e+00;
	s5 =	sand.u32 $0x1, s5;
	s6 =	sshll.u32 s1, $0x1;
	[smem:$0x7FF] =	sst s3;
	v1 =	vadd.s32 $0x1, v16  }
.Ltmp0:
0x8: {  	v2 =	vadd.s32 $0xFFFFFFFF, v16;
	v3 =	vadd.s32 $0x11, v16;
	v4 =	vadd.s32 $0xF, v16;
	s6 =	sor.u32 s5, s6;
	s5 =	ssub.s32 $0x2, s5;
	(pc) =	sbr.rel .LBB2_1-.Ltmp0, $4  }
0x9: {  	v5 =	vadd.s32 $0x21, v16;
	v6 =	vadd.s32 $0x1F, v16;
	v7 =	vadd.s32 $0x31, v16;
	_ =	strace $0x80000047;
	s7 =	sshll.u32 s6, $0x4;
	s31 =	sshrl.u32 s5, $0x1  }
0xa: {  	v8 =	vadd.s32 $0x2F, v16;
	v9 =	vadd.s32 $0x41, v16;
	v10 =	vadd.s32 $0x3F, v16;
	s8 =	sshll.u32 s6, $0x10;
	s7 =	sadd.s32 s7, s4;
	s9 =	ssub.s32 s5, s31  }
0xb: {  	v11 =	vadd.s32 $0x51, v16;
	v12 =	vadd.s32 $0x4F, v16;
	v13 =	vadd.s32 $0x61, v16;
	s4 =	sshll.u32 s6, $0x5;
	s5 =	sadd.s32 s2, s8;
	s6 =	sadd.s32 $0x10800, s7  }
0xc: {  	v14 =	vadd.s32 $0x5F, v16;
	v15 =	vadd.s32 $0x71, v16;
	v16 =	vadd.s32 $0x6F, v16;
	s7 =	sadd.s32 $0x800, s5;
	s8 =	smax.u32 s9, $0x1;
	s9 =	simm.s32 $0x3  }
.LBB2_29:
0xd: {  	s14 =	sadd.s32 $0x1, s14  }
0xe: {  	_ =	swait.ge [sflag:s12], $0x4000;
	p0 =	sne.s32 s14, s8  }
.Ltmp1:
0xf: {  	[sflag:s12] =	ssyncset.done $0x0;
	(pc) =	sbr.rel @!p0 .LBB2_30-.Ltmp1, $4  }
0x10: {  	[sflag:s12] =	ssyncadd.s32 $0xFFFFC000  }
0x11: {  	_ =	swait.ge [sflag:s13], $0x4000  }
0x12: {  	[sflag:s13] =	ssyncset.done $0x0  }
0x13: {  	[sflag:s13] =	ssyncadd.s32 $0xFFFFC000  }
.LBB2_1:
0x14: {  	[tilespmem:s3], [sflag:$0x3] =	stream.linear.gather [hbm4b:s6+s3], $0x80, $0x38;
	[tilespmem:$0x8280] =	vst v63  }
0x15: {  	_ =	swait.ge [sflag:s9], $0x80  }
0x16: {  	[sflag:s9] =	ssyncset.done $0x0  }
0x17: {  	s15 =	simm.s32 $0x0;
	s16 =	simm.s32 $0x200;
	[sflag:s9] =	ssyncadd.s32 $0xFFFFFF80  }
.LBB2_2:
0x18: {  	p0 =	sne.s32 s16, $0xFE00;
	[tilespmem:s15+$0x42F0] =	vst v0  }
0x19: {  	[tilespmem:s15+$0x280] =	vst v0  }
0x1a: {  	[tilespmem:s15+$0x4280] =	vst v0  }
0x1b: {  	[tilespmem:s15+$0x290] =	vst v0  }
0x1c: {  	[tilespmem:s15+$0x4290] =	vst v0  }
0x1d: {  	[tilespmem:s15+$0x2A0] =	vst v0  }
0x1e: {  	[tilespmem:s15+$0x42A0] =	vst v0  }
0x1f: {  	[tilespmem:s15+$0x2B0] =	vst v0  }
0x20: {  	[tilespmem:s15+$0x42B0] =	vst v0  }
0x21: {  	[tilespmem:s15+$0x2C0] =	vst v0  }
0x22: {  	[tilespmem:s15+$0x42C0] =	vst v0  }
.Ltmp2:
0x23: {  	[tilespmem:s15+$0x2D0] =	vst v0;
	(pc) =	sbr.rel @p0 .LBB2_2-.Ltmp2, $4  }
0x24: {  	[tilespmem:s15+$0x42D0] =	vst v0  }
0x25: {  	[tilespmem:s15+$0x2E0] =	vst v0  }
0x26: {  	[tilespmem:s15+$0x42E0] =	vst v0  }
0x27: {  	[tilespmem:s15+$0x2F0] =	vst v0;
	s15 =	sshra.s32 s16, $0x2;
	s16 =	sadd.s32 $0x200, s16  }
0x28: {  	[tilespmem:s15+$0x42F0] =	vst v0  }
0x29: {  	[tilespmem:s15+$0x280] =	vst v0  }
0x2a: {  	[tilespmem:s15+$0x4280] =	vst v0  }
0x2b: {  	[tilespmem:s15+$0x290] =	vst v0  }
0x2c: {  	[tilespmem:s15+$0x4290] =	vst v0  }
0x2d: {  	[tilespmem:s15+$0x2A0] =	vst v0  }
0x2e: {  	[tilespmem:s15+$0x42A0] =	vst v0  }
0x2f: {  	[tilespmem:s15+$0x2B0] =	vst v0  }
0x30: {  	[tilespmem:s15+$0x42B0] =	vst v0  }
0x31: {  	[tilespmem:s15+$0x2C0] =	vst v0  }
0x32: {  	[tilespmem:s15+$0x42C0] =	vst v0  }
0x33: {  	[tilespmem:s15+$0x2D0] =	vst v0  }
0x34: {  	[tilespmem:s15+$0x42D0] =	vst v0  }
0x35: {  	[tilespmem:s15+$0x2E0] =	vst v0  }
0x36: {  	[tilespmem:s15+$0x42E0] =	vst v0  }
0x37: {  	[tilespmem:s15+$0x2F0] =	vst v0  }
0x38: {  	v17 =	vld [tilespmem:$0x0];
	_ =	sdelay $0x4  }
0x39: {  	(v2sf) =	vpush v17, $0x0  }
0x3a: {  	(v2sf) =	vpush v17, $0x1  }
0x3b: {  	(v2sf) =	vpush v17, $0x2  }
0x3c: {  	(v2sf) =	vpush v17, $0x3;
	_ =	sdelay $0xb  }
0x3d: {  	s17 =	spop (v2sf)  }
0x3e: {  	s16 =	spop (v2sf)  }
0x3f: {  	s18 =	spop (v2sf)  }
0x40: {  	s15 =	spop (v2sf)  }
0x41: {  	s19 =	sadd.s32 s16, s15  }
0x42: {  	s19 =	sadd.s32 $0x1, s19  }
0x43: {  	p0 =	sge.s32 s16, s19  }
.Ltmp3:
0x44: {  	_ = 	snop;
	(pc) =	sbr.rel @p0 .LBB2_7-.Ltmp3, $1  }
0x45: {  	_ =	sdelay $0x3  }
0x46: {  	s17 =	sadd.s32 s18, s17;
	v22 =	vbroadcast v17, $0x0  }
0x47: {  	v23 =	vmov s17  }
0x48: {  	vm0 =	vlt.s32 v22, v1;
	vm1 =	vgt.s32 v23, v2  }
0x49: {  	vm13 =	vlt.s32 v22, v9;
	vm2 =	vgt.s32 v23, v10;
	vm14 =	vlt.s32 v22, v13  }
0x4a: {  	s30 =	sshll.u32 s16, $0x9;
	vm15 =	vgt.s32 v23, v14;
	vm3 =	vlt.s32 v22, v15;
	vm4 =	vgt.s32 v23, v16  }
0x4b: {  	s17 =	sshra.s32 s30, $0x2;
	vm8 =	vlt.s32 v22, v5;
	vm9 =	vlt.s32 v22, v11;
	vm0 =	vmand vm0, vm1  }
0x4c: {  	s17 =	sadd.s32 $0x2C0, s17;
	vm10 =	vgt.s32 v23, v12;
	vm3 =	vmand vm3, vm4;
	v17 =	vsel vm0, $0x3F800000, v0  }
0x4d: {  	s31 =	sadd.s32 $0x1, s15;
	vm11 =	vgt.s32 v23, v6;
	vm1 =	vmand vm14, vm15;
	v18 =	vsel vm3, $0x3F800000, v0;
	[tilespmem:s17+$0xFFFFFFC0] =	vst v17  }
0x4e: {  	p0 =	sne.s32 s31, $0x1;
	vm12 =	vlt.s32 v22, v7;
	vm3 =	vmand vm9, vm10;
	v19 =	vsel vm1, $0x3F800000, v0;
	[tilespmem:s17+$0x30] =	vst v18  }
.Ltmp4:
0x4f: {  	vm14 =	vlt.s32 v22, v3;
	vm0 =	vmand vm13, vm2;
	v20 =	vsel vm3, $0x3F800000, v0;
	[tilespmem:s17+$0x20] =	vst v19;
	(pc) =	sbr.rel @!p0 .LBB2_6-.Ltmp4, $4  }
0x50: {  	vm13 =	vgt.s32 v23, v8;
	vm2 =	vmand vm8, vm11;
	v21 =	vsel vm0, $0x3F800000, v0;
	[tilespmem:s17+$0x10] =	vst v20  }
0x51: {  	vm15 =	vgt.s32 v23, v4;
	vm1 =	vmand vm12, vm13;
	v23 =	vsel vm2, $0x3F800000, v0;
	[tilespmem:s17+$0x0] =	vst v21  }
0x52: {  	vm0 =	vmand vm14, vm15;
	v22 =	vsel vm1, $0x3F800000, v0;
	[tilespmem:s17+$0xFFFFFFE0] =	vst v23  }
0x53: {  	s18 =	sadd.s32 $0xFFFFFFFF, s31;
	v24 =	vsel vm0, $0x3F800000, v0;
	[tilespmem:s17+$0xFFFFFFF0] =	vst v22  }
.LBB2_5:
0x54: {  	p0 =	sne.s32 s18, $0x1;
	s18 =	sadd.s32 $0xFFFFFFFF, s18;
	[tilespmem:s17+$0xFFFFFFD0] =	vst v24;
	s17 =	sadd.s32 $0x80, s17  }
0x55: {  	[tilespmem:s17+$0xFFFFFFC0] =	vst v17  }
0x56: {  	[tilespmem:s17+$0x30] =	vst v18  }
.Ltmp5:
0x57: {  	[tilespmem:s17+$0x20] =	vst v19;
	(pc) =	sbr.rel @p0 .LBB2_5-.Ltmp5, $4  }
0x58: {  	[tilespmem:s17+$0x10] =	vst v20  }
0x59: {  	[tilespmem:s17+$0x0] =	vst v21  }
0x5a: {  	[tilespmem:s17+$0xFFFFFFF0] =	vst v22  }
0x5b: {  	[tilespmem:s17+$0xFFFFFFE0] =	vst v23  }
.LBB2_6:
0x5c: {  	[tilespmem:s17+$0xFFFFFFD0] =	vst v24  }
.LBB2_7:
0x5d: {  	[hbm4b:s5+s3] =	stream.linear.scatter [tilespmem:s10], [sflag:$0x1], $0x4000, $0x38;
	[tilespmem:$0x8280] =	vst v63  }
0x5e: {  	v17 =	vld [tilespmem:$0x4];
	_ =	sdelay $0x4  }
0x5f: {  	(v2sf) =	vpush v17, $0x0  }
0x60: {  	(v2sf) =	vpush v17, $0x1  }
0x61: {  	(v2sf) =	vpush v17, $0x2  }
0x62: {  	(v2sf) =	vpush v17, $0x3;
	_ =	sdelay $0xb  }
0x63: {  	s19 =	spop (v2sf)  }
0x64: {  	s18 =	spop (v2sf)  }
0x65: {  	s20 =	spop (v2sf)  }
0x66: {  	s17 =	spop (v2sf)  }
0x67: {  	s21 =	sadd.s32 s18, s17  }
0x68: {  	s21 =	sadd.s32 $0x1, s21  }
0x69: {  	p0 =	sge.s32 s18, s21  }
.Ltmp6:
0x6a: {  	_ = 	snop;
	(pc) =	sbr.rel @p0 .LBB2_11-.Ltmp6, $1  }
0x6b: {  	_ =	sdelay $0x3  }
0x6c: {  	s19 =	sadd.s32 s20, s19;
	v22 =	vbroadcast v17, $0x0  }
0x6d: {  	v23 =	vmov s19  }
0x6e: {  	vm0 =	vlt.s32 v22, v1;
	vm1 =	vgt.s32 v23, v2  }
0x6f: {  	vm13 =	vlt.s32 v22, v9;
	vm2 =	vgt.s32 v23, v10;
	vm14 =	vlt.s32 v22, v13  }
0x70: {  	s30 =	sshll.u32 s18, $0x9;
	vm15 =	vgt.s32 v23, v14;
	vm3 =	vlt.s32 v22, v15;
	vm4 =	vgt.s32 v23, v16  }
0x71: {  	s19 =	sshra.s32 s30, $0x2;
	vm8 =	vlt.s32 v22, v5;
	vm9 =	vlt.s32 v22, v11;
	vm0 =	vmand vm0, vm1  }
0x72: {  	s19 =	sadd.s32 $0x42C0, s19;
	vm10 =	vgt.s32 v23, v12;
	vm3 =	vmand vm3, vm4;
	v17 =	vsel vm0, $0x3F800000, v0  }
0x73: {  	s31 =	sadd.s32 $0x1, s17;
	vm11 =	vgt.s32 v23, v6;
	vm1 =	vmand vm14, vm15;
	v18 =	vsel vm3, $0x3F800000, v0;
	[tilespmem:s19+$0xFFFFFFC0] =	vst v17  }
0x74: {  	p0 =	sne.s32 s31, $0x1;
	vm12 =	vlt.s32 v22, v7;
	vm3 =	vmand vm9, vm10;
	v19 =	vsel vm1, $0x3F800000, v0;
	[tilespmem:s19+$0x30] =	vst v18  }
.Ltmp7:
0x75: {  	vm14 =	vlt.s32 v22, v3;
	vm0 =	vmand vm13, vm2;
	v20 =	vsel vm3, $0x3F800000, v0;
	[tilespmem:s19+$0x20] =	vst v19;
	(pc) =	sbr.rel @!p0 .LBB2_10-.Ltmp7, $4  }
0x76: {  	vm13 =	vgt.s32 v23, v8;
	vm2 =	vmand vm8, vm11;
	v21 =	vsel vm0, $0x3F800000, v0;
	[tilespmem:s19+$0x10] =	vst v20  }
0x77: {  	vm15 =	vgt.s32 v23, v4;
	vm1 =	vmand vm12, vm13;
	v23 =	vsel vm2, $0x3F800000, v0;
	[tilespmem:s19+$0x0] =	vst v21  }
0x78: {  	vm0 =	vmand vm14, vm15;
	v22 =	vsel vm1, $0x3F800000, v0;
	[tilespmem:s19+$0xFFFFFFE0] =	vst v23  }
0x79: {  	s20 =	sadd.s32 $0xFFFFFFFF, s31;
	v24 =	vsel vm0, $0x3F800000, v0;
	[tilespmem:s19+$0xFFFFFFF0] =	vst v22  }
.LBB2_9:
0x7a: {  	p0 =	sne.s32 s20, $0x1;
	s20 =	sadd.s32 $0xFFFFFFFF, s20;
	[tilespmem:s19+$0xFFFFFFD0] =	vst v24;
	s19 =	sadd.s32 $0x80, s19  }
0x7b: {  	[tilespmem:s19+$0xFFFFFFC0] =	vst v17  }
0x7c: {  	[tilespmem:s19+$0x30] =	vst v18  }
.Ltmp8:
0x7d: {  	[tilespmem:s19+$0x20] =	vst v19;
	(pc) =	sbr.rel @p0 .LBB2_9-.Ltmp8, $4  }
0x7e: {  	[tilespmem:s19+$0x10] =	vst v20  }
0x7f: {  	[tilespmem:s19+$0x0] =	vst v21  }
0x80: {  	[tilespmem:s19+$0xFFFFFFF0] =	vst v22  }
0x81: {  	[tilespmem:s19+$0xFFFFFFE0] =	vst v23  }
.LBB2_10:
0x82: {  	[tilespmem:s19+$0xFFFFFFD0] =	vst v24  }
.LBB2_11:
.Ltmp9:
0x83: {  	(pc) =	sbr.rel .LBB2_12-.Ltmp9, $3  }
0x84: {  	_ =	sdelay $0x1  }
0x85: {  	[hbm4b:s7+s3] =	stream.linear.scatter [tilespmem:s11], [sflag:$0x2], $0x4000, $0x38;
	[tilespmem:$0x8280] =	vst v63  }
0x86: {  	s19 =	simm.s32 $0x1  }
.LBB2_27:
0x87: {  	[tilespmem:s21+$0xFFFFFFD0] =	vst v24  }
.LBB2_28:
0x88: {  	s19 =	sadd.s32 $0x1, s19  }
0x89: {  	p0 =	sne.s32 s19, $0x10  }
.Ltmp10:
0x8a: {  	s20 =	sadd.s32 s4, s20;
	(pc) =	sbr.rel @!p0 .LBB2_29-.Ltmp10, $4  }
0x8b: {  	s20 =	sshll.u32 s20, $0xB  }
0x8c: {  	s20 =	sand.u32 $0x1FFFF800, s20  }
0x8d: {  	s20 =	sadd.s32 s2, s20  }
0x8e: {  	[hbm4b:s20+s3] =	stream.linear.scatter [tilespmem:s11], [sflag:$0x2], $0x4000, $0x38;
	[tilespmem:$0x8280] =	vst v63  }
.LBB2_12:
0x8f: {  	s20 =	sadd.s32 s15, s16  }
0x90: {  	s20 =	sadd.s32 $0x1, s20  }
0x91: {  	p0 =	sge.s32 s16, s20  }
.Ltmp11:
0x92: {  	_ = 	snop;
	(pc) =	sbr.rel @p0 .LBB2_16-.Ltmp11, $4  }
0x93: {  	_ = 	snop  }
0x94: {  	_ =	swait.ge [sflag:s12], $0x4000  }
0x95: {  	[sflag:s12] =	ssyncset.done $0x0  }
0x96: {  	[sflag:s12] =	ssyncadd.s32 $0xFFFFC000  }
0x97: {  	s16 =	sshll.u32 s16, $0x9  }
0x98: {  	s16 =	sshra.s32 s16, $0x2  }
0x99: {  	s16 =	sadd.s32 $0x2C0, s16  }
0x9a: {  	s15 =	sadd.s32 $0x1, s15;
	[tilespmem:s16+$0xFFFFFFC0] =	vst v0  }
0x9b: {  	p0 =	sne.s32 s15, $0x1;
	[tilespmem:s16+$0x30] =	vst v0  }
.Ltmp12:
0x9c: {  	[tilespmem:s16+$0x20] =	vst v0;
	(pc) =	sbr.rel @!p0 .LBB2_15-.Ltmp12, $4  }
0x9d: {  	[tilespmem:s16+$0x10] =	vst v0  }
0x9e: {  	[tilespmem:s16+$0x0] =	vst v0  }
0x9f: {  	[tilespmem:s16+$0xFFFFFFF0] =	vst v0  }
0xa0: {  	s15 =	sadd.s32 $0xFFFFFFFF, s15;
	[tilespmem:s16+$0xFFFFFFE0] =	vst v0  }
.LBB2_14:
0xa1: {  	p0 =	sne.s32 s15, $0x1;
	s15 =	sadd.s32 $0xFFFFFFFF, s15;
	[tilespmem:s16+$0xFFFFFFD0] =	vst v0;
	s16 =	sadd.s32 $0x80, s16  }
0xa2: {  	[tilespmem:s16+$0xFFFFFFC0] =	vst v0  }
0xa3: {  	[tilespmem:s16+$0x30] =	vst v0  }
.Ltmp13:
0xa4: {  	[tilespmem:s16+$0x20] =	vst v0;
	(pc) =	sbr.rel @p0 .LBB2_14-.Ltmp13, $4  }
0xa5: {  	[tilespmem:s16+$0x10] =	vst v0  }
0xa6: {  	[tilespmem:s16+$0x0] =	vst v0  }
0xa7: {  	[tilespmem:s16+$0xFFFFFFF0] =	vst v0  }
0xa8: {  	[tilespmem:s16+$0xFFFFFFE0] =	vst v0  }
.LBB2_15:
0xa9: {  	[tilespmem:s16+$0xFFFFFFD0] =	vst v0  }
.LBB2_16:
0xaa: {  	s15 =	sshll.u32 s19, $0x3  }
0xab: {  	s15 =	sand.u32 $0x3FFFFFF8, s15  }
0xac: {  	v17 =	vld [tilespmem:s15+$0x0];
	_ =	sdelay $0x4  }
0xad: {  	(v2sf) =	vpush v17, $0x0  }
0xae: {  	(v2sf) =	vpush v17, $0x1  }
0xaf: {  	(v2sf) =	vpush v17, $0x2  }
0xb0: {  	(v2sf) =	vpush v17, $0x3;
	_ =	sdelay $0xb  }
0xb1: {  	s20 =	spop (v2sf)  }
0xb2: {  	s16 =	spop (v2sf)  }
0xb3: {  	s21 =	spop (v2sf)  }
0xb4: {  	s15 =	spop (v2sf)  }
0xb5: {  	s22 =	sadd.s32 s16, s15  }
0xb6: {  	s22 =	sadd.s32 $0x1, s22  }
0xb7: {  	p0 =	sge.s32 s16, s22  }
.Ltmp14:
0xb8: {  	_ = 	snop;
	(pc) =	sbr.rel @p0 .LBB2_20-.Ltmp14, $1  }
0xb9: {  	_ =	sdelay $0x3  }
0xba: {  	s20 =	sadd.s32 s21, s20;
	v22 =	vbroadcast v17, $0x0  }
0xbb: {  	v23 =	vmov s20  }
0xbc: {  	vm0 =	vlt.s32 v22, v1;
	vm1 =	vgt.s32 v23, v2  }
0xbd: {  	vm13 =	vlt.s32 v22, v9;
	vm2 =	vgt.s32 v23, v10;
	vm14 =	vlt.s32 v22, v13  }
0xbe: {  	s30 =	sshll.u32 s16, $0x9;
	vm15 =	vgt.s32 v23, v14;
	vm3 =	vlt.s32 v22, v15;
	vm4 =	vgt.s32 v23, v16  }
0xbf: {  	s20 =	sshra.s32 s30, $0x2;
	vm8 =	vlt.s32 v22, v5;
	vm9 =	vlt.s32 v22, v11;
	vm0 =	vmand vm0, vm1  }
0xc0: {  	s20 =	sadd.s32 $0x2C0, s20;
	vm10 =	vgt.s32 v23, v12;
	vm3 =	vmand vm3, vm4;
	v17 =	vsel vm0, $0x3F800000, v0  }
0xc1: {  	s31 =	sadd.s32 $0x1, s15;
	vm11 =	vgt.s32 v23, v6;
	vm1 =	vmand vm14, vm15;
	v18 =	vsel vm3, $0x3F800000, v0;
	[tilespmem:s20+$0xFFFFFFC0] =	vst v17  }
0xc2: {  	p0 =	sne.s32 s31, $0x1;
	vm12 =	vlt.s32 v22, v7;
	vm3 =	vmand vm9, vm10;
	v19 =	vsel vm1, $0x3F800000, v0;
	[tilespmem:s20+$0x30] =	vst v18  }
.Ltmp15:
0xc3: {  	vm14 =	vlt.s32 v22, v3;
	vm0 =	vmand vm13, vm2;
	v20 =	vsel vm3, $0x3F800000, v0;
	[tilespmem:s20+$0x20] =	vst v19;
	(pc) =	sbr.rel @!p0 .LBB2_19-.Ltmp15, $4  }
0xc4: {  	vm13 =	vgt.s32 v23, v8;
	vm2 =	vmand vm8, vm11;
	v21 =	vsel vm0, $0x3F800000, v0;
	[tilespmem:s20+$0x10] =	vst v20  }
0xc5: {  	vm15 =	vgt.s32 v23, v4;
	vm1 =	vmand vm12, vm13;
	v23 =	vsel vm2, $0x3F800000, v0;
	[tilespmem:s20+$0x0] =	vst v21  }
0xc6: {  	vm0 =	vmand vm14, vm15;
	v22 =	vsel vm1, $0x3F800000, v0;
	[tilespmem:s20+$0xFFFFFFE0] =	vst v23  }
0xc7: {  	s21 =	sadd.s32 $0xFFFFFFFF, s31;
	v24 =	vsel vm0, $0x3F800000, v0;
	[tilespmem:s20+$0xFFFFFFF0] =	vst v22  }
.LBB2_18:
0xc8: {  	p0 =	sne.s32 s21, $0x1;
	s21 =	sadd.s32 $0xFFFFFFFF, s21;
	[tilespmem:s20+$0xFFFFFFD0] =	vst v24;
	s20 =	sadd.s32 $0x80, s20  }
0xc9: {  	[tilespmem:s20+$0xFFFFFFC0] =	vst v17  }
0xca: {  	[tilespmem:s20+$0x30] =	vst v18  }
.Ltmp16:
0xcb: {  	[tilespmem:s20+$0x20] =	vst v19;
	(pc) =	sbr.rel @p0 .LBB2_18-.Ltmp16, $4  }
0xcc: {  	[tilespmem:s20+$0x10] =	vst v20  }
0xcd: {  	[tilespmem:s20+$0x0] =	vst v21  }
0xce: {  	[tilespmem:s20+$0xFFFFFFF0] =	vst v22  }
0xcf: {  	[tilespmem:s20+$0xFFFFFFE0] =	vst v23  }
.LBB2_19:
0xd0: {  	[tilespmem:s20+$0xFFFFFFD0] =	vst v24  }
.LBB2_20:
0xd1: {  	s20 =	sshll.u32 s19, $0x1  }
0xd2: {  	s20 =	sadd.s32 s4, s20  }
0xd3: {  	s20 =	sshll.u32 s20, $0xB  }
0xd4: {  	s20 =	sand.u32 $0x1FFFF000, s20  }
0xd5: {  	s31 =	sadd.s32 s17, s18;
	s20 =	sadd.s32 s2, s20  }
0xd6: {  	[hbm4b:s20+s3] =	stream.linear.scatter [tilespmem:s10], [sflag:$0x1], $0x4000, $0x38;
	[tilespmem:$0x8280] =	vst v63  }
0xd7: {  	s20 =	sadd.s32 $0x1, s31  }
0xd8: {  	p0 =	sge.s32 s18, s20  }
.Ltmp17:
0xd9: {  	_ = 	snop;
	(pc) =	sbr.rel @p0 .LBB2_24-.Ltmp17, $4  }
0xda: {  	_ = 	snop  }
0xdb: {  	_ =	swait.ge [sflag:s13], $0x4000  }
0xdc: {  	[sflag:s13] =	ssyncset.done $0x0  }
0xdd: {  	[sflag:s13] =	ssyncadd.s32 $0xFFFFC000  }
0xde: {  	s18 =	sshll.u32 s18, $0x9  }
0xdf: {  	s18 =	sshra.s32 s18, $0x2  }
0xe0: {  	s18 =	sadd.s32 $0x42C0, s18  }
0xe1: {  	s17 =	sadd.s32 $0x1, s17;
	[tilespmem:s18+$0xFFFFFFC0] =	vst v0  }
0xe2: {  	p0 =	sne.s32 s17, $0x1;
	[tilespmem:s18+$0x30] =	vst v0  }
.Ltmp18:
0xe3: {  	[tilespmem:s18+$0x20] =	vst v0;
	(pc) =	sbr.rel @!p0 .LBB2_23-.Ltmp18, $4  }
0xe4: {  	[tilespmem:s18+$0x10] =	vst v0  }
0xe5: {  	[tilespmem:s18+$0x0] =	vst v0  }
0xe6: {  	[tilespmem:s18+$0xFFFFFFF0] =	vst v0  }
0xe7: {  	s17 =	sadd.s32 $0xFFFFFFFF, s17;
	[tilespmem:s18+$0xFFFFFFE0] =	vst v0  }
.LBB2_22:
0xe8: {  	p0 =	sne.s32 s17, $0x1;
	s17 =	sadd.s32 $0xFFFFFFFF, s17;
	[tilespmem:s18+$0xFFFFFFD0] =	vst v0;
	s18 =	sadd.s32 $0x80, s18  }
0xe9: {  	[tilespmem:s18+$0xFFFFFFC0] =	vst v0  }
0xea: {  	[tilespmem:s18+$0x30] =	vst v0  }
.Ltmp19:
0xeb: {  	[tilespmem:s18+$0x20] =	vst v0;
	(pc) =	sbr.rel @p0 .LBB2_22-.Ltmp19, $4  }
0xec: {  	[tilespmem:s18+$0x10] =	vst v0  }
0xed: {  	[tilespmem:s18+$0x0] =	vst v0  }
0xee: {  	[tilespmem:s18+$0xFFFFFFF0] =	vst v0  }
0xef: {  	[tilespmem:s18+$0xFFFFFFE0] =	vst v0  }
.LBB2_23:
0xf0: {  	[tilespmem:s18+$0xFFFFFFD0] =	vst v0  }
.LBB2_24:
0xf1: {  	s20 =	sshllo.u32 s19, $0x1  }
0xf2: {  	s17 =	sshll.u32 s20, $0x2  }
0xf3: {  	s17 =	sand.u32 $0x3FFFFFFC, s17  }
0xf4: {  	v17 =	vld [tilespmem:s17+$0x0];
	_ =	sdelay $0x4  }
0xf5: {  	(v2sf) =	vpush v17, $0x0  }
0xf6: {  	(v2sf) =	vpush v17, $0x1  }
0xf7: {  	(v2sf) =	vpush v17, $0x2  }
0xf8: {  	(v2sf) =	vpush v17, $0x3;
	_ =	sdelay $0xb  }
0xf9: {  	s21 =	spop (v2sf)  }
0xfa: {  	s18 =	spop (v2sf)  }
0xfb: {  	s22 =	spop (v2sf)  }
0xfc: {  	s17 =	spop (v2sf)  }
0xfd: {  	s23 =	sadd.s32 s18, s17  }
0xfe: {  	s23 =	sadd.s32 $0x1, s23  }
0xff: {  	p0 =	sge.s32 s18, s23  }
.Ltmp20:
0x100: {  	_ = 	snop;
	(pc) =	sbr.rel @p0 .LBB2_28-.Ltmp20, $1  }
0x101: {  	_ =	sdelay $0x3  }
0x102: {  	s21 =	sadd.s32 s22, s21;
	v22 =	vbroadcast v17, $0x0  }
0x103: {  	v23 =	vmov s21  }
0x104: {  	vm0 =	vlt.s32 v22, v1;
	vm1 =	vgt.s32 v23, v2  }
0x105: {  	vm13 =	vlt.s32 v22, v9;
	vm2 =	vgt.s32 v23, v10;
	vm14 =	vlt.s32 v22, v13  }
0x106: {  	s30 =	sshll.u32 s18, $0x9;
	vm15 =	vgt.s32 v23, v14;
	vm3 =	vlt.s32 v22, v15;
	vm4 =	vgt.s32 v23, v16  }
0x107: {  	s21 =	sshra.s32 s30, $0x2;
	vm8 =	vlt.s32 v22, v5;
	vm9 =	vlt.s32 v22, v11;
	vm0 =	vmand vm0, vm1  }
0x108: {  	s21 =	sadd.s32 $0x42C0, s21;
	vm10 =	vgt.s32 v23, v12;
	vm3 =	vmand vm3, vm4;
	v17 =	vsel vm0, $0x3F800000, v0  }
0x109: {  	s31 =	sadd.s32 $0x1, s17;
	vm11 =	vgt.s32 v23, v6;
	vm1 =	vmand vm14, vm15;
	v18 =	vsel vm3, $0x3F800000, v0;
	[tilespmem:s21+$0xFFFFFFC0] =	vst v17  }
0x10a: {  	p0 =	sne.s32 s31, $0x1;
	vm12 =	vlt.s32 v22, v7;
	vm3 =	vmand vm9, vm10;
	v19 =	vsel vm1, $0x3F800000, v0;
	[tilespmem:s21+$0x30] =	vst v18  }
.Ltmp21:
0x10b: {  	vm14 =	vlt.s32 v22, v3;
	vm0 =	vmand vm13, vm2;
	v20 =	vsel vm3, $0x3F800000, v0;
	[tilespmem:s21+$0x20] =	vst v19;
	(pc) =	sbr.rel @!p0 .LBB2_27-.Ltmp21, $4  }
0x10c: {  	vm13 =	vgt.s32 v23, v8;
	vm2 =	vmand vm8, vm11;
	v21 =	vsel vm0, $0x3F800000, v0;
	[tilespmem:s21+$0x10] =	vst v20  }
0x10d: {  	vm15 =	vgt.s32 v23, v4;
	vm1 =	vmand vm12, vm13;
	v23 =	vsel vm2, $0x3F800000, v0;
	[tilespmem:s21+$0x0] =	vst v21  }
0x10e: {  	vm0 =	vmand vm14, vm15;
	v22 =	vsel vm1, $0x3F800000, v0;
	[tilespmem:s21+$0xFFFFFFE0] =	vst v23  }
0x10f: {  	s22 =	sadd.s32 $0xFFFFFFFF, s31;
	v24 =	vsel vm0, $0x3F800000, v0;
	[tilespmem:s21+$0xFFFFFFF0] =	vst v22  }
.LBB2_26:
0x110: {  	p0 =	sne.s32 s22, $0x1;
	s22 =	sadd.s32 $0xFFFFFFFF, s22;
	[tilespmem:s21+$0xFFFFFFD0] =	vst v24;
	s21 =	sadd.s32 $0x80, s21  }
0x111: {  	[tilespmem:s21+$0xFFFFFFC0] =	vst v17  }
0x112: {  	[tilespmem:s21+$0x30] =	vst v18  }
.Ltmp22:
0x113: {  	[tilespmem:s21+$0x20] =	vst v19;
	(pc) =	sbr.rel @p0 .LBB2_26-.Ltmp22, $4  }
0x114: {  	[tilespmem:s21+$0x10] =	vst v20  }
0x115: {  	[tilespmem:s21+$0x0] =	vst v21  }
0x116: {  	[tilespmem:s21+$0xFFFFFFF0] =	vst v22  }
0x117: {  	[tilespmem:s21+$0xFFFFFFE0] =	vst v23  }
.Ltmp23:
0x118: {  	_ = 	snop;
	(pc) =	sbr.rel .LBB2_27-.Ltmp23, $1  }
0x119: {  	_ =	sdelay $0x3  }
.LBB2_30:
0x11a: {  	_ =	sfence.sel $0x180000  }
0x11b: {  	[bflag:$0x0] =	sbarrier.arrive $0xFFFF  }
0x11c: {  	p0 =	sne.s32 s1, $0x0;
	_ =	strace $0x90000047  }
0x11d: {  	s0 =	sadd.s32 @!p0 $0x100000, s0;
	[bflag:$0x2] =	sbarrier.arrive $0xFFFF  }
0x11e: {  	[sflag:s0] =	ssyncadd.tile.s32 @!p0 $0x1;
	_ =	shalt  }
.Lfunc_end2:
_tile_overlayer_lowered:
.L_overlay_start_2:
0x11f: {  	(tag) =	ssettag $0x2  }
0x120: {  	s0 =	rddreg [dreg:$0x0];
	s2 =	stileid.u32  }
0x121: {  	s1 =	rddreg [dreg:$0x1];
	p0 =	sne.s32 s2, $0x0  }
0x122: {  	s3 =	rddreg [dreg:$0x2];
	[bflag:$0x3] =	sbarrier.arrive $0xFFFF;
	s2 =	simm.s32 @!p0 $0x1C03  }
0x123: {  	[timem:s3], [sflag:s2] =	dma.local @!p0 [hbm:s0], s1  }
0x124: {  	s0 =	simm.s32 @!p0 $0x3  }
0x125: {  	_ =	swait.ge @!p0 [sflag:s0], s1  }
0x126: {  	s1 =	ssub.s32 @!p0 $0x0, s1;
	[sflag:s0] =	ssyncset.done @!p0 $0x0  }
0x127: {  	[sflag:s0] =	ssyncadd.s32 @!p0 s1  }
0x128: {  	[bflag:$0x3] =	sbarrier.arrive $0xFFFF  }
0x129: {  	_ =	shalt  }

</sc_bundles>
